<compile_context>
chip_gen: v7x
topology: tpu7x:2x2x1
jax: 0.10.2.dev20260603
libtpu: 0.0.44.dev20260713+nightly
codegen_flags: <defaults>
</compile_context>

<pallas_src>
import jax
import jax.numpy as jnp
from jax import lax
from jax.experimental import pallas as pl
from jax.experimental.pallas import tpu as pltpu
from jax.experimental.pallas import tpu_sc as plsc

NP = 10240
NREAL = 10000
DH = 64
EB = 128
NG = EB // 16
TB = 162
EP = 16 * TB * EB
NT = NP // 16


def _iota16():
    return lax.iota(jnp.int32, 16)


def _dedup_batch(mark, cidx, cidx2, tag_base, trash):
    groups = []
    for q in range(NG):
        col16 = cidx[0, pl.ds(16 * q, 16)]
        lane16 = _iota16() + 16 * q
        tagv = tag_base + lane16
        prev = plsc.load_gather(mark, [col16])
        sb = prev >= tag_base
        plsc.store_scatter(mark, [col16], tagv, mask=jnp.logical_not(sb))
        now = plsc.load_gather(mark, [col16])
        loser = now != tagv
        win_lane = now - tag_base
        if cidx2 is not None:
            cidx2[0, pl.ds(16 * q, 16)] = jnp.where(
                loser, trash + lane16, col16)
        groups.append((loser, lane16, win_lane))
    return groups



def _deg_body(col_hbm, w_hbm, deg_hbm, cidx, wbuf, dtmp, deg_sp):
    c = lax.axis_index("c")
    s = lax.axis_index("s")
    z16 = jnp.zeros((16,), jnp.float32)
    noff = s * NT

    def ztmp(i, carry):
        dtmp[pl.ds(16 * i, 16)] = z16
        return carry
    lax.fori_loop(0, NT // 16, ztmp, 0)
    pltpu.sync_copy(dtmp, deg_sp.at[pl.ds(noff, NT)])
    plsc.subcore_barrier()

    def dega(j, carry):
        gbi = s * TB + j
        pltpu.sync_copy(col_hbm.at[gbi], cidx.at[0])
        pltpu.sync_copy(w_hbm.at[gbi], wbuf)
        pltpu.sync_copy(wbuf, deg_sp.at[cidx.at[0]], add=True)
        return carry
    lax.fori_loop(0, TB, dega, 0)
    plsc.subcore_barrier()

    off = (2 * s + c) * (NT // 2)
    pltpu.sync_copy(deg_sp.at[pl.ds(off, NT // 2)], dtmp.at[pl.ds(0, NT // 2)])
    pltpu.sync_copy(dtmp.at[pl.ds(0, NT // 2)], deg_hbm.at[pl.ds(off, NT // 2)])


def _deg_kernel(col2d, w2d):
    mesh = plsc.VectorSubcoreMesh(core_axis_name="c", subcore_axis_name="s")
    f = pl.kernel(
        _deg_body,
        out_type=jax.ShapeDtypeStruct((NP,), jnp.float32),
        mesh=mesh,
        compiler_params=pltpu.CompilerParams(
            needs_layout_passes=False, use_tc_tiling_on_sc=False),
        scratch_types=[
            pltpu.VMEM((1, EB), jnp.int32),
            pltpu.VMEM((EB,), jnp.float32),
            pltpu.VMEM((NT,), jnp.float32),
            pltpu.VMEM_SHARED((NP,), jnp.float32),
        ],
    )
    return f(col2d, w2d)



def _mm_body(x_ref, w_ref, deg_ref, o_ref, dis_ref):
    xb = x_ref[...]
    w = w_ref[...]
    deg = deg_ref[...]
    dis = jnp.where(deg > 0, lax.rsqrt(jnp.maximum(deg, 1e-12)), 0.0)
    dn = (((1,), (1,)), ((), ()))
    o_ref[0, :, :] = lax.dot_general(xb, w[:DH, :], dn,
                                     preferred_element_type=jnp.float32) * dis
    o_ref[1, :, :] = lax.dot_general(xb, w[DH:, :], dn,
                                     preferred_element_type=jnp.float32) * dis
    dis_ref[...] = dis


def _matmul_scaled(x_pad, W, deg):
    BN = 1024
    return pl.pallas_call(
        _mm_body,
        grid=(NP // BN,),
        in_specs=[
            pl.BlockSpec((BN, 128), lambda i: (i, 0)),
            pl.BlockSpec((128, 128), lambda i: (0, 0)),
            pl.BlockSpec((BN, 1), lambda i: (i, 0)),
        ],
        out_specs=[
            pl.BlockSpec((2, BN, DH), lambda i: (0, i, 0)),
            pl.BlockSpec((BN, 1), lambda i: (i, 0)),
        ],
        out_shape=[
            jax.ShapeDtypeStruct((2, NP, DH), jnp.float32),
            jax.ShapeDtypeStruct((NP, 1), jnp.float32),
        ],
    )(x_pad, W, deg.reshape(NP, 1))



def _sc_body(row_hbm, col_hbm, w_hbm, g_hbm, b_hbm, dis_hbm, out_hbm,
             ridx, cidx, wbuf, gidx, dbuf, rows, bv,
             lbuf, wlbuf, mark, sem, acc):
    c = lax.axis_index("c")
    s = lax.axis_index("s")
    z16 = jnp.zeros((16,), jnp.float32)
    noff = s * NT

    def zmark(i, carry):
        mark[pl.ds(16 * i, 16)] = jnp.zeros((16,), jnp.int32)
        return carry
    lax.fori_loop(0, NP // 16, zmark, 0)

    def zrow(r, carry):
        for q in range(DH // 16):
            rows[r, pl.ds(16 * q, 16)] = z16
        return carry
    lax.fori_loop(0, EB, zrow, 0)
    for k in range(NT // EB):
        pltpu.sync_copy(rows, acc.at[pl.ds(noff + k * EB, EB)])
    plsc.subcore_barrier()

    coff = c * NP

    def bloop(j, carry):
        gbi = s * TB + j
        pltpu.sync_copy(row_hbm.at[gbi], ridx.at[0])
        pltpu.sync_copy(col_hbm.at[gbi], cidx.at[0])
        pltpu.sync_copy(w_hbm.at[gbi], wbuf)
        rgroups = _dedup_batch(mark, ridx, None, (2 * gbi + 1) * 256, NREAL)
        for q, (rloser, lane16, rwin) in enumerate(rgroups):
            gidx[0, pl.ds(16 * q, 16)] = jnp.where(
                rloser, NREAL + lane16, ridx[0, pl.ds(16 * q, 16)]) + coff
            plsc.store_compressed(lbuf.at[q], lane16, mask=rloser)
            plsc.store_compressed(wlbuf.at[q], rwin, mask=rloser)
        rcnts = [lax.reduce_max(plsc.all_reduce_population_count(gr[0]), (0,))
                 for gr in rgroups]
        pltpu.async_copy(g_hbm.at[gidx.at[0]], rows, sem).wait()
        for q in range(NG):
            def repair(i, carry, q=q):
                l16 = plsc.load_gather(lbuf.at[q], [jnp.broadcast_to(i, (16,))])
                w16 = plsc.load_gather(wlbuf.at[q], [jnp.broadcast_to(i, (16,))])
                ls = lax.reduce_max(l16, (0,))
                ws = lax.reduce_max(w16, (0,))
                for f in range(DH // 16):
                    rows[ls, pl.ds(16 * f, 16)] = rows[ws, pl.ds(16 * f, 16)]
                return carry
            lax.fori_loop(0, rcnts[q], repair, 0)
        def scale(e, carry):
            sp = plsc.load_gather(wbuf, [jnp.broadcast_to(e, (16,))])
            for q in range(DH // 16):
                rows[e, pl.ds(16 * q, 16)] = rows[e, pl.ds(16 * q, 16)] * sp
            return carry
        lax.fori_loop(0, EB, scale, 0)
        pltpu.sync_copy(rows, acc.at[cidx.at[0]], add=True)
        return carry
    lax.fori_loop(0, TB, bloop, 0)
    plsc.subcore_barrier()

    pltpu.sync_copy(b_hbm.at[c], bv)
    bqs = [bv[pl.ds(16 * q, 16)] for q in range(DH // 16)]
    for k in range(NT // EB):
        pltpu.sync_copy(acc.at[pl.ds(noff + k * EB, EB)], rows)
        pltpu.sync_copy(dis_hbm.at[pl.ds(noff + k * EB, EB)], dbuf)

        def cbody(r, carry):
            sp = plsc.load_gather(dbuf, [jnp.broadcast_to(r, (16,))])
            for q in range(DH // 16):
                rows[r, pl.ds(16 * q, 16)] = (
                    rows[r, pl.ds(16 * q, 16)] * sp + bqs[q])
            return carry
        lax.fori_loop(0, EB, cbody, 0)
        pltpu.sync_copy(rows, out_hbm.at[c, pl.ds(noff + k * EB, EB)])


def _sc_conv(row2d, col2d, w2d, g_flat, b2, dis):
    mesh = plsc.VectorSubcoreMesh(core_axis_name="c", subcore_axis_name="s")
    f = pl.kernel(
        _sc_body,
        out_type=jax.ShapeDtypeStruct((2, NP, DH), jnp.float32),
        mesh=mesh,
        compiler_params=pltpu.CompilerParams(
            needs_layout_passes=False, use_tc_tiling_on_sc=False),
        scratch_types=[
            pltpu.VMEM((1, EB), jnp.int32),
            pltpu.VMEM((1, EB), jnp.int32),
            pltpu.VMEM((EB,), jnp.float32),
            pltpu.VMEM((1, EB), jnp.int32),
            pltpu.VMEM((EB,), jnp.float32),
            pltpu.VMEM((EB, DH), jnp.float32),
            pltpu.VMEM((DH,), jnp.float32),
            pltpu.VMEM((NG, 16), jnp.int32),
            pltpu.VMEM((NG, 16), jnp.int32),
            pltpu.VMEM((NP,), jnp.int32),
            pltpu.SemaphoreType.DMA,
            pltpu.VMEM_SHARED((NP, DH), jnp.float32),
        ],
    )
    return f(row2d, col2d, w2d, g_flat, b2, dis)


def kernel(x, edge_index, edge_attr, batch, W, b):
    n = x.shape[0]
    row = edge_index[0]
    col = edge_index[1]
    e = row.shape[0]

    x_pad = jnp.zeros((NP, x.shape[1]), x.dtype).at[:n].set(x)
    loop = jnp.arange(NP, dtype=jnp.int32)
    pad_e = EP - e - NP
    zpad = jnp.zeros((pad_e,), jnp.int32)
    row_f = jnp.concatenate([row, loop, zpad])
    col_f = jnp.concatenate([col, loop, zpad])
    w_f = jnp.concatenate([
        edge_attr.astype(jnp.float32),
        jnp.full((NP,), 2.0, jnp.float32),
        jnp.zeros((pad_e,), jnp.float32),
    ])
    row2d = row_f.reshape(EP // EB, EB)
    col2d = col_f.reshape(EP // EB, EB)
    w2d = w_f.reshape(EP // EB, EB)

    deg = _deg_kernel(col2d, w2d)
    g2, dis = _matmul_scaled(x_pad, W.astype(jnp.float32), deg)
    g_flat = g2.reshape(2 * NP, DH)
    b2 = b.astype(jnp.float32).reshape(2, DH)

    out2 = _sc_conv(row2d, col2d, w2d, g_flat, b2, dis.reshape(NP))
    out = jnp.swapaxes(out2, 0, 1).reshape(NP, 2 * DH)[:n]
    return out

# --- scband reference (transcript-rebuilt; emitter-appended) ---
"""Pipeline reference for scband-cgslayer-36361193127946 (READ-ONLY COPY).

The authoritative reference and input builder live on the scoring server;
editing this copy changes nothing except your own understanding.
"""

import jax, jax.numpy as jnp
import numpy as np

N = 10000
E = 320000
D_IN = 128
D_OUT = 128


def setup_inputs(seed: int = 0) -> dict:
    key = jax.random.key(seed)
    k1, k2, k3, k4, k5 = jax.random.split(key, 5)
    x = jax.random.normal(k1, (N, D_IN), dtype=jnp.float32)
    edge_index = jax.random.randint(k2, (2, E), 0, N, dtype=jnp.int32)
    edge_attr = jax.random.uniform(k3, (E,), dtype=jnp.float32)
    batch = jnp.zeros((N,), dtype=jnp.int32)
    # GCNConv parameters: weight [out, in] (PyG Linear convention), bias [out]
    W = jax.random.normal(k4, (D_OUT, D_IN), dtype=jnp.float32) * (1.0 / np.sqrt(D_IN))
    b = jnp.zeros((D_OUT,), dtype=jnp.float32)
    return {"x": x, "edge_index": edge_index, "edge_attr": edge_attr, "batch": batch, "W": W, "b": b}


def reference(x, edge_index, edge_attr, batch, W, b):
    # CGSLayer with layer == 0: no dropout, just GCNConv(improved=True)
    # GCNConv: gcn_norm with improved -> self-loop fill value 2.0, then
    # x' = D^{-1/2} (A + 2I) D^{-1/2} (x W^T) + b
    n = x.shape[0]
    row = edge_index[0]
    col = edge_index[1]
    loop = jnp.arange(n, dtype=edge_index.dtype)
    row_full = jnp.concatenate([row, loop])
    col_full = jnp.concatenate([col, loop])
    w_full = jnp.concatenate([edge_attr, jnp.full((n,), 2.0, dtype=x.dtype)])
    # degree computed at destination nodes (col), including self loops
    deg = jnp.zeros((n,), dtype=x.dtype).at[col_full].add(w_full)
    deg_inv_sqrt = jnp.where(deg > 0, jax.lax.rsqrt(jnp.maximum(deg, 1e-12)), 0.0)
    norm = deg_inv_sqrt[row_full] * w_full * deg_inv_sqrt[col_full]
    # linear transform first (in_channels == out_channels here)
    h = x @ W.T
    # message: gather from source nodes, scale by norm
    msgs = h[row_full] * norm[:, None]
    # aggregate (scatter-add) at destination nodes
    out = jnp.zeros((n, W.shape[0]), dtype=x.dtype).at[col_full].add(msgs)
    out = out + b
    return out

if __name__ == "__main__":
    import jax
    _d = setup_inputs()
    print(jax.jit(kernel)(*tuple(_d.values())))

</pallas_src>

<mosaic_0001>
#map = affine_map<(d0, d1) -> (0, 0)>
#map1 = affine_map<(d0, d1) -> (0)>
module attributes {stable_mosaic.version = 14 : i64} {
  func.func @_deg_body(%arg0: i32, %arg1: i32, %arg2: memref<2592x128xi32, #tpu.memory_space<hbm>>, %arg3: memref<2592x128xf32, #tpu.memory_space<hbm>>, %arg4: memref<10240xf32, #tpu.memory_space<hbm>>, %arg5: memref<1x128xi32, #tpu.memory_space<vmem>>, %arg6: memref<128xf32, #tpu.memory_space<vmem>>, %arg7: memref<640xf32, #tpu.memory_space<vmem>>, %arg8: memref<10240xf32, #tpu.memory_space<vmem_shared>>) attributes {dimension_semantics = [#tpu.dimension_semantics<core_parallel>, #tpu.dimension_semantics<subcore_parallel>], iteration_bounds = array<i64: 2, 16>, scalar_prefetch = 0 : i64, scratch_operands = 4 : i64, tpu.core_type = #tpu.core_type<sc_vector_subcore>, window_params = [{transform_indices = #map}, {transform_indices = #map}, {transform_indices = #map1}]} {
    %broadcast_in_dim3A = arith.constant 0.000000e+00 : f32
    %broadcast_in_dim3A_0 = vector.broadcast %broadcast_in_dim3A : f32 to vector<16xf32>
    %mul3A = arith.constant 640 : i32
    %mul3A_1 = arith.muli %arg1, %mul3A : i32
    %scan3A = arith.constant 0 : i32
    %scan3A_2 = arith.constant 0 : i32
    %scan3A_3 = arith.constant 40 : i32
    %scan3A_4 = arith.addi %scan3A_2, %scan3A_3 : i32
    %scan3A_5 = arith.constant 1 : i32
    scf.for %scan3A_18 = %scan3A_2 to %scan3A_4 step %scan3A_5  : i32 {
      %mul3A_19 = arith.constant 16 : i32
      %mul3A_20 = arith.muli %mul3A_19, %scan3A_18 : i32
      %swap3A = arith.index_cast %mul3A_20 : i32 to index
      %swap3A_21 = tpu.vector_load %arg7[%swap3A] {strides = array<i32>} : memref<640xf32, #tpu.memory_space<vmem>>, vector<16xf32>,
      tpu.vector_store %arg7[%swap3A], %broadcast_in_dim3A_0 {strides = array<i32>} : memref<640xf32, #tpu.memory_space<vmem>>, vector<16xf32>,
    }
    %scan3A_6 = arith.constant 40 : i32
    "tpu.region"() ({
      %run_scoped3A = tpu.sem_alloc : memref<!tpu.dma_semaphore, #tpu.memory_space<semaphore_mem>>
      %dma_start3A = tpu.memref_slice %arg8[%mul3A_1] : memref<10240xf32, #tpu.memory_space<vmem_shared>> -> memref<640xf32, #tpu.memory_space<vmem_shared>>
      %dma_start3A_18 = tpu.memref_slice %arg8[%mul3A_1] : memref<10240xf32, #tpu.memory_space<vmem_shared>> -> memref<640xf32, #tpu.memory_space<vmem_shared>>
      tpu.enqueue_dma source(%arg7 : memref<640xf32, #tpu.memory_space<vmem>>) target(%dma_start3A_18 : memref<640xf32, #tpu.memory_space<vmem_shared>>) target_semaphore(%run_scoped3A : memref<!tpu.dma_semaphore, #tpu.memory_space<semaphore_mem>>)
      %dma_wait3A = tpu.memref_slice %arg8[%mul3A_1] : memref<10240xf32, #tpu.memory_space<vmem_shared>> -> memref<640xf32, #tpu.memory_space<vmem_shared>>
      %dma_wait3A_19 = tpu.memref_slice %arg8[%mul3A_1] : memref<10240xf32, #tpu.memory_space<vmem_shared>> -> memref<640xf32, #tpu.memory_space<vmem_shared>>
      tpu.wait_dma2 semaphore(%run_scoped3A : memref<!tpu.dma_semaphore, #tpu.memory_space<semaphore_mem>>) src(%arg7 : memref<640xf32, #tpu.memory_space<vmem>>) dst(%dma_wait3A_19 : memref<640xf32, #tpu.memory_space<vmem_shared>>)
      tpu.yield
    }) : () -> ()
    %barrier3A = arith.constant 0 : index
    tpu.barrier barrier_id(%barrier3A)
    %scan3A_7 = arith.constant 0 : i32
    %scan3A_8 = arith.constant 0 : i32
    %scan3A_9 = arith.constant 162 : i32
    %scan3A_10 = arith.addi %scan3A_8, %scan3A_9 : i32
    %scan3A_11 = arith.constant 1 : i32
    scf.for %scan3A_18 = %scan3A_8 to %scan3A_10 step %scan3A_11  : i32 {
      %mul3A_19 = arith.constant 162 : i32
      %mul3A_20 = arith.muli %arg1, %mul3A_19 : i32
      %add3A_21 = arith.addi %mul3A_20, %scan3A_18 : i32
      %run_scoped3A = arith.constant 0 : i32
      "tpu.region"() ({
        %run_scoped3A_23 = tpu.sem_alloc : memref<!tpu.dma_semaphore, #tpu.memory_space<semaphore_mem>>
        %dma_start3A = arith.constant 0 : i32
        %dma_start3A_24 = tpu.memref_slice %arg5[%run_scoped3A, %dma_start3A] : memref<1x128xi32, #tpu.memory_space<vmem>> -> memref<1x128xi32, #tpu.memory_space<vmem>>
        %dma_start3A_25 = tpu.memref_squeeze %dma_start3A_24 : memref<1x128xi32, #tpu.memory_space<vmem>> -> memref<128xi32, #tpu.memory_space<vmem>>
        %dma_start3A_26 = arith.constant 0 : i32
        %dma_start3A_27 = tpu.memref_slice %arg2[%add3A_21, %dma_start3A_26] : memref<2592x128xi32, #tpu.memory_space<hbm>> -> memref<1x128xi32, #tpu.memory_space<hbm>>
        %dma_start3A_28 = tpu.memref_squeeze %dma_start3A_27 : memref<1x128xi32, #tpu.memory_space<hbm>> -> memref<128xi32, #tpu.memory_space<hbm>>
        %dma_start3A_29 = arith.constant 0 : i32
        %dma_start3A_30 = tpu.memref_slice %arg5[%run_scoped3A, %dma_start3A_29] : memref<1x128xi32, #tpu.memory_space<vmem>> -> memref<1x128xi32, #tpu.memory_space<vmem>>
        %dma_start3A_31 = tpu.memref_squeeze %dma_start3A_30 : memref<1x128xi32, #tpu.memory_space<vmem>> -> memref<128xi32, #tpu.memory_space<vmem>>
        %dma_start3A_32 = arith.constant 0 : i32
        %dma_start3A_33 = tpu.memref_slice %arg2[%add3A_21, %dma_start3A_32] : memref<2592x128xi32, #tpu.memory_space<hbm>> -> memref<1x128xi32, #tpu.memory_space<hbm>>
        %dma_start3A_34 = tpu.memref_squeeze %dma_start3A_33 : memref<1x128xi32, #tpu.memory_space<hbm>> -> memref<128xi32, #tpu.memory_space<hbm>>
        tpu.enqueue_dma source(%dma_start3A_34 : memref<128xi32, #tpu.memory_space<hbm>>) target(%dma_start3A_31 : memref<128xi32, #tpu.memory_space<vmem>>) target_semaphore(%run_scoped3A_23 : memref<!tpu.dma_semaphore, #tpu.memory_space<semaphore_mem>>)
        %dma_wait3A = arith.constant 0 : i32
        %dma_wait3A_35 = tpu.memref_slice %arg5[%run_scoped3A, %dma_wait3A] : memref<1x128xi32, #tpu.memory_space<vmem>> -> memref<1x128xi32, #tpu.memory_space<vmem>>
        %dma_wait3A_36 = tpu.memref_squeeze %dma_wait3A_35 : memref<1x128xi32, #tpu.memory_space<vmem>> -> memref<128xi32, #tpu.memory_space<vmem>>
        %dma_wait3A_37 = arith.constant 0 : i32
        %dma_wait3A_38 = tpu.memref_slice %arg2[%add3A_21, %dma_wait3A_37] : memref<2592x128xi32, #tpu.memory_space<hbm>> -> memref<1x128xi32, #tpu.memory_space<hbm>>
        %dma_wait3A_39 = tpu.memref_squeeze %dma_wait3A_38 : memref<1x128xi32, #tpu.memory_space<hbm>> -> memref<128xi32, #tpu.memory_space<hbm>>
        %dma_wait3A_40 = arith.constant 0 : i32
        %dma_wait3A_41 = tpu.memref_slice %arg5[%run_scoped3A, %dma_wait3A_40] : memref<1x128xi32, #tpu.memory_space<vmem>> -> memref<1x128xi32, #tpu.memory_space<vmem>>
        %dma_wait3A_42 = tpu.memref_squeeze %dma_wait3A_41 : memref<1x128xi32, #tpu.memory_space<vmem>> -> memref<128xi32, #tpu.memory_space<vmem>>
        %dma_wait3A_43 = arith.constant 0 : i32
        %dma_wait3A_44 = tpu.memref_slice %arg2[%add3A_21, %dma_wait3A_43] : memref<2592x128xi32, #tpu.memory_space<hbm>> -> memref<1x128xi32, #tpu.memory_space<hbm>>
        %dma_wait3A_45 = tpu.memref_squeeze %dma_wait3A_44 : memref<1x128xi32, #tpu.memory_space<hbm>> -> memref<128xi32, #tpu.memory_space<hbm>>
        tpu.wait_dma2 semaphore(%run_scoped3A_23 : memref<!tpu.dma_semaphore, #tpu.memory_space<semaphore_mem>>) src(%dma_wait3A_45 : memref<128xi32, #tpu.memory_space<hbm>>) dst(%dma_wait3A_42 : memref<128xi32, #tpu.memory_space<vmem>>)
        tpu.yield
      }) : () -> ()
      "tpu.region"() ({
        %run_scoped3A_23 = tpu.sem_alloc : memref<!tpu.dma_semaphore, #tpu.memory_space<semaphore_mem>>
        %dma_start3A = arith.constant 0 : i32
        %dma_start3A_24 = tpu.memref_slice %arg3[%add3A_21, %dma_start3A] : memref<2592x128xf32, #tpu.memory_space<hbm>> -> memref<1x128xf32, #tpu.memory_space<hbm>>
        %dma_start3A_25 = tpu.memref_squeeze %dma_start3A_24 : memref<1x128xf32, #tpu.memory_space<hbm>> -> memref<128xf32, #tpu.memory_space<hbm>>
        %dma_start3A_26 = arith.constant 0 : i32
        %dma_start3A_27 = tpu.memref_slice %arg3[%add3A_21, %dma_start3A_26] : memref<2592x128xf32, #tpu.memory_space<hbm>> -> memref<1x128xf32, #tpu.memory_space<hbm>>
        %dma_start3A_28 = tpu.memref_squeeze %dma_start3A_27 : memref<1x128xf32, #tpu.memory_space<hbm>> -> memref<128xf32, #tpu.memory_space<hbm>>
        tpu.enqueue_dma source(%dma_start3A_28 : memref<128xf32, #tpu.memory_space<hbm>>) target(%arg6 : memref<128xf32, #tpu.memory_space<vmem>>) target_semaphore(%run_scoped3A_23 : memref<!tpu.dma_semaphore, #tpu.memory_space<semaphore_mem>>)
        %dma_wait3A = arith.constant 0 : i32
        %dma_wait3A_29 = tpu.memref_slice %arg3[%add3A_21, %dma_wait3A] : memref<2592x128xf32, #tpu.memory_space<hbm>> -> memref<1x128xf32, #tpu.memory_space<hbm>>
        %dma_wait3A_30 = tpu.memref_squeeze %dma_wait3A_29 : memref<1x128xf32, #tpu.memory_space<hbm>> -> memref<128xf32, #tpu.memory_space<hbm>>
        %dma_wait3A_31 = arith.constant 0 : i32
        %dma_wait3A_32 = tpu.memref_slice %arg3[%add3A_21, %dma_wait3A_31] : memref<2592x128xf32, #tpu.memory_space<hbm>> -> memref<1x128xf32, #tpu.memory_space<hbm>>
        %dma_wait3A_33 = tpu.memref_squeeze %dma_wait3A_32 : memref<1x128xf32, #tpu.memory_space<hbm>> -> memref<128xf32, #tpu.memory_space<hbm>>
        tpu.wait_dma2 semaphore(%run_scoped3A_23 : memref<!tpu.dma_semaphore, #tpu.memory_space<semaphore_mem>>) src(%dma_wait3A_33 : memref<128xf32, #tpu.memory_space<hbm>>) dst(%arg6 : memref<128xf32, #tpu.memory_space<vmem>>)
        tpu.yield
      }) : () -> ()
      %run_scoped3A_22 = arith.constant 0 : i32
      "tpu.region"() ({
        %run_scoped3A_23 = tpu.sem_alloc : memref<!tpu.dma_semaphore, #tpu.memory_space<semaphore_mem>>
        %dma_start3A = arith.constant 0 : i32
        %dma_start3A_24 = tpu.memref_slice %arg5[%run_scoped3A_22, %dma_start3A] : memref<1x128xi32, #tpu.memory_space<vmem>> -> memref<1x128xi32, #tpu.memory_space<vmem>>
        %dma_start3A_25 = tpu.memref_squeeze %dma_start3A_24 : memref<1x128xi32, #tpu.memory_space<vmem>> -> memref<128xi32, #tpu.memory_space<vmem>>
        %dma_start3A_26 = arith.constant 0 : i32
        %dma_start3A_27 = tpu.memref_slice %arg8[%dma_start3A_26] : memref<10240xf32, #tpu.memory_space<vmem_shared>> -> memref<10240xf32, #tpu.memory_space<vmem_shared>>
        tpu.enqueue_indirect_dma source(%arg6 : memref<128xf32, #tpu.memory_space<vmem>>) target(%dma_start3A_27 : memref<10240xf32, #tpu.memory_space<vmem_shared>>) offsets(%dma_start3A_25 : memref<128xi32, #tpu.memory_space<vmem>>) semaphore(%run_scoped3A_23 : memref<!tpu.dma_semaphore, #tpu.memory_space<semaphore_mem>>) {add = true}
        %dma_wait3A = arith.constant 0 : i32
        %dma_wait3A_28 = tpu.memref_slice %arg5[%run_scoped3A_22, %dma_wait3A] : memref<1x128xi32, #tpu.memory_space<vmem>> -> memref<1x128xi32, #tpu.memory_space<vmem>>
        %dma_wait3A_29 = tpu.memref_squeeze %dma_wait3A_28 : memref<1x128xi32, #tpu.memory_space<vmem>> -> memref<128xi32, #tpu.memory_space<vmem>>
        %dma_wait3A_30 = arith.constant 0 : i32
        %dma_wait3A_31 = tpu.memref_slice %arg8[%dma_wait3A_30] : memref<10240xf32, #tpu.memory_space<vmem_shared>> -> memref<10240xf32, #tpu.memory_space<vmem_shared>>
        tpu.wait_indirect_dma semaphore(%run_scoped3A_23 : memref<!tpu.dma_semaphore, #tpu.memory_space<semaphore_mem>>) src(%arg6 : memref<128xf32, #tpu.memory_space<vmem>>) dst(%dma_wait3A_31 : memref<10240xf32, #tpu.memory_space<vmem_shared>>)
        tpu.yield
      }) : () -> ()
    }
    %scan3A_12 = arith.constant 162 : i32
    %barrier3A_13 = arith.constant 0 : index
    tpu.barrier barrier_id(%barrier3A_13)
    %mul3A_14 = arith.constant 2 : i32
    %mul3A_15 = arith.muli %mul3A_14, %arg1 : i32
    %add3A = arith.addi %mul3A_15, %arg0 : i32
    %mul3A_16 = arith.constant 320 : i32
    %mul3A_17 = arith.muli %add3A, %mul3A_16 : i32
    "tpu.region"() ({
      %run_scoped3A = tpu.sem_alloc : memref<!tpu.dma_semaphore, #tpu.memory_space<semaphore_mem>>
      %dma_start3A = arith.constant 0 : i32
      %dma_start3A_18 = tpu.memref_slice %arg7[%dma_start3A] : memref<640xf32, #tpu.memory_space<vmem>> -> memref<320xf32, #tpu.memory_space<vmem>>
      %dma_start3A_19 = tpu.memref_slice %arg8[%mul3A_17] : memref<10240xf32, #tpu.memory_space<vmem_shared>> -> memref<320xf32, #tpu.memory_space<vmem_shared>>
      %dma_start3A_20 = arith.constant 0 : i32
      %dma_start3A_21 = tpu.memref_slice %arg7[%dma_start3A_20] : memref<640xf32, #tpu.memory_space<vmem>> -> memref<320xf32, #tpu.memory_space<vmem>>
      %dma_start3A_22 = tpu.memref_slice %arg8[%mul3A_17] : memref<10240xf32, #tpu.memory_space<vmem_shared>> -> memref<320xf32, #tpu.memory_space<vmem_shared>>
      tpu.enqueue_dma source(%dma_start3A_22 : memref<320xf32, #tpu.memory_space<vmem_shared>>) target(%dma_start3A_21 : memref<320xf32, #tpu.memory_space<vmem>>) target_semaphore(%run_scoped3A : memref<!tpu.dma_semaphore, #tpu.memory_space<semaphore_mem>>)
      %dma_wait3A = arith.constant 0 : i32
      %dma_wait3A_23 = tpu.memref_slice %arg7[%dma_wait3A] : memref<640xf32, #tpu.memory_space<vmem>> -> memref<320xf32, #tpu.memory_space<vmem>>
      %dma_wait3A_24 = tpu.memref_slice %arg8[%mul3A_17] : memref<10240xf32, #tpu.memory_space<vmem_shared>> -> memref<320xf32, #tpu.memory_space<vmem_shared>>
      %dma_wait3A_25 = arith.constant 0 : i32
      %dma_wait3A_26 = tpu.memref_slice %arg7[%dma_wait3A_25] : memref<640xf32, #tpu.memory_space<vmem>> -> memref<320xf32, #tpu.memory_space<vmem>>
      %dma_wait3A_27 = tpu.memref_slice %arg8[%mul3A_17] : memref<10240xf32, #tpu.memory_space<vmem_shared>> -> memref<320xf32, #tpu.memory_space<vmem_shared>>
      tpu.wait_dma2 semaphore(%run_scoped3A : memref<!tpu.dma_semaphore, #tpu.memory_space<semaphore_mem>>) src(%dma_wait3A_27 : memref<320xf32, #tpu.memory_space<vmem_shared>>) dst(%dma_wait3A_26 : memref<320xf32, #tpu.memory_space<vmem>>)
      tpu.yield
    }) : () -> ()
    "tpu.region"() ({
      %run_scoped3A = tpu.sem_alloc : memref<!tpu.dma_semaphore, #tpu.memory_space<semaphore_mem>>
      %dma_start3A = arith.constant 0 : i32
      %dma_start3A_18 = tpu.memref_slice %arg7[%dma_start3A] : memref<640xf32, #tpu.memory_space<vmem>> -> memref<320xf32, #tpu.memory_space<vmem>>
      %dma_start3A_19 = tpu.memref_slice %arg4[%mul3A_17] : memref<10240xf32, #tpu.memory_space<hbm>> -> memref<320xf32, #tpu.memory_space<hbm>>
      %dma_start3A_20 = tpu.memref_slice %arg4[%mul3A_17] : memref<10240xf32, #tpu.memory_space<hbm>> -> memref<320xf32, #tpu.memory_space<hbm>>
      %dma_start3A_21 = arith.constant 0 : i32
      %dma_start3A_22 = tpu.memref_slice %arg7[%dma_start3A_21] : memref<640xf32, #tpu.memory_space<vmem>> -> memref<320xf32, #tpu.memory_space<vmem>>
      tpu.enqueue_dma source(%dma_start3A_22 : memref<320xf32, #tpu.memory_space<vmem>>) target(%dma_start3A_20 : memref<320xf32, #tpu.memory_space<hbm>>) target_semaphore(%run_scoped3A : memref<!tpu.dma_semaphore, #tpu.memory_space<semaphore_mem>>)
      %dma_wait3A = arith.constant 0 : i32
      %dma_wait3A_23 = tpu.memref_slice %arg7[%dma_wait3A] : memref<640xf32, #tpu.memory_space<vmem>> -> memref<320xf32, #tpu.memory_space<vmem>>
      %dma_wait3A_24 = tpu.memref_slice %arg4[%mul3A_17] : memref<10240xf32, #tpu.memory_space<hbm>> -> memref<320xf32, #tpu.memory_space<hbm>>
      %dma_wait3A_25 = tpu.memref_slice %arg4[%mul3A_17] : memref<10240xf32, #tpu.memory_space<hbm>> -> memref<320xf32, #tpu.memory_space<hbm>>
      %dma_wait3A_26 = arith.constant 0 : i32
      %dma_wait3A_27 = tpu.memref_slice %arg7[%dma_wait3A_26] : memref<640xf32, #tpu.memory_space<vmem>> -> memref<320xf32, #tpu.memory_space<vmem>>
      tpu.wait_dma2 semaphore(%run_scoped3A : memref<!tpu.dma_semaphore, #tpu.memory_space<semaphore_mem>>) src(%dma_wait3A_27 : memref<320xf32, #tpu.memory_space<vmem>>) dst(%dma_wait3A_25 : memref<320xf32, #tpu.memory_space<hbm>>)
      tpu.yield
    }) : () -> ()
    return
  }
}

#map = affine_map<(d0, d1) -> (0, 0)>
#map1 = affine_map<(d0, d1) -> (0)>
#map2 = affine_map<(d0, d1) -> (0, 0, 0)>
module attributes {stable_mosaic.version = 14 : i64} {
  func.func @_sc_body(%arg0: i32, %arg1: i32, %arg2: memref<2592x128xi32, #tpu.memory_space<hbm>>, %arg3: memref<2592x128xi32, #tpu.memory_space<hbm>>, %arg4: memref<2592x128xf32, #tpu.memory_space<hbm>>, %arg5: memref<20480x64xf32, #tpu.memory_space<hbm>>, %arg6: memref<2x64xf32, #tpu.memory_space<hbm>>, %arg7: memref<10240xf32, #tpu.memory_space<hbm>>, %arg8: memref<2x10240x64xf32, #tpu.memory_space<hbm>>, %arg9: memref<1x128xi32, #tpu.memory_space<vmem>>, %arg10: memref<1x128xi32, #tpu.memory_space<vmem>>, %arg11: memref<128xf32, #tpu.memory_space<vmem>>, %arg12: memref<1x128xi32, #tpu.memory_space<vmem>>, %arg13: memref<128xf32, #tpu.memory_space<vmem>>, %arg14: memref<128x64xf32, #tpu.memory_space<vmem>>, %arg15: memref<64xf32, #tpu.memory_space<vmem>>, %arg16: memref<8x16xi32, #tpu.memory_space<vmem>>, %arg17: memref<8x16xi32, #tpu.memory_space<vmem>>, %arg18: memref<10240xi32, #tpu.memory_space<vmem>>, %arg19: memref<!tpu.dma_semaphore, #tpu.memory_space<semaphore_mem>>, %arg20: memref<10240x64xf32, #tpu.memory_space<vmem_shared>>) attributes {dimension_semantics = [#tpu.dimension_semantics<core_parallel>, #tpu.dimension_semantics<subcore_parallel>], iteration_bounds = array<i64: 2, 16>, scalar_prefetch = 0 : i64, scratch_operands = 12 : i64, tpu.core_type = #tpu.core_type<sc_vector_subcore>, window_params = [{transform_indices = #map}, {transform_indices = #map}, {transform_indices = #map}, {transform_indices = #map}, {transform_indices = #map}, {transform_indices = #map1}, {transform_indices = #map2}]} {
    %broadcast_in_dim3A = arith.constant 0.000000e+00 : f32
    %broadcast_in_dim3A_0 = vector.broadcast %broadcast_in_dim3A : f32 to vector<16xf32>
    %mul3A = arith.constant 640 : i32
    %mul3A_1 = arith.muli %arg1, %mul3A : i32
    %scan3A = arith.constant 0 : i32
    %scan3A_2 = arith.constant 0 : i32
    %scan3A_3 = arith.constant 640 : i32
    %scan3A_4 = arith.addi %scan3A_2, %scan3A_3 : i32
    %scan3A_5 = arith.constant 1 : i32
    scf.for %scan3A_98 = %scan3A_2 to %scan3A_4 step %scan3A_5  : i32 {
      %broadcast_in_dim3A_99 = arith.constant 0 : i32
      %broadcast_in_dim3A_100 = vector.broadcast %broadcast_in_dim3A_99 : i32 to vector<16xi32>
      %mul3A_101 = arith.constant 16 : i32
      %mul3A_102 = arith.muli %mul3A_101, %scan3A_98 : i32
      %swap3A = arith.index_cast %mul3A_102 : i32 to index
      %swap3A_103 = tpu.vector_load %arg18[%swap3A] {strides = array<i32>} : memref<10240xi32, #tpu.memory_space<vmem>>, vector<16xi32>,
      tpu.vector_store %arg18[%swap3A], %broadcast_in_dim3A_100 {strides = array<i32>} : memref<10240xi32, #tpu.memory_space<vmem>>, vector<16xi32>,
    }
    %scan3A_6 = arith.constant 640 : i32
    %scan3A_7 = arith.constant 0 : i32
    %scan3A_8 = arith.constant 0 : i32
    %scan3A_9 = arith.constant 128 : i32
    %scan3A_10 = arith.addi %scan3A_8, %scan3A_9 : i32
    %scan3A_11 = arith.constant 1 : i32
    scf.for %scan3A_98 = %scan3A_8 to %scan3A_10 step %scan3A_11  : i32 {
      %swap3A = arith.index_cast %scan3A_98 : i32 to index
      %swap3A_99 = arith.constant 0 : index
      %swap3A_100 = tpu.vector_load %arg14[%swap3A, %swap3A_99] {strides = array<i32>} : memref<128x64xf32, #tpu.memory_space<vmem>>, vector<16xf32>,
      tpu.vector_store %arg14[%swap3A, %swap3A_99], %broadcast_in_dim3A_0 {strides = array<i32>} : memref<128x64xf32, #tpu.memory_space<vmem>>, vector<16xf32>,
      %swap3A_101 = arith.index_cast %scan3A_98 : i32 to index
      %swap3A_102 = arith.constant 16 : index
      %swap3A_103 = tpu.vector_load %arg14[%swap3A_101, %swap3A_102] {strides = array<i32>} : memref<128x64xf32, #tpu.memory_space<vmem>>, vector<16xf32>,
      tpu.vector_store %arg14[%swap3A_101, %swap3A_102], %broadcast_in_dim3A_0 {strides = array<i32>} : memref<128x64xf32, #tpu.memory_space<vmem>>, vector<16xf32>,
      %swap3A_104 = arith.index_cast %scan3A_98 : i32 to index
      %swap3A_105 = arith.constant 32 : index
      %swap3A_106 = tpu.vector_load %arg14[%swap3A_104, %swap3A_105] {strides = array<i32>} : memref<128x64xf32, #tpu.memory_space<vmem>>, vector<16xf32>,
      tpu.vector_store %arg14[%swap3A_104, %swap3A_105], %broadcast_in_dim3A_0 {strides = array<i32>} : memref<128x64xf32, #tpu.memory_space<vmem>>, vector<16xf32>,
      %swap3A_107 = arith.index_cast %scan3A_98 : i32 to index
      %swap3A_108 = arith.constant 48 : index
      %swap3A_109 = tpu.vector_load %arg14[%swap3A_107, %swap3A_108] {strides = array<i32>} : memref<128x64xf32, #tpu.memory_space<vmem>>, vector<16xf32>,
      tpu.vector_store %arg14[%swap3A_107, %swap3A_108], %broadcast_in_dim3A_0 {strides = array<i32>} : memref<128x64xf32, #tpu.memory_space<vmem>>, vector<16xf32>,
    }
    %scan3A_12 = arith.constant 128 : i32
    %add3A = arith.constant 0 : i32
    %add3A_13 = arith.addi %mul3A_1, %add3A : i32
    "tpu.region"() ({
      %run_scoped3A = tpu.sem_alloc : memref<!tpu.dma_semaphore, #tpu.memory_space<semaphore_mem>>
      %dma_start3A = arith.constant 0 : i32
      %dma_start3A_98 = tpu.memref_slice %arg20[%add3A_13, %dma_start3A] : memref<10240x64xf32, #tpu.memory_space<vmem_shared>> -> memref<128x64xf32, #tpu.memory_space<vmem_shared>>
      %dma_start3A_99 = arith.constant 0 : i32
      %dma_start3A_100 = tpu.memref_slice %arg20[%add3A_13, %dma_start3A_99] : memref<10240x64xf32, #tpu.memory_space<vmem_shared>> -> memref<128x64xf32, #tpu.memory_space<vmem_shared>>
      tpu.enqueue_dma source(%arg14 : memref<128x64xf32, #tpu.memory_space<vmem>>) target(%dma_start3A_100 : memref<128x64xf32, #tpu.memory_space<vmem_shared>>) target_semaphore(%run_scoped3A : memref<!tpu.dma_semaphore, #tpu.memory_space<semaphore_mem>>)
      %dma_wait3A = arith.constant 0 : i32
      %dma_wait3A_101 = tpu.memref_slice %arg20[%add3A_13, %dma_wait3A] : memref<10240x64xf32, #tpu.memory_space<vmem_shared>> -> memref<128x64xf32, #tpu.memory_space<vmem_shared>>
      %dma_wait3A_102 = arith.constant 0 : i32
      %dma_wait3A_103 = tpu.memref_slice %arg20[%add3A_13, %dma_wait3A_102] : memref<10240x64xf32, #tpu.memory_space<vmem_shared>> -> memref<128x64xf32, #tpu.memory_space<vmem_shared>>
      tpu.wait_dma2 semaphore(%run_scoped3A : memref<!tpu.dma_semaphore, #tpu.memory_space<semaphore_mem>>) src(%arg14 : memref<128x64xf32, #tpu.memory_space<vmem>>) dst(%dma_wait3A_103 : memref<128x64xf32, #tpu.memory_space<vmem_shared>>)
      tpu.yield
    }) : () -> ()
    %add3A_14 = arith.constant 128 : i32
    %add3A_15 = arith.addi %mul3A_1, %add3A_14 : i32
    "tpu.region"() ({
      %run_scoped3A = tpu.sem_alloc : memref<!tpu.dma_semaphore, #tpu.memory_space<semaphore_mem>>
      %dma_start3A = arith.constant 0 : i32
      %dma_start3A_98 = tpu.memref_slice %arg20[%add3A_15, %dma_start3A] : memref<10240x64xf32, #tpu.memory_space<vmem_shared>> -> memref<128x64xf32, #tpu.memory_space<vmem_shared>>
      %dma_start3A_99 = arith.constant 0 : i32
      %dma_start3A_100 = tpu.memref_slice %arg20[%add3A_15, %dma_start3A_99] : memref<10240x64xf32, #tpu.memory_space<vmem_shared>> -> memref<128x64xf32, #tpu.memory_space<vmem_shared>>
      tpu.enqueue_dma source(%arg14 : memref<128x64xf32, #tpu.memory_space<vmem>>) target(%dma_start3A_100 : memref<128x64xf32, #tpu.memory_space<vmem_shared>>) target_semaphore(%run_scoped3A : memref<!tpu.dma_semaphore, #tpu.memory_space<semaphore_mem>>)
      %dma_wait3A = arith.constant 0 : i32
      %dma_wait3A_101 = tpu.memref_slice %arg20[%add3A_15, %dma_wait3A] : memref<10240x64xf32, #tpu.memory_space<vmem_shared>> -> memref<128x64xf32, #tpu.memory_space<vmem_shared>>
      %dma_wait3A_102 = arith.constant 0 : i32
      %dma_wait3A_103 = tpu.memref_slice %arg20[%add3A_15, %dma_wait3A_102] : memref<10240x64xf32, #tpu.memory_space<vmem_shared>> -> memref<128x64xf32, #tpu.memory_space<vmem_shared>>
      tpu.wait_dma2 semaphore(%run_scoped3A : memref<!tpu.dma_semaphore, #tpu.memory_space<semaphore_mem>>) src(%arg14 : memref<128x64xf32, #tpu.memory_space<vmem>>) dst(%dma_wait3A_103 : memref<128x64xf32, #tpu.memory_space<vmem_shared>>)
      tpu.yield
    }) : () -> ()
    %add3A_16 = arith.constant 256 : i32
    %add3A_17 = arith.addi %mul3A_1, %add3A_16 : i32
    "tpu.region"() ({
      %run_scoped3A = tpu.sem_alloc : memref<!tpu.dma_semaphore, #tpu.memory_space<semaphore_mem>>
      %dma_start3A = arith.constant 0 : i32
      %dma_start3A_98 = tpu.memref_slice %arg20[%add3A_17, %dma_start3A] : memref<10240x64xf32, #tpu.memory_space<vmem_shared>> -> memref<128x64xf32, #tpu.memory_space<vmem_shared>>
      %dma_start3A_99 = arith.constant 0 : i32
      %dma_start3A_100 = tpu.memref_slice %arg20[%add3A_17, %dma_start3A_99] : memref<10240x64xf32, #tpu.memory_space<vmem_shared>> -> memref<128x64xf32, #tpu.memory_space<vmem_shared>>
      tpu.enqueue_dma source(%arg14 : memref<128x64xf32, #tpu.memory_space<vmem>>) target(%dma_start3A_100 : memref<128x64xf32, #tpu.memory_space<vmem_shared>>) target_semaphore(%run_scoped3A : memref<!tpu.dma_semaphore, #tpu.memory_space<semaphore_mem>>)
      %dma_wait3A = arith.constant 0 : i32
      %dma_wait3A_101 = tpu.memref_slice %arg20[%add3A_17, %dma_wait3A] : memref<10240x64xf32, #tpu.memory_space<vmem_shared>> -> memref<128x64xf32, #tpu.memory_space<vmem_shared>>
      %dma_wait3A_102 = arith.constant 0 : i32
      %dma_wait3A_103 = tpu.memref_slice %arg20[%add3A_17, %dma_wait3A_102] : memref<10240x64xf32, #tpu.memory_space<vmem_shared>> -> memref<128x64xf32, #tpu.memory_space<vmem_shared>>
      tpu.wait_dma2 semaphore(%run_scoped3A : memref<!tpu.dma_semaphore, #tpu.memory_space<semaphore_mem>>) src(%arg14 : memref<128x64xf32, #tpu.memory_space<vmem>>) dst(%dma_wait3A_103 : memref<128x64xf32, #tpu.memory_space<vmem_shared>>)
      tpu.yield
    }) : () -> ()
    %add3A_18 = arith.constant 384 : i32
    %add3A_19 = arith.addi %mul3A_1, %add3A_18 : i32
    "tpu.region"() ({
      %run_scoped3A = tpu.sem_alloc : memref<!tpu.dma_semaphore, #tpu.memory_space<semaphore_mem>>
      %dma_start3A = arith.constant 0 : i32
      %dma_start3A_98 = tpu.memref_slice %arg20[%add3A_19, %dma_start3A] : memref<10240x64xf32, #tpu.memory_space<vmem_shared>> -> memref<128x64xf32, #tpu.memory_space<vmem_shared>>
      %dma_start3A_99 = arith.constant 0 : i32
      %dma_start3A_100 = tpu.memref_slice %arg20[%add3A_19, %dma_start3A_99] : memref<10240x64xf32, #tpu.memory_space<vmem_shared>> -> memref<128x64xf32, #tpu.memory_space<vmem_shared>>
      tpu.enqueue_dma source(%arg14 : memref<128x64xf32, #tpu.memory_space<vmem>>) target(%dma_start3A_100 : memref<128x64xf32, #tpu.memory_space<vmem_shared>>) target_semaphore(%run_scoped3A : memref<!tpu.dma_semaphore, #tpu.memory_space<semaphore_mem>>)
      %dma_wait3A = arith.constant 0 : i32
      %dma_wait3A_101 = tpu.memref_slice %arg20[%add3A_19, %dma_wait3A] : memref<10240x64xf32, #tpu.memory_space<vmem_shared>> -> memref<128x64xf32, #tpu.memory_space<vmem_shared>>
      %dma_wait3A_102 = arith.constant 0 : i32
      %dma_wait3A_103 = tpu.memref_slice %arg20[%add3A_19, %dma_wait3A_102] : memref<10240x64xf32, #tpu.memory_space<vmem_shared>> -> memref<128x64xf32, #tpu.memory_space<vmem_shared>>
      tpu.wait_dma2 semaphore(%run_scoped3A : memref<!tpu.dma_semaphore, #tpu.memory_space<semaphore_mem>>) src(%arg14 : memref<128x64xf32, #tpu.memory_space<vmem>>) dst(%dma_wait3A_103 : memref<128x64xf32, #tpu.memory_space<vmem_shared>>)
      tpu.yield
    }) : () -> ()
    %add3A_20 = arith.constant 512 : i32
    %add3A_21 = arith.addi %mul3A_1, %add3A_20 : i32
    "tpu.region"() ({
      %run_scoped3A = tpu.sem_alloc : memref<!tpu.dma_semaphore, #tpu.memory_space<semaphore_mem>>
      %dma_start3A = arith.constant 0 : i32
      %dma_start3A_98 = tpu.memref_slice %arg20[%add3A_21, %dma_start3A] : memref<10240x64xf32, #tpu.memory_space<vmem_shared>> -> memref<128x64xf32, #tpu.memory_space<vmem_shared>>
      %dma_start3A_99 = arith.constant 0 : i32
      %dma_start3A_100 = tpu.memref_slice %arg20[%add3A_21, %dma_start3A_99] : memref<10240x64xf32, #tpu.memory_space<vmem_shared>> -> memref<128x64xf32, #tpu.memory_space<vmem_shared>>
      tpu.enqueue_dma source(%arg14 : memref<128x64xf32, #tpu.memory_space<vmem>>) target(%dma_start3A_100 : memref<128x64xf32, #tpu.memory_space<vmem_shared>>) target_semaphore(%run_scoped3A : memref<!tpu.dma_semaphore, #tpu.memory_space<semaphore_mem>>)
      %dma_wait3A = arith.constant 0 : i32
      %dma_wait3A_101 = tpu.memref_slice %arg20[%add3A_21, %dma_wait3A] : memref<10240x64xf32, #tpu.memory_space<vmem_shared>> -> memref<128x64xf32, #tpu.memory_space<vmem_shared>>
      %dma_wait3A_102 = arith.constant 0 : i32
      %dma_wait3A_103 = tpu.memref_slice %arg20[%add3A_21, %dma_wait3A_102] : memref<10240x64xf32, #tpu.memory_space<vmem_shared>> -> memref<128x64xf32, #tpu.memory_space<vmem_shared>>
      tpu.wait_dma2 semaphore(%run_scoped3A : memref<!tpu.dma_semaphore, #tpu.memory_space<semaphore_mem>>) src(%arg14 : memref<128x64xf32, #tpu.memory_space<vmem>>) dst(%dma_wait3A_103 : memref<128x64xf32, #tpu.memory_space<vmem_shared>>)
      tpu.yield
    }) : () -> ()
    %barrier3A = arith.constant 0 : index
    tpu.barrier barrier_id(%barrier3A)
    %mul3A_22 = arith.constant 10240 : i32
    %mul3A_23 = arith.muli %arg0, %mul3A_22 : i32
    %scan3A_24 = arith.constant 0 : i32
    %scan3A_25 = arith.constant 0 : i32
    %scan3A_26 = arith.constant 162 : i32
    %scan3A_27 = arith.addi %scan3A_25, %scan3A_26 : i32
    %scan3A_28 = arith.constant 1 : i32
    scf.for %scan3A_98 = %scan3A_25 to %scan3A_27 step %scan3A_28  : i32 {
      %mul3A_99 = arith.constant 162 : i32
      %mul3A_100 = arith.muli %arg1, %mul3A_99 : i32
      %add3A_101 = arith.addi %mul3A_100, %scan3A_98 : i32
      %run_scoped3A = arith.constant 0 : i32
      "tpu.region"() ({
        %run_scoped3A_597 = tpu.sem_alloc : memref<!tpu.dma_semaphore, #tpu.memory_space<semaphore_mem>>
        %dma_start3A_598 = arith.constant 0 : i32
        %dma_start3A_599 = tpu.memref_slice %arg9[%run_scoped3A, %dma_start3A_598] : memref<1x128xi32, #tpu.memory_space<vmem>> -> memref<1x128xi32, #tpu.memory_space<vmem>>
        %dma_start3A_600 = tpu.memref_squeeze %dma_start3A_599 : memref<1x128xi32, #tpu.memory_space<vmem>> -> memref<128xi32, #tpu.memory_space<vmem>>
        %dma_start3A_601 = arith.constant 0 : i32
        %dma_start3A_602 = tpu.memref_slice %arg2[%add3A_101, %dma_start3A_601] : memref<2592x128xi32, #tpu.memory_space<hbm>> -> memref<1x128xi32, #tpu.memory_space<hbm>>
        %dma_start3A_603 = tpu.memref_squeeze %dma_start3A_602 : memref<1x128xi32, #tpu.memory_space<hbm>> -> memref<128xi32, #tpu.memory_space<hbm>>
        %dma_start3A_604 = arith.constant 0 : i32
        %dma_start3A_605 = tpu.memref_slice %arg9[%run_scoped3A, %dma_start3A_604] : memref<1x128xi32, #tpu.memory_space<vmem>> -> memref<1x128xi32, #tpu.memory_space<vmem>>
        %dma_start3A_606 = tpu.memref_squeeze %dma_start3A_605 : memref<1x128xi32, #tpu.memory_space<vmem>> -> memref<128xi32, #tpu.memory_space<vmem>>
        %dma_start3A_607 = arith.constant 0 : i32
        %dma_start3A_608 = tpu.memref_slice %arg2[%add3A_101, %dma_start3A_607] : memref<2592x128xi32, #tpu.memory_space<hbm>> -> memref<1x128xi32, #tpu.memory_space<hbm>>
        %dma_start3A_609 = tpu.memref_squeeze %dma_start3A_608 : memref<1x128xi32, #tpu.memory_space<hbm>> -> memref<128xi32, #tpu.memory_space<hbm>>
        tpu.enqueue_dma source(%dma_start3A_609 : memref<128xi32, #tpu.memory_space<hbm>>) target(%dma_start3A_606 : memref<128xi32, #tpu.memory_space<vmem>>) target_semaphore(%run_scoped3A_597 : memref<!tpu.dma_semaphore, #tpu.memory_space<semaphore_mem>>)
        %dma_wait3A_610 = arith.constant 0 : i32
        %dma_wait3A_611 = tpu.memref_slice %arg9[%run_scoped3A, %dma_wait3A_610] : memref<1x128xi32, #tpu.memory_space<vmem>> -> memref<1x128xi32, #tpu.memory_space<vmem>>
        %dma_wait3A_612 = tpu.memref_squeeze %dma_wait3A_611 : memref<1x128xi32, #tpu.memory_space<vmem>> -> memref<128xi32, #tpu.memory_space<vmem>>
        %dma_wait3A_613 = arith.constant 0 : i32
        %dma_wait3A_614 = tpu.memref_slice %arg2[%add3A_101, %dma_wait3A_613] : memref<2592x128xi32, #tpu.memory_space<hbm>> -> memref<1x128xi32, #tpu.memory_space<hbm>>
        %dma_wait3A_615 = tpu.memref_squeeze %dma_wait3A_614 : memref<1x128xi32, #tpu.memory_space<hbm>> -> memref<128xi32, #tpu.memory_space<hbm>>
        %dma_wait3A_616 = arith.constant 0 : i32
        %dma_wait3A_617 = tpu.memref_slice %arg9[%run_scoped3A, %dma_wait3A_616] : memref<1x128xi32, #tpu.memory_space<vmem>> -> memref<1x128xi32, #tpu.memory_space<vmem>>
        %dma_wait3A_618 = tpu.memref_squeeze %dma_wait3A_617 : memref<1x128xi32, #tpu.memory_space<vmem>> -> memref<128xi32, #tpu.memory_space<vmem>>
        %dma_wait3A_619 = arith.constant 0 : i32
        %dma_wait3A_620 = tpu.memref_slice %arg2[%add3A_101, %dma_wait3A_619] : memref<2592x128xi32, #tpu.memory_space<hbm>> -> memref<1x128xi32, #tpu.memory_space<hbm>>
        %dma_wait3A_621 = tpu.memref_squeeze %dma_wait3A_620 : memref<1x128xi32, #tpu.memory_space<hbm>> -> memref<128xi32, #tpu.memory_space<hbm>>
        tpu.wait_dma2 semaphore(%run_scoped3A_597 : memref<!tpu.dma_semaphore, #tpu.memory_space<semaphore_mem>>) src(%dma_wait3A_621 : memref<128xi32, #tpu.memory_space<hbm>>) dst(%dma_wait3A_618 : memref<128xi32, #tpu.memory_space<vmem>>)
        tpu.yield
      }) : () -> ()
      %run_scoped3A_102 = arith.constant 0 : i32
      "tpu.region"() ({
        %run_scoped3A_597 = tpu.sem_alloc : memref<!tpu.dma_semaphore, #tpu.memory_space<semaphore_mem>>
        %dma_start3A_598 = arith.constant 0 : i32
        %dma_start3A_599 = tpu.memref_slice %arg10[%run_scoped3A_102, %dma_start3A_598] : memref<1x128xi32, #tpu.memory_space<vmem>> -> memref<1x128xi32, #tpu.memory_space<vmem>>
        %dma_start3A_600 = tpu.memref_squeeze %dma_start3A_599 : memref<1x128xi32, #tpu.memory_space<vmem>> -> memref<128xi32, #tpu.memory_space<vmem>>
        %dma_start3A_601 = arith.constant 0 : i32
        %dma_start3A_602 = tpu.memref_slice %arg3[%add3A_101, %dma_start3A_601] : memref<2592x128xi32, #tpu.memory_space<hbm>> -> memref<1x128xi32, #tpu.memory_space<hbm>>
        %dma_start3A_603 = tpu.memref_squeeze %dma_start3A_602 : memref<1x128xi32, #tpu.memory_space<hbm>> -> memref<128xi32, #tpu.memory_space<hbm>>
        %dma_start3A_604 = arith.constant 0 : i32
        %dma_start3A_605 = tpu.memref_slice %arg10[%run_scoped3A_102, %dma_start3A_604] : memref<1x128xi32, #tpu.memory_space<vmem>> -> memref<1x128xi32, #tpu.memory_space<vmem>>
        %dma_start3A_606 = tpu.memref_squeeze %dma_start3A_605 : memref<1x128xi32, #tpu.memory_space<vmem>> -> memref<128xi32, #tpu.memory_space<vmem>>
        %dma_start3A_607 = arith.constant 0 : i32
        %dma_start3A_608 = tpu.memref_slice %arg3[%add3A_101, %dma_start3A_607] : memref<2592x128xi32, #tpu.memory_space<hbm>> -> memref<1x128xi32, #tpu.memory_space<hbm>>
        %dma_start3A_609 = tpu.memref_squeeze %dma_start3A_608 : memref<1x128xi32, #tpu.memory_space<hbm>> -> memref<128xi32, #tpu.memory_space<hbm>>
        tpu.enqueue_dma source(%dma_start3A_609 : memref<128xi32, #tpu.memory_space<hbm>>) target(%dma_start3A_606 : memref<128xi32, #tpu.memory_space<vmem>>) target_semaphore(%run_scoped3A_597 : memref<!tpu.dma_semaphore, #tpu.memory_space<semaphore_mem>>)
        %dma_wait3A_610 = arith.constant 0 : i32
        %dma_wait3A_611 = tpu.memref_slice %arg10[%run_scoped3A_102, %dma_wait3A_610] : memref<1x128xi32, #tpu.memory_space<vmem>> -> memref<1x128xi32, #tpu.memory_space<vmem>>
        %dma_wait3A_612 = tpu.memref_squeeze %dma_wait3A_611 : memref<1x128xi32, #tpu.memory_space<vmem>> -> memref<128xi32, #tpu.memory_space<vmem>>
        %dma_wait3A_613 = arith.constant 0 : i32
        %dma_wait3A_614 = tpu.memref_slice %arg3[%add3A_101, %dma_wait3A_613] : memref<2592x128xi32, #tpu.memory_space<hbm>> -> memref<1x128xi32, #tpu.memory_space<hbm>>
        %dma_wait3A_615 = tpu.memref_squeeze %dma_wait3A_614 : memref<1x128xi32, #tpu.memory_space<hbm>> -> memref<128xi32, #tpu.memory_space<hbm>>
        %dma_wait3A_616 = arith.constant 0 : i32
        %dma_wait3A_617 = tpu.memref_slice %arg10[%run_scoped3A_102, %dma_wait3A_616] : memref<1x128xi32, #tpu.memory_space<vmem>> -> memref<1x128xi32, #tpu.memory_space<vmem>>
        %dma_wait3A_618 = tpu.memref_squeeze %dma_wait3A_617 : memref<1x128xi32, #tpu.memory_space<vmem>> -> memref<128xi32, #tpu.memory_space<vmem>>
        %dma_wait3A_619 = arith.constant 0 : i32
        %dma_wait3A_620 = tpu.memref_slice %arg3[%add3A_101, %dma_wait3A_619] : memref<2592x128xi32, #tpu.memory_space<hbm>> -> memref<1x128xi32, #tpu.memory_space<hbm>>
        %dma_wait3A_621 = tpu.memref_squeeze %dma_wait3A_620 : memref<1x128xi32, #tpu.memory_space<hbm>> -> memref<128xi32, #tpu.memory_space<hbm>>
        tpu.wait_dma2 semaphore(%run_scoped3A_597 : memref<!tpu.dma_semaphore, #tpu.memory_space<semaphore_mem>>) src(%dma_wait3A_621 : memref<128xi32, #tpu.memory_space<hbm>>) dst(%dma_wait3A_618 : memref<128xi32, #tpu.memory_space<vmem>>)
        tpu.yield
      }) : () -> ()
      "tpu.region"() ({
        %run_scoped3A_597 = tpu.sem_alloc : memref<!tpu.dma_semaphore, #tpu.memory_space<semaphore_mem>>
        %dma_start3A_598 = arith.constant 0 : i32
        %dma_start3A_599 = tpu.memref_slice %arg4[%add3A_101, %dma_start3A_598] : memref<2592x128xf32, #tpu.memory_space<hbm>> -> memref<1x128xf32, #tpu.memory_space<hbm>>
        %dma_start3A_600 = tpu.memref_squeeze %dma_start3A_599 : memref<1x128xf32, #tpu.memory_space<hbm>> -> memref<128xf32, #tpu.memory_space<hbm>>
        %dma_start3A_601 = arith.constant 0 : i32
        %dma_start3A_602 = tpu.memref_slice %arg4[%add3A_101, %dma_start3A_601] : memref<2592x128xf32, #tpu.memory_space<hbm>> -> memref<1x128xf32, #tpu.memory_space<hbm>>
        %dma_start3A_603 = tpu.memref_squeeze %dma_start3A_602 : memref<1x128xf32, #tpu.memory_space<hbm>> -> memref<128xf32, #tpu.memory_space<hbm>>
        tpu.enqueue_dma source(%dma_start3A_603 : memref<128xf32, #tpu.memory_space<hbm>>) target(%arg11 : memref<128xf32, #tpu.memory_space<vmem>>) target_semaphore(%run_scoped3A_597 : memref<!tpu.dma_semaphore, #tpu.memory_space<semaphore_mem>>)
        %dma_wait3A_604 = arith.constant 0 : i32
        %dma_wait3A_605 = tpu.memref_slice %arg4[%add3A_101, %dma_wait3A_604] : memref<2592x128xf32, #tpu.memory_space<hbm>> -> memref<1x128xf32, #tpu.memory_space<hbm>>
        %dma_wait3A_606 = tpu.memref_squeeze %dma_wait3A_605 : memref<1x128xf32, #tpu.memory_space<hbm>> -> memref<128xf32, #tpu.memory_space<hbm>>
        %dma_wait3A_607 = arith.constant 0 : i32
        %dma_wait3A_608 = tpu.memref_slice %arg4[%add3A_101, %dma_wait3A_607] : memref<2592x128xf32, #tpu.memory_space<hbm>> -> memref<1x128xf32, #tpu.memory_space<hbm>>
        %dma_wait3A_609 = tpu.memref_squeeze %dma_wait3A_608 : memref<1x128xf32, #tpu.memory_space<hbm>> -> memref<128xf32, #tpu.memory_space<hbm>>
        tpu.wait_dma2 semaphore(%run_scoped3A_597 : memref<!tpu.dma_semaphore, #tpu.memory_space<semaphore_mem>>) src(%dma_wait3A_609 : memref<128xf32, #tpu.memory_space<hbm>>) dst(%arg11 : memref<128xf32, #tpu.memory_space<vmem>>)
        tpu.yield
      }) : () -> ()
      %mul3A_103 = arith.constant 2 : i32
      %mul3A_104 = arith.muli %mul3A_103, %add3A_101 : i32
      %add3A_105 = arith.constant 1 : i32
      %add3A_106 = arith.addi %mul3A_104, %add3A_105 : i32
      %mul3A_107 = arith.constant 256 : i32
      %mul3A_108 = arith.muli %add3A_106, %mul3A_107 : i32
      %get3A_109 = arith.constant 0 : i32
      %get3A_110 = arith.index_cast %get3A_109 : i32 to index
      %get3A_111 = arith.constant 0 : index
      %get3A_112 = tpu.vector_load %arg9[%get3A_110, %get3A_111] {strides = array<i32>} : memref<1x128xi32, #tpu.memory_space<vmem>>, vector<16xi32>,
      %iota3A = tpu.iota {dimensions = array<i32: 0>} : vector<16xi32>
      %add3A_113 = arith.constant 0 : i32
      %add3A_114 = vector.broadcast %add3A_113 : i32 to vector<16xi32>
      %add3A_115 = arith.addi %iota3A, %add3A_114 : vector<16xi32>
      %add3A_116 = vector.broadcast %mul3A_108 : i32 to vector<16xi32>
      %add3A_117 = arith.addi %add3A_116, %add3A_115 : vector<16xi32>
      %gather3A = tpu.vector_load_idx %arg18[%get3A_112] : memref<10240xi32, #tpu.memory_space<vmem>>[vector<16xi32>], vector<16xi32>,
      %ge3A = vector.broadcast %mul3A_108 : i32 to vector<16xi32>
      %ge3A_118 = arith.cmpi sge, %gather3A, %ge3A : vector<16xi32>
      %not3A = arith.constant dense<true> : vector<16xi1>
      %not3A_119 = arith.xori %ge3A_118, %not3A : vector<16xi1>
      tpu.vector_store_idx %arg18[%get3A_112], %add3A_117 masked %not3A_119 : memref<10240xi32, #tpu.memory_space<vmem>>[vector<16xi32>], vector<16xi32>, vector<16xi1>
      %gather3A_120 = tpu.vector_load_idx %arg18[%get3A_112] : memref<10240xi32, #tpu.memory_space<vmem>>[vector<16xi32>], vector<16xi32>,
      %ne3A = arith.cmpi ne, %gather3A_120, %add3A_117 : vector<16xi32>
      %sub3A = vector.broadcast %mul3A_108 : i32 to vector<16xi32>
      %sub3A_121 = arith.subi %gather3A_120, %sub3A : vector<16xi32>
      %get3A_122 = arith.constant 0 : i32
      %get3A_123 = arith.index_cast %get3A_122 : i32 to index
      %get3A_124 = arith.constant 16 : index
      %get3A_125 = tpu.vector_load %arg9[%get3A_123, %get3A_124] {strides = array<i32>} : memref<1x128xi32, #tpu.memory_space<vmem>>, vector<16xi32>,
      %iota3A_126 = tpu.iota {dimensions = array<i32: 0>} : vector<16xi32>
      %add3A_127 = arith.constant 16 : i32
      %add3A_128 = vector.broadcast %add3A_127 : i32 to vector<16xi32>
      %add3A_129 = arith.addi %iota3A_126, %add3A_128 : vector<16xi32>
      %add3A_130 = vector.broadcast %mul3A_108 : i32 to vector<16xi32>
      %add3A_131 = arith.addi %add3A_130, %add3A_129 : vector<16xi32>
      %gather3A_132 = tpu.vector_load_idx %arg18[%get3A_125] : memref<10240xi32, #tpu.memory_space<vmem>>[vector<16xi32>], vector<16xi32>,
      %ge3A_133 = vector.broadcast %mul3A_108 : i32 to vector<16xi32>
      %ge3A_134 = arith.cmpi sge, %gather3A_132, %ge3A_133 : vector<16xi32>
      %not3A_135 = arith.constant dense<true> : vector<16xi1>
      %not3A_136 = arith.xori %ge3A_134, %not3A_135 : vector<16xi1>
      tpu.vector_store_idx %arg18[%get3A_125], %add3A_131 masked %not3A_136 : memref<10240xi32, #tpu.memory_space<vmem>>[vector<16xi32>], vector<16xi32>, vector<16xi1>
      %gather3A_137 = tpu.vector_load_idx %arg18[%get3A_125] : memref<10240xi32, #tpu.memory_space<vmem>>[vector<16xi32>], vector<16xi32>,
      %ne3A_138 = arith.cmpi ne, %gather3A_137, %add3A_131 : vector<16xi32>
      %sub3A_139 = vector.broadcast %mul3A_108 : i32 to vector<16xi32>
      %sub3A_140 = arith.subi %gather3A_137, %sub3A_139 : vector<16xi32>
      %get3A_141 = arith.constant 0 : i32
      %get3A_142 = arith.index_cast %get3A_141 : i32 to index
      %get3A_143 = arith.constant 32 : index
      %get3A_144 = tpu.vector_load %arg9[%get3A_142, %get3A_143] {strides = array<i32>} : memref<1x128xi32, #tpu.memory_space<vmem>>, vector<16xi32>,
      %iota3A_145 = tpu.iota {dimensions = array<i32: 0>} : vector<16xi32>
      %add3A_146 = arith.constant 32 : i32
      %add3A_147 = vector.broadcast %add3A_146 : i32 to vector<16xi32>
      %add3A_148 = arith.addi %iota3A_145, %add3A_147 : vector<16xi32>
      %add3A_149 = vector.broadcast %mul3A_108 : i32 to vector<16xi32>
      %add3A_150 = arith.addi %add3A_149, %add3A_148 : vector<16xi32>
      %gather3A_151 = tpu.vector_load_idx %arg18[%get3A_144] : memref<10240xi32, #tpu.memory_space<vmem>>[vector<16xi32>], vector<16xi32>,
      %ge3A_152 = vector.broadcast %mul3A_108 : i32 to vector<16xi32>
      %ge3A_153 = arith.cmpi sge, %gather3A_151, %ge3A_152 : vector<16xi32>
      %not3A_154 = arith.constant dense<true> : vector<16xi1>
      %not3A_155 = arith.xori %ge3A_153, %not3A_154 : vector<16xi1>
      tpu.vector_store_idx %arg18[%get3A_144], %add3A_150 masked %not3A_155 : memref<10240xi32, #tpu.memory_space<vmem>>[vector<16xi32>], vector<16xi32>, vector<16xi1>
      %gather3A_156 = tpu.vector_load_idx %arg18[%get3A_144] : memref<10240xi32, #tpu.memory_space<vmem>>[vector<16xi32>], vector<16xi32>,
      %ne3A_157 = arith.cmpi ne, %gather3A_156, %add3A_150 : vector<16xi32>
      %sub3A_158 = vector.broadcast %mul3A_108 : i32 to vector<16xi32>
      %sub3A_159 = arith.subi %gather3A_156, %sub3A_158 : vector<16xi32>
      %get3A_160 = arith.constant 0 : i32
      %get3A_161 = arith.index_cast %get3A_160 : i32 to index
      %get3A_162 = arith.constant 48 : index
      %get3A_163 = tpu.vector_load %arg9[%get3A_161, %get3A_162] {strides = array<i32>} : memref<1x128xi32, #tpu.memory_space<vmem>>, vector<16xi32>,
      %iota3A_164 = tpu.iota {dimensions = array<i32: 0>} : vector<16xi32>
      %add3A_165 = arith.constant 48 : i32
      %add3A_166 = vector.broadcast %add3A_165 : i32 to vector<16xi32>
      %add3A_167 = arith.addi %iota3A_164, %add3A_166 : vector<16xi32>
      %add3A_168 = vector.broadcast %mul3A_108 : i32 to vector<16xi32>
      %add3A_169 = arith.addi %add3A_168, %add3A_167 : vector<16xi32>
      %gather3A_170 = tpu.vector_load_idx %arg18[%get3A_163] : memref<10240xi32, #tpu.memory_space<vmem>>[vector<16xi32>], vector<16xi32>,
      %ge3A_171 = vector.broadcast %mul3A_108 : i32 to vector<16xi32>
      %ge3A_172 = arith.cmpi sge, %gather3A_170, %ge3A_171 : vector<16xi32>
      %not3A_173 = arith.constant dense<true> : vector<16xi1>
      %not3A_174 = arith.xori %ge3A_172, %not3A_173 : vector<16xi1>
      tpu.vector_store_idx %arg18[%get3A_163], %add3A_169 masked %not3A_174 : memref<10240xi32, #tpu.memory_space<vmem>>[vector<16xi32>], vector<16xi32>, vector<16xi1>
      %gather3A_175 = tpu.vector_load_idx %arg18[%get3A_163] : memref<10240xi32, #tpu.memory_space<vmem>>[vector<16xi32>], vector<16xi32>,
      %ne3A_176 = arith.cmpi ne, %gather3A_175, %add3A_169 : vector<16xi32>
      %sub3A_177 = vector.broadcast %mul3A_108 : i32 to vector<16xi32>
      %sub3A_178 = arith.subi %gather3A_175, %sub3A_177 : vector<16xi32>
      %get3A_179 = arith.constant 0 : i32
      %get3A_180 = arith.index_cast %get3A_179 : i32 to index
      %get3A_181 = arith.constant 64 : index
      %get3A_182 = tpu.vector_load %arg9[%get3A_180, %get3A_181] {strides = array<i32>} : memref<1x128xi32, #tpu.memory_space<vmem>>, vector<16xi32>,
      %iota3A_183 = tpu.iota {dimensions = array<i32: 0>} : vector<16xi32>
      %add3A_184 = arith.constant 64 : i32
      %add3A_185 = vector.broadcast %add3A_184 : i32 to vector<16xi32>
      %add3A_186 = arith.addi %iota3A_183, %add3A_185 : vector<16xi32>
      %add3A_187 = vector.broadcast %mul3A_108 : i32 to vector<16xi32>
      %add3A_188 = arith.addi %add3A_187, %add3A_186 : vector<16xi32>
      %gather3A_189 = tpu.vector_load_idx %arg18[%get3A_182] : memref<10240xi32, #tpu.memory_space<vmem>>[vector<16xi32>], vector<16xi32>,
      %ge3A_190 = vector.broadcast %mul3A_108 : i32 to vector<16xi32>
      %ge3A_191 = arith.cmpi sge, %gather3A_189, %ge3A_190 : vector<16xi32>
      %not3A_192 = arith.constant dense<true> : vector<16xi1>
      %not3A_193 = arith.xori %ge3A_191, %not3A_192 : vector<16xi1>
      tpu.vector_store_idx %arg18[%get3A_182], %add3A_188 masked %not3A_193 : memref<10240xi32, #tpu.memory_space<vmem>>[vector<16xi32>], vector<16xi32>, vector<16xi1>
      %gather3A_194 = tpu.vector_load_idx %arg18[%get3A_182] : memref<10240xi32, #tpu.memory_space<vmem>>[vector<16xi32>], vector<16xi32>,
      %ne3A_195 = arith.cmpi ne, %gather3A_194, %add3A_188 : vector<16xi32>
      %sub3A_196 = vector.broadcast %mul3A_108 : i32 to vector<16xi32>
      %sub3A_197 = arith.subi %gather3A_194, %sub3A_196 : vector<16xi32>
      %get3A_198 = arith.constant 0 : i32
      %get3A_199 = arith.index_cast %get3A_198 : i32 to index
      %get3A_200 = arith.constant 80 : index
      %get3A_201 = tpu.vector_load %arg9[%get3A_199, %get3A_200] {strides = array<i32>} : memref<1x128xi32, #tpu.memory_space<vmem>>, vector<16xi32>,
      %iota3A_202 = tpu.iota {dimensions = array<i32: 0>} : vector<16xi32>
      %add3A_203 = arith.constant 80 : i32
      %add3A_204 = vector.broadcast %add3A_203 : i32 to vector<16xi32>
      %add3A_205 = arith.addi %iota3A_202, %add3A_204 : vector<16xi32>
      %add3A_206 = vector.broadcast %mul3A_108 : i32 to vector<16xi32>
      %add3A_207 = arith.addi %add3A_206, %add3A_205 : vector<16xi32>
      %gather3A_208 = tpu.vector_load_idx %arg18[%get3A_201] : memref<10240xi32, #tpu.memory_space<vmem>>[vector<16xi32>], vector<16xi32>,
      %ge3A_209 = vector.broadcast %mul3A_108 : i32 to vector<16xi32>
      %ge3A_210 = arith.cmpi sge, %gather3A_208, %ge3A_209 : vector<16xi32>
      %not3A_211 = arith.constant dense<true> : vector<16xi1>
      %not3A_212 = arith.xori %ge3A_210, %not3A_211 : vector<16xi1>
      tpu.vector_store_idx %arg18[%get3A_201], %add3A_207 masked %not3A_212 : memref<10240xi32, #tpu.memory_space<vmem>>[vector<16xi32>], vector<16xi32>, vector<16xi1>
      %gather3A_213 = tpu.vector_load_idx %arg18[%get3A_201] : memref<10240xi32, #tpu.memory_space<vmem>>[vector<16xi32>], vector<16xi32>,
      %ne3A_214 = arith.cmpi ne, %gather3A_213, %add3A_207 : vector<16xi32>
      %sub3A_215 = vector.broadcast %mul3A_108 : i32 to vector<16xi32>
      %sub3A_216 = arith.subi %gather3A_213, %sub3A_215 : vector<16xi32>
      %get3A_217 = arith.constant 0 : i32
      %get3A_218 = arith.index_cast %get3A_217 : i32 to index
      %get3A_219 = arith.constant 96 : index
      %get3A_220 = tpu.vector_load %arg9[%get3A_218, %get3A_219] {strides = array<i32>} : memref<1x128xi32, #tpu.memory_space<vmem>>, vector<16xi32>,
      %iota3A_221 = tpu.iota {dimensions = array<i32: 0>} : vector<16xi32>
      %add3A_222 = arith.constant 96 : i32
      %add3A_223 = vector.broadcast %add3A_222 : i32 to vector<16xi32>
      %add3A_224 = arith.addi %iota3A_221, %add3A_223 : vector<16xi32>
      %add3A_225 = vector.broadcast %mul3A_108 : i32 to vector<16xi32>
      %add3A_226 = arith.addi %add3A_225, %add3A_224 : vector<16xi32>
      %gather3A_227 = tpu.vector_load_idx %arg18[%get3A_220] : memref<10240xi32, #tpu.memory_space<vmem>>[vector<16xi32>], vector<16xi32>,
      %ge3A_228 = vector.broadcast %mul3A_108 : i32 to vector<16xi32>
      %ge3A_229 = arith.cmpi sge, %gather3A_227, %ge3A_228 : vector<16xi32>
      %not3A_230 = arith.constant dense<true> : vector<16xi1>
      %not3A_231 = arith.xori %ge3A_229, %not3A_230 : vector<16xi1>
      tpu.vector_store_idx %arg18[%get3A_220], %add3A_226 masked %not3A_231 : memref<10240xi32, #tpu.memory_space<vmem>>[vector<16xi32>], vector<16xi32>, vector<16xi1>
      %gather3A_232 = tpu.vector_load_idx %arg18[%get3A_220] : memref<10240xi32, #tpu.memory_space<vmem>>[vector<16xi32>], vector<16xi32>,
      %ne3A_233 = arith.cmpi ne, %gather3A_232, %add3A_226 : vector<16xi32>
      %sub3A_234 = vector.broadcast %mul3A_108 : i32 to vector<16xi32>
      %sub3A_235 = arith.subi %gather3A_232, %sub3A_234 : vector<16xi32>
      %get3A_236 = arith.constant 0 : i32
      %get3A_237 = arith.index_cast %get3A_236 : i32 to index
      %get3A_238 = arith.constant 112 : index
      %get3A_239 = tpu.vector_load %arg9[%get3A_237, %get3A_238] {strides = array<i32>} : memref<1x128xi32, #tpu.memory_space<vmem>>, vector<16xi32>,
      %iota3A_240 = tpu.iota {dimensions = array<i32: 0>} : vector<16xi32>
      %add3A_241 = arith.constant 112 : i32
      %add3A_242 = vector.broadcast %add3A_241 : i32 to vector<16xi32>
      %add3A_243 = arith.addi %iota3A_240, %add3A_242 : vector<16xi32>
      %add3A_244 = vector.broadcast %mul3A_108 : i32 to vector<16xi32>
      %add3A_245 = arith.addi %add3A_244, %add3A_243 : vector<16xi32>
      %gather3A_246 = tpu.vector_load_idx %arg18[%get3A_239] : memref<10240xi32, #tpu.memory_space<vmem>>[vector<16xi32>], vector<16xi32>,
      %ge3A_247 = vector.broadcast %mul3A_108 : i32 to vector<16xi32>
      %ge3A_248 = arith.cmpi sge, %gather3A_246, %ge3A_247 : vector<16xi32>
      %not3A_249 = arith.constant dense<true> : vector<16xi1>
      %not3A_250 = arith.xori %ge3A_248, %not3A_249 : vector<16xi1>
      tpu.vector_store_idx %arg18[%get3A_239], %add3A_245 masked %not3A_250 : memref<10240xi32, #tpu.memory_space<vmem>>[vector<16xi32>], vector<16xi32>, vector<16xi1>
      %gather3A_251 = tpu.vector_load_idx %arg18[%get3A_239] : memref<10240xi32, #tpu.memory_space<vmem>>[vector<16xi32>], vector<16xi32>,
      %ne3A_252 = arith.cmpi ne, %gather3A_251, %add3A_245 : vector<16xi32>
      %sub3A_253 = vector.broadcast %mul3A_108 : i32 to vector<16xi32>
      %sub3A_254 = arith.subi %gather3A_251, %sub3A_253 : vector<16xi32>
      %add3A_255 = arith.constant 10000 : i32
      %add3A_256 = vector.broadcast %add3A_255 : i32 to vector<16xi32>
      %add3A_257 = arith.addi %add3A_256, %add3A_115 : vector<16xi32>
      %get3A_258 = arith.constant 0 : i32
      %get3A_259 = arith.index_cast %get3A_258 : i32 to index
      %get3A_260 = arith.constant 0 : index
      %get3A_261 = tpu.vector_load %arg9[%get3A_259, %get3A_260] {strides = array<i32>} : memref<1x128xi32, #tpu.memory_space<vmem>>, vector<16xi32>,
      %select_n3A = arith.select %ne3A, %add3A_257, %get3A_261 : vector<16xi1>, vector<16xi32>
      %add3A_262 = vector.broadcast %mul3A_23 : i32 to vector<16xi32>
      %add3A_263 = arith.addi %select_n3A, %add3A_262 : vector<16xi32>
      %swap3A = arith.constant 0 : i32
      %swap3A_264 = arith.index_cast %swap3A : i32 to index
      %swap3A_265 = arith.constant 0 : index
      %swap3A_266 = tpu.vector_load %arg12[%swap3A_264, %swap3A_265] {strides = array<i32>} : memref<1x128xi32, #tpu.memory_space<vmem>>, vector<16xi32>,
      tpu.vector_store %arg12[%swap3A_264, %swap3A_265], %add3A_263 {strides = array<i32>} : memref<1x128xi32, #tpu.memory_space<vmem>>, vector<16xi32>,
      %swap3A_267 = arith.constant 0 : i32
      %swap3A_268 = arith.index_cast %swap3A_267 : i32 to index
      %swap3A_269 = arith.constant 0 : index
      %swap3A_270 = tpu.vector_load %arg16[%swap3A_268, %swap3A_269] masked %ne3A {strides = array<i32>} : memref<8x16xi32, #tpu.memory_space<vmem>>, vector<16xi32>, vector<16xi1>
      tpu.vector_store %arg16[%swap3A_268, %swap3A_269], %add3A_115 masked %ne3A {strides = array<i32>} : memref<8x16xi32, #tpu.memory_space<vmem>>, vector<16xi32>, vector<16xi1>
      %swap3A_271 = arith.constant 0 : i32
      %swap3A_272 = arith.index_cast %swap3A_271 : i32 to index
      %swap3A_273 = arith.constant 0 : index
      %swap3A_274 = tpu.vector_load %arg17[%swap3A_272, %swap3A_273] masked %ne3A {strides = array<i32>} : memref<8x16xi32, #tpu.memory_space<vmem>>, vector<16xi32>, vector<16xi1>
      tpu.vector_store %arg17[%swap3A_272, %swap3A_273], %sub3A_121 masked %ne3A {strides = array<i32>} : memref<8x16xi32, #tpu.memory_space<vmem>>, vector<16xi32>, vector<16xi1>
      %add3A_275 = arith.constant 10000 : i32
      %add3A_276 = vector.broadcast %add3A_275 : i32 to vector<16xi32>
      %add3A_277 = arith.addi %add3A_276, %add3A_129 : vector<16xi32>
      %get3A_278 = arith.constant 0 : i32
      %get3A_279 = arith.index_cast %get3A_278 : i32 to index
      %get3A_280 = arith.constant 16 : index
      %get3A_281 = tpu.vector_load %arg9[%get3A_279, %get3A_280] {strides = array<i32>} : memref<1x128xi32, #tpu.memory_space<vmem>>, vector<16xi32>,
      %select_n3A_282 = arith.select %ne3A_138, %add3A_277, %get3A_281 : vector<16xi1>, vector<16xi32>
      %add3A_283 = vector.broadcast %mul3A_23 : i32 to vector<16xi32>
      %add3A_284 = arith.addi %select_n3A_282, %add3A_283 : vector<16xi32>
      %swap3A_285 = arith.constant 0 : i32
      %swap3A_286 = arith.index_cast %swap3A_285 : i32 to index
      %swap3A_287 = arith.constant 16 : index
      %swap3A_288 = tpu.vector_load %arg12[%swap3A_286, %swap3A_287] {strides = array<i32>} : memref<1x128xi32, #tpu.memory_space<vmem>>, vector<16xi32>,
      tpu.vector_store %arg12[%swap3A_286, %swap3A_287], %add3A_284 {strides = array<i32>} : memref<1x128xi32, #tpu.memory_space<vmem>>, vector<16xi32>,
      %swap3A_289 = arith.constant 1 : i32
      %swap3A_290 = arith.index_cast %swap3A_289 : i32 to index
      %swap3A_291 = arith.constant 0 : index
      %swap3A_292 = tpu.vector_load %arg16[%swap3A_290, %swap3A_291] masked %ne3A_138 {strides = array<i32>} : memref<8x16xi32, #tpu.memory_space<vmem>>, vector<16xi32>, vector<16xi1>
      tpu.vector_store %arg16[%swap3A_290, %swap3A_291], %add3A_129 masked %ne3A_138 {strides = array<i32>} : memref<8x16xi32, #tpu.memory_space<vmem>>, vector<16xi32>, vector<16xi1>
      %swap3A_293 = arith.constant 1 : i32
      %swap3A_294 = arith.index_cast %swap3A_293 : i32 to index
      %swap3A_295 = arith.constant 0 : index
      %swap3A_296 = tpu.vector_load %arg17[%swap3A_294, %swap3A_295] masked %ne3A_138 {strides = array<i32>} : memref<8x16xi32, #tpu.memory_space<vmem>>, vector<16xi32>, vector<16xi1>
      tpu.vector_store %arg17[%swap3A_294, %swap3A_295], %sub3A_140 masked %ne3A_138 {strides = array<i32>} : memref<8x16xi32, #tpu.memory_space<vmem>>, vector<16xi32>, vector<16xi1>
      %add3A_297 = arith.constant 10000 : i32
      %add3A_298 = vector.broadcast %add3A_297 : i32 to vector<16xi32>
      %add3A_299 = arith.addi %add3A_298, %add3A_148 : vector<16xi32>
      %get3A_300 = arith.constant 0 : i32
      %get3A_301 = arith.index_cast %get3A_300 : i32 to index
      %get3A_302 = arith.constant 32 : index
      %get3A_303 = tpu.vector_load %arg9[%get3A_301, %get3A_302] {strides = array<i32>} : memref<1x128xi32, #tpu.memory_space<vmem>>, vector<16xi32>,
      %select_n3A_304 = arith.select %ne3A_157, %add3A_299, %get3A_303 : vector<16xi1>, vector<16xi32>
      %add3A_305 = vector.broadcast %mul3A_23 : i32 to vector<16xi32>
      %add3A_306 = arith.addi %select_n3A_304, %add3A_305 : vector<16xi32>
      %swap3A_307 = arith.constant 0 : i32
      %swap3A_308 = arith.index_cast %swap3A_307 : i32 to index
      %swap3A_309 = arith.constant 32 : index
      %swap3A_310 = tpu.vector_load %arg12[%swap3A_308, %swap3A_309] {strides = array<i32>} : memref<1x128xi32, #tpu.memory_space<vmem>>, vector<16xi32>,
      tpu.vector_store %arg12[%swap3A_308, %swap3A_309], %add3A_306 {strides = array<i32>} : memref<1x128xi32, #tpu.memory_space<vmem>>, vector<16xi32>,
      %swap3A_311 = arith.constant 2 : i32
      %swap3A_312 = arith.index_cast %swap3A_311 : i32 to index
      %swap3A_313 = arith.constant 0 : index
      %swap3A_314 = tpu.vector_load %arg16[%swap3A_312, %swap3A_313] masked %ne3A_157 {strides = array<i32>} : memref<8x16xi32, #tpu.memory_space<vmem>>, vector<16xi32>, vector<16xi1>
      tpu.vector_store %arg16[%swap3A_312, %swap3A_313], %add3A_148 masked %ne3A_157 {strides = array<i32>} : memref<8x16xi32, #tpu.memory_space<vmem>>, vector<16xi32>, vector<16xi1>
      %swap3A_315 = arith.constant 2 : i32
      %swap3A_316 = arith.index_cast %swap3A_315 : i32 to index
      %swap3A_317 = arith.constant 0 : index
      %swap3A_318 = tpu.vector_load %arg17[%swap3A_316, %swap3A_317] masked %ne3A_157 {strides = array<i32>} : memref<8x16xi32, #tpu.memory_space<vmem>>, vector<16xi32>, vector<16xi1>
      tpu.vector_store %arg17[%swap3A_316, %swap3A_317], %sub3A_159 masked %ne3A_157 {strides = array<i32>} : memref<8x16xi32, #tpu.memory_space<vmem>>, vector<16xi32>, vector<16xi1>
      %add3A_319 = arith.constant 10000 : i32
      %add3A_320 = vector.broadcast %add3A_319 : i32 to vector<16xi32>
      %add3A_321 = arith.addi %add3A_320, %add3A_167 : vector<16xi32>
      %get3A_322 = arith.constant 0 : i32
      %get3A_323 = arith.index_cast %get3A_322 : i32 to index
      %get3A_324 = arith.constant 48 : index
      %get3A_325 = tpu.vector_load %arg9[%get3A_323, %get3A_324] {strides = array<i32>} : memref<1x128xi32, #tpu.memory_space<vmem>>, vector<16xi32>,
      %select_n3A_326 = arith.select %ne3A_176, %add3A_321, %get3A_325 : vector<16xi1>, vector<16xi32>
      %add3A_327 = vector.broadcast %mul3A_23 : i32 to vector<16xi32>
      %add3A_328 = arith.addi %select_n3A_326, %add3A_327 : vector<16xi32>
      %swap3A_329 = arith.constant 0 : i32
      %swap3A_330 = arith.index_cast %swap3A_329 : i32 to index
      %swap3A_331 = arith.constant 48 : index
      %swap3A_332 = tpu.vector_load %arg12[%swap3A_330, %swap3A_331] {strides = array<i32>} : memref<1x128xi32, #tpu.memory_space<vmem>>, vector<16xi32>,
      tpu.vector_store %arg12[%swap3A_330, %swap3A_331], %add3A_328 {strides = array<i32>} : memref<1x128xi32, #tpu.memory_space<vmem>>, vector<16xi32>,
      %swap3A_333 = arith.constant 3 : i32
      %swap3A_334 = arith.index_cast %swap3A_333 : i32 to index
      %swap3A_335 = arith.constant 0 : index
      %swap3A_336 = tpu.vector_load %arg16[%swap3A_334, %swap3A_335] masked %ne3A_176 {strides = array<i32>} : memref<8x16xi32, #tpu.memory_space<vmem>>, vector<16xi32>, vector<16xi1>
      tpu.vector_store %arg16[%swap3A_334, %swap3A_335], %add3A_167 masked %ne3A_176 {strides = array<i32>} : memref<8x16xi32, #tpu.memory_space<vmem>>, vector<16xi32>, vector<16xi1>
      %swap3A_337 = arith.constant 3 : i32
      %swap3A_338 = arith.index_cast %swap3A_337 : i32 to index
      %swap3A_339 = arith.constant 0 : index
      %swap3A_340 = tpu.vector_load %arg17[%swap3A_338, %swap3A_339] masked %ne3A_176 {strides = array<i32>} : memref<8x16xi32, #tpu.memory_space<vmem>>, vector<16xi32>, vector<16xi1>
      tpu.vector_store %arg17[%swap3A_338, %swap3A_339], %sub3A_178 masked %ne3A_176 {strides = array<i32>} : memref<8x16xi32, #tpu.memory_space<vmem>>, vector<16xi32>, vector<16xi1>
      %add3A_341 = arith.constant 10000 : i32
      %add3A_342 = vector.broadcast %add3A_341 : i32 to vector<16xi32>
      %add3A_343 = arith.addi %add3A_342, %add3A_186 : vector<16xi32>
      %get3A_344 = arith.constant 0 : i32
      %get3A_345 = arith.index_cast %get3A_344 : i32 to index
      %get3A_346 = arith.constant 64 : index
      %get3A_347 = tpu.vector_load %arg9[%get3A_345, %get3A_346] {strides = array<i32>} : memref<1x128xi32, #tpu.memory_space<vmem>>, vector<16xi32>,
      %select_n3A_348 = arith.select %ne3A_195, %add3A_343, %get3A_347 : vector<16xi1>, vector<16xi32>
      %add3A_349 = vector.broadcast %mul3A_23 : i32 to vector<16xi32>
      %add3A_350 = arith.addi %select_n3A_348, %add3A_349 : vector<16xi32>
      %swap3A_351 = arith.constant 0 : i32
      %swap3A_352 = arith.index_cast %swap3A_351 : i32 to index
      %swap3A_353 = arith.constant 64 : index
      %swap3A_354 = tpu.vector_load %arg12[%swap3A_352, %swap3A_353] {strides = array<i32>} : memref<1x128xi32, #tpu.memory_space<vmem>>, vector<16xi32>,
      tpu.vector_store %arg12[%swap3A_352, %swap3A_353], %add3A_350 {strides = array<i32>} : memref<1x128xi32, #tpu.memory_space<vmem>>, vector<16xi32>,
      %swap3A_355 = arith.constant 4 : i32
      %swap3A_356 = arith.index_cast %swap3A_355 : i32 to index
      %swap3A_357 = arith.constant 0 : index
      %swap3A_358 = tpu.vector_load %arg16[%swap3A_356, %swap3A_357] masked %ne3A_195 {strides = array<i32>} : memref<8x16xi32, #tpu.memory_space<vmem>>, vector<16xi32>, vector<16xi1>
      tpu.vector_store %arg16[%swap3A_356, %swap3A_357], %add3A_186 masked %ne3A_195 {strides = array<i32>} : memref<8x16xi32, #tpu.memory_space<vmem>>, vector<16xi32>, vector<16xi1>
      %swap3A_359 = arith.constant 4 : i32
      %swap3A_360 = arith.index_cast %swap3A_359 : i32 to index
      %swap3A_361 = arith.constant 0 : index
      %swap3A_362 = tpu.vector_load %arg17[%swap3A_360, %swap3A_361] masked %ne3A_195 {strides = array<i32>} : memref<8x16xi32, #tpu.memory_space<vmem>>, vector<16xi32>, vector<16xi1>
      tpu.vector_store %arg17[%swap3A_360, %swap3A_361], %sub3A_197 masked %ne3A_195 {strides = array<i32>} : memref<8x16xi32, #tpu.memory_space<vmem>>, vector<16xi32>, vector<16xi1>
      %add3A_363 = arith.constant 10000 : i32
      %add3A_364 = vector.broadcast %add3A_363 : i32 to vector<16xi32>
      %add3A_365 = arith.addi %add3A_364, %add3A_205 : vector<16xi32>
      %get3A_366 = arith.constant 0 : i32
      %get3A_367 = arith.index_cast %get3A_366 : i32 to index
      %get3A_368 = arith.constant 80 : index
      %get3A_369 = tpu.vector_load %arg9[%get3A_367, %get3A_368] {strides = array<i32>} : memref<1x128xi32, #tpu.memory_space<vmem>>, vector<16xi32>,
      %select_n3A_370 = arith.select %ne3A_214, %add3A_365, %get3A_369 : vector<16xi1>, vector<16xi32>
      %add3A_371 = vector.broadcast %mul3A_23 : i32 to vector<16xi32>
      %add3A_372 = arith.addi %select_n3A_370, %add3A_371 : vector<16xi32>
      %swap3A_373 = arith.constant 0 : i32
      %swap3A_374 = arith.index_cast %swap3A_373 : i32 to index
      %swap3A_375 = arith.constant 80 : index
      %swap3A_376 = tpu.vector_load %arg12[%swap3A_374, %swap3A_375] {strides = array<i32>} : memref<1x128xi32, #tpu.memory_space<vmem>>, vector<16xi32>,
      tpu.vector_store %arg12[%swap3A_374, %swap3A_375], %add3A_372 {strides = array<i32>} : memref<1x128xi32, #tpu.memory_space<vmem>>, vector<16xi32>,
      %swap3A_377 = arith.constant 5 : i32
      %swap3A_378 = arith.index_cast %swap3A_377 : i32 to index
      %swap3A_379 = arith.constant 0 : index
      %swap3A_380 = tpu.vector_load %arg16[%swap3A_378, %swap3A_379] masked %ne3A_214 {strides = array<i32>} : memref<8x16xi32, #tpu.memory_space<vmem>>, vector<16xi32>, vector<16xi1>
      tpu.vector_store %arg16[%swap3A_378, %swap3A_379], %add3A_205 masked %ne3A_214 {strides = array<i32>} : memref<8x16xi32, #tpu.memory_space<vmem>>, vector<16xi32>, vector<16xi1>
      %swap3A_381 = arith.constant 5 : i32
      %swap3A_382 = arith.index_cast %swap3A_381 : i32 to index
      %swap3A_383 = arith.constant 0 : index
      %swap3A_384 = tpu.vector_load %arg17[%swap3A_382, %swap3A_383] masked %ne3A_214 {strides = array<i32>} : memref<8x16xi32, #tpu.memory_space<vmem>>, vector<16xi32>, vector<16xi1>
      tpu.vector_store %arg17[%swap3A_382, %swap3A_383], %sub3A_216 masked %ne3A_214 {strides = array<i32>} : memref<8x16xi32, #tpu.memory_space<vmem>>, vector<16xi32>, vector<16xi1>
      %add3A_385 = arith.constant 10000 : i32
      %add3A_386 = vector.broadcast %add3A_385 : i32 to vector<16xi32>
      %add3A_387 = arith.addi %add3A_386, %add3A_224 : vector<16xi32>
      %get3A_388 = arith.constant 0 : i32
      %get3A_389 = arith.index_cast %get3A_388 : i32 to index
      %get3A_390 = arith.constant 96 : index
      %get3A_391 = tpu.vector_load %arg9[%get3A_389, %get3A_390] {strides = array<i32>} : memref<1x128xi32, #tpu.memory_space<vmem>>, vector<16xi32>,
      %select_n3A_392 = arith.select %ne3A_233, %add3A_387, %get3A_391 : vector<16xi1>, vector<16xi32>
      %add3A_393 = vector.broadcast %mul3A_23 : i32 to vector<16xi32>
      %add3A_394 = arith.addi %select_n3A_392, %add3A_393 : vector<16xi32>
      %swap3A_395 = arith.constant 0 : i32
      %swap3A_396 = arith.index_cast %swap3A_395 : i32 to index
      %swap3A_397 = arith.constant 96 : index
      %swap3A_398 = tpu.vector_load %arg12[%swap3A_396, %swap3A_397] {strides = array<i32>} : memref<1x128xi32, #tpu.memory_space<vmem>>, vector<16xi32>,
      tpu.vector_store %arg12[%swap3A_396, %swap3A_397], %add3A_394 {strides = array<i32>} : memref<1x128xi32, #tpu.memory_space<vmem>>, vector<16xi32>,
      %swap3A_399 = arith.constant 6 : i32
      %swap3A_400 = arith.index_cast %swap3A_399 : i32 to index
      %swap3A_401 = arith.constant 0 : index
      %swap3A_402 = tpu.vector_load %arg16[%swap3A_400, %swap3A_401] masked %ne3A_233 {strides = array<i32>} : memref<8x16xi32, #tpu.memory_space<vmem>>, vector<16xi32>, vector<16xi1>
      tpu.vector_store %arg16[%swap3A_400, %swap3A_401], %add3A_224 masked %ne3A_233 {strides = array<i32>} : memref<8x16xi32, #tpu.memory_space<vmem>>, vector<16xi32>, vector<16xi1>
      %swap3A_403 = arith.constant 6 : i32
      %swap3A_404 = arith.index_cast %swap3A_403 : i32 to index
      %swap3A_405 = arith.constant 0 : index
      %swap3A_406 = tpu.vector_load %arg17[%swap3A_404, %swap3A_405] masked %ne3A_233 {strides = array<i32>} : memref<8x16xi32, #tpu.memory_space<vmem>>, vector<16xi32>, vector<16xi1>
      tpu.vector_store %arg17[%swap3A_404, %swap3A_405], %sub3A_235 masked %ne3A_233 {strides = array<i32>} : memref<8x16xi32, #tpu.memory_space<vmem>>, vector<16xi32>, vector<16xi1>
      %add3A_407 = arith.constant 10000 : i32
      %add3A_408 = vector.broadcast %add3A_407 : i32 to vector<16xi32>
      %add3A_409 = arith.addi %add3A_408, %add3A_243 : vector<16xi32>
      %get3A_410 = arith.constant 0 : i32
      %get3A_411 = arith.index_cast %get3A_410 : i32 to index
      %get3A_412 = arith.constant 112 : index
      %get3A_413 = tpu.vector_load %arg9[%get3A_411, %get3A_412] {strides = array<i32>} : memref<1x128xi32, #tpu.memory_space<vmem>>, vector<16xi32>,
      %select_n3A_414 = arith.select %ne3A_252, %add3A_409, %get3A_413 : vector<16xi1>, vector<16xi32>
      %add3A_415 = vector.broadcast %mul3A_23 : i32 to vector<16xi32>
      %add3A_416 = arith.addi %select_n3A_414, %add3A_415 : vector<16xi32>
      %swap3A_417 = arith.constant 0 : i32
      %swap3A_418 = arith.index_cast %swap3A_417 : i32 to index
      %swap3A_419 = arith.constant 112 : index
      %swap3A_420 = tpu.vector_load %arg12[%swap3A_418, %swap3A_419] {strides = array<i32>} : memref<1x128xi32, #tpu.memory_space<vmem>>, vector<16xi32>,
      tpu.vector_store %arg12[%swap3A_418, %swap3A_419], %add3A_416 {strides = array<i32>} : memref<1x128xi32, #tpu.memory_space<vmem>>, vector<16xi32>,
      %swap3A_421 = arith.constant 7 : i32
      %swap3A_422 = arith.index_cast %swap3A_421 : i32 to index
      %swap3A_423 = arith.constant 0 : index
      %swap3A_424 = tpu.vector_load %arg16[%swap3A_422, %swap3A_423] masked %ne3A_252 {strides = array<i32>} : memref<8x16xi32, #tpu.memory_space<vmem>>, vector<16xi32>, vector<16xi1>
      tpu.vector_store %arg16[%swap3A_422, %swap3A_423], %add3A_243 masked %ne3A_252 {strides = array<i32>} : memref<8x16xi32, #tpu.memory_space<vmem>>, vector<16xi32>, vector<16xi1>
      %swap3A_425 = arith.constant 7 : i32
      %swap3A_426 = arith.index_cast %swap3A_425 : i32 to index
      %swap3A_427 = arith.constant 0 : index
      %swap3A_428 = tpu.vector_load %arg17[%swap3A_426, %swap3A_427] masked %ne3A_252 {strides = array<i32>} : memref<8x16xi32, #tpu.memory_space<vmem>>, vector<16xi32>, vector<16xi1>
      tpu.vector_store %arg17[%swap3A_426, %swap3A_427], %sub3A_254 masked %ne3A_252 {strides = array<i32>} : memref<8x16xi32, #tpu.memory_space<vmem>>, vector<16xi32>, vector<16xi1>
      %all_reduce_population_count3A = tpu.all_reduce %ne3A {dim = 0 : i64, kind = #tpu.reduction_kind<sum>} : vector<16xi1> -> vector<16xi32>
      %reduce_max3A = arith.constant true
      %reduce_max3A_429 = vector.broadcast %reduce_max3A : i1 to vector<16xi1>
      %reduce_max3A_430 = arith.constant -2147483648 : i32
      %reduce_max3A_431 = vector.broadcast %reduce_max3A_430 : i32 to vector<16xi32>
      %reduce_max3A_432 = arith.xori %all_reduce_population_count3A, %reduce_max3A_431 : vector<16xi32>
      %reduce_max3A_433 = tpu.scan <max>, %reduce_max3A_432 masked %reduce_max3A_429 : vector<16xi32>, vector<16xi1> -> vector<16xi32>
      %reduce_max3A_434 = arith.xori %reduce_max3A_433, %reduce_max3A_431 : vector<16xi32>
      %reduce_max3A_435 = vector.extract %reduce_max3A_434[15] : i32 from vector<16xi32>
      %all_reduce_population_count3A_436 = tpu.all_reduce %ne3A_138 {dim = 0 : i64, kind = #tpu.reduction_kind<sum>} : vector<16xi1> -> vector<16xi32>
      %reduce_max3A_437 = arith.constant true
      %reduce_max3A_438 = vector.broadcast %reduce_max3A_437 : i1 to vector<16xi1>
      %reduce_max3A_439 = arith.constant -2147483648 : i32
      %reduce_max3A_440 = vector.broadcast %reduce_max3A_439 : i32 to vector<16xi32>
      %reduce_max3A_441 = arith.xori %all_reduce_population_count3A_436, %reduce_max3A_440 : vector<16xi32>
      %reduce_max3A_442 = tpu.scan <max>, %reduce_max3A_441 masked %reduce_max3A_438 : vector<16xi32>, vector<16xi1> -> vector<16xi32>
      %reduce_max3A_443 = arith.xori %reduce_max3A_442, %reduce_max3A_440 : vector<16xi32>
      %reduce_max3A_444 = vector.extract %reduce_max3A_443[15] : i32 from vector<16xi32>
      %all_reduce_population_count3A_445 = tpu.all_reduce %ne3A_157 {dim = 0 : i64, kind = #tpu.reduction_kind<sum>} : vector<16xi1> -> vector<16xi32>
      %reduce_max3A_446 = arith.constant true
      %reduce_max3A_447 = vector.broadcast %reduce_max3A_446 : i1 to vector<16xi1>
      %reduce_max3A_448 = arith.constant -2147483648 : i32
      %reduce_max3A_449 = vector.broadcast %reduce_max3A_448 : i32 to vector<16xi32>
      %reduce_max3A_450 = arith.xori %all_reduce_population_count3A_445, %reduce_max3A_449 : vector<16xi32>
      %reduce_max3A_451 = tpu.scan <max>, %reduce_max3A_450 masked %reduce_max3A_447 : vector<16xi32>, vector<16xi1> -> vector<16xi32>
      %reduce_max3A_452 = arith.xori %reduce_max3A_451, %reduce_max3A_449 : vector<16xi32>
      %reduce_max3A_453 = vector.extract %reduce_max3A_452[15] : i32 from vector<16xi32>
      %all_reduce_population_count3A_454 = tpu.all_reduce %ne3A_176 {dim = 0 : i64, kind = #tpu.reduction_kind<sum>} : vector<16xi1> -> vector<16xi32>
      %reduce_max3A_455 = arith.constant true
      %reduce_max3A_456 = vector.broadcast %reduce_max3A_455 : i1 to vector<16xi1>
      %reduce_max3A_457 = arith.constant -2147483648 : i32
      %reduce_max3A_458 = vector.broadcast %reduce_max3A_457 : i32 to vector<16xi32>
      %reduce_max3A_459 = arith.xori %all_reduce_population_count3A_454, %reduce_max3A_458 : vector<16xi32>
      %reduce_max3A_460 = tpu.scan <max>, %reduce_max3A_459 masked %reduce_max3A_456 : vector<16xi32>, vector<16xi1> -> vector<16xi32>
      %reduce_max3A_461 = arith.xori %reduce_max3A_460, %reduce_max3A_458 : vector<16xi32>
      %reduce_max3A_462 = vector.extract %reduce_max3A_461[15] : i32 from vector<16xi32>
      %all_reduce_population_count3A_463 = tpu.all_reduce %ne3A_195 {dim = 0 : i64, kind = #tpu.reduction_kind<sum>} : vector<16xi1> -> vector<16xi32>
      %reduce_max3A_464 = arith.constant true
      %reduce_max3A_465 = vector.broadcast %reduce_max3A_464 : i1 to vector<16xi1>
      %reduce_max3A_466 = arith.constant -2147483648 : i32
      %reduce_max3A_467 = vector.broadcast %reduce_max3A_466 : i32 to vector<16xi32>
      %reduce_max3A_468 = arith.xori %all_reduce_population_count3A_463, %reduce_max3A_467 : vector<16xi32>
      %reduce_max3A_469 = tpu.scan <max>, %reduce_max3A_468 masked %reduce_max3A_465 : vector<16xi32>, vector<16xi1> -> vector<16xi32>
      %reduce_max3A_470 = arith.xori %reduce_max3A_469, %reduce_max3A_467 : vector<16xi32>
      %reduce_max3A_471 = vector.extract %reduce_max3A_470[15] : i32 from vector<16xi32>
      %all_reduce_population_count3A_472 = tpu.all_reduce %ne3A_214 {dim = 0 : i64, kind = #tpu.reduction_kind<sum>} : vector<16xi1> -> vector<16xi32>
      %reduce_max3A_473 = arith.constant true
      %reduce_max3A_474 = vector.broadcast %reduce_max3A_473 : i1 to vector<16xi1>
      %reduce_max3A_475 = arith.constant -2147483648 : i32
      %reduce_max3A_476 = vector.broadcast %reduce_max3A_475 : i32 to vector<16xi32>
      %reduce_max3A_477 = arith.xori %all_reduce_population_count3A_472, %reduce_max3A_476 : vector<16xi32>
      %reduce_max3A_478 = tpu.scan <max>, %reduce_max3A_477 masked %reduce_max3A_474 : vector<16xi32>, vector<16xi1> -> vector<16xi32>
      %reduce_max3A_479 = arith.xori %reduce_max3A_478, %reduce_max3A_476 : vector<16xi32>
      %reduce_max3A_480 = vector.extract %reduce_max3A_479[15] : i32 from vector<16xi32>
      %all_reduce_population_count3A_481 = tpu.all_reduce %ne3A_233 {dim = 0 : i64, kind = #tpu.reduction_kind<sum>} : vector<16xi1> -> vector<16xi32>
      %reduce_max3A_482 = arith.constant true
      %reduce_max3A_483 = vector.broadcast %reduce_max3A_482 : i1 to vector<16xi1>
      %reduce_max3A_484 = arith.constant -2147483648 : i32
      %reduce_max3A_485 = vector.broadcast %reduce_max3A_484 : i32 to vector<16xi32>
      %reduce_max3A_486 = arith.xori %all_reduce_population_count3A_481, %reduce_max3A_485 : vector<16xi32>
      %reduce_max3A_487 = tpu.scan <max>, %reduce_max3A_486 masked %reduce_max3A_483 : vector<16xi32>, vector<16xi1> -> vector<16xi32>
      %reduce_max3A_488 = arith.xori %reduce_max3A_487, %reduce_max3A_485 : vector<16xi32>
      %reduce_max3A_489 = vector.extract %reduce_max3A_488[15] : i32 from vector<16xi32>
      %all_reduce_population_count3A_490 = tpu.all_reduce %ne3A_252 {dim = 0 : i64, kind = #tpu.reduction_kind<sum>} : vector<16xi1> -> vector<16xi32>
      %reduce_max3A_491 = arith.constant true
      %reduce_max3A_492 = vector.broadcast %reduce_max3A_491 : i1 to vector<16xi1>
      %reduce_max3A_493 = arith.constant -2147483648 : i32
      %reduce_max3A_494 = vector.broadcast %reduce_max3A_493 : i32 to vector<16xi32>
      %reduce_max3A_495 = arith.xori %all_reduce_population_count3A_490, %reduce_max3A_494 : vector<16xi32>
      %reduce_max3A_496 = tpu.scan <max>, %reduce_max3A_495 masked %reduce_max3A_492 : vector<16xi32>, vector<16xi1> -> vector<16xi32>
      %reduce_max3A_497 = arith.xori %reduce_max3A_496, %reduce_max3A_494 : vector<16xi32>
      %reduce_max3A_498 = vector.extract %reduce_max3A_497[15] : i32 from vector<16xi32>
      %dma_start3A = arith.constant 0 : i32
      %dma_start3A_499 = arith.constant 0 : i32
      %dma_start3A_500 = tpu.memref_slice %arg12[%dma_start3A, %dma_start3A_499] : memref<1x128xi32, #tpu.memory_space<vmem>> -> memref<1x128xi32, #tpu.memory_space<vmem>>
      %dma_start3A_501 = tpu.memref_squeeze %dma_start3A_500 : memref<1x128xi32, #tpu.memory_space<vmem>> -> memref<128xi32, #tpu.memory_space<vmem>>
      %dma_start3A_502 = arith.constant 0 : i32
      %dma_start3A_503 = arith.constant 0 : i32
      %dma_start3A_504 = tpu.memref_slice %arg5[%dma_start3A_502, %dma_start3A_503] : memref<20480x64xf32, #tpu.memory_space<hbm>> -> memref<20480x64xf32, #tpu.memory_space<hbm>>
      tpu.enqueue_indirect_dma source(%dma_start3A_504 : memref<20480x64xf32, #tpu.memory_space<hbm>>) target(%arg14 : memref<128x64xf32, #tpu.memory_space<vmem>>) offsets(%dma_start3A_501 : memref<128xi32, #tpu.memory_space<vmem>>) semaphore(%arg19 : memref<!tpu.dma_semaphore, #tpu.memory_space<semaphore_mem>>)
      %dma_wait3A = arith.constant 0 : i32
      %dma_wait3A_505 = arith.constant 0 : i32
      %dma_wait3A_506 = tpu.memref_slice %arg12[%dma_wait3A, %dma_wait3A_505] : memref<1x128xi32, #tpu.memory_space<vmem>> -> memref<1x128xi32, #tpu.memory_space<vmem>>
      %dma_wait3A_507 = tpu.memref_squeeze %dma_wait3A_506 : memref<1x128xi32, #tpu.memory_space<vmem>> -> memref<128xi32, #tpu.memory_space<vmem>>
      %dma_wait3A_508 = arith.constant 0 : i32
      %dma_wait3A_509 = arith.constant 0 : i32
      %dma_wait3A_510 = tpu.memref_slice %arg5[%dma_wait3A_508, %dma_wait3A_509] : memref<20480x64xf32, #tpu.memory_space<hbm>> -> memref<20480x64xf32, #tpu.memory_space<hbm>>
      tpu.wait_indirect_dma semaphore(%arg19 : memref<!tpu.dma_semaphore, #tpu.memory_space<semaphore_mem>>) src(%dma_wait3A_510 : memref<20480x64xf32, #tpu.memory_space<hbm>>) dst(%arg14 : memref<128x64xf32, #tpu.memory_space<vmem>>)
      %while3A = arith.constant 0 : i32
      %while3A_511 = arith.constant 0 : i32
      %while3A_512 = arith.subi %reduce_max3A_435, %while3A_511 : i32
      %while3A_513 = arith.addi %while3A_511, %while3A_512 : i32
      %while3A_514 = arith.constant 1 : i32
      %while3A_515 = arith.divsi %while3A_512, %while3A_514 : i32
      %while3A_516 = arith.muli %while3A_515, %while3A_514 : i32
      %while3A_517 = arith.addi %while3A_511, %while3A_516 : i32
      %while3A_518 = arith.constant 1 : i32
      scf.for %while3A_597 = %while3A_511 to %while3A_517 step %while3A_518  : i32 {
        %broadcast_in_dim3A_598 = vector.broadcast %while3A_597 : i32 to vector<16xi32>
        %gather3A_599 = arith.constant 0 : i32
        %gather3A_600 = arith.constant 0 : i32
        %gather3A_601 = tpu.memref_slice %arg16[%gather3A_599, %gather3A_600] : memref<8x16xi32, #tpu.memory_space<vmem>> -> memref<1x16xi32, #tpu.memory_space<vmem>>
        %gather3A_602 = tpu.memref_squeeze %gather3A_601 : memref<1x16xi32, #tpu.memory_space<vmem>> -> memref<16xi32, #tpu.memory_space<vmem>>
        %gather3A_603 = tpu.vector_load_idx %gather3A_602[%broadcast_in_dim3A_598] : memref<16xi32, #tpu.memory_space<vmem>>[vector<16xi32>], vector<16xi32>,
        %broadcast_in_dim3A_604 = vector.broadcast %while3A_597 : i32 to vector<16xi32>
        %gather3A_605 = arith.constant 0 : i32
        %gather3A_606 = arith.constant 0 : i32
        %gather3A_607 = tpu.memref_slice %arg17[%gather3A_605, %gather3A_606] : memref<8x16xi32, #tpu.memory_space<vmem>> -> memref<1x16xi32, #tpu.memory_space<vmem>>
        %gather3A_608 = tpu.memref_squeeze %gather3A_607 : memref<1x16xi32, #tpu.memory_space<vmem>> -> memref<16xi32, #tpu.memory_space<vmem>>
        %gather3A_609 = tpu.vector_load_idx %gather3A_608[%broadcast_in_dim3A_604] : memref<16xi32, #tpu.memory_space<vmem>>[vector<16xi32>], vector<16xi32>,
        %reduce_max3A_610 = arith.constant true
        %reduce_max3A_611 = vector.broadcast %reduce_max3A_610 : i1 to vector<16xi1>
        %reduce_max3A_612 = arith.constant -2147483648 : i32
        %reduce_max3A_613 = vector.broadcast %reduce_max3A_612 : i32 to vector<16xi32>
        %reduce_max3A_614 = arith.xori %gather3A_603, %reduce_max3A_613 : vector<16xi32>
        %reduce_max3A_615 = tpu.scan <max>, %reduce_max3A_614 masked %reduce_max3A_611 : vector<16xi32>, vector<16xi1> -> vector<16xi32>
        %reduce_max3A_616 = arith.xori %reduce_max3A_615, %reduce_max3A_613 : vector<16xi32>
        %reduce_max3A_617 = vector.extract %reduce_max3A_616[15] : i32 from vector<16xi32>
        %reduce_max3A_618 = arith.constant true
        %reduce_max3A_619 = vector.broadcast %reduce_max3A_618 : i1 to vector<16xi1>
        %reduce_max3A_620 = arith.constant -2147483648 : i32
        %reduce_max3A_621 = vector.broadcast %reduce_max3A_620 : i32 to vector<16xi32>
        %reduce_max3A_622 = arith.xori %gather3A_609, %reduce_max3A_621 : vector<16xi32>
        %reduce_max3A_623 = tpu.scan <max>, %reduce_max3A_622 masked %reduce_max3A_619 : vector<16xi32>, vector<16xi1> -> vector<16xi32>
        %reduce_max3A_624 = arith.xori %reduce_max3A_623, %reduce_max3A_621 : vector<16xi32>
        %reduce_max3A_625 = vector.extract %reduce_max3A_624[15] : i32 from vector<16xi32>
        %get3A_626 = arith.index_cast %reduce_max3A_625 : i32 to index
        %get3A_627 = arith.constant 0 : index
        %get3A_628 = tpu.vector_load %arg14[%get3A_626, %get3A_627] {strides = array<i32>} : memref<128x64xf32, #tpu.memory_space<vmem>>, vector<16xf32>,
        %swap3A_629 = arith.index_cast %reduce_max3A_617 : i32 to index
        %swap3A_630 = arith.constant 0 : index
        %swap3A_631 = tpu.vector_load %arg14[%swap3A_629, %swap3A_630] {strides = array<i32>} : memref<128x64xf32, #tpu.memory_space<vmem>>, vector<16xf32>,
        tpu.vector_store %arg14[%swap3A_629, %swap3A_630], %get3A_628 {strides = array<i32>} : memref<128x64xf32, #tpu.memory_space<vmem>>, vector<16xf32>,
        %get3A_632 = arith.index_cast %reduce_max3A_625 : i32 to index
        %get3A_633 = arith.constant 16 : index
        %get3A_634 = tpu.vector_load %arg14[%get3A_632, %get3A_633] {strides = array<i32>} : memref<128x64xf32, #tpu.memory_space<vmem>>, vector<16xf32>,
        %swap3A_635 = arith.index_cast %reduce_max3A_617 : i32 to index
        %swap3A_636 = arith.constant 16 : index
        %swap3A_637 = tpu.vector_load %arg14[%swap3A_635, %swap3A_636] {strides = array<i32>} : memref<128x64xf32, #tpu.memory_space<vmem>>, vector<16xf32>,
        tpu.vector_store %arg14[%swap3A_635, %swap3A_636], %get3A_634 {strides = array<i32>} : memref<128x64xf32, #tpu.memory_space<vmem>>, vector<16xf32>,
        %get3A_638 = arith.index_cast %reduce_max3A_625 : i32 to index
        %get3A_639 = arith.constant 32 : index
        %get3A_640 = tpu.vector_load %arg14[%get3A_638, %get3A_639] {strides = array<i32>} : memref<128x64xf32, #tpu.memory_space<vmem>>, vector<16xf32>,
        %swap3A_641 = arith.index_cast %reduce_max3A_617 : i32 to index
        %swap3A_642 = arith.constant 32 : index
        %swap3A_643 = tpu.vector_load %arg14[%swap3A_641, %swap3A_642] {strides = array<i32>} : memref<128x64xf32, #tpu.memory_space<vmem>>, vector<16xf32>,
        tpu.vector_store %arg14[%swap3A_641, %swap3A_642], %get3A_640 {strides = array<i32>} : memref<128x64xf32, #tpu.memory_space<vmem>>, vector<16xf32>,
        %get3A_644 = arith.index_cast %reduce_max3A_625 : i32 to index
        %get3A_645 = arith.constant 48 : index
        %get3A_646 = tpu.vector_load %arg14[%get3A_644, %get3A_645] {strides = array<i32>} : memref<128x64xf32, #tpu.memory_space<vmem>>, vector<16xf32>,
        %swap3A_647 = arith.index_cast %reduce_max3A_617 : i32 to index
        %swap3A_648 = arith.constant 48 : index
        %swap3A_649 = tpu.vector_load %arg14[%swap3A_647, %swap3A_648] {strides = array<i32>} : memref<128x64xf32, #tpu.memory_space<vmem>>, vector<16xf32>,
        tpu.vector_store %arg14[%swap3A_647, %swap3A_648], %get3A_646 {strides = array<i32>} : memref<128x64xf32, #tpu.memory_space<vmem>>, vector<16xf32>,
      }
      %while3A_519 = arith.constant 1 : i32
      scf.for %while3A_597 = %while3A_517 to %while3A_513 step %while3A_519  : i32 {
        %broadcast_in_dim3A_598 = vector.broadcast %while3A_597 : i32 to vector<16xi32>
        %gather3A_599 = arith.constant 0 : i32
        %gather3A_600 = arith.constant 0 : i32
        %gather3A_601 = tpu.memref_slice %arg16[%gather3A_599, %gather3A_600] : memref<8x16xi32, #tpu.memory_space<vmem>> -> memref<1x16xi32, #tpu.memory_space<vmem>>
        %gather3A_602 = tpu.memref_squeeze %gather3A_601 : memref<1x16xi32, #tpu.memory_space<vmem>> -> memref<16xi32, #tpu.memory_space<vmem>>
        %gather3A_603 = tpu.vector_load_idx %gather3A_602[%broadcast_in_dim3A_598] : memref<16xi32, #tpu.memory_space<vmem>>[vector<16xi32>], vector<16xi32>,
        %broadcast_in_dim3A_604 = vector.broadcast %while3A_597 : i32 to vector<16xi32>
        %gather3A_605 = arith.constant 0 : i32
        %gather3A_606 = arith.constant 0 : i32
        %gather3A_607 = tpu.memref_slice %arg17[%gather3A_605, %gather3A_606] : memref<8x16xi32, #tpu.memory_space<vmem>> -> memref<1x16xi32, #tpu.memory_space<vmem>>
        %gather3A_608 = tpu.memref_squeeze %gather3A_607 : memref<1x16xi32, #tpu.memory_space<vmem>> -> memref<16xi32, #tpu.memory_space<vmem>>
        %gather3A_609 = tpu.vector_load_idx %gather3A_608[%broadcast_in_dim3A_604] : memref<16xi32, #tpu.memory_space<vmem>>[vector<16xi32>], vector<16xi32>,
        %reduce_max3A_610 = arith.constant true
        %reduce_max3A_611 = vector.broadcast %reduce_max3A_610 : i1 to vector<16xi1>
        %reduce_max3A_612 = arith.constant -2147483648 : i32
        %reduce_max3A_613 = vector.broadcast %reduce_max3A_612 : i32 to vector<16xi32>
        %reduce_max3A_614 = arith.xori %gather3A_603, %reduce_max3A_613 : vector<16xi32>
        %reduce_max3A_615 = tpu.scan <max>, %reduce_max3A_614 masked %reduce_max3A_611 : vector<16xi32>, vector<16xi1> -> vector<16xi32>
        %reduce_max3A_616 = arith.xori %reduce_max3A_615, %reduce_max3A_613 : vector<16xi32>
        %reduce_max3A_617 = vector.extract %reduce_max3A_616[15] : i32 from vector<16xi32>
        %reduce_max3A_618 = arith.constant true
        %reduce_max3A_619 = vector.broadcast %reduce_max3A_618 : i1 to vector<16xi1>
        %reduce_max3A_620 = arith.constant -2147483648 : i32
        %reduce_max3A_621 = vector.broadcast %reduce_max3A_620 : i32 to vector<16xi32>
        %reduce_max3A_622 = arith.xori %gather3A_609, %reduce_max3A_621 : vector<16xi32>
        %reduce_max3A_623 = tpu.scan <max>, %reduce_max3A_622 masked %reduce_max3A_619 : vector<16xi32>, vector<16xi1> -> vector<16xi32>
        %reduce_max3A_624 = arith.xori %reduce_max3A_623, %reduce_max3A_621 : vector<16xi32>
        %reduce_max3A_625 = vector.extract %reduce_max3A_624[15] : i32 from vector<16xi32>
        %get3A_626 = arith.index_cast %reduce_max3A_625 : i32 to index
        %get3A_627 = arith.constant 0 : index
        %get3A_628 = tpu.vector_load %arg14[%get3A_626, %get3A_627] {strides = array<i32>} : memref<128x64xf32, #tpu.memory_space<vmem>>, vector<16xf32>,
        %swap3A_629 = arith.index_cast %reduce_max3A_617 : i32 to index
        %swap3A_630 = arith.constant 0 : index
        %swap3A_631 = tpu.vector_load %arg14[%swap3A_629, %swap3A_630] {strides = array<i32>} : memref<128x64xf32, #tpu.memory_space<vmem>>, vector<16xf32>,
        tpu.vector_store %arg14[%swap3A_629, %swap3A_630], %get3A_628 {strides = array<i32>} : memref<128x64xf32, #tpu.memory_space<vmem>>, vector<16xf32>,
        %get3A_632 = arith.index_cast %reduce_max3A_625 : i32 to index
        %get3A_633 = arith.constant 16 : index
        %get3A_634 = tpu.vector_load %arg14[%get3A_632, %get3A_633] {strides = array<i32>} : memref<128x64xf32, #tpu.memory_space<vmem>>, vector<16xf32>,
        %swap3A_635 = arith.index_cast %reduce_max3A_617 : i32 to index
        %swap3A_636 = arith.constant 16 : index
        %swap3A_637 = tpu.vector_load %arg14[%swap3A_635, %swap3A_636] {strides = array<i32>} : memref<128x64xf32, #tpu.memory_space<vmem>>, vector<16xf32>,
        tpu.vector_store %arg14[%swap3A_635, %swap3A_636], %get3A_634 {strides = array<i32>} : memref<128x64xf32, #tpu.memory_space<vmem>>, vector<16xf32>,
        %get3A_638 = arith.index_cast %reduce_max3A_625 : i32 to index
        %get3A_639 = arith.constant 32 : index
        %get3A_640 = tpu.vector_load %arg14[%get3A_638, %get3A_639] {strides = array<i32>} : memref<128x64xf32, #tpu.memory_space<vmem>>, vector<16xf32>,
        %swap3A_641 = arith.index_cast %reduce_max3A_617 : i32 to index
        %swap3A_642 = arith.constant 32 : index
        %swap3A_643 = tpu.vector_load %arg14[%swap3A_641, %swap3A_642] {strides = array<i32>} : memref<128x64xf32, #tpu.memory_space<vmem>>, vector<16xf32>,
        tpu.vector_store %arg14[%swap3A_641, %swap3A_642], %get3A_640 {strides = array<i32>} : memref<128x64xf32, #tpu.memory_space<vmem>>, vector<16xf32>,
        %get3A_644 = arith.index_cast %reduce_max3A_625 : i32 to index
        %get3A_645 = arith.constant 48 : index
        %get3A_646 = tpu.vector_load %arg14[%get3A_644, %get3A_645] {strides = array<i32>} : memref<128x64xf32, #tpu.memory_space<vmem>>, vector<16xf32>,
        %swap3A_647 = arith.index_cast %reduce_max3A_617 : i32 to index
        %swap3A_648 = arith.constant 48 : index
        %swap3A_649 = tpu.vector_load %arg14[%swap3A_647, %swap3A_648] {strides = array<i32>} : memref<128x64xf32, #tpu.memory_space<vmem>>, vector<16xf32>,
        tpu.vector_store %arg14[%swap3A_647, %swap3A_648], %get3A_646 {strides = array<i32>} : memref<128x64xf32, #tpu.memory_space<vmem>>, vector<16xf32>,
      }
      %while3A_520 = arith.constant 0 : i32
      %while3A_521 = arith.constant 0 : i32
      %while3A_522 = arith.subi %reduce_max3A_444, %while3A_521 : i32
      %while3A_523 = arith.addi %while3A_521, %while3A_522 : i32
      %while3A_524 = arith.constant 1 : i32
      %while3A_525 = arith.divsi %while3A_522, %while3A_524 : i32
      %while3A_526 = arith.muli %while3A_525, %while3A_524 : i32
      %while3A_527 = arith.addi %while3A_521, %while3A_526 : i32
      %while3A_528 = arith.constant 1 : i32
      scf.for %while3A_597 = %while3A_521 to %while3A_527 step %while3A_528  : i32 {
        %broadcast_in_dim3A_598 = vector.broadcast %while3A_597 : i32 to vector<16xi32>
        %gather3A_599 = arith.constant 1 : i32
        %gather3A_600 = arith.constant 0 : i32
        %gather3A_601 = tpu.memref_slice %arg16[%gather3A_599, %gather3A_600] : memref<8x16xi32, #tpu.memory_space<vmem>> -> memref<1x16xi32, #tpu.memory_space<vmem>>
        %gather3A_602 = tpu.memref_squeeze %gather3A_601 : memref<1x16xi32, #tpu.memory_space<vmem>> -> memref<16xi32, #tpu.memory_space<vmem>>
        %gather3A_603 = tpu.vector_load_idx %gather3A_602[%broadcast_in_dim3A_598] : memref<16xi32, #tpu.memory_space<vmem>>[vector<16xi32>], vector<16xi32>,
        %broadcast_in_dim3A_604 = vector.broadcast %while3A_597 : i32 to vector<16xi32>
        %gather3A_605 = arith.constant 1 : i32
        %gather3A_606 = arith.constant 0 : i32
        %gather3A_607 = tpu.memref_slice %arg17[%gather3A_605, %gather3A_606] : memref<8x16xi32, #tpu.memory_space<vmem>> -> memref<1x16xi32, #tpu.memory_space<vmem>>
        %gather3A_608 = tpu.memref_squeeze %gather3A_607 : memref<1x16xi32, #tpu.memory_space<vmem>> -> memref<16xi32, #tpu.memory_space<vmem>>
        %gather3A_609 = tpu.vector_load_idx %gather3A_608[%broadcast_in_dim3A_604] : memref<16xi32, #tpu.memory_space<vmem>>[vector<16xi32>], vector<16xi32>,
        %reduce_max3A_610 = arith.constant true
        %reduce_max3A_611 = vector.broadcast %reduce_max3A_610 : i1 to vector<16xi1>
        %reduce_max3A_612 = arith.constant -2147483648 : i32
        %reduce_max3A_613 = vector.broadcast %reduce_max3A_612 : i32 to vector<16xi32>
        %reduce_max3A_614 = arith.xori %gather3A_603, %reduce_max3A_613 : vector<16xi32>
        %reduce_max3A_615 = tpu.scan <max>, %reduce_max3A_614 masked %reduce_max3A_611 : vector<16xi32>, vector<16xi1> -> vector<16xi32>
        %reduce_max3A_616 = arith.xori %reduce_max3A_615, %reduce_max3A_613 : vector<16xi32>
        %reduce_max3A_617 = vector.extract %reduce_max3A_616[15] : i32 from vector<16xi32>
        %reduce_max3A_618 = arith.constant true
        %reduce_max3A_619 = vector.broadcast %reduce_max3A_618 : i1 to vector<16xi1>
        %reduce_max3A_620 = arith.constant -2147483648 : i32
        %reduce_max3A_621 = vector.broadcast %reduce_max3A_620 : i32 to vector<16xi32>
        %reduce_max3A_622 = arith.xori %gather3A_609, %reduce_max3A_621 : vector<16xi32>
        %reduce_max3A_623 = tpu.scan <max>, %reduce_max3A_622 masked %reduce_max3A_619 : vector<16xi32>, vector<16xi1> -> vector<16xi32>
        %reduce_max3A_624 = arith.xori %reduce_max3A_623, %reduce_max3A_621 : vector<16xi32>
        %reduce_max3A_625 = vector.extract %reduce_max3A_624[15] : i32 from vector<16xi32>
        %get3A_626 = arith.index_cast %reduce_max3A_625 : i32 to index
        %get3A_627 = arith.constant 0 : index
        %get3A_628 = tpu.vector_load %arg14[%get3A_626, %get3A_627] {strides = array<i32>} : memref<128x64xf32, #tpu.memory_space<vmem>>, vector<16xf32>,
        %swap3A_629 = arith.index_cast %reduce_max3A_617 : i32 to index
        %swap3A_630 = arith.constant 0 : index
        %swap3A_631 = tpu.vector_load %arg14[%swap3A_629, %swap3A_630] {strides = array<i32>} : memref<128x64xf32, #tpu.memory_space<vmem>>, vector<16xf32>,
        tpu.vector_store %arg14[%swap3A_629, %swap3A_630], %get3A_628 {strides = array<i32>} : memref<128x64xf32, #tpu.memory_space<vmem>>, vector<16xf32>,
        %get3A_632 = arith.index_cast %reduce_max3A_625 : i32 to index
        %get3A_633 = arith.constant 16 : index
        %get3A_634 = tpu.vector_load %arg14[%get3A_632, %get3A_633] {strides = array<i32>} : memref<128x64xf32, #tpu.memory_space<vmem>>, vector<16xf32>,
        %swap3A_635 = arith.index_cast %reduce_max3A_617 : i32 to index
        %swap3A_636 = arith.constant 16 : index
        %swap3A_637 = tpu.vector_load %arg14[%swap3A_635, %swap3A_636] {strides = array<i32>} : memref<128x64xf32, #tpu.memory_space<vmem>>, vector<16xf32>,
        tpu.vector_store %arg14[%swap3A_635, %swap3A_636], %get3A_634 {strides = array<i32>} : memref<128x64xf32, #tpu.memory_space<vmem>>, vector<16xf32>,
        %get3A_638 = arith.index_cast %reduce_max3A_625 : i32 to index
        %get3A_639 = arith.constant 32 : index
        %get3A_640 = tpu.vector_load %arg14[%get3A_638, %get3A_639] {strides = array<i32>} : memref<128x64xf32, #tpu.memory_space<vmem>>, vector<16xf32>,
        %swap3A_641 = arith.index_cast %reduce_max3A_617 : i32 to index
        %swap3A_642 = arith.constant 32 : index
        %swap3A_643 = tpu.vector_load %arg14[%swap3A_641, %swap3A_642] {strides = array<i32>} : memref<128x64xf32, #tpu.memory_space<vmem>>, vector<16xf32>,
        tpu.vector_store %arg14[%swap3A_641, %swap3A_642], %get3A_640 {strides = array<i32>} : memref<128x64xf32, #tpu.memory_space<vmem>>, vector<16xf32>,
        %get3A_644 = arith.index_cast %reduce_max3A_625 : i32 to index
        %get3A_645 = arith.constant 48 : index
        %get3A_646 = tpu.vector_load %arg14[%get3A_644, %get3A_645] {strides = array<i32>} : memref<128x64xf32, #tpu.memory_space<vmem>>, vector<16xf32>,
        %swap3A_647 = arith.index_cast %reduce_max3A_617 : i32 to index
        %swap3A_648 = arith.constant 48 : index
        %swap3A_649 = tpu.vector_load %arg14[%swap3A_647, %swap3A_648] {strides = array<i32>} : memref<128x64xf32, #tpu.memory_space<vmem>>, vector<16xf32>,
        tpu.vector_store %arg14[%swap3A_647, %swap3A_648], %get3A_646 {strides = array<i32>} : memref<128x64xf32, #tpu.memory_space<vmem>>, vector<16xf32>,
      }
      %while3A_529 = arith.constant 1 : i32
      scf.for %while3A_597 = %while3A_527 to %while3A_523 step %while3A_529  : i32 {
        %broadcast_in_dim3A_598 = vector.broadcast %while3A_597 : i32 to vector<16xi32>
        %gather3A_599 = arith.constant 1 : i32
        %gather3A_600 = arith.constant 0 : i32
        %gather3A_601 = tpu.memref_slice %arg16[%gather3A_599, %gather3A_600] : memref<8x16xi32, #tpu.memory_space<vmem>> -> memref<1x16xi32, #tpu.memory_space<vmem>>
        %gather3A_602 = tpu.memref_squeeze %gather3A_601 : memref<1x16xi32, #tpu.memory_space<vmem>> -> memref<16xi32, #tpu.memory_space<vmem>>
        %gather3A_603 = tpu.vector_load_idx %gather3A_602[%broadcast_in_dim3A_598] : memref<16xi32, #tpu.memory_space<vmem>>[vector<16xi32>], vector<16xi32>,
        %broadcast_in_dim3A_604 = vector.broadcast %while3A_597 : i32 to vector<16xi32>
        %gather3A_605 = arith.constant 1 : i32
        %gather3A_606 = arith.constant 0 : i32
        %gather3A_607 = tpu.memref_slice %arg17[%gather3A_605, %gather3A_606] : memref<8x16xi32, #tpu.memory_space<vmem>> -> memref<1x16xi32, #tpu.memory_space<vmem>>
        %gather3A_608 = tpu.memref_squeeze %gather3A_607 : memref<1x16xi32, #tpu.memory_space<vmem>> -> memref<16xi32, #tpu.memory_space<vmem>>
        %gather3A_609 = tpu.vector_load_idx %gather3A_608[%broadcast_in_dim3A_604] : memref<16xi32, #tpu.memory_space<vmem>>[vector<16xi32>], vector<16xi32>,
        %reduce_max3A_610 = arith.constant true
        %reduce_max3A_611 = vector.broadcast %reduce_max3A_610 : i1 to vector<16xi1>
        %reduce_max3A_612 = arith.constant -2147483648 : i32
        %reduce_max3A_613 = vector.broadcast %reduce_max3A_612 : i32 to vector<16xi32>
        %reduce_max3A_614 = arith.xori %gather3A_603, %reduce_max3A_613 : vector<16xi32>
        %reduce_max3A_615 = tpu.scan <max>, %reduce_max3A_614 masked %reduce_max3A_611 : vector<16xi32>, vector<16xi1> -> vector<16xi32>
        %reduce_max3A_616 = arith.xori %reduce_max3A_615, %reduce_max3A_613 : vector<16xi32>
        %reduce_max3A_617 = vector.extract %reduce_max3A_616[15] : i32 from vector<16xi32>
        %reduce_max3A_618 = arith.constant true
        %reduce_max3A_619 = vector.broadcast %reduce_max3A_618 : i1 to vector<16xi1>
        %reduce_max3A_620 = arith.constant -2147483648 : i32
        %reduce_max3A_621 = vector.broadcast %reduce_max3A_620 : i32 to vector<16xi32>
        %reduce_max3A_622 = arith.xori %gather3A_609, %reduce_max3A_621 : vector<16xi32>
        %reduce_max3A_623 = tpu.scan <max>, %reduce_max3A_622 masked %reduce_max3A_619 : vector<16xi32>, vector<16xi1> -> vector<16xi32>
        %reduce_max3A_624 = arith.xori %reduce_max3A_623, %reduce_max3A_621 : vector<16xi32>
        %reduce_max3A_625 = vector.extract %reduce_max3A_624[15] : i32 from vector<16xi32>
        %get3A_626 = arith.index_cast %reduce_max3A_625 : i32 to index
        %get3A_627 = arith.constant 0 : index
        %get3A_628 = tpu.vector_load %arg14[%get3A_626, %get3A_627] {strides = array<i32>} : memref<128x64xf32, #tpu.memory_space<vmem>>, vector<16xf32>,
        %swap3A_629 = arith.index_cast %reduce_max3A_617 : i32 to index
        %swap3A_630 = arith.constant 0 : index
        %swap3A_631 = tpu.vector_load %arg14[%swap3A_629, %swap3A_630] {strides = array<i32>} : memref<128x64xf32, #tpu.memory_space<vmem>>, vector<16xf32>,
        tpu.vector_store %arg14[%swap3A_629, %swap3A_630], %get3A_628 {strides = array<i32>} : memref<128x64xf32, #tpu.memory_space<vmem>>, vector<16xf32>,
        %get3A_632 = arith.index_cast %reduce_max3A_625 : i32 to index
        %get3A_633 = arith.constant 16 : index
        %get3A_634 = tpu.vector_load %arg14[%get3A_632, %get3A_633] {strides = array<i32>} : memref<128x64xf32, #tpu.memory_space<vmem>>, vector<16xf32>,
        %swap3A_635 = arith.index_cast %reduce_max3A_617 : i32 to index
        %swap3A_636 = arith.constant 16 : index
        %swap3A_637 = tpu.vector_load %arg14[%swap3A_635, %swap3A_636] {strides = array<i32>} : memref<128x64xf32, #tpu.memory_space<vmem>>, vector<16xf32>,
        tpu.vector_store %arg14[%swap3A_635, %swap3A_636], %get3A_634 {strides = array<i32>} : memref<128x64xf32, #tpu.memory_space<vmem>>, vector<16xf32>,
        %get3A_638 = arith.index_cast %reduce_max3A_625 : i32 to index
        %get3A_639 = arith.constant 32 : index
        %get3A_640 = tpu.vector_load %arg14[%get3A_638, %get3A_639] {strides = array<i32>} : memref<128x64xf32, #tpu.memory_space<vmem>>, vector<16xf32>,
        %swap3A_641 = arith.index_cast %reduce_max3A_617 : i32 to index
        %swap3A_642 = arith.constant 32 : index
        %swap3A_643 = tpu.vector_load %arg14[%swap3A_641, %swap3A_642] {strides = array<i32>} : memref<128x64xf32, #tpu.memory_space<vmem>>, vector<16xf32>,
        tpu.vector_store %arg14[%swap3A_641, %swap3A_642], %get3A_640 {strides = array<i32>} : memref<128x64xf32, #tpu.memory_space<vmem>>, vector<16xf32>,
        %get3A_644 = arith.index_cast %reduce_max3A_625 : i32 to index
        %get3A_645 = arith.constant 48 : index
        %get3A_646 = tpu.vector_load %arg14[%get3A_644, %get3A_645] {strides = array<i32>} : memref<128x64xf32, #tpu.memory_space<vmem>>, vector<16xf32>,
        %swap3A_647 = arith.index_cast %reduce_max3A_617 : i32 to index
        %swap3A_648 = arith.constant 48 : index
        %swap3A_649 = tpu.vector_load %arg14[%swap3A_647, %swap3A_648] {strides = array<i32>} : memref<128x64xf32, #tpu.memory_space<vmem>>, vector<16xf32>,
        tpu.vector_store %arg14[%swap3A_647, %swap3A_648], %get3A_646 {strides = array<i32>} : memref<128x64xf32, #tpu.memory_space<vmem>>, vector<16xf32>,
      }
      %while3A_530 = arith.constant 0 : i32
      %while3A_531 = arith.constant 0 : i32
      %while3A_532 = arith.subi %reduce_max3A_453, %while3A_531 : i32
      %while3A_533 = arith.addi %while3A_531, %while3A_532 : i32
      %while3A_534 = arith.constant 1 : i32
      %while3A_535 = arith.divsi %while3A_532, %while3A_534 : i32
      %while3A_536 = arith.muli %while3A_535, %while3A_534 : i32
      %while3A_537 = arith.addi %while3A_531, %while3A_536 : i32
      %while3A_538 = arith.constant 1 : i32
      scf.for %while3A_597 = %while3A_531 to %while3A_537 step %while3A_538  : i32 {
        %broadcast_in_dim3A_598 = vector.broadcast %while3A_597 : i32 to vector<16xi32>
        %gather3A_599 = arith.constant 2 : i32
        %gather3A_600 = arith.constant 0 : i32
        %gather3A_601 = tpu.memref_slice %arg16[%gather3A_599, %gather3A_600] : memref<8x16xi32, #tpu.memory_space<vmem>> -> memref<1x16xi32, #tpu.memory_space<vmem>>
        %gather3A_602 = tpu.memref_squeeze %gather3A_601 : memref<1x16xi32, #tpu.memory_space<vmem>> -> memref<16xi32, #tpu.memory_space<vmem>>
        %gather3A_603 = tpu.vector_load_idx %gather3A_602[%broadcast_in_dim3A_598] : memref<16xi32, #tpu.memory_space<vmem>>[vector<16xi32>], vector<16xi32>,
        %broadcast_in_dim3A_604 = vector.broadcast %while3A_597 : i32 to vector<16xi32>
        %gather3A_605 = arith.constant 2 : i32
        %gather3A_606 = arith.constant 0 : i32
        %gather3A_607 = tpu.memref_slice %arg17[%gather3A_605, %gather3A_606] : memref<8x16xi32, #tpu.memory_space<vmem>> -> memref<1x16xi32, #tpu.memory_space<vmem>>
        %gather3A_608 = tpu.memref_squeeze %gather3A_607 : memref<1x16xi32, #tpu.memory_space<vmem>> -> memref<16xi32, #tpu.memory_space<vmem>>
        %gather3A_609 = tpu.vector_load_idx %gather3A_608[%broadcast_in_dim3A_604] : memref<16xi32, #tpu.memory_space<vmem>>[vector<16xi32>], vector<16xi32>,
        %reduce_max3A_610 = arith.constant true
        %reduce_max3A_611 = vector.broadcast %reduce_max3A_610 : i1 to vector<16xi1>
        %reduce_max3A_612 = arith.constant -2147483648 : i32
        %reduce_max3A_613 = vector.broadcast %reduce_max3A_612 : i32 to vector<16xi32>
        %reduce_max3A_614 = arith.xori %gather3A_603, %reduce_max3A_613 : vector<16xi32>
        %reduce_max3A_615 = tpu.scan <max>, %reduce_max3A_614 masked %reduce_max3A_611 : vector<16xi32>, vector<16xi1> -> vector<16xi32>
        %reduce_max3A_616 = arith.xori %reduce_max3A_615, %reduce_max3A_613 : vector<16xi32>
        %reduce_max3A_617 = vector.extract %reduce_max3A_616[15] : i32 from vector<16xi32>
        %reduce_max3A_618 = arith.constant true
        %reduce_max3A_619 = vector.broadcast %reduce_max3A_618 : i1 to vector<16xi1>
        %reduce_max3A_620 = arith.constant -2147483648 : i32
        %reduce_max3A_621 = vector.broadcast %reduce_max3A_620 : i32 to vector<16xi32>
        %reduce_max3A_622 = arith.xori %gather3A_609, %reduce_max3A_621 : vector<16xi32>
        %reduce_max3A_623 = tpu.scan <max>, %reduce_max3A_622 masked %reduce_max3A_619 : vector<16xi32>, vector<16xi1> -> vector<16xi32>
        %reduce_max3A_624 = arith.xori %reduce_max3A_623, %reduce_max3A_621 : vector<16xi32>
        %reduce_max3A_625 = vector.extract %reduce_max3A_624[15] : i32 from vector<16xi32>
        %get3A_626 = arith.index_cast %reduce_max3A_625 : i32 to index
        %get3A_627 = arith.constant 0 : index
        %get3A_628 = tpu.vector_load %arg14[%get3A_626, %get3A_627] {strides = array<i32>} : memref<128x64xf32, #tpu.memory_space<vmem>>, vector<16xf32>,
        %swap3A_629 = arith.index_cast %reduce_max3A_617 : i32 to index
        %swap3A_630 = arith.constant 0 : index
        %swap3A_631 = tpu.vector_load %arg14[%swap3A_629, %swap3A_630] {strides = array<i32>} : memref<128x64xf32, #tpu.memory_space<vmem>>, vector<16xf32>,
        tpu.vector_store %arg14[%swap3A_629, %swap3A_630], %get3A_628 {strides = array<i32>} : memref<128x64xf32, #tpu.memory_space<vmem>>, vector<16xf32>,
        %get3A_632 = arith.index_cast %reduce_max3A_625 : i32 to index
        %get3A_633 = arith.constant 16 : index
        %get3A_634 = tpu.vector_load %arg14[%get3A_632, %get3A_633] {strides = array<i32>} : memref<128x64xf32, #tpu.memory_space<vmem>>, vector<16xf32>,
        %swap3A_635 = arith.index_cast %reduce_max3A_617 : i32 to index
        %swap3A_636 = arith.constant 16 : index
        %swap3A_637 = tpu.vector_load %arg14[%swap3A_635, %swap3A_636] {strides = array<i32>} : memref<128x64xf32, #tpu.memory_space<vmem>>, vector<16xf32>,
        tpu.vector_store %arg14[%swap3A_635, %swap3A_636], %get3A_634 {strides = array<i32>} : memref<128x64xf32, #tpu.memory_space<vmem>>, vector<16xf32>,
        %get3A_638 = arith.index_cast %reduce_max3A_625 : i32 to index
        %get3A_639 = arith.constant 32 : index
        %get3A_640 = tpu.vector_load %arg14[%get3A_638, %get3A_639] {strides = array<i32>} : memref<128x64xf32, #tpu.memory_space<vmem>>, vector<16xf32>,
        %swap3A_641 = arith.index_cast %reduce_max3A_617 : i32 to index
        %swap3A_642 = arith.constant 32 : index
        %swap3A_643 = tpu.vector_load %arg14[%swap3A_641, %swap3A_642] {strides = array<i32>} : memref<128x64xf32, #tpu.memory_space<vmem>>, vector<16xf32>,
        tpu.vector_store %arg14[%swap3A_641, %swap3A_642], %get3A_640 {strides = array<i32>} : memref<128x64xf32, #tpu.memory_space<vmem>>, vector<16xf32>,
        %get3A_644 = arith.index_cast %reduce_max3A_625 : i32 to index
        %get3A_645 = arith.constant 48 : index
        %get3A_646 = tpu.vector_load %arg14[%get3A_644, %get3A_645] {strides = array<i32>} : memref<128x64xf32, #tpu.memory_space<vmem>>, vector<16xf32>,
        %swap3A_647 = arith.index_cast %reduce_max3A_617 : i32 to index
        %swap3A_648 = arith.constant 48 : index
        %swap3A_649 = tpu.vector_load %arg14[%swap3A_647, %swap3A_648] {strides = array<i32>} : memref<128x64xf32, #tpu.memory_space<vmem>>, vector<16xf32>,
        tpu.vector_store %arg14[%swap3A_647, %swap3A_648], %get3A_646 {strides = array<i32>} : memref<128x64xf32, #tpu.memory_space<vmem>>, vector<16xf32>,
      }
      %while3A_539 = arith.constant 1 : i32
      scf.for %while3A_597 = %while3A_537 to %while3A_533 step %while3A_539  : i32 {
        %broadcast_in_dim3A_598 = vector.broadcast %while3A_597 : i32 to vector<16xi32>
        %gather3A_599 = arith.constant 2 : i32
        %gather3A_600 = arith.constant 0 : i32
        %gather3A_601 = tpu.memref_slice %arg16[%gather3A_599, %gather3A_600] : memref<8x16xi32, #tpu.memory_space<vmem>> -> memref<1x16xi32, #tpu.memory_space<vmem>>
        %gather3A_602 = tpu.memref_squeeze %gather3A_601 : memref<1x16xi32, #tpu.memory_space<vmem>> -> memref<16xi32, #tpu.memory_space<vmem>>
        %gather3A_603 = tpu.vector_load_idx %gather3A_602[%broadcast_in_dim3A_598] : memref<16xi32, #tpu.memory_space<vmem>>[vector<16xi32>], vector<16xi32>,
        %broadcast_in_dim3A_604 = vector.broadcast %while3A_597 : i32 to vector<16xi32>
        %gather3A_605 = arith.constant 2 : i32
        %gather3A_606 = arith.constant 0 : i32
        %gather3A_607 = tpu.memref_slice %arg17[%gather3A_605, %gather3A_606] : memref<8x16xi32, #tpu.memory_space<vmem>> -> memref<1x16xi32, #tpu.memory_space<vmem>>
        %gather3A_608 = tpu.memref_squeeze %gather3A_607 : memref<1x16xi32, #tpu.memory_space<vmem>> -> memref<16xi32, #tpu.memory_space<vmem>>
        %gather3A_609 = tpu.vector_load_idx %gather3A_608[%broadcast_in_dim3A_604] : memref<16xi32, #tpu.memory_space<vmem>>[vector<16xi32>], vector<16xi32>,
        %reduce_max3A_610 = arith.constant true
        %reduce_max3A_611 = vector.broadcast %reduce_max3A_610 : i1 to vector<16xi1>
        %reduce_max3A_612 = arith.constant -2147483648 : i32
        %reduce_max3A_613 = vector.broadcast %reduce_max3A_612 : i32 to vector<16xi32>
        %reduce_max3A_614 = arith.xori %gather3A_603, %reduce_max3A_613 : vector<16xi32>
        %reduce_max3A_615 = tpu.scan <max>, %reduce_max3A_614 masked %reduce_max3A_611 : vector<16xi32>, vector<16xi1> -> vector<16xi32>
        %reduce_max3A_616 = arith.xori %reduce_max3A_615, %reduce_max3A_613 : vector<16xi32>
        %reduce_max3A_617 = vector.extract %reduce_max3A_616[15] : i32 from vector<16xi32>
        %reduce_max3A_618 = arith.constant true
        %reduce_max3A_619 = vector.broadcast %reduce_max3A_618 : i1 to vector<16xi1>
        %reduce_max3A_620 = arith.constant -2147483648 : i32
        %reduce_max3A_621 = vector.broadcast %reduce_max3A_620 : i32 to vector<16xi32>
        %reduce_max3A_622 = arith.xori %gather3A_609, %reduce_max3A_621 : vector<16xi32>
        %reduce_max3A_623 = tpu.scan <max>, %reduce_max3A_622 masked %reduce_max3A_619 : vector<16xi32>, vector<16xi1> -> vector<16xi32>
        %reduce_max3A_624 = arith.xori %reduce_max3A_623, %reduce_max3A_621 : vector<16xi32>
        %reduce_max3A_625 = vector.extract %reduce_max3A_624[15] : i32 from vector<16xi32>
        %get3A_626 = arith.index_cast %reduce_max3A_625 : i32 to index
        %get3A_627 = arith.constant 0 : index
        %get3A_628 = tpu.vector_load %arg14[%get3A_626, %get3A_627] {strides = array<i32>} : memref<128x64xf32, #tpu.memory_space<vmem>>, vector<16xf32>,
        %swap3A_629 = arith.index_cast %reduce_max3A_617 : i32 to index
        %swap3A_630 = arith.constant 0 : index
        %swap3A_631 = tpu.vector_load %arg14[%swap3A_629, %swap3A_630] {strides = array<i32>} : memref<128x64xf32, #tpu.memory_space<vmem>>, vector<16xf32>,
        tpu.vector_store %arg14[%swap3A_629, %swap3A_630], %get3A_628 {strides = array<i32>} : memref<128x64xf32, #tpu.memory_space<vmem>>, vector<16xf32>,
        %get3A_632 = arith.index_cast %reduce_max3A_625 : i32 to index
        %get3A_633 = arith.constant 16 : index
        %get3A_634 = tpu.vector_load %arg14[%get3A_632, %get3A_633] {strides = array<i32>} : memref<128x64xf32, #tpu.memory_space<vmem>>, vector<16xf32>,
        %swap3A_635 = arith.index_cast %reduce_max3A_617 : i32 to index
        %swap3A_636 = arith.constant 16 : index
        %swap3A_637 = tpu.vector_load %arg14[%swap3A_635, %swap3A_636] {strides = array<i32>} : memref<128x64xf32, #tpu.memory_space<vmem>>, vector<16xf32>,
        tpu.vector_store %arg14[%swap3A_635, %swap3A_636], %get3A_634 {strides = array<i32>} : memref<128x64xf32, #tpu.memory_space<vmem>>, vector<16xf32>,
        %get3A_638 = arith.index_cast %reduce_max3A_625 : i32 to index
        %get3A_639 = arith.constant 32 : index
        %get3A_640 = tpu.vector_load %arg14[%get3A_638, %get3A_639] {strides = array<i32>} : memref<128x64xf32, #tpu.memory_space<vmem>>, vector<16xf32>,
        %swap3A_641 = arith.index_cast %reduce_max3A_617 : i32 to index
        %swap3A_642 = arith.constant 32 : index
        %swap3A_643 = tpu.vector_load %arg14[%swap3A_641, %swap3A_642] {strides = array<i32>} : memref<128x64xf32, #tpu.memory_space<vmem>>, vector<16xf32>,
        tpu.vector_store %arg14[%swap3A_641, %swap3A_642], %get3A_640 {strides = array<i32>} : memref<128x64xf32, #tpu.memory_space<vmem>>, vector<16xf32>,
        %get3A_644 = arith.index_cast %reduce_max3A_625 : i32 to index
        %get3A_645 = arith.constant 48 : index
        %get3A_646 = tpu.vector_load %arg14[%get3A_644, %get3A_645] {strides = array<i32>} : memref<128x64xf32, #tpu.memory_space<vmem>>, vector<16xf32>,
        %swap3A_647 = arith.index_cast %reduce_max3A_617 : i32 to index
        %swap3A_648 = arith.constant 48 : index
        %swap3A_649 = tpu.vector_load %arg14[%swap3A_647, %swap3A_648] {strides = array<i32>} : memref<128x64xf32, #tpu.memory_space<vmem>>, vector<16xf32>,
        tpu.vector_store %arg14[%swap3A_647, %swap3A_648], %get3A_646 {strides = array<i32>} : memref<128x64xf32, #tpu.memory_space<vmem>>, vector<16xf32>,
      }
      %while3A_540 = arith.constant 0 : i32
      %while3A_541 = arith.constant 0 : i32
      %while3A_542 = arith.subi %reduce_max3A_462, %while3A_541 : i32
      %while3A_543 = arith.addi %while3A_541, %while3A_542 : i32
      %while3A_544 = arith.constant 1 : i32
      %while3A_545 = arith.divsi %while3A_542, %while3A_544 : i32
      %while3A_546 = arith.muli %while3A_545, %while3A_544 : i32
      %while3A_547 = arith.addi %while3A_541, %while3A_546 : i32
      %while3A_548 = arith.constant 1 : i32
      scf.for %while3A_597 = %while3A_541 to %while3A_547 step %while3A_548  : i32 {
        %broadcast_in_dim3A_598 = vector.broadcast %while3A_597 : i32 to vector<16xi32>
        %gather3A_599 = arith.constant 3 : i32
        %gather3A_600 = arith.constant 0 : i32
        %gather3A_601 = tpu.memref_slice %arg16[%gather3A_599, %gather3A_600] : memref<8x16xi32, #tpu.memory_space<vmem>> -> memref<1x16xi32, #tpu.memory_space<vmem>>
        %gather3A_602 = tpu.memref_squeeze %gather3A_601 : memref<1x16xi32, #tpu.memory_space<vmem>> -> memref<16xi32, #tpu.memory_space<vmem>>
        %gather3A_603 = tpu.vector_load_idx %gather3A_602[%broadcast_in_dim3A_598] : memref<16xi32, #tpu.memory_space<vmem>>[vector<16xi32>], vector<16xi32>,
        %broadcast_in_dim3A_604 = vector.broadcast %while3A_597 : i32 to vector<16xi32>
        %gather3A_605 = arith.constant 3 : i32
        %gather3A_606 = arith.constant 0 : i32
        %gather3A_607 = tpu.memref_slice %arg17[%gather3A_605, %gather3A_606] : memref<8x16xi32, #tpu.memory_space<vmem>> -> memref<1x16xi32, #tpu.memory_space<vmem>>
        %gather3A_608 = tpu.memref_squeeze %gather3A_607 : memref<1x16xi32, #tpu.memory_space<vmem>> -> memref<16xi32, #tpu.memory_space<vmem>>
        %gather3A_609 = tpu.vector_load_idx %gather3A_608[%broadcast_in_dim3A_604] : memref<16xi32, #tpu.memory_space<vmem>>[vector<16xi32>], vector<16xi32>,
        %reduce_max3A_610 = arith.constant true
        %reduce_max3A_611 = vector.broadcast %reduce_max3A_610 : i1 to vector<16xi1>
        %reduce_max3A_612 = arith.constant -2147483648 : i32
        %reduce_max3A_613 = vector.broadcast %reduce_max3A_612 : i32 to vector<16xi32>
        %reduce_max3A_614 = arith.xori %gather3A_603, %reduce_max3A_613 : vector<16xi32>
        %reduce_max3A_615 = tpu.scan <max>, %reduce_max3A_614 masked %reduce_max3A_611 : vector<16xi32>, vector<16xi1> -> vector<16xi32>
        %reduce_max3A_616 = arith.xori %reduce_max3A_615, %reduce_max3A_613 : vector<16xi32>
        %reduce_max3A_617 = vector.extract %reduce_max3A_616[15] : i32 from vector<16xi32>
        %reduce_max3A_618 = arith.constant true
        %reduce_max3A_619 = vector.broadcast %reduce_max3A_618 : i1 to vector<16xi1>
        %reduce_max3A_620 = arith.constant -2147483648 : i32
        %reduce_max3A_621 = vector.broadcast %reduce_max3A_620 : i32 to vector<16xi32>
        %reduce_max3A_622 = arith.xori %gather3A_609, %reduce_max3A_621 : vector<16xi32>
        %reduce_max3A_623 = tpu.scan <max>, %reduce_max3A_622 masked %reduce_max3A_619 : vector<16xi32>, vector<16xi1> -> vector<16xi32>
        %reduce_max3A_624 = arith.xori %reduce_max3A_623, %reduce_max3A_621 : vector<16xi32>
        %reduce_max3A_625 = vector.extract %reduce_max3A_624[15] : i32 from vector<16xi32>
        %get3A_626 = arith.index_cast %reduce_max3A_625 : i32 to index
        %get3A_627 = arith.constant 0 : index
        %get3A_628 = tpu.vector_load %arg14[%get3A_626, %get3A_627] {strides = array<i32>} : memref<128x64xf32, #tpu.memory_space<vmem>>, vector<16xf32>,
        %swap3A_629 = arith.index_cast %reduce_max3A_617 : i32 to index
        %swap3A_630 = arith.constant 0 : index
        %swap3A_631 = tpu.vector_load %arg14[%swap3A_629, %swap3A_630] {strides = array<i32>} : memref<128x64xf32, #tpu.memory_space<vmem>>, vector<16xf32>,
        tpu.vector_store %arg14[%swap3A_629, %swap3A_630], %get3A_628 {strides = array<i32>} : memref<128x64xf32, #tpu.memory_space<vmem>>, vector<16xf32>,
        %get3A_632 = arith.index_cast %reduce_max3A_625 : i32 to index
        %get3A_633 = arith.constant 16 : index
        %get3A_634 = tpu.vector_load %arg14[%get3A_632, %get3A_633] {strides = array<i32>} : memref<128x64xf32, #tpu.memory_space<vmem>>, vector<16xf32>,
        %swap3A_635 = arith.index_cast %reduce_max3A_617 : i32 to index
        %swap3A_636 = arith.constant 16 : index
        %swap3A_637 = tpu.vector_load %arg14[%swap3A_635, %swap3A_636] {strides = array<i32>} : memref<128x64xf32, #tpu.memory_space<vmem>>, vector<16xf32>,
        tpu.vector_store %arg14[%swap3A_635, %swap3A_636], %get3A_634 {strides = array<i32>} : memref<128x64xf32, #tpu.memory_space<vmem>>, vector<16xf32>,
        %get3A_638 = arith.index_cast %reduce_max3A_625 : i32 to index
        %get3A_639 = arith.constant 32 : index
        %get3A_640 = tpu.vector_load %arg14[%get3A_638, %get3A_639] {strides = array<i32>} : memref<128x64xf32, #tpu.memory_space<vmem>>, vector<16xf32>,
        %swap3A_641 = arith.index_cast %reduce_max3A_617 : i32 to index
        %swap3A_642 = arith.constant 32 : index
        %swap3A_643 = tpu.vector_load %arg14[%swap3A_641, %swap3A_642] {strides = array<i32>} : memref<128x64xf32, #tpu.memory_space<vmem>>, vector<16xf32>,
        tpu.vector_store %arg14[%swap3A_641, %swap3A_642], %get3A_640 {strides = array<i32>} : memref<128x64xf32, #tpu.memory_space<vmem>>, vector<16xf32>,
        %get3A_644 = arith.index_cast %reduce_max3A_625 : i32 to index
        %get3A_645 = arith.constant 48 : index
        %get3A_646 = tpu.vector_load %arg14[%get3A_644, %get3A_645] {strides = array<i32>} : memref<128x64xf32, #tpu.memory_space<vmem>>, vector<16xf32>,
        %swap3A_647 = arith.index_cast %reduce_max3A_617 : i32 to index
        %swap3A_648 = arith.constant 48 : index
        %swap3A_649 = tpu.vector_load %arg14[%swap3A_647, %swap3A_648] {strides = array<i32>} : memref<128x64xf32, #tpu.memory_space<vmem>>, vector<16xf32>,
        tpu.vector_store %arg14[%swap3A_647, %swap3A_648], %get3A_646 {strides = array<i32>} : memref<128x64xf32, #tpu.memory_space<vmem>>, vector<16xf32>,
      }
      %while3A_549 = arith.constant 1 : i32
      scf.for %while3A_597 = %while3A_547 to %while3A_543 step %while3A_549  : i32 {
        %broadcast_in_dim3A_598 = vector.broadcast %while3A_597 : i32 to vector<16xi32>
        %gather3A_599 = arith.constant 3 : i32
        %gather3A_600 = arith.constant 0 : i32
        %gather3A_601 = tpu.memref_slice %arg16[%gather3A_599, %gather3A_600] : memref<8x16xi32, #tpu.memory_space<vmem>> -> memref<1x16xi32, #tpu.memory_space<vmem>>
        %gather3A_602 = tpu.memref_squeeze %gather3A_601 : memref<1x16xi32, #tpu.memory_space<vmem>> -> memref<16xi32, #tpu.memory_space<vmem>>
        %gather3A_603 = tpu.vector_load_idx %gather3A_602[%broadcast_in_dim3A_598] : memref<16xi32, #tpu.memory_space<vmem>>[vector<16xi32>], vector<16xi32>,
        %broadcast_in_dim3A_604 = vector.broadcast %while3A_597 : i32 to vector<16xi32>
        %gather3A_605 = arith.constant 3 : i32
        %gather3A_606 = arith.constant 0 : i32
        %gather3A_607 = tpu.memref_slice %arg17[%gather3A_605, %gather3A_606] : memref<8x16xi32, #tpu.memory_space<vmem>> -> memref<1x16xi32, #tpu.memory_space<vmem>>
        %gather3A_608 = tpu.memref_squeeze %gather3A_607 : memref<1x16xi32, #tpu.memory_space<vmem>> -> memref<16xi32, #tpu.memory_space<vmem>>
        %gather3A_609 = tpu.vector_load_idx %gather3A_608[%broadcast_in_dim3A_604] : memref<16xi32, #tpu.memory_space<vmem>>[vector<16xi32>], vector<16xi32>,
        %reduce_max3A_610 = arith.constant true
        %reduce_max3A_611 = vector.broadcast %reduce_max3A_610 : i1 to vector<16xi1>
        %reduce_max3A_612 = arith.constant -2147483648 : i32
        %reduce_max3A_613 = vector.broadcast %reduce_max3A_612 : i32 to vector<16xi32>
        %reduce_max3A_614 = arith.xori %gather3A_603, %reduce_max3A_613 : vector<16xi32>
        %reduce_max3A_615 = tpu.scan <max>, %reduce_max3A_614 masked %reduce_max3A_611 : vector<16xi32>, vector<16xi1> -> vector<16xi32>
        %reduce_max3A_616 = arith.xori %reduce_max3A_615, %reduce_max3A_613 : vector<16xi32>
        %reduce_max3A_617 = vector.extract %reduce_max3A_616[15] : i32 from vector<16xi32>
        %reduce_max3A_618 = arith.constant true
        %reduce_max3A_619 = vector.broadcast %reduce_max3A_618 : i1 to vector<16xi1>
        %reduce_max3A_620 = arith.constant -2147483648 : i32
        %reduce_max3A_621 = vector.broadcast %reduce_max3A_620 : i32 to vector<16xi32>
        %reduce_max3A_622 = arith.xori %gather3A_609, %reduce_max3A_621 : vector<16xi32>
        %reduce_max3A_623 = tpu.scan <max>, %reduce_max3A_622 masked %reduce_max3A_619 : vector<16xi32>, vector<16xi1> -> vector<16xi32>
        %reduce_max3A_624 = arith.xori %reduce_max3A_623, %reduce_max3A_621 : vector<16xi32>
        %reduce_max3A_625 = vector.extract %reduce_max3A_624[15] : i32 from vector<16xi32>
        %get3A_626 = arith.index_cast %reduce_max3A_625 : i32 to index
        %get3A_627 = arith.constant 0 : index
        %get3A_628 = tpu.vector_load %arg14[%get3A_626, %get3A_627] {strides = array<i32>} : memref<128x64xf32, #tpu.memory_space<vmem>>, vector<16xf32>,
        %swap3A_629 = arith.index_cast %reduce_max3A_617 : i32 to index
        %swap3A_630 = arith.constant 0 : index
        %swap3A_631 = tpu.vector_load %arg14[%swap3A_629, %swap3A_630] {strides = array<i32>} : memref<128x64xf32, #tpu.memory_space<vmem>>, vector<16xf32>,
        tpu.vector_store %arg14[%swap3A_629, %swap3A_630], %get3A_628 {strides = array<i32>} : memref<128x64xf32, #tpu.memory_space<vmem>>, vector<16xf32>,
        %get3A_632 = arith.index_cast %reduce_max3A_625 : i32 to index
        %get3A_633 = arith.constant 16 : index
        %get3A_634 = tpu.vector_load %arg14[%get3A_632, %get3A_633] {strides = array<i32>} : memref<128x64xf32, #tpu.memory_space<vmem>>, vector<16xf32>,
        %swap3A_635 = arith.index_cast %reduce_max3A_617 : i32 to index
        %swap3A_636 = arith.constant 16 : index
        %swap3A_637 = tpu.vector_load %arg14[%swap3A_635, %swap3A_636] {strides = array<i32>} : memref<128x64xf32, #tpu.memory_space<vmem>>, vector<16xf32>,
        tpu.vector_store %arg14[%swap3A_635, %swap3A_636], %get3A_634 {strides = array<i32>} : memref<128x64xf32, #tpu.memory_space<vmem>>, vector<16xf32>,
        %get3A_638 = arith.index_cast %reduce_max3A_625 : i32 to index
        %get3A_639 = arith.constant 32 : index
        %get3A_640 = tpu.vector_load %arg14[%get3A_638, %get3A_639] {strides = array<i32>} : memref<128x64xf32, #tpu.memory_space<vmem>>, vector<16xf32>,
        %swap3A_641 = arith.index_cast %reduce_max3A_617 : i32 to index
        %swap3A_642 = arith.constant 32 : index
        %swap3A_643 = tpu.vector_load %arg14[%swap3A_641, %swap3A_642] {strides = array<i32>} : memref<128x64xf32, #tpu.memory_space<vmem>>, vector<16xf32>,
        tpu.vector_store %arg14[%swap3A_641, %swap3A_642], %get3A_640 {strides = array<i32>} : memref<128x64xf32, #tpu.memory_space<vmem>>, vector<16xf32>,
        %get3A_644 = arith.index_cast %reduce_max3A_625 : i32 to index
        %get3A_645 = arith.constant 48 : index
        %get3A_646 = tpu.vector_load %arg14[%get3A_644, %get3A_645] {strides = array<i32>} : memref<128x64xf32, #tpu.memory_space<vmem>>, vector<16xf32>,
        %swap3A_647 = arith.index_cast %reduce_max3A_617 : i32 to index
        %swap3A_648 = arith.constant 48 : index
        %swap3A_649 = tpu.vector_load %arg14[%swap3A_647, %swap3A_648] {strides = array<i32>} : memref<128x64xf32, #tpu.memory_space<vmem>>, vector<16xf32>,
        tpu.vector_store %arg14[%swap3A_647, %swap3A_648], %get3A_646 {strides = array<i32>} : memref<128x64xf32, #tpu.memory_space<vmem>>, vector<16xf32>,
      }
      %while3A_550 = arith.constant 0 : i32
      %while3A_551 = arith.constant 0 : i32
      %while3A_552 = arith.subi %reduce_max3A_471, %while3A_551 : i32
      %while3A_553 = arith.addi %while3A_551, %while3A_552 : i32
      %while3A_554 = arith.constant 1 : i32
      %while3A_555 = arith.divsi %while3A_552, %while3A_554 : i32
      %while3A_556 = arith.muli %while3A_555, %while3A_554 : i32
      %while3A_557 = arith.addi %while3A_551, %while3A_556 : i32
      %while3A_558 = arith.constant 1 : i32
      scf.for %while3A_597 = %while3A_551 to %while3A_557 step %while3A_558  : i32 {
        %broadcast_in_dim3A_598 = vector.broadcast %while3A_597 : i32 to vector<16xi32>
        %gather3A_599 = arith.constant 4 : i32
        %gather3A_600 = arith.constant 0 : i32
        %gather3A_601 = tpu.memref_slice %arg16[%gather3A_599, %gather3A_600] : memref<8x16xi32, #tpu.memory_space<vmem>> -> memref<1x16xi32, #tpu.memory_space<vmem>>
        %gather3A_602 = tpu.memref_squeeze %gather3A_601 : memref<1x16xi32, #tpu.memory_space<vmem>> -> memref<16xi32, #tpu.memory_space<vmem>>
        %gather3A_603 = tpu.vector_load_idx %gather3A_602[%broadcast_in_dim3A_598] : memref<16xi32, #tpu.memory_space<vmem>>[vector<16xi32>], vector<16xi32>,
        %broadcast_in_dim3A_604 = vector.broadcast %while3A_597 : i32 to vector<16xi32>
        %gather3A_605 = arith.constant 4 : i32
        %gather3A_606 = arith.constant 0 : i32
        %gather3A_607 = tpu.memref_slice %arg17[%gather3A_605, %gather3A_606] : memref<8x16xi32, #tpu.memory_space<vmem>> -> memref<1x16xi32, #tpu.memory_space<vmem>>
        %gather3A_608 = tpu.memref_squeeze %gather3A_607 : memref<1x16xi32, #tpu.memory_space<vmem>> -> memref<16xi32, #tpu.memory_space<vmem>>
        %gather3A_609 = tpu.vector_load_idx %gather3A_608[%broadcast_in_dim3A_604] : memref<16xi32, #tpu.memory_space<vmem>>[vector<16xi32>], vector<16xi32>,
        %reduce_max3A_610 = arith.constant true
        %reduce_max3A_611 = vector.broadcast %reduce_max3A_610 : i1 to vector<16xi1>
        %reduce_max3A_612 = arith.constant -2147483648 : i32
        %reduce_max3A_613 = vector.broadcast %reduce_max3A_612 : i32 to vector<16xi32>
        %reduce_max3A_614 = arith.xori %gather3A_603, %reduce_max3A_613 : vector<16xi32>
        %reduce_max3A_615 = tpu.scan <max>, %reduce_max3A_614 masked %reduce_max3A_611 : vector<16xi32>, vector<16xi1> -> vector<16xi32>
        %reduce_max3A_616 = arith.xori %reduce_max3A_615, %reduce_max3A_613 : vector<16xi32>
        %reduce_max3A_617 = vector.extract %reduce_max3A_616[15] : i32 from vector<16xi32>
        %reduce_max3A_618 = arith.constant true
        %reduce_max3A_619 = vector.broadcast %reduce_max3A_618 : i1 to vector<16xi1>
        %reduce_max3A_620 = arith.constant -2147483648 : i32
        %reduce_max3A_621 = vector.broadcast %reduce_max3A_620 : i32 to vector<16xi32>
        %reduce_max3A_622 = arith.xori %gather3A_609, %reduce_max3A_621 : vector<16xi32>
        %reduce_max3A_623 = tpu.scan <max>, %reduce_max3A_622 masked %reduce_max3A_619 : vector<16xi32>, vector<16xi1> -> vector<16xi32>
        %reduce_max3A_624 = arith.xori %reduce_max3A_623, %reduce_max3A_621 : vector<16xi32>
        %reduce_max3A_625 = vector.extract %reduce_max3A_624[15] : i32 from vector<16xi32>
        %get3A_626 = arith.index_cast %reduce_max3A_625 : i32 to index
        %get3A_627 = arith.constant 0 : index
        %get3A_628 = tpu.vector_load %arg14[%get3A_626, %get3A_627] {strides = array<i32>} : memref<128x64xf32, #tpu.memory_space<vmem>>, vector<16xf32>,
        %swap3A_629 = arith.index_cast %reduce_max3A_617 : i32 to index
        %swap3A_630 = arith.constant 0 : index
        %swap3A_631 = tpu.vector_load %arg14[%swap3A_629, %swap3A_630] {strides = array<i32>} : memref<128x64xf32, #tpu.memory_space<vmem>>, vector<16xf32>,
        tpu.vector_store %arg14[%swap3A_629, %swap3A_630], %get3A_628 {strides = array<i32>} : memref<128x64xf32, #tpu.memory_space<vmem>>, vector<16xf32>,
        %get3A_632 = arith.index_cast %reduce_max3A_625 : i32 to index
        %get3A_633 = arith.constant 16 : index
        %get3A_634 = tpu.vector_load %arg14[%get3A_632, %get3A_633] {strides = array<i32>} : memref<128x64xf32, #tpu.memory_space<vmem>>, vector<16xf32>,
        %swap3A_635 = arith.index_cast %reduce_max3A_617 : i32 to index
        %swap3A_636 = arith.constant 16 : index
        %swap3A_637 = tpu.vector_load %arg14[%swap3A_635, %swap3A_636] {strides = array<i32>} : memref<128x64xf32, #tpu.memory_space<vmem>>, vector<16xf32>,
        tpu.vector_store %arg14[%swap3A_635, %swap3A_636], %get3A_634 {strides = array<i32>} : memref<128x64xf32, #tpu.memory_space<vmem>>, vector<16xf32>,
        %get3A_638 = arith.index_cast %reduce_max3A_625 : i32 to index
        %get3A_639 = arith.constant 32 : index
        %get3A_640 = tpu.vector_load %arg14[%get3A_638, %get3A_639] {strides = array<i32>} : memref<128x64xf32, #tpu.memory_space<vmem>>, vector<16xf32>,
        %swap3A_641 = arith.index_cast %reduce_max3A_617 : i32 to index
        %swap3A_642 = arith.constant 32 : index
        %swap3A_643 = tpu.vector_load %arg14[%swap3A_641, %swap3A_642] {strides = array<i32>} : memref<128x64xf32, #tpu.memory_space<vmem>>, vector<16xf32>,
        tpu.vector_store %arg14[%swap3A_641, %swap3A_642], %get3A_640 {strides = array<i32>} : memref<128x64xf32, #tpu.memory_space<vmem>>, vector<16xf32>,
        %get3A_644 = arith.index_cast %reduce_max3A_625 : i32 to index
        %get3A_645 = arith.constant 48 : index
        %get3A_646 = tpu.vector_load %arg14[%get3A_644, %get3A_645] {strides = array<i32>} : memref<128x64xf32, #tpu.memory_space<vmem>>, vector<16xf32>,
        %swap3A_647 = arith.index_cast %reduce_max3A_617 : i32 to index
        %swap3A_648 = arith.constant 48 : index
        %swap3A_649 = tpu.vector_load %arg14[%swap3A_647, %swap3A_648] {strides = array<i32>} : memref<128x64xf32, #tpu.memory_space<vmem>>, vector<16xf32>,
        tpu.vector_store %arg14[%swap3A_647, %swap3A_648], %get3A_646 {strides = array<i32>} : memref<128x64xf32, #tpu.memory_space<vmem>>, vector<16xf32>,
      }
      %while3A_559 = arith.constant 1 : i32
      scf.for %while3A_597 = %while3A_557 to %while3A_553 step %while3A_559  : i32 {
        %broadcast_in_dim3A_598 = vector.broadcast %while3A_597 : i32 to vector<16xi32>
        %gather3A_599 = arith.constant 4 : i32
        %gather3A_600 = arith.constant 0 : i32
        %gather3A_601 = tpu.memref_slice %arg16[%gather3A_599, %gather3A_600] : memref<8x16xi32, #tpu.memory_space<vmem>> -> memref<1x16xi32, #tpu.memory_space<vmem>>
        %gather3A_602 = tpu.memref_squeeze %gather3A_601 : memref<1x16xi32, #tpu.memory_space<vmem>> -> memref<16xi32, #tpu.memory_space<vmem>>
        %gather3A_603 = tpu.vector_load_idx %gather3A_602[%broadcast_in_dim3A_598] : memref<16xi32, #tpu.memory_space<vmem>>[vector<16xi32>], vector<16xi32>,
        %broadcast_in_dim3A_604 = vector.broadcast %while3A_597 : i32 to vector<16xi32>
        %gather3A_605 = arith.constant 4 : i32
        %gather3A_606 = arith.constant 0 : i32
        %gather3A_607 = tpu.memref_slice %arg17[%gather3A_605, %gather3A_606] : memref<8x16xi32, #tpu.memory_space<vmem>> -> memref<1x16xi32, #tpu.memory_space<vmem>>
        %gather3A_608 = tpu.memref_squeeze %gather3A_607 : memref<1x16xi32, #tpu.memory_space<vmem>> -> memref<16xi32, #tpu.memory_space<vmem>>
        %gather3A_609 = tpu.vector_load_idx %gather3A_608[%broadcast_in_dim3A_604] : memref<16xi32, #tpu.memory_space<vmem>>[vector<16xi32>], vector<16xi32>,
        %reduce_max3A_610 = arith.constant true
        %reduce_max3A_611 = vector.broadcast %reduce_max3A_610 : i1 to vector<16xi1>
        %reduce_max3A_612 = arith.constant -2147483648 : i32
        %reduce_max3A_613 = vector.broadcast %reduce_max3A_612 : i32 to vector<16xi32>
        %reduce_max3A_614 = arith.xori %gather3A_603, %reduce_max3A_613 : vector<16xi32>
        %reduce_max3A_615 = tpu.scan <max>, %reduce_max3A_614 masked %reduce_max3A_611 : vector<16xi32>, vector<16xi1> -> vector<16xi32>
        %reduce_max3A_616 = arith.xori %reduce_max3A_615, %reduce_max3A_613 : vector<16xi32>
        %reduce_max3A_617 = vector.extract %reduce_max3A_616[15] : i32 from vector<16xi32>
        %reduce_max3A_618 = arith.constant true
        %reduce_max3A_619 = vector.broadcast %reduce_max3A_618 : i1 to vector<16xi1>
        %reduce_max3A_620 = arith.constant -2147483648 : i32
        %reduce_max3A_621 = vector.broadcast %reduce_max3A_620 : i32 to vector<16xi32>
        %reduce_max3A_622 = arith.xori %gather3A_609, %reduce_max3A_621 : vector<16xi32>
        %reduce_max3A_623 = tpu.scan <max>, %reduce_max3A_622 masked %reduce_max3A_619 : vector<16xi32>, vector<16xi1> -> vector<16xi32>
        %reduce_max3A_624 = arith.xori %reduce_max3A_623, %reduce_max3A_621 : vector<16xi32>
        %reduce_max3A_625 = vector.extract %reduce_max3A_624[15] : i32 from vector<16xi32>
        %get3A_626 = arith.index_cast %reduce_max3A_625 : i32 to index
        %get3A_627 = arith.constant 0 : index
        %get3A_628 = tpu.vector_load %arg14[%get3A_626, %get3A_627] {strides = array<i32>} : memref<128x64xf32, #tpu.memory_space<vmem>>, vector<16xf32>,
        %swap3A_629 = arith.index_cast %reduce_max3A_617 : i32 to index
        %swap3A_630 = arith.constant 0 : index
        %swap3A_631 = tpu.vector_load %arg14[%swap3A_629, %swap3A_630] {strides = array<i32>} : memref<128x64xf32, #tpu.memory_space<vmem>>, vector<16xf32>,
        tpu.vector_store %arg14[%swap3A_629, %swap3A_630], %get3A_628 {strides = array<i32>} : memref<128x64xf32, #tpu.memory_space<vmem>>, vector<16xf32>,
        %get3A_632 = arith.index_cast %reduce_max3A_625 : i32 to index
        %get3A_633 = arith.constant 16 : index
        %get3A_634 = tpu.vector_load %arg14[%get3A_632, %get3A_633] {strides = array<i32>} : memref<128x64xf32, #tpu.memory_space<vmem>>, vector<16xf32>,
        %swap3A_635 = arith.index_cast %reduce_max3A_617 : i32 to index
        %swap3A_636 = arith.constant 16 : index
        %swap3A_637 = tpu.vector_load %arg14[%swap3A_635, %swap3A_636] {strides = array<i32>} : memref<128x64xf32, #tpu.memory_space<vmem>>, vector<16xf32>,
        tpu.vector_store %arg14[%swap3A_635, %swap3A_636], %get3A_634 {strides = array<i32>} : memref<128x64xf32, #tpu.memory_space<vmem>>, vector<16xf32>,
        %get3A_638 = arith.index_cast %reduce_max3A_625 : i32 to index
        %get3A_639 = arith.constant 32 : index
        %get3A_640 = tpu.vector_load %arg14[%get3A_638, %get3A_639] {strides = array<i32>} : memref<128x64xf32, #tpu.memory_space<vmem>>, vector<16xf32>,
        %swap3A_641 = arith.index_cast %reduce_max3A_617 : i32 to index
        %swap3A_642 = arith.constant 32 : index
        %swap3A_643 = tpu.vector_load %arg14[%swap3A_641, %swap3A_642] {strides = array<i32>} : memref<128x64xf32, #tpu.memory_space<vmem>>, vector<16xf32>,
        tpu.vector_store %arg14[%swap3A_641, %swap3A_642], %get3A_640 {strides = array<i32>} : memref<128x64xf32, #tpu.memory_space<vmem>>, vector<16xf32>,
        %get3A_644 = arith.index_cast %reduce_max3A_625 : i32 to index
        %get3A_645 = arith.constant 48 : index
        %get3A_646 = tpu.vector_load %arg14[%get3A_644, %get3A_645] {strides = array<i32>} : memref<128x64xf32, #tpu.memory_space<vmem>>, vector<16xf32>,
        %swap3A_647 = arith.index_cast %reduce_max3A_617 : i32 to index
        %swap3A_648 = arith.constant 48 : index
        %swap3A_649 = tpu.vector_load %arg14[%swap3A_647, %swap3A_648] {strides = array<i32>} : memref<128x64xf32, #tpu.memory_space<vmem>>, vector<16xf32>,
        tpu.vector_store %arg14[%swap3A_647, %swap3A_648], %get3A_646 {strides = array<i32>} : memref<128x64xf32, #tpu.memory_space<vmem>>, vector<16xf32>,
      }
      %while3A_560 = arith.constant 0 : i32
      %while3A_561 = arith.constant 0 : i32
      %while3A_562 = arith.subi %reduce_max3A_480, %while3A_561 : i32
      %while3A_563 = arith.addi %while3A_561, %while3A_562 : i32
      %while3A_564 = arith.constant 1 : i32
      %while3A_565 = arith.divsi %while3A_562, %while3A_564 : i32
      %while3A_566 = arith.muli %while3A_565, %while3A_564 : i32
      %while3A_567 = arith.addi %while3A_561, %while3A_566 : i32
      %while3A_568 = arith.constant 1 : i32
      scf.for %while3A_597 = %while3A_561 to %while3A_567 step %while3A_568  : i32 {
        %broadcast_in_dim3A_598 = vector.broadcast %while3A_597 : i32 to vector<16xi32>
        %gather3A_599 = arith.constant 5 : i32
        %gather3A_600 = arith.constant 0 : i32
        %gather3A_601 = tpu.memref_slice %arg16[%gather3A_599, %gather3A_600] : memref<8x16xi32, #tpu.memory_space<vmem>> -> memref<1x16xi32, #tpu.memory_space<vmem>>
        %gather3A_602 = tpu.memref_squeeze %gather3A_601 : memref<1x16xi32, #tpu.memory_space<vmem>> -> memref<16xi32, #tpu.memory_space<vmem>>
        %gather3A_603 = tpu.vector_load_idx %gather3A_602[%broadcast_in_dim3A_598] : memref<16xi32, #tpu.memory_space<vmem>>[vector<16xi32>], vector<16xi32>,
        %broadcast_in_dim3A_604 = vector.broadcast %while3A_597 : i32 to vector<16xi32>
        %gather3A_605 = arith.constant 5 : i32
        %gather3A_606 = arith.constant 0 : i32
        %gather3A_607 = tpu.memref_slice %arg17[%gather3A_605, %gather3A_606] : memref<8x16xi32, #tpu.memory_space<vmem>> -> memref<1x16xi32, #tpu.memory_space<vmem>>
        %gather3A_608 = tpu.memref_squeeze %gather3A_607 : memref<1x16xi32, #tpu.memory_space<vmem>> -> memref<16xi32, #tpu.memory_space<vmem>>
        %gather3A_609 = tpu.vector_load_idx %gather3A_608[%broadcast_in_dim3A_604] : memref<16xi32, #tpu.memory_space<vmem>>[vector<16xi32>], vector<16xi32>,
        %reduce_max3A_610 = arith.constant true
        %reduce_max3A_611 = vector.broadcast %reduce_max3A_610 : i1 to vector<16xi1>
        %reduce_max3A_612 = arith.constant -2147483648 : i32
        %reduce_max3A_613 = vector.broadcast %reduce_max3A_612 : i32 to vector<16xi32>
        %reduce_max3A_614 = arith.xori %gather3A_603, %reduce_max3A_613 : vector<16xi32>
        %reduce_max3A_615 = tpu.scan <max>, %reduce_max3A_614 masked %reduce_max3A_611 : vector<16xi32>, vector<16xi1> -> vector<16xi32>
        %reduce_max3A_616 = arith.xori %reduce_max3A_615, %reduce_max3A_613 : vector<16xi32>
        %reduce_max3A_617 = vector.extract %reduce_max3A_616[15] : i32 from vector<16xi32>
        %reduce_max3A_618 = arith.constant true
        %reduce_max3A_619 = vector.broadcast %reduce_max3A_618 : i1 to vector<16xi1>
        %reduce_max3A_620 = arith.constant -2147483648 : i32
        %reduce_max3A_621 = vector.broadcast %reduce_max3A_620 : i32 to vector<16xi32>
        %reduce_max3A_622 = arith.xori %gather3A_609, %reduce_max3A_621 : vector<16xi32>
        %reduce_max3A_623 = tpu.scan <max>, %reduce_max3A_622 masked %reduce_max3A_619 : vector<16xi32>, vector<16xi1> -> vector<16xi32>
        %reduce_max3A_624 = arith.xori %reduce_max3A_623, %reduce_max3A_621 : vector<16xi32>
        %reduce_max3A_625 = vector.extract %reduce_max3A_624[15] : i32 from vector<16xi32>
        %get3A_626 = arith.index_cast %reduce_max3A_625 : i32 to index
        %get3A_627 = arith.constant 0 : index
        %get3A_628 = tpu.vector_load %arg14[%get3A_626, %get3A_627] {strides = array<i32>} : memref<128x64xf32, #tpu.memory_space<vmem>>, vector<16xf32>,
        %swap3A_629 = arith.index_cast %reduce_max3A_617 : i32 to index
        %swap3A_630 = arith.constant 0 : index
        %swap3A_631 = tpu.vector_load %arg14[%swap3A_629, %swap3A_630] {strides = array<i32>} : memref<128x64xf32, #tpu.memory_space<vmem>>, vector<16xf32>,
        tpu.vector_store %arg14[%swap3A_629, %swap3A_630], %get3A_628 {strides = array<i32>} : memref<128x64xf32, #tpu.memory_space<vmem>>, vector<16xf32>,
        %get3A_632 = arith.index_cast %reduce_max3A_625 : i32 to index
        %get3A_633 = arith.constant 16 : index
        %get3A_634 = tpu.vector_load %arg14[%get3A_632, %get3A_633] {strides = array<i32>} : memref<128x64xf32, #tpu.memory_space<vmem>>, vector<16xf32>,
        %swap3A_635 = arith.index_cast %reduce_max3A_617 : i32 to index
        %swap3A_636 = arith.constant 16 : index
        %swap3A_637 = tpu.vector_load %arg14[%swap3A_635, %swap3A_636] {strides = array<i32>} : memref<128x64xf32, #tpu.memory_space<vmem>>, vector<16xf32>,
        tpu.vector_store %arg14[%swap3A_635, %swap3A_636], %get3A_634 {strides = array<i32>} : memref<128x64xf32, #tpu.memory_space<vmem>>, vector<16xf32>,
        %get3A_638 = arith.index_cast %reduce_max3A_625 : i32 to index
        %get3A_639 = arith.constant 32 : index
        %get3A_640 = tpu.vector_load %arg14[%get3A_638, %get3A_639] {strides = array<i32>} : memref<128x64xf32, #tpu.memory_space<vmem>>, vector<16xf32>,
        %swap3A_641 = arith.index_cast %reduce_max3A_617 : i32 to index
        %swap3A_642 = arith.constant 32 : index
        %swap3A_643 = tpu.vector_load %arg14[%swap3A_641, %swap3A_642] {strides = array<i32>} : memref<128x64xf32, #tpu.memory_space<vmem>>, vector<16xf32>,
        tpu.vector_store %arg14[%swap3A_641, %swap3A_642], %get3A_640 {strides = array<i32>} : memref<128x64xf32, #tpu.memory_space<vmem>>, vector<16xf32>,
        %get3A_644 = arith.index_cast %reduce_max3A_625 : i32 to index
        %get3A_645 = arith.constant 48 : index
        %get3A_646 = tpu.vector_load %arg14[%get3A_644, %get3A_645] {strides = array<i32>} : memref<128x64xf32, #tpu.memory_space<vmem>>, vector<16xf32>,
        %swap3A_647 = arith.index_cast %reduce_max3A_617 : i32 to index
        %swap3A_648 = arith.constant 48 : index
        %swap3A_649 = tpu.vector_load %arg14[%swap3A_647, %swap3A_648] {strides = array<i32>} : memref<128x64xf32, #tpu.memory_space<vmem>>, vector<16xf32>,
        tpu.vector_store %arg14[%swap3A_647, %swap3A_648], %get3A_646 {strides = array<i32>} : memref<128x64xf32, #tpu.memory_space<vmem>>, vector<16xf32>,
      }
      %while3A_569 = arith.constant 1 : i32
      scf.for %while3A_597 = %while3A_567 to %while3A_563 step %while3A_569  : i32 {
        %broadcast_in_dim3A_598 = vector.broadcast %while3A_597 : i32 to vector<16xi32>
        %gather3A_599 = arith.constant 5 : i32
        %gather3A_600 = arith.constant 0 : i32
        %gather3A_601 = tpu.memref_slice %arg16[%gather3A_599, %gather3A_600] : memref<8x16xi32, #tpu.memory_space<vmem>> -> memref<1x16xi32, #tpu.memory_space<vmem>>
        %gather3A_602 = tpu.memref_squeeze %gather3A_601 : memref<1x16xi32, #tpu.memory_space<vmem>> -> memref<16xi32, #tpu.memory_space<vmem>>
        %gather3A_603 = tpu.vector_load_idx %gather3A_602[%broadcast_in_dim3A_598] : memref<16xi32, #tpu.memory_space<vmem>>[vector<16xi32>], vector<16xi32>,
        %broadcast_in_dim3A_604 = vector.broadcast %while3A_597 : i32 to vector<16xi32>
        %gather3A_605 = arith.constant 5 : i32
        %gather3A_606 = arith.constant 0 : i32
        %gather3A_607 = tpu.memref_slice %arg17[%gather3A_605, %gather3A_606] : memref<8x16xi32, #tpu.memory_space<vmem>> -> memref<1x16xi32, #tpu.memory_space<vmem>>
        %gather3A_608 = tpu.memref_squeeze %gather3A_607 : memref<1x16xi32, #tpu.memory_space<vmem>> -> memref<16xi32, #tpu.memory_space<vmem>>
        %gather3A_609 = tpu.vector_load_idx %gather3A_608[%broadcast_in_dim3A_604] : memref<16xi32, #tpu.memory_space<vmem>>[vector<16xi32>], vector<16xi32>,
        %reduce_max3A_610 = arith.constant true
        %reduce_max3A_611 = vector.broadcast %reduce_max3A_610 : i1 to vector<16xi1>
        %reduce_max3A_612 = arith.constant -2147483648 : i32
        %reduce_max3A_613 = vector.broadcast %reduce_max3A_612 : i32 to vector<16xi32>
        %reduce_max3A_614 = arith.xori %gather3A_603, %reduce_max3A_613 : vector<16xi32>
        %reduce_max3A_615 = tpu.scan <max>, %reduce_max3A_614 masked %reduce_max3A_611 : vector<16xi32>, vector<16xi1> -> vector<16xi32>
        %reduce_max3A_616 = arith.xori %reduce_max3A_615, %reduce_max3A_613 : vector<16xi32>
        %reduce_max3A_617 = vector.extract %reduce_max3A_616[15] : i32 from vector<16xi32>
        %reduce_max3A_618 = arith.constant true
        %reduce_max3A_619 = vector.broadcast %reduce_max3A_618 : i1 to vector<16xi1>
        %reduce_max3A_620 = arith.constant -2147483648 : i32
        %reduce_max3A_621 = vector.broadcast %reduce_max3A_620 : i32 to vector<16xi32>
        %reduce_max3A_622 = arith.xori %gather3A_609, %reduce_max3A_621 : vector<16xi32>
        %reduce_max3A_623 = tpu.scan <max>, %reduce_max3A_622 masked %reduce_max3A_619 : vector<16xi32>, vector<16xi1> -> vector<16xi32>
        %reduce_max3A_624 = arith.xori %reduce_max3A_623, %reduce_max3A_621 : vector<16xi32>
        %reduce_max3A_625 = vector.extract %reduce_max3A_624[15] : i32 from vector<16xi32>
        %get3A_626 = arith.index_cast %reduce_max3A_625 : i32 to index
        %get3A_627 = arith.constant 0 : index
        %get3A_628 = tpu.vector_load %arg14[%get3A_626, %get3A_627] {strides = array<i32>} : memref<128x64xf32, #tpu.memory_space<vmem>>, vector<16xf32>,
        %swap3A_629 = arith.index_cast %reduce_max3A_617 : i32 to index
        %swap3A_630 = arith.constant 0 : index
        %swap3A_631 = tpu.vector_load %arg14[%swap3A_629, %swap3A_630] {strides = array<i32>} : memref<128x64xf32, #tpu.memory_space<vmem>>, vector<16xf32>,
        tpu.vector_store %arg14[%swap3A_629, %swap3A_630], %get3A_628 {strides = array<i32>} : memref<128x64xf32, #tpu.memory_space<vmem>>, vector<16xf32>,
        %get3A_632 = arith.index_cast %reduce_max3A_625 : i32 to index
        %get3A_633 = arith.constant 16 : index
        %get3A_634 = tpu.vector_load %arg14[%get3A_632, %get3A_633] {strides = array<i32>} : memref<128x64xf32, #tpu.memory_space<vmem>>, vector<16xf32>,
        %swap3A_635 = arith.index_cast %reduce_max3A_617 : i32 to index
        %swap3A_636 = arith.constant 16 : index
        %swap3A_637 = tpu.vector_load %arg14[%swap3A_635, %swap3A_636] {strides = array<i32>} : memref<128x64xf32, #tpu.memory_space<vmem>>, vector<16xf32>,
        tpu.vector_store %arg14[%swap3A_635, %swap3A_636], %get3A_634 {strides = array<i32>} : memref<128x64xf32, #tpu.memory_space<vmem>>, vector<16xf32>,
        %get3A_638 = arith.index_cast %reduce_max3A_625 : i32 to index
        %get3A_639 = arith.constant 32 : index
        %get3A_640 = tpu.vector_load %arg14[%get3A_638, %get3A_639] {strides = array<i32>} : memref<128x64xf32, #tpu.memory_space<vmem>>, vector<16xf32>,
        %swap3A_641 = arith.index_cast %reduce_max3A_617 : i32 to index
        %swap3A_642 = arith.constant 32 : index
        %swap3A_643 = tpu.vector_load %arg14[%swap3A_641, %swap3A_642] {strides = array<i32>} : memref<128x64xf32, #tpu.memory_space<vmem>>, vector<16xf32>,
        tpu.vector_store %arg14[%swap3A_641, %swap3A_642], %get3A_640 {strides = array<i32>} : memref<128x64xf32, #tpu.memory_space<vmem>>, vector<16xf32>,
        %get3A_644 = arith.index_cast %reduce_max3A_625 : i32 to index
        %get3A_645 = arith.constant 48 : index
        %get3A_646 = tpu.vector_load %arg14[%get3A_644, %get3A_645] {strides = array<i32>} : memref<128x64xf32, #tpu.memory_space<vmem>>, vector<16xf32>,
        %swap3A_647 = arith.index_cast %reduce_max3A_617 : i32 to index
        %swap3A_648 = arith.constant 48 : index
        %swap3A_649 = tpu.vector_load %arg14[%swap3A_647, %swap3A_648] {strides = array<i32>} : memref<128x64xf32, #tpu.memory_space<vmem>>, vector<16xf32>,
        tpu.vector_store %arg14[%swap3A_647, %swap3A_648], %get3A_646 {strides = array<i32>} : memref<128x64xf32, #tpu.memory_space<vmem>>, vector<16xf32>,
      }
      %while3A_570 = arith.constant 0 : i32
      %while3A_571 = arith.constant 0 : i32
      %while3A_572 = arith.subi %reduce_max3A_489, %while3A_571 : i32
      %while3A_573 = arith.addi %while3A_571, %while3A_572 : i32
      %while3A_574 = arith.constant 1 : i32
      %while3A_575 = arith.divsi %while3A_572, %while3A_574 : i32
      %while3A_576 = arith.muli %while3A_575, %while3A_574 : i32
      %while3A_577 = arith.addi %while3A_571, %while3A_576 : i32
      %while3A_578 = arith.constant 1 : i32
      scf.for %while3A_597 = %while3A_571 to %while3A_577 step %while3A_578  : i32 {
        %broadcast_in_dim3A_598 = vector.broadcast %while3A_597 : i32 to vector<16xi32>
        %gather3A_599 = arith.constant 6 : i32
        %gather3A_600 = arith.constant 0 : i32
        %gather3A_601 = tpu.memref_slice %arg16[%gather3A_599, %gather3A_600] : memref<8x16xi32, #tpu.memory_space<vmem>> -> memref<1x16xi32, #tpu.memory_space<vmem>>
        %gather3A_602 = tpu.memref_squeeze %gather3A_601 : memref<1x16xi32, #tpu.memory_space<vmem>> -> memref<16xi32, #tpu.memory_space<vmem>>
        %gather3A_603 = tpu.vector_load_idx %gather3A_602[%broadcast_in_dim3A_598] : memref<16xi32, #tpu.memory_space<vmem>>[vector<16xi32>], vector<16xi32>,
        %broadcast_in_dim3A_604 = vector.broadcast %while3A_597 : i32 to vector<16xi32>
        %gather3A_605 = arith.constant 6 : i32
        %gather3A_606 = arith.constant 0 : i32
        %gather3A_607 = tpu.memref_slice %arg17[%gather3A_605, %gather3A_606] : memref<8x16xi32, #tpu.memory_space<vmem>> -> memref<1x16xi32, #tpu.memory_space<vmem>>
        %gather3A_608 = tpu.memref_squeeze %gather3A_607 : memref<1x16xi32, #tpu.memory_space<vmem>> -> memref<16xi32, #tpu.memory_space<vmem>>
        %gather3A_609 = tpu.vector_load_idx %gather3A_608[%broadcast_in_dim3A_604] : memref<16xi32, #tpu.memory_space<vmem>>[vector<16xi32>], vector<16xi32>,
        %reduce_max3A_610 = arith.constant true
        %reduce_max3A_611 = vector.broadcast %reduce_max3A_610 : i1 to vector<16xi1>
        %reduce_max3A_612 = arith.constant -2147483648 : i32
        %reduce_max3A_613 = vector.broadcast %reduce_max3A_612 : i32 to vector<16xi32>
        %reduce_max3A_614 = arith.xori %gather3A_603, %reduce_max3A_613 : vector<16xi32>
        %reduce_max3A_615 = tpu.scan <max>, %reduce_max3A_614 masked %reduce_max3A_611 : vector<16xi32>, vector<16xi1> -> vector<16xi32>
        %reduce_max3A_616 = arith.xori %reduce_max3A_615, %reduce_max3A_613 : vector<16xi32>
        %reduce_max3A_617 = vector.extract %reduce_max3A_616[15] : i32 from vector<16xi32>
        %reduce_max3A_618 = arith.constant true
        %reduce_max3A_619 = vector.broadcast %reduce_max3A_618 : i1 to vector<16xi1>
        %reduce_max3A_620 = arith.constant -2147483648 : i32
        %reduce_max3A_621 = vector.broadcast %reduce_max3A_620 : i32 to vector<16xi32>
        %reduce_max3A_622 = arith.xori %gather3A_609, %reduce_max3A_621 : vector<16xi32>
        %reduce_max3A_623 = tpu.scan <max>, %reduce_max3A_622 masked %reduce_max3A_619 : vector<16xi32>, vector<16xi1> -> vector<16xi32>
        %reduce_max3A_624 = arith.xori %reduce_max3A_623, %reduce_max3A_621 : vector<16xi32>
        %reduce_max3A_625 = vector.extract %reduce_max3A_624[15] : i32 from vector<16xi32>
        %get3A_626 = arith.index_cast %reduce_max3A_625 : i32 to index
        %get3A_627 = arith.constant 0 : index
        %get3A_628 = tpu.vector_load %arg14[%get3A_626, %get3A_627] {strides = array<i32>} : memref<128x64xf32, #tpu.memory_space<vmem>>, vector<16xf32>,
        %swap3A_629 = arith.index_cast %reduce_max3A_617 : i32 to index
        %swap3A_630 = arith.constant 0 : index
        %swap3A_631 = tpu.vector_load %arg14[%swap3A_629, %swap3A_630] {strides = array<i32>} : memref<128x64xf32, #tpu.memory_space<vmem>>, vector<16xf32>,
        tpu.vector_store %arg14[%swap3A_629, %swap3A_630], %get3A_628 {strides = array<i32>} : memref<128x64xf32, #tpu.memory_space<vmem>>, vector<16xf32>,
        %get3A_632 = arith.index_cast %reduce_max3A_625 : i32 to index
        %get3A_633 = arith.constant 16 : index
        %get3A_634 = tpu.vector_load %arg14[%get3A_632, %get3A_633] {strides = array<i32>} : memref<128x64xf32, #tpu.memory_space<vmem>>, vector<16xf32>,
        %swap3A_635 = arith.index_cast %reduce_max3A_617 : i32 to index
        %swap3A_636 = arith.constant 16 : index
        %swap3A_637 = tpu.vector_load %arg14[%swap3A_635, %swap3A_636] {strides = array<i32>} : memref<128x64xf32, #tpu.memory_space<vmem>>, vector<16xf32>,
        tpu.vector_store %arg14[%swap3A_635, %swap3A_636], %get3A_634 {strides = array<i32>} : memref<128x64xf32, #tpu.memory_space<vmem>>, vector<16xf32>,
        %get3A_638 = arith.index_cast %reduce_max3A_625 : i32 to index
        %get3A_639 = arith.constant 32 : index
        %get3A_640 = tpu.vector_load %arg14[%get3A_638, %get3A_639] {strides = array<i32>} : memref<128x64xf32, #tpu.memory_space<vmem>>, vector<16xf32>,
        %swap3A_641 = arith.index_cast %reduce_max3A_617 : i32 to index
        %swap3A_642 = arith.constant 32 : index
        %swap3A_643 = tpu.vector_load %arg14[%swap3A_641, %swap3A_642] {strides = array<i32>} : memref<128x64xf32, #tpu.memory_space<vmem>>, vector<16xf32>,
        tpu.vector_store %arg14[%swap3A_641, %swap3A_642], %get3A_640 {strides = array<i32>} : memref<128x64xf32, #tpu.memory_space<vmem>>, vector<16xf32>,
        %get3A_644 = arith.index_cast %reduce_max3A_625 : i32 to index
        %get3A_645 = arith.constant 48 : index
        %get3A_646 = tpu.vector_load %arg14[%get3A_644, %get3A_645] {strides = array<i32>} : memref<128x64xf32, #tpu.memory_space<vmem>>, vector<16xf32>,
        %swap3A_647 = arith.index_cast %reduce_max3A_617 : i32 to index
        %swap3A_648 = arith.constant 48 : index
        %swap3A_649 = tpu.vector_load %arg14[%swap3A_647, %swap3A_648] {strides = array<i32>} : memref<128x64xf32, #tpu.memory_space<vmem>>, vector<16xf32>,
        tpu.vector_store %arg14[%swap3A_647, %swap3A_648], %get3A_646 {strides = array<i32>} : memref<128x64xf32, #tpu.memory_space<vmem>>, vector<16xf32>,
      }
      %while3A_579 = arith.constant 1 : i32
      scf.for %while3A_597 = %while3A_577 to %while3A_573 step %while3A_579  : i32 {
        %broadcast_in_dim3A_598 = vector.broadcast %while3A_597 : i32 to vector<16xi32>
        %gather3A_599 = arith.constant 6 : i32
        %gather3A_600 = arith.constant 0 : i32
        %gather3A_601 = tpu.memref_slice %arg16[%gather3A_599, %gather3A_600] : memref<8x16xi32, #tpu.memory_space<vmem>> -> memref<1x16xi32, #tpu.memory_space<vmem>>
        %gather3A_602 = tpu.memref_squeeze %gather3A_601 : memref<1x16xi32, #tpu.memory_space<vmem>> -> memref<16xi32, #tpu.memory_space<vmem>>
        %gather3A_603 = tpu.vector_load_idx %gather3A_602[%broadcast_in_dim3A_598] : memref<16xi32, #tpu.memory_space<vmem>>[vector<16xi32>], vector<16xi32>,
        %broadcast_in_dim3A_604 = vector.broadcast %while3A_597 : i32 to vector<16xi32>
        %gather3A_605 = arith.constant 6 : i32
        %gather3A_606 = arith.constant 0 : i32
        %gather3A_607 = tpu.memref_slice %arg17[%gather3A_605, %gather3A_606] : memref<8x16xi32, #tpu.memory_space<vmem>> -> memref<1x16xi32, #tpu.memory_space<vmem>>
        %gather3A_608 = tpu.memref_squeeze %gather3A_607 : memref<1x16xi32, #tpu.memory_space<vmem>> -> memref<16xi32, #tpu.memory_space<vmem>>
        %gather3A_609 = tpu.vector_load_idx %gather3A_608[%broadcast_in_dim3A_604] : memref<16xi32, #tpu.memory_space<vmem>>[vector<16xi32>], vector<16xi32>,
        %reduce_max3A_610 = arith.constant true
        %reduce_max3A_611 = vector.broadcast %reduce_max3A_610 : i1 to vector<16xi1>
        %reduce_max3A_612 = arith.constant -2147483648 : i32
        %reduce_max3A_613 = vector.broadcast %reduce_max3A_612 : i32 to vector<16xi32>
        %reduce_max3A_614 = arith.xori %gather3A_603, %reduce_max3A_613 : vector<16xi32>
        %reduce_max3A_615 = tpu.scan <max>, %reduce_max3A_614 masked %reduce_max3A_611 : vector<16xi32>, vector<16xi1> -> vector<16xi32>
        %reduce_max3A_616 = arith.xori %reduce_max3A_615, %reduce_max3A_613 : vector<16xi32>
        %reduce_max3A_617 = vector.extract %reduce_max3A_616[15] : i32 from vector<16xi32>
        %reduce_max3A_618 = arith.constant true
        %reduce_max3A_619 = vector.broadcast %reduce_max3A_618 : i1 to vector<16xi1>
        %reduce_max3A_620 = arith.constant -2147483648 : i32
        %reduce_max3A_621 = vector.broadcast %reduce_max3A_620 : i32 to vector<16xi32>
        %reduce_max3A_622 = arith.xori %gather3A_609, %reduce_max3A_621 : vector<16xi32>
        %reduce_max3A_623 = tpu.scan <max>, %reduce_max3A_622 masked %reduce_max3A_619 : vector<16xi32>, vector<16xi1> -> vector<16xi32>
        %reduce_max3A_624 = arith.xori %reduce_max3A_623, %reduce_max3A_621 : vector<16xi32>
        %reduce_max3A_625 = vector.extract %reduce_max3A_624[15] : i32 from vector<16xi32>
        %get3A_626 = arith.index_cast %reduce_max3A_625 : i32 to index
        %get3A_627 = arith.constant 0 : index
        %get3A_628 = tpu.vector_load %arg14[%get3A_626, %get3A_627] {strides = array<i32>} : memref<128x64xf32, #tpu.memory_space<vmem>>, vector<16xf32>,
        %swap3A_629 = arith.index_cast %reduce_max3A_617 : i32 to index
        %swap3A_630 = arith.constant 0 : index
        %swap3A_631 = tpu.vector_load %arg14[%swap3A_629, %swap3A_630] {strides = array<i32>} : memref<128x64xf32, #tpu.memory_space<vmem>>, vector<16xf32>,
        tpu.vector_store %arg14[%swap3A_629, %swap3A_630], %get3A_628 {strides = array<i32>} : memref<128x64xf32, #tpu.memory_space<vmem>>, vector<16xf32>,
        %get3A_632 = arith.index_cast %reduce_max3A_625 : i32 to index
        %get3A_633 = arith.constant 16 : index
        %get3A_634 = tpu.vector_load %arg14[%get3A_632, %get3A_633] {strides = array<i32>} : memref<128x64xf32, #tpu.memory_space<vmem>>, vector<16xf32>,
        %swap3A_635 = arith.index_cast %reduce_max3A_617 : i32 to index
        %swap3A_636 = arith.constant 16 : index
        %swap3A_637 = tpu.vector_load %arg14[%swap3A_635, %swap3A_636] {strides = array<i32>} : memref<128x64xf32, #tpu.memory_space<vmem>>, vector<16xf32>,
        tpu.vector_store %arg14[%swap3A_635, %swap3A_636], %get3A_634 {strides = array<i32>} : memref<128x64xf32, #tpu.memory_space<vmem>>, vector<16xf32>,
        %get3A_638 = arith.index_cast %reduce_max3A_625 : i32 to index
        %get3A_639 = arith.constant 32 : index
        %get3A_640 = tpu.vector_load %arg14[%get3A_638, %get3A_639] {strides = array<i32>} : memref<128x64xf32, #tpu.memory_space<vmem>>, vector<16xf32>,
        %swap3A_641 = arith.index_cast %reduce_max3A_617 : i32 to index
        %swap3A_642 = arith.constant 32 : index
        %swap3A_643 = tpu.vector_load %arg14[%swap3A_641, %swap3A_642] {strides = array<i32>} : memref<128x64xf32, #tpu.memory_space<vmem>>, vector<16xf32>,
        tpu.vector_store %arg14[%swap3A_641, %swap3A_642], %get3A_640 {strides = array<i32>} : memref<128x64xf32, #tpu.memory_space<vmem>>, vector<16xf32>,
        %get3A_644 = arith.index_cast %reduce_max3A_625 : i32 to index
        %get3A_645 = arith.constant 48 : index
        %get3A_646 = tpu.vector_load %arg14[%get3A_644, %get3A_645] {strides = array<i32>} : memref<128x64xf32, #tpu.memory_space<vmem>>, vector<16xf32>,
        %swap3A_647 = arith.index_cast %reduce_max3A_617 : i32 to index
        %swap3A_648 = arith.constant 48 : index
        %swap3A_649 = tpu.vector_load %arg14[%swap3A_647, %swap3A_648] {strides = array<i32>} : memref<128x64xf32, #tpu.memory_space<vmem>>, vector<16xf32>,
        tpu.vector_store %arg14[%swap3A_647, %swap3A_648], %get3A_646 {strides = array<i32>} : memref<128x64xf32, #tpu.memory_space<vmem>>, vector<16xf32>,
      }
      %while3A_580 = arith.constant 0 : i32
      %while3A_581 = arith.constant 0 : i32
      %while3A_582 = arith.subi %reduce_max3A_498, %while3A_581 : i32
      %while3A_583 = arith.addi %while3A_581, %while3A_582 : i32
      %while3A_584 = arith.constant 1 : i32
      %while3A_585 = arith.divsi %while3A_582, %while3A_584 : i32
      %while3A_586 = arith.muli %while3A_585, %while3A_584 : i32
      %while3A_587 = arith.addi %while3A_581, %while3A_586 : i32
      %while3A_588 = arith.constant 1 : i32
      scf.for %while3A_597 = %while3A_581 to %while3A_587 step %while3A_588  : i32 {
        %broadcast_in_dim3A_598 = vector.broadcast %while3A_597 : i32 to vector<16xi32>
        %gather3A_599 = arith.constant 7 : i32
        %gather3A_600 = arith.constant 0 : i32
        %gather3A_601 = tpu.memref_slice %arg16[%gather3A_599, %gather3A_600] : memref<8x16xi32, #tpu.memory_space<vmem>> -> memref<1x16xi32, #tpu.memory_space<vmem>>
        %gather3A_602 = tpu.memref_squeeze %gather3A_601 : memref<1x16xi32, #tpu.memory_space<vmem>> -> memref<16xi32, #tpu.memory_space<vmem>>
        %gather3A_603 = tpu.vector_load_idx %gather3A_602[%broadcast_in_dim3A_598] : memref<16xi32, #tpu.memory_space<vmem>>[vector<16xi32>], vector<16xi32>,
        %broadcast_in_dim3A_604 = vector.broadcast %while3A_597 : i32 to vector<16xi32>
        %gather3A_605 = arith.constant 7 : i32
        %gather3A_606 = arith.constant 0 : i32
        %gather3A_607 = tpu.memref_slice %arg17[%gather3A_605, %gather3A_606] : memref<8x16xi32, #tpu.memory_space<vmem>> -> memref<1x16xi32, #tpu.memory_space<vmem>>
        %gather3A_608 = tpu.memref_squeeze %gather3A_607 : memref<1x16xi32, #tpu.memory_space<vmem>> -> memref<16xi32, #tpu.memory_space<vmem>>
        %gather3A_609 = tpu.vector_load_idx %gather3A_608[%broadcast_in_dim3A_604] : memref<16xi32, #tpu.memory_space<vmem>>[vector<16xi32>], vector<16xi32>,
        %reduce_max3A_610 = arith.constant true
        %reduce_max3A_611 = vector.broadcast %reduce_max3A_610 : i1 to vector<16xi1>
        %reduce_max3A_612 = arith.constant -2147483648 : i32
        %reduce_max3A_613 = vector.broadcast %reduce_max3A_612 : i32 to vector<16xi32>
        %reduce_max3A_614 = arith.xori %gather3A_603, %reduce_max3A_613 : vector<16xi32>
        %reduce_max3A_615 = tpu.scan <max>, %reduce_max3A_614 masked %reduce_max3A_611 : vector<16xi32>, vector<16xi1> -> vector<16xi32>
        %reduce_max3A_616 = arith.xori %reduce_max3A_615, %reduce_max3A_613 : vector<16xi32>
        %reduce_max3A_617 = vector.extract %reduce_max3A_616[15] : i32 from vector<16xi32>
        %reduce_max3A_618 = arith.constant true
        %reduce_max3A_619 = vector.broadcast %reduce_max3A_618 : i1 to vector<16xi1>
        %reduce_max3A_620 = arith.constant -2147483648 : i32
        %reduce_max3A_621 = vector.broadcast %reduce_max3A_620 : i32 to vector<16xi32>
        %reduce_max3A_622 = arith.xori %gather3A_609, %reduce_max3A_621 : vector<16xi32>
        %reduce_max3A_623 = tpu.scan <max>, %reduce_max3A_622 masked %reduce_max3A_619 : vector<16xi32>, vector<16xi1> -> vector<16xi32>
        %reduce_max3A_624 = arith.xori %reduce_max3A_623, %reduce_max3A_621 : vector<16xi32>
        %reduce_max3A_625 = vector.extract %reduce_max3A_624[15] : i32 from vector<16xi32>
        %get3A_626 = arith.index_cast %reduce_max3A_625 : i32 to index
        %get3A_627 = arith.constant 0 : index
        %get3A_628 = tpu.vector_load %arg14[%get3A_626, %get3A_627] {strides = array<i32>} : memref<128x64xf32, #tpu.memory_space<vmem>>, vector<16xf32>,
        %swap3A_629 = arith.index_cast %reduce_max3A_617 : i32 to index
        %swap3A_630 = arith.constant 0 : index
        %swap3A_631 = tpu.vector_load %arg14[%swap3A_629, %swap3A_630] {strides = array<i32>} : memref<128x64xf32, #tpu.memory_space<vmem>>, vector<16xf32>,
        tpu.vector_store %arg14[%swap3A_629, %swap3A_630], %get3A_628 {strides = array<i32>} : memref<128x64xf32, #tpu.memory_space<vmem>>, vector<16xf32>,
        %get3A_632 = arith.index_cast %reduce_max3A_625 : i32 to index
        %get3A_633 = arith.constant 16 : index
        %get3A_634 = tpu.vector_load %arg14[%get3A_632, %get3A_633] {strides = array<i32>} : memref<128x64xf32, #tpu.memory_space<vmem>>, vector<16xf32>,
        %swap3A_635 = arith.index_cast %reduce_max3A_617 : i32 to index
        %swap3A_636 = arith.constant 16 : index
        %swap3A_637 = tpu.vector_load %arg14[%swap3A_635, %swap3A_636] {strides = array<i32>} : memref<128x64xf32, #tpu.memory_space<vmem>>, vector<16xf32>,
        tpu.vector_store %arg14[%swap3A_635, %swap3A_636], %get3A_634 {strides = array<i32>} : memref<128x64xf32, #tpu.memory_space<vmem>>, vector<16xf32>,
        %get3A_638 = arith.index_cast %reduce_max3A_625 : i32 to index
        %get3A_639 = arith.constant 32 : index
        %get3A_640 = tpu.vector_load %arg14[%get3A_638, %get3A_639] {strides = array<i32>} : memref<128x64xf32, #tpu.memory_space<vmem>>, vector<16xf32>,
        %swap3A_641 = arith.index_cast %reduce_max3A_617 : i32 to index
        %swap3A_642 = arith.constant 32 : index
        %swap3A_643 = tpu.vector_load %arg14[%swap3A_641, %swap3A_642] {strides = array<i32>} : memref<128x64xf32, #tpu.memory_space<vmem>>, vector<16xf32>,
        tpu.vector_store %arg14[%swap3A_641, %swap3A_642], %get3A_640 {strides = array<i32>} : memref<128x64xf32, #tpu.memory_space<vmem>>, vector<16xf32>,
        %get3A_644 = arith.index_cast %reduce_max3A_625 : i32 to index
        %get3A_645 = arith.constant 48 : index
        %get3A_646 = tpu.vector_load %arg14[%get3A_644, %get3A_645] {strides = array<i32>} : memref<128x64xf32, #tpu.memory_space<vmem>>, vector<16xf32>,
        %swap3A_647 = arith.index_cast %reduce_max3A_617 : i32 to index
        %swap3A_648 = arith.constant 48 : index
        %swap3A_649 = tpu.vector_load %arg14[%swap3A_647, %swap3A_648] {strides = array<i32>} : memref<128x64xf32, #tpu.memory_space<vmem>>, vector<16xf32>,
        tpu.vector_store %arg14[%swap3A_647, %swap3A_648], %get3A_646 {strides = array<i32>} : memref<128x64xf32, #tpu.memory_space<vmem>>, vector<16xf32>,
      }
      %while3A_589 = arith.constant 1 : i32
      scf.for %while3A_597 = %while3A_587 to %while3A_583 step %while3A_589  : i32 {
        %broadcast_in_dim3A_598 = vector.broadcast %while3A_597 : i32 to vector<16xi32>
        %gather3A_599 = arith.constant 7 : i32
        %gather3A_600 = arith.constant 0 : i32
        %gather3A_601 = tpu.memref_slice %arg16[%gather3A_599, %gather3A_600] : memref<8x16xi32, #tpu.memory_space<vmem>> -> memref<1x16xi32, #tpu.memory_space<vmem>>
        %gather3A_602 = tpu.memref_squeeze %gather3A_601 : memref<1x16xi32, #tpu.memory_space<vmem>> -> memref<16xi32, #tpu.memory_space<vmem>>
        %gather3A_603 = tpu.vector_load_idx %gather3A_602[%broadcast_in_dim3A_598] : memref<16xi32, #tpu.memory_space<vmem>>[vector<16xi32>], vector<16xi32>,
        %broadcast_in_dim3A_604 = vector.broadcast %while3A_597 : i32 to vector<16xi32>
        %gather3A_605 = arith.constant 7 : i32
        %gather3A_606 = arith.constant 0 : i32
        %gather3A_607 = tpu.memref_slice %arg17[%gather3A_605, %gather3A_606] : memref<8x16xi32, #tpu.memory_space<vmem>> -> memref<1x16xi32, #tpu.memory_space<vmem>>
        %gather3A_608 = tpu.memref_squeeze %gather3A_607 : memref<1x16xi32, #tpu.memory_space<vmem>> -> memref<16xi32, #tpu.memory_space<vmem>>
        %gather3A_609 = tpu.vector_load_idx %gather3A_608[%broadcast_in_dim3A_604] : memref<16xi32, #tpu.memory_space<vmem>>[vector<16xi32>], vector<16xi32>,
        %reduce_max3A_610 = arith.constant true
        %reduce_max3A_611 = vector.broadcast %reduce_max3A_610 : i1 to vector<16xi1>
        %reduce_max3A_612 = arith.constant -2147483648 : i32
        %reduce_max3A_613 = vector.broadcast %reduce_max3A_612 : i32 to vector<16xi32>
        %reduce_max3A_614 = arith.xori %gather3A_603, %reduce_max3A_613 : vector<16xi32>
        %reduce_max3A_615 = tpu.scan <max>, %reduce_max3A_614 masked %reduce_max3A_611 : vector<16xi32>, vector<16xi1> -> vector<16xi32>
        %reduce_max3A_616 = arith.xori %reduce_max3A_615, %reduce_max3A_613 : vector<16xi32>
        %reduce_max3A_617 = vector.extract %reduce_max3A_616[15] : i32 from vector<16xi32>
        %reduce_max3A_618 = arith.constant true
        %reduce_max3A_619 = vector.broadcast %reduce_max3A_618 : i1 to vector<16xi1>
        %reduce_max3A_620 = arith.constant -2147483648 : i32
        %reduce_max3A_621 = vector.broadcast %reduce_max3A_620 : i32 to vector<16xi32>
        %reduce_max3A_622 = arith.xori %gather3A_609, %reduce_max3A_621 : vector<16xi32>
        %reduce_max3A_623 = tpu.scan <max>, %reduce_max3A_622 masked %reduce_max3A_619 : vector<16xi32>, vector<16xi1> -> vector<16xi32>
        %reduce_max3A_624 = arith.xori %reduce_max3A_623, %reduce_max3A_621 : vector<16xi32>
        %reduce_max3A_625 = vector.extract %reduce_max3A_624[15] : i32 from vector<16xi32>
        %get3A_626 = arith.index_cast %reduce_max3A_625 : i32 to index
        %get3A_627 = arith.constant 0 : index
        %get3A_628 = tpu.vector_load %arg14[%get3A_626, %get3A_627] {strides = array<i32>} : memref<128x64xf32, #tpu.memory_space<vmem>>, vector<16xf32>,
        %swap3A_629 = arith.index_cast %reduce_max3A_617 : i32 to index
        %swap3A_630 = arith.constant 0 : index
        %swap3A_631 = tpu.vector_load %arg14[%swap3A_629, %swap3A_630] {strides = array<i32>} : memref<128x64xf32, #tpu.memory_space<vmem>>, vector<16xf32>,
        tpu.vector_store %arg14[%swap3A_629, %swap3A_630], %get3A_628 {strides = array<i32>} : memref<128x64xf32, #tpu.memory_space<vmem>>, vector<16xf32>,
        %get3A_632 = arith.index_cast %reduce_max3A_625 : i32 to index
        %get3A_633 = arith.constant 16 : index
        %get3A_634 = tpu.vector_load %arg14[%get3A_632, %get3A_633] {strides = array<i32>} : memref<128x64xf32, #tpu.memory_space<vmem>>, vector<16xf32>,
        %swap3A_635 = arith.index_cast %reduce_max3A_617 : i32 to index
        %swap3A_636 = arith.constant 16 : index
        %swap3A_637 = tpu.vector_load %arg14[%swap3A_635, %swap3A_636] {strides = array<i32>} : memref<128x64xf32, #tpu.memory_space<vmem>>, vector<16xf32>,
        tpu.vector_store %arg14[%swap3A_635, %swap3A_636], %get3A_634 {strides = array<i32>} : memref<128x64xf32, #tpu.memory_space<vmem>>, vector<16xf32>,
        %get3A_638 = arith.index_cast %reduce_max3A_625 : i32 to index
        %get3A_639 = arith.constant 32 : index
        %get3A_640 = tpu.vector_load %arg14[%get3A_638, %get3A_639] {strides = array<i32>} : memref<128x64xf32, #tpu.memory_space<vmem>>, vector<16xf32>,
        %swap3A_641 = arith.index_cast %reduce_max3A_617 : i32 to index
        %swap3A_642 = arith.constant 32 : index
        %swap3A_643 = tpu.vector_load %arg14[%swap3A_641, %swap3A_642] {strides = array<i32>} : memref<128x64xf32, #tpu.memory_space<vmem>>, vector<16xf32>,
        tpu.vector_store %arg14[%swap3A_641, %swap3A_642], %get3A_640 {strides = array<i32>} : memref<128x64xf32, #tpu.memory_space<vmem>>, vector<16xf32>,
        %get3A_644 = arith.index_cast %reduce_max3A_625 : i32 to index
        %get3A_645 = arith.constant 48 : index
        %get3A_646 = tpu.vector_load %arg14[%get3A_644, %get3A_645] {strides = array<i32>} : memref<128x64xf32, #tpu.memory_space<vmem>>, vector<16xf32>,
        %swap3A_647 = arith.index_cast %reduce_max3A_617 : i32 to index
        %swap3A_648 = arith.constant 48 : index
        %swap3A_649 = tpu.vector_load %arg14[%swap3A_647, %swap3A_648] {strides = array<i32>} : memref<128x64xf32, #tpu.memory_space<vmem>>, vector<16xf32>,
        tpu.vector_store %arg14[%swap3A_647, %swap3A_648], %get3A_646 {strides = array<i32>} : memref<128x64xf32, #tpu.memory_space<vmem>>, vector<16xf32>,
      }
      %scan3A_590 = arith.constant 0 : i32
      %scan3A_591 = arith.constant 0 : i32
      %scan3A_592 = arith.constant 128 : i32
      %scan3A_593 = arith.addi %scan3A_591, %scan3A_592 : i32
      %scan3A_594 = arith.constant 1 : i32
      scf.for %scan3A_597 = %scan3A_591 to %scan3A_593 step %scan3A_594  : i32 {
        %broadcast_in_dim3A_598 = vector.broadcast %scan3A_597 : i32 to vector<16xi32>
        %gather3A_599 = tpu.vector_load_idx %arg11[%broadcast_in_dim3A_598] : memref<128xf32, #tpu.memory_space<vmem>>[vector<16xi32>], vector<16xf32>,
        %get3A_600 = arith.index_cast %scan3A_597 : i32 to index
        %get3A_601 = arith.constant 0 : index
        %get3A_602 = tpu.vector_load %arg14[%get3A_600, %get3A_601] {strides = array<i32>} : memref<128x64xf32, #tpu.memory_space<vmem>>, vector<16xf32>,
        %mul3A_603 = arith.mulf %get3A_602, %gather3A_599 : vector<16xf32>
        %swap3A_604 = arith.index_cast %scan3A_597 : i32 to index
        %swap3A_605 = arith.constant 0 : index
        %swap3A_606 = tpu.vector_load %arg14[%swap3A_604, %swap3A_605] {strides = array<i32>} : memref<128x64xf32, #tpu.memory_space<vmem>>, vector<16xf32>,
        tpu.vector_store %arg14[%swap3A_604, %swap3A_605], %mul3A_603 {strides = array<i32>} : memref<128x64xf32, #tpu.memory_space<vmem>>, vector<16xf32>,
        %get3A_607 = arith.index_cast %scan3A_597 : i32 to index
        %get3A_608 = arith.constant 16 : index
        %get3A_609 = tpu.vector_load %arg14[%get3A_607, %get3A_608] {strides = array<i32>} : memref<128x64xf32, #tpu.memory_space<vmem>>, vector<16xf32>,
        %mul3A_610 = arith.mulf %get3A_609, %gather3A_599 : vector<16xf32>
        %swap3A_611 = arith.index_cast %scan3A_597 : i32 to index
        %swap3A_612 = arith.constant 16 : index
        %swap3A_613 = tpu.vector_load %arg14[%swap3A_611, %swap3A_612] {strides = array<i32>} : memref<128x64xf32, #tpu.memory_space<vmem>>, vector<16xf32>,
        tpu.vector_store %arg14[%swap3A_611, %swap3A_612], %mul3A_610 {strides = array<i32>} : memref<128x64xf32, #tpu.memory_space<vmem>>, vector<16xf32>,
        %get3A_614 = arith.index_cast %scan3A_597 : i32 to index
        %get3A_615 = arith.constant 32 : index
        %get3A_616 = tpu.vector_load %arg14[%get3A_614, %get3A_615] {strides = array<i32>} : memref<128x64xf32, #tpu.memory_space<vmem>>, vector<16xf32>,
        %mul3A_617 = arith.mulf %get3A_616, %gather3A_599 : vector<16xf32>
        %swap3A_618 = arith.index_cast %scan3A_597 : i32 to index
        %swap3A_619 = arith.constant 32 : index
        %swap3A_620 = tpu.vector_load %arg14[%swap3A_618, %swap3A_619] {strides = array<i32>} : memref<128x64xf32, #tpu.memory_space<vmem>>, vector<16xf32>,
        tpu.vector_store %arg14[%swap3A_618, %swap3A_619], %mul3A_617 {strides = array<i32>} : memref<128x64xf32, #tpu.memory_space<vmem>>, vector<16xf32>,
        %get3A_621 = arith.index_cast %scan3A_597 : i32 to index
        %get3A_622 = arith.constant 48 : index
        %get3A_623 = tpu.vector_load %arg14[%get3A_621, %get3A_622] {strides = array<i32>} : memref<128x64xf32, #tpu.memory_space<vmem>>, vector<16xf32>,
        %mul3A_624 = arith.mulf %get3A_623, %gather3A_599 : vector<16xf32>
        %swap3A_625 = arith.index_cast %scan3A_597 : i32 to index
        %swap3A_626 = arith.constant 48 : index
        %swap3A_627 = tpu.vector_load %arg14[%swap3A_625, %swap3A_626] {strides = array<i32>} : memref<128x64xf32, #tpu.memory_space<vmem>>, vector<16xf32>,
        tpu.vector_store %arg14[%swap3A_625, %swap3A_626], %mul3A_624 {strides = array<i32>} : memref<128x64xf32, #tpu.memory_space<vmem>>, vector<16xf32>,
      }
      %scan3A_595 = arith.constant 128 : i32
      %run_scoped3A_596 = arith.constant 0 : i32
      "tpu.region"() ({
        %run_scoped3A_597 = tpu.sem_alloc : memref<!tpu.dma_semaphore, #tpu.memory_space<semaphore_mem>>
        %dma_start3A_598 = arith.constant 0 : i32
        %dma_start3A_599 = tpu.memref_slice %arg10[%run_scoped3A_596, %dma_start3A_598] : memref<1x128xi32, #tpu.memory_space<vmem>> -> memref<1x128xi32, #tpu.memory_space<vmem>>
        %dma_start3A_600 = tpu.memref_squeeze %dma_start3A_599 : memref<1x128xi32, #tpu.memory_space<vmem>> -> memref<128xi32, #tpu.memory_space<vmem>>
        %dma_start3A_601 = arith.constant 0 : i32
        %dma_start3A_602 = arith.constant 0 : i32
        %dma_start3A_603 = tpu.memref_slice %arg20[%dma_start3A_601, %dma_start3A_602] : memref<10240x64xf32, #tpu.memory_space<vmem_shared>> -> memref<10240x64xf32, #tpu.memory_space<vmem_shared>>
        tpu.enqueue_indirect_dma source(%arg14 : memref<128x64xf32, #tpu.memory_space<vmem>>) target(%dma_start3A_603 : memref<10240x64xf32, #tpu.memory_space<vmem_shared>>) offsets(%dma_start3A_600 : memref<128xi32, #tpu.memory_space<vmem>>) semaphore(%run_scoped3A_597 : memref<!tpu.dma_semaphore, #tpu.memory_space<semaphore_mem>>) {add = true}
        %dma_wait3A_604 = arith.constant 0 : i32
        %dma_wait3A_605 = tpu.memref_slice %arg10[%run_scoped3A_596, %dma_wait3A_604] : memref<1x128xi32, #tpu.memory_space<vmem>> -> memref<1x128xi32, #tpu.memory_space<vmem>>
        %dma_wait3A_606 = tpu.memref_squeeze %dma_wait3A_605 : memref<1x128xi32, #tpu.memory_space<vmem>> -> memref<128xi32, #tpu.memory_space<vmem>>
        %dma_wait3A_607 = arith.constant 0 : i32
        %dma_wait3A_608 = arith.constant 0 : i32
        %dma_wait3A_609 = tpu.memref_slice %arg20[%dma_wait3A_607, %dma_wait3A_608] : memref<10240x64xf32, #tpu.memory_space<vmem_shared>> -> memref<10240x64xf32, #tpu.memory_space<vmem_shared>>
        tpu.wait_indirect_dma semaphore(%run_scoped3A_597 : memref<!tpu.dma_semaphore, #tpu.memory_space<semaphore_mem>>) src(%arg14 : memref<128x64xf32, #tpu.memory_space<vmem>>) dst(%dma_wait3A_609 : memref<10240x64xf32, #tpu.memory_space<vmem_shared>>)
        tpu.yield
      }) : () -> ()
    }
    %scan3A_29 = arith.constant 162 : i32
    %barrier3A_30 = arith.constant 0 : index
    tpu.barrier barrier_id(%barrier3A_30)
    "tpu.region"() ({
      %run_scoped3A = tpu.sem_alloc : memref<!tpu.dma_semaphore, #tpu.memory_space<semaphore_mem>>
      %dma_start3A = arith.constant 0 : i32
      %dma_start3A_98 = tpu.memref_slice %arg6[%arg0, %dma_start3A] : memref<2x64xf32, #tpu.memory_space<hbm>> -> memref<1x64xf32, #tpu.memory_space<hbm>>
      %dma_start3A_99 = tpu.memref_squeeze %dma_start3A_98 : memref<1x64xf32, #tpu.memory_space<hbm>> -> memref<64xf32, #tpu.memory_space<hbm>>
      %dma_start3A_100 = arith.constant 0 : i32
      %dma_start3A_101 = tpu.memref_slice %arg6[%arg0, %dma_start3A_100] : memref<2x64xf32, #tpu.memory_space<hbm>> -> memref<1x64xf32, #tpu.memory_space<hbm>>
      %dma_start3A_102 = tpu.memref_squeeze %dma_start3A_101 : memref<1x64xf32, #tpu.memory_space<hbm>> -> memref<64xf32, #tpu.memory_space<hbm>>
      tpu.enqueue_dma source(%dma_start3A_102 : memref<64xf32, #tpu.memory_space<hbm>>) target(%arg15 : memref<64xf32, #tpu.memory_space<vmem>>) target_semaphore(%run_scoped3A : memref<!tpu.dma_semaphore, #tpu.memory_space<semaphore_mem>>)
      %dma_wait3A = arith.constant 0 : i32
      %dma_wait3A_103 = tpu.memref_slice %arg6[%arg0, %dma_wait3A] : memref<2x64xf32, #tpu.memory_space<hbm>> -> memref<1x64xf32, #tpu.memory_space<hbm>>
      %dma_wait3A_104 = tpu.memref_squeeze %dma_wait3A_103 : memref<1x64xf32, #tpu.memory_space<hbm>> -> memref<64xf32, #tpu.memory_space<hbm>>
      %dma_wait3A_105 = arith.constant 0 : i32
      %dma_wait3A_106 = tpu.memref_slice %arg6[%arg0, %dma_wait3A_105] : memref<2x64xf32, #tpu.memory_space<hbm>> -> memref<1x64xf32, #tpu.memory_space<hbm>>
      %dma_wait3A_107 = tpu.memref_squeeze %dma_wait3A_106 : memref<1x64xf32, #tpu.memory_space<hbm>> -> memref<64xf32, #tpu.memory_space<hbm>>
      tpu.wait_dma2 semaphore(%run_scoped3A : memref<!tpu.dma_semaphore, #tpu.memory_space<semaphore_mem>>) src(%dma_wait3A_107 : memref<64xf32, #tpu.memory_space<hbm>>) dst(%arg15 : memref<64xf32, #tpu.memory_space<vmem>>)
      tpu.yield
    }) : () -> ()
    %get3A = arith.constant 0 : index
    %get3A_31 = tpu.vector_load %arg15[%get3A] {strides = array<i32>} : memref<64xf32, #tpu.memory_space<vmem>>, vector<16xf32>,
    %get3A_32 = arith.constant 16 : index
    %get3A_33 = tpu.vector_load %arg15[%get3A_32] {strides = array<i32>} : memref<64xf32, #tpu.memory_space<vmem>>, vector<16xf32>,
    %get3A_34 = arith.constant 32 : index
    %get3A_35 = tpu.vector_load %arg15[%get3A_34] {strides = array<i32>} : memref<64xf32, #tpu.memory_space<vmem>>, vector<16xf32>,
    %get3A_36 = arith.constant 48 : index
    %get3A_37 = tpu.vector_load %arg15[%get3A_36] {strides = array<i32>} : memref<64xf32, #tpu.memory_space<vmem>>, vector<16xf32>,
    %add3A_38 = arith.constant 0 : i32
    %add3A_39 = arith.addi %mul3A_1, %add3A_38 : i32
    "tpu.region"() ({
      %run_scoped3A = tpu.sem_alloc : memref<!tpu.dma_semaphore, #tpu.memory_space<semaphore_mem>>
      %dma_start3A = arith.constant 0 : i32
      %dma_start3A_98 = tpu.memref_slice %arg20[%add3A_39, %dma_start3A] : memref<10240x64xf32, #tpu.memory_space<vmem_shared>> -> memref<128x64xf32, #tpu.memory_space<vmem_shared>>
      %dma_start3A_99 = arith.constant 0 : i32
      %dma_start3A_100 = tpu.memref_slice %arg20[%add3A_39, %dma_start3A_99] : memref<10240x64xf32, #tpu.memory_space<vmem_shared>> -> memref<128x64xf32, #tpu.memory_space<vmem_shared>>
      tpu.enqueue_dma source(%dma_start3A_100 : memref<128x64xf32, #tpu.memory_space<vmem_shared>>) target(%arg14 : memref<128x64xf32, #tpu.memory_space<vmem>>) target_semaphore(%run_scoped3A : memref<!tpu.dma_semaphore, #tpu.memory_space<semaphore_mem>>)
      %dma_wait3A = arith.constant 0 : i32
      %dma_wait3A_101 = tpu.memref_slice %arg20[%add3A_39, %dma_wait3A] : memref<10240x64xf32, #tpu.memory_space<vmem_shared>> -> memref<128x64xf32, #tpu.memory_space<vmem_shared>>
      %dma_wait3A_102 = arith.constant 0 : i32
      %dma_wait3A_103 = tpu.memref_slice %arg20[%add3A_39, %dma_wait3A_102] : memref<10240x64xf32, #tpu.memory_space<vmem_shared>> -> memref<128x64xf32, #tpu.memory_space<vmem_shared>>
      tpu.wait_dma2 semaphore(%run_scoped3A : memref<!tpu.dma_semaphore, #tpu.memory_space<semaphore_mem>>) src(%dma_wait3A_103 : memref<128x64xf32, #tpu.memory_space<vmem_shared>>) dst(%arg14 : memref<128x64xf32, #tpu.memory_space<vmem>>)
      tpu.yield
    }) : () -> ()
    %add3A_40 = arith.constant 0 : i32
    %add3A_41 = arith.addi %mul3A_1, %add3A_40 : i32
    "tpu.region"() ({
      %run_scoped3A = tpu.sem_alloc : memref<!tpu.dma_semaphore, #tpu.memory_space<semaphore_mem>>
      %dma_start3A = tpu.memref_slice %arg7[%add3A_41] : memref<10240xf32, #tpu.memory_space<hbm>> -> memref<128xf32, #tpu.memory_space<hbm>>
      %dma_start3A_98 = tpu.memref_slice %arg7[%add3A_41] : memref<10240xf32, #tpu.memory_space<hbm>> -> memref<128xf32, #tpu.memory_space<hbm>>
      tpu.enqueue_dma source(%dma_start3A_98 : memref<128xf32, #tpu.memory_space<hbm>>) target(%arg13 : memref<128xf32, #tpu.memory_space<vmem>>) target_semaphore(%run_scoped3A : memref<!tpu.dma_semaphore, #tpu.memory_space<semaphore_mem>>)
      %dma_wait3A = tpu.memref_slice %arg7[%add3A_41] : memref<10240xf32, #tpu.memory_space<hbm>> -> memref<128xf32, #tpu.memory_space<hbm>>
      %dma_wait3A_99 = tpu.memref_slice %arg7[%add3A_41] : memref<10240xf32, #tpu.memory_space<hbm>> -> memref<128xf32, #tpu.memory_space<hbm>>
      tpu.wait_dma2 semaphore(%run_scoped3A : memref<!tpu.dma_semaphore, #tpu.memory_space<semaphore_mem>>) src(%dma_wait3A_99 : memref<128xf32, #tpu.memory_space<hbm>>) dst(%arg13 : memref<128xf32, #tpu.memory_space<vmem>>)
      tpu.yield
    }) : () -> ()
    %scan3A_42 = arith.constant 0 : i32
    %scan3A_43 = arith.constant 0 : i32
    %scan3A_44 = arith.constant 128 : i32
    %scan3A_45 = arith.addi %scan3A_43, %scan3A_44 : i32
    %scan3A_46 = arith.constant 1 : i32
    scf.for %scan3A_98 = %scan3A_43 to %scan3A_45 step %scan3A_46  : i32 {
      %broadcast_in_dim3A_99 = vector.broadcast %scan3A_98 : i32 to vector<16xi32>
      %gather3A = tpu.vector_load_idx %arg13[%broadcast_in_dim3A_99] : memref<128xf32, #tpu.memory_space<vmem>>[vector<16xi32>], vector<16xf32>,
      %get3A_100 = arith.index_cast %scan3A_98 : i32 to index
      %get3A_101 = arith.constant 0 : index
      %get3A_102 = tpu.vector_load %arg14[%get3A_100, %get3A_101] {strides = array<i32>} : memref<128x64xf32, #tpu.memory_space<vmem>>, vector<16xf32>,
      %mul3A_103 = arith.mulf %get3A_102, %gather3A : vector<16xf32>
      %add3A_104 = arith.addf %mul3A_103, %get3A_31 : vector<16xf32>
      %swap3A = arith.index_cast %scan3A_98 : i32 to index
      %swap3A_105 = arith.constant 0 : index
      %swap3A_106 = tpu.vector_load %arg14[%swap3A, %swap3A_105] {strides = array<i32>} : memref<128x64xf32, #tpu.memory_space<vmem>>, vector<16xf32>,
      tpu.vector_store %arg14[%swap3A, %swap3A_105], %add3A_104 {strides = array<i32>} : memref<128x64xf32, #tpu.memory_space<vmem>>, vector<16xf32>,
      %get3A_107 = arith.index_cast %scan3A_98 : i32 to index
      %get3A_108 = arith.constant 16 : index
      %get3A_109 = tpu.vector_load %arg14[%get3A_107, %get3A_108] {strides = array<i32>} : memref<128x64xf32, #tpu.memory_space<vmem>>, vector<16xf32>,
      %mul3A_110 = arith.mulf %get3A_109, %gather3A : vector<16xf32>
      %add3A_111 = arith.addf %mul3A_110, %get3A_33 : vector<16xf32>
      %swap3A_112 = arith.index_cast %scan3A_98 : i32 to index
      %swap3A_113 = arith.constant 16 : index
      %swap3A_114 = tpu.vector_load %arg14[%swap3A_112, %swap3A_113] {strides = array<i32>} : memref<128x64xf32, #tpu.memory_space<vmem>>, vector<16xf32>,
      tpu.vector_store %arg14[%swap3A_112, %swap3A_113], %add3A_111 {strides = array<i32>} : memref<128x64xf32, #tpu.memory_space<vmem>>, vector<16xf32>,
      %get3A_115 = arith.index_cast %scan3A_98 : i32 to index
      %get3A_116 = arith.constant 32 : index
      %get3A_117 = tpu.vector_load %arg14[%get3A_115, %get3A_116] {strides = array<i32>} : memref<128x64xf32, #tpu.memory_space<vmem>>, vector<16xf32>,
      %mul3A_118 = arith.mulf %get3A_117, %gather3A : vector<16xf32>
      %add3A_119 = arith.addf %mul3A_118, %get3A_35 : vector<16xf32>
      %swap3A_120 = arith.index_cast %scan3A_98 : i32 to index
      %swap3A_121 = arith.constant 32 : index
      %swap3A_122 = tpu.vector_load %arg14[%swap3A_120, %swap3A_121] {strides = array<i32>} : memref<128x64xf32, #tpu.memory_space<vmem>>, vector<16xf32>,
      tpu.vector_store %arg14[%swap3A_120, %swap3A_121], %add3A_119 {strides = array<i32>} : memref<128x64xf32, #tpu.memory_space<vmem>>, vector<16xf32>,
      %get3A_123 = arith.index_cast %scan3A_98 : i32 to index
      %get3A_124 = arith.constant 48 : index
      %get3A_125 = tpu.vector_load %arg14[%get3A_123, %get3A_124] {strides = array<i32>} : memref<128x64xf32, #tpu.memory_space<vmem>>, vector<16xf32>,
      %mul3A_126 = arith.mulf %get3A_125, %gather3A : vector<16xf32>
      %add3A_127 = arith.addf %mul3A_126, %get3A_37 : vector<16xf32>
      %swap3A_128 = arith.index_cast %scan3A_98 : i32 to index
      %swap3A_129 = arith.constant 48 : index
      %swap3A_130 = tpu.vector_load %arg14[%swap3A_128, %swap3A_129] {strides = array<i32>} : memref<128x64xf32, #tpu.memory_space<vmem>>, vector<16xf32>,
      tpu.vector_store %arg14[%swap3A_128, %swap3A_129], %add3A_127 {strides = array<i32>} : memref<128x64xf32, #tpu.memory_space<vmem>>, vector<16xf32>,
    }
    %scan3A_47 = arith.constant 128 : i32
    %add3A_48 = arith.constant 0 : i32
    %add3A_49 = arith.addi %mul3A_1, %add3A_48 : i32
    "tpu.region"() ({
      %run_scoped3A = tpu.sem_alloc : memref<!tpu.dma_semaphore, #tpu.memory_space<semaphore_mem>>
      %dma_start3A = arith.constant 0 : i32
      %dma_start3A_98 = tpu.memref_slice %arg8[%arg0, %add3A_49, %dma_start3A] : memref<2x10240x64xf32, #tpu.memory_space<hbm>> -> memref<1x128x64xf32, #tpu.memory_space<hbm>>
      %dma_start3A_99 = tpu.memref_squeeze %dma_start3A_98 : memref<1x128x64xf32, #tpu.memory_space<hbm>> -> memref<128x64xf32, #tpu.memory_space<hbm>>
      %dma_start3A_100 = arith.constant 0 : i32
      %dma_start3A_101 = tpu.memref_slice %arg8[%arg0, %add3A_49, %dma_start3A_100] : memref<2x10240x64xf32, #tpu.memory_space<hbm>> -> memref<1x128x64xf32, #tpu.memory_space<hbm>>
      %dma_start3A_102 = tpu.memref_squeeze %dma_start3A_101 : memref<1x128x64xf32, #tpu.memory_space<hbm>> -> memref<128x64xf32, #tpu.memory_space<hbm>>
      tpu.enqueue_dma source(%arg14 : memref<128x64xf32, #tpu.memory_space<vmem>>) target(%dma_start3A_102 : memref<128x64xf32, #tpu.memory_space<hbm>>) target_semaphore(%run_scoped3A : memref<!tpu.dma_semaphore, #tpu.memory_space<semaphore_mem>>)
      %dma_wait3A = arith.constant 0 : i32
      %dma_wait3A_103 = tpu.memref_slice %arg8[%arg0, %add3A_49, %dma_wait3A] : memref<2x10240x64xf32, #tpu.memory_space<hbm>> -> memref<1x128x64xf32, #tpu.memory_space<hbm>>
      %dma_wait3A_104 = tpu.memref_squeeze %dma_wait3A_103 : memref<1x128x64xf32, #tpu.memory_space<hbm>> -> memref<128x64xf32, #tpu.memory_space<hbm>>
      %dma_wait3A_105 = arith.constant 0 : i32
      %dma_wait3A_106 = tpu.memref_slice %arg8[%arg0, %add3A_49, %dma_wait3A_105] : memref<2x10240x64xf32, #tpu.memory_space<hbm>> -> memref<1x128x64xf32, #tpu.memory_space<hbm>>
      %dma_wait3A_107 = tpu.memref_squeeze %dma_wait3A_106 : memref<1x128x64xf32, #tpu.memory_space<hbm>> -> memref<128x64xf32, #tpu.memory_space<hbm>>
      tpu.wait_dma2 semaphore(%run_scoped3A : memref<!tpu.dma_semaphore, #tpu.memory_space<semaphore_mem>>) src(%arg14 : memref<128x64xf32, #tpu.memory_space<vmem>>) dst(%dma_wait3A_107 : memref<128x64xf32, #tpu.memory_space<hbm>>)
      tpu.yield
    }) : () -> ()
    %add3A_50 = arith.constant 128 : i32
    %add3A_51 = arith.addi %mul3A_1, %add3A_50 : i32
    "tpu.region"() ({
      %run_scoped3A = tpu.sem_alloc : memref<!tpu.dma_semaphore, #tpu.memory_space<semaphore_mem>>
      %dma_start3A = arith.constant 0 : i32
      %dma_start3A_98 = tpu.memref_slice %arg20[%add3A_51, %dma_start3A] : memref<10240x64xf32, #tpu.memory_space<vmem_shared>> -> memref<128x64xf32, #tpu.memory_space<vmem_shared>>
      %dma_start3A_99 = arith.constant 0 : i32
      %dma_start3A_100 = tpu.memref_slice %arg20[%add3A_51, %dma_start3A_99] : memref<10240x64xf32, #tpu.memory_space<vmem_shared>> -> memref<128x64xf32, #tpu.memory_space<vmem_shared>>
      tpu.enqueue_dma source(%dma_start3A_100 : memref<128x64xf32, #tpu.memory_space<vmem_shared>>) target(%arg14 : memref<128x64xf32, #tpu.memory_space<vmem>>) target_semaphore(%run_scoped3A : memref<!tpu.dma_semaphore, #tpu.memory_space<semaphore_mem>>)
      %dma_wait3A = arith.constant 0 : i32
      %dma_wait3A_101 = tpu.memref_slice %arg20[%add3A_51, %dma_wait3A] : memref<10240x64xf32, #tpu.memory_space<vmem_shared>> -> memref<128x64xf32, #tpu.memory_space<vmem_shared>>
      %dma_wait3A_102 = arith.constant 0 : i32
      %dma_wait3A_103 = tpu.memref_slice %arg20[%add3A_51, %dma_wait3A_102] : memref<10240x64xf32, #tpu.memory_space<vmem_shared>> -> memref<128x64xf32, #tpu.memory_space<vmem_shared>>
      tpu.wait_dma2 semaphore(%run_scoped3A : memref<!tpu.dma_semaphore, #tpu.memory_space<semaphore_mem>>) src(%dma_wait3A_103 : memref<128x64xf32, #tpu.memory_space<vmem_shared>>) dst(%arg14 : memref<128x64xf32, #tpu.memory_space<vmem>>)
      tpu.yield
    }) : () -> ()
    %add3A_52 = arith.constant 128 : i32
    %add3A_53 = arith.addi %mul3A_1, %add3A_52 : i32
    "tpu.region"() ({
      %run_scoped3A = tpu.sem_alloc : memref<!tpu.dma_semaphore, #tpu.memory_space<semaphore_mem>>
      %dma_start3A = tpu.memref_slice %arg7[%add3A_53] : memref<10240xf32, #tpu.memory_space<hbm>> -> memref<128xf32, #tpu.memory_space<hbm>>
      %dma_start3A_98 = tpu.memref_slice %arg7[%add3A_53] : memref<10240xf32, #tpu.memory_space<hbm>> -> memref<128xf32, #tpu.memory_space<hbm>>
      tpu.enqueue_dma source(%dma_start3A_98 : memref<128xf32, #tpu.memory_space<hbm>>) target(%arg13 : memref<128xf32, #tpu.memory_space<vmem>>) target_semaphore(%run_scoped3A : memref<!tpu.dma_semaphore, #tpu.memory_space<semaphore_mem>>)
      %dma_wait3A = tpu.memref_slice %arg7[%add3A_53] : memref<10240xf32, #tpu.memory_space<hbm>> -> memref<128xf32, #tpu.memory_space<hbm>>
      %dma_wait3A_99 = tpu.memref_slice %arg7[%add3A_53] : memref<10240xf32, #tpu.memory_space<hbm>> -> memref<128xf32, #tpu.memory_space<hbm>>
      tpu.wait_dma2 semaphore(%run_scoped3A : memref<!tpu.dma_semaphore, #tpu.memory_space<semaphore_mem>>) src(%dma_wait3A_99 : memref<128xf32, #tpu.memory_space<hbm>>) dst(%arg13 : memref<128xf32, #tpu.memory_space<vmem>>)
      tpu.yield
    }) : () -> ()
    %scan3A_54 = arith.constant 0 : i32
    %scan3A_55 = arith.constant 0 : i32
    %scan3A_56 = arith.constant 128 : i32
    %scan3A_57 = arith.addi %scan3A_55, %scan3A_56 : i32
    %scan3A_58 = arith.constant 1 : i32
    scf.for %scan3A_98 = %scan3A_55 to %scan3A_57 step %scan3A_58  : i32 {
      %broadcast_in_dim3A_99 = vector.broadcast %scan3A_98 : i32 to vector<16xi32>
      %gather3A = tpu.vector_load_idx %arg13[%broadcast_in_dim3A_99] : memref<128xf32, #tpu.memory_space<vmem>>[vector<16xi32>], vector<16xf32>,
      %get3A_100 = arith.index_cast %scan3A_98 : i32 to index
      %get3A_101 = arith.constant 0 : index
      %get3A_102 = tpu.vector_load %arg14[%get3A_100, %get3A_101] {strides = array<i32>} : memref<128x64xf32, #tpu.memory_space<vmem>>, vector<16xf32>,
      %mul3A_103 = arith.mulf %get3A_102, %gather3A : vector<16xf32>
      %add3A_104 = arith.addf %mul3A_103, %get3A_31 : vector<16xf32>
      %swap3A = arith.index_cast %scan3A_98 : i32 to index
      %swap3A_105 = arith.constant 0 : index
      %swap3A_106 = tpu.vector_load %arg14[%swap3A, %swap3A_105] {strides = array<i32>} : memref<128x64xf32, #tpu.memory_space<vmem>>, vector<16xf32>,
      tpu.vector_store %arg14[%swap3A, %swap3A_105], %add3A_104 {strides = array<i32>} : memref<128x64xf32, #tpu.memory_space<vmem>>, vector<16xf32>,
      %get3A_107 = arith.index_cast %scan3A_98 : i32 to index
      %get3A_108 = arith.constant 16 : index
      %get3A_109 = tpu.vector_load %arg14[%get3A_107, %get3A_108] {strides = array<i32>} : memref<128x64xf32, #tpu.memory_space<vmem>>, vector<16xf32>,
      %mul3A_110 = arith.mulf %get3A_109, %gather3A : vector<16xf32>
      %add3A_111 = arith.addf %mul3A_110, %get3A_33 : vector<16xf32>
      %swap3A_112 = arith.index_cast %scan3A_98 : i32 to index
      %swap3A_113 = arith.constant 16 : index
      %swap3A_114 = tpu.vector_load %arg14[%swap3A_112, %swap3A_113] {strides = array<i32>} : memref<128x64xf32, #tpu.memory_space<vmem>>, vector<16xf32>,
      tpu.vector_store %arg14[%swap3A_112, %swap3A_113], %add3A_111 {strides = array<i32>} : memref<128x64xf32, #tpu.memory_space<vmem>>, vector<16xf32>,
      %get3A_115 = arith.index_cast %scan3A_98 : i32 to index
      %get3A_116 = arith.constant 32 : index
      %get3A_117 = tpu.vector_load %arg14[%get3A_115, %get3A_116] {strides = array<i32>} : memref<128x64xf32, #tpu.memory_space<vmem>>, vector<16xf32>,
      %mul3A_118 = arith.mulf %get3A_117, %gather3A : vector<16xf32>
      %add3A_119 = arith.addf %mul3A_118, %get3A_35 : vector<16xf32>
      %swap3A_120 = arith.index_cast %scan3A_98 : i32 to index
      %swap3A_121 = arith.constant 32 : index
      %swap3A_122 = tpu.vector_load %arg14[%swap3A_120, %swap3A_121] {strides = array<i32>} : memref<128x64xf32, #tpu.memory_space<vmem>>, vector<16xf32>,
      tpu.vector_store %arg14[%swap3A_120, %swap3A_121], %add3A_119 {strides = array<i32>} : memref<128x64xf32, #tpu.memory_space<vmem>>, vector<16xf32>,
      %get3A_123 = arith.index_cast %scan3A_98 : i32 to index
      %get3A_124 = arith.constant 48 : index
      %get3A_125 = tpu.vector_load %arg14[%get3A_123, %get3A_124] {strides = array<i32>} : memref<128x64xf32, #tpu.memory_space<vmem>>, vector<16xf32>,
      %mul3A_126 = arith.mulf %get3A_125, %gather3A : vector<16xf32>
      %add3A_127 = arith.addf %mul3A_126, %get3A_37 : vector<16xf32>
      %swap3A_128 = arith.index_cast %scan3A_98 : i32 to index
      %swap3A_129 = arith.constant 48 : index
      %swap3A_130 = tpu.vector_load %arg14[%swap3A_128, %swap3A_129] {strides = array<i32>} : memref<128x64xf32, #tpu.memory_space<vmem>>, vector<16xf32>,
      tpu.vector_store %arg14[%swap3A_128, %swap3A_129], %add3A_127 {strides = array<i32>} : memref<128x64xf32, #tpu.memory_space<vmem>>, vector<16xf32>,
    }
    %scan3A_59 = arith.constant 128 : i32
    %add3A_60 = arith.constant 128 : i32
    %add3A_61 = arith.addi %mul3A_1, %add3A_60 : i32
    "tpu.region"() ({
      %run_scoped3A = tpu.sem_alloc : memref<!tpu.dma_semaphore, #tpu.memory_space<semaphore_mem>>
      %dma_start3A = arith.constant 0 : i32
      %dma_start3A_98 = tpu.memref_slice %arg8[%arg0, %add3A_61, %dma_start3A] : memref<2x10240x64xf32, #tpu.memory_space<hbm>> -> memref<1x128x64xf32, #tpu.memory_space<hbm>>
      %dma_start3A_99 = tpu.memref_squeeze %dma_start3A_98 : memref<1x128x64xf32, #tpu.memory_space<hbm>> -> memref<128x64xf32, #tpu.memory_space<hbm>>
      %dma_start3A_100 = arith.constant 0 : i32
      %dma_start3A_101 = tpu.memref_slice %arg8[%arg0, %add3A_61, %dma_start3A_100] : memref<2x10240x64xf32, #tpu.memory_space<hbm>> -> memref<1x128x64xf32, #tpu.memory_space<hbm>>
      %dma_start3A_102 = tpu.memref_squeeze %dma_start3A_101 : memref<1x128x64xf32, #tpu.memory_space<hbm>> -> memref<128x64xf32, #tpu.memory_space<hbm>>
      tpu.enqueue_dma source(%arg14 : memref<128x64xf32, #tpu.memory_space<vmem>>) target(%dma_start3A_102 : memref<128x64xf32, #tpu.memory_space<hbm>>) target_semaphore(%run_scoped3A : memref<!tpu.dma_semaphore, #tpu.memory_space<semaphore_mem>>)
      %dma_wait3A = arith.constant 0 : i32
      %dma_wait3A_103 = tpu.memref_slice %arg8[%arg0, %add3A_61, %dma_wait3A] : memref<2x10240x64xf32, #tpu.memory_space<hbm>> -> memref<1x128x64xf32, #tpu.memory_space<hbm>>
      %dma_wait3A_104 = tpu.memref_squeeze %dma_wait3A_103 : memref<1x128x64xf32, #tpu.memory_space<hbm>> -> memref<128x64xf32, #tpu.memory_space<hbm>>
      %dma_wait3A_105 = arith.constant 0 : i32
      %dma_wait3A_106 = tpu.memref_slice %arg8[%arg0, %add3A_61, %dma_wait3A_105] : memref<2x10240x64xf32, #tpu.memory_space<hbm>> -> memref<1x128x64xf32, #tpu.memory_space<hbm>>
      %dma_wait3A_107 = tpu.memref_squeeze %dma_wait3A_106 : memref<1x128x64xf32, #tpu.memory_space<hbm>> -> memref<128x64xf32, #tpu.memory_space<hbm>>
      tpu.wait_dma2 semaphore(%run_scoped3A : memref<!tpu.dma_semaphore, #tpu.memory_space<semaphore_mem>>) src(%arg14 : memref<128x64xf32, #tpu.memory_space<vmem>>) dst(%dma_wait3A_107 : memref<128x64xf32, #tpu.memory_space<hbm>>)
      tpu.yield
    }) : () -> ()
    %add3A_62 = arith.constant 256 : i32
    %add3A_63 = arith.addi %mul3A_1, %add3A_62 : i32
    "tpu.region"() ({
      %run_scoped3A = tpu.sem_alloc : memref<!tpu.dma_semaphore, #tpu.memory_space<semaphore_mem>>
      %dma_start3A = arith.constant 0 : i32
      %dma_start3A_98 = tpu.memref_slice %arg20[%add3A_63, %dma_start3A] : memref<10240x64xf32, #tpu.memory_space<vmem_shared>> -> memref<128x64xf32, #tpu.memory_space<vmem_shared>>
      %dma_start3A_99 = arith.constant 0 : i32
      %dma_start3A_100 = tpu.memref_slice %arg20[%add3A_63, %dma_start3A_99] : memref<10240x64xf32, #tpu.memory_space<vmem_shared>> -> memref<128x64xf32, #tpu.memory_space<vmem_shared>>
      tpu.enqueue_dma source(%dma_start3A_100 : memref<128x64xf32, #tpu.memory_space<vmem_shared>>) target(%arg14 : memref<128x64xf32, #tpu.memory_space<vmem>>) target_semaphore(%run_scoped3A : memref<!tpu.dma_semaphore, #tpu.memory_space<semaphore_mem>>)
      %dma_wait3A = arith.constant 0 : i32
      %dma_wait3A_101 = tpu.memref_slice %arg20[%add3A_63, %dma_wait3A] : memref<10240x64xf32, #tpu.memory_space<vmem_shared>> -> memref<128x64xf32, #tpu.memory_space<vmem_shared>>
      %dma_wait3A_102 = arith.constant 0 : i32
      %dma_wait3A_103 = tpu.memref_slice %arg20[%add3A_63, %dma_wait3A_102] : memref<10240x64xf32, #tpu.memory_space<vmem_shared>> -> memref<128x64xf32, #tpu.memory_space<vmem_shared>>
      tpu.wait_dma2 semaphore(%run_scoped3A : memref<!tpu.dma_semaphore, #tpu.memory_space<semaphore_mem>>) src(%dma_wait3A_103 : memref<128x64xf32, #tpu.memory_space<vmem_shared>>) dst(%arg14 : memref<128x64xf32, #tpu.memory_space<vmem>>)
      tpu.yield
    }) : () -> ()
    %add3A_64 = arith.constant 256 : i32
    %add3A_65 = arith.addi %mul3A_1, %add3A_64 : i32
    "tpu.region"() ({
      %run_scoped3A = tpu.sem_alloc : memref<!tpu.dma_semaphore, #tpu.memory_space<semaphore_mem>>
      %dma_start3A = tpu.memref_slice %arg7[%add3A_65] : memref<10240xf32, #tpu.memory_space<hbm>> -> memref<128xf32, #tpu.memory_space<hbm>>
      %dma_start3A_98 = tpu.memref_slice %arg7[%add3A_65] : memref<10240xf32, #tpu.memory_space<hbm>> -> memref<128xf32, #tpu.memory_space<hbm>>
      tpu.enqueue_dma source(%dma_start3A_98 : memref<128xf32, #tpu.memory_space<hbm>>) target(%arg13 : memref<128xf32, #tpu.memory_space<vmem>>) target_semaphore(%run_scoped3A : memref<!tpu.dma_semaphore, #tpu.memory_space<semaphore_mem>>)
      %dma_wait3A = tpu.memref_slice %arg7[%add3A_65] : memref<10240xf32, #tpu.memory_space<hbm>> -> memref<128xf32, #tpu.memory_space<hbm>>
      %dma_wait3A_99 = tpu.memref_slice %arg7[%add3A_65] : memref<10240xf32, #tpu.memory_space<hbm>> -> memref<128xf32, #tpu.memory_space<hbm>>
      tpu.wait_dma2 semaphore(%run_scoped3A : memref<!tpu.dma_semaphore, #tpu.memory_space<semaphore_mem>>) src(%dma_wait3A_99 : memref<128xf32, #tpu.memory_space<hbm>>) dst(%arg13 : memref<128xf32, #tpu.memory_space<vmem>>)
      tpu.yield
    }) : () -> ()
    %scan3A_66 = arith.constant 0 : i32
    %scan3A_67 = arith.constant 0 : i32
    %scan3A_68 = arith.constant 128 : i32
    %scan3A_69 = arith.addi %scan3A_67, %scan3A_68 : i32
    %scan3A_70 = arith.constant 1 : i32
    scf.for %scan3A_98 = %scan3A_67 to %scan3A_69 step %scan3A_70  : i32 {
      %broadcast_in_dim3A_99 = vector.broadcast %scan3A_98 : i32 to vector<16xi32>
      %gather3A = tpu.vector_load_idx %arg13[%broadcast_in_dim3A_99] : memref<128xf32, #tpu.memory_space<vmem>>[vector<16xi32>], vector<16xf32>,
      %get3A_100 = arith.index_cast %scan3A_98 : i32 to index
      %get3A_101 = arith.constant 0 : index
      %get3A_102 = tpu.vector_load %arg14[%get3A_100, %get3A_101] {strides = array<i32>} : memref<128x64xf32, #tpu.memory_space<vmem>>, vector<16xf32>,
      %mul3A_103 = arith.mulf %get3A_102, %gather3A : vector<16xf32>
      %add3A_104 = arith.addf %mul3A_103, %get3A_31 : vector<16xf32>
      %swap3A = arith.index_cast %scan3A_98 : i32 to index
      %swap3A_105 = arith.constant 0 : index
      %swap3A_106 = tpu.vector_load %arg14[%swap3A, %swap3A_105] {strides = array<i32>} : memref<128x64xf32, #tpu.memory_space<vmem>>, vector<16xf32>,
      tpu.vector_store %arg14[%swap3A, %swap3A_105], %add3A_104 {strides = array<i32>} : memref<128x64xf32, #tpu.memory_space<vmem>>, vector<16xf32>,
      %get3A_107 = arith.index_cast %scan3A_98 : i32 to index
      %get3A_108 = arith.constant 16 : index
      %get3A_109 = tpu.vector_load %arg14[%get3A_107, %get3A_108] {strides = array<i32>} : memref<128x64xf32, #tpu.memory_space<vmem>>, vector<16xf32>,
      %mul3A_110 = arith.mulf %get3A_109, %gather3A : vector<16xf32>
      %add3A_111 = arith.addf %mul3A_110, %get3A_33 : vector<16xf32>
      %swap3A_112 = arith.index_cast %scan3A_98 : i32 to index
      %swap3A_113 = arith.constant 16 : index
      %swap3A_114 = tpu.vector_load %arg14[%swap3A_112, %swap3A_113] {strides = array<i32>} : memref<128x64xf32, #tpu.memory_space<vmem>>, vector<16xf32>,
      tpu.vector_store %arg14[%swap3A_112, %swap3A_113], %add3A_111 {strides = array<i32>} : memref<128x64xf32, #tpu.memory_space<vmem>>, vector<16xf32>,
      %get3A_115 = arith.index_cast %scan3A_98 : i32 to index
      %get3A_116 = arith.constant 32 : index
      %get3A_117 = tpu.vector_load %arg14[%get3A_115, %get3A_116] {strides = array<i32>} : memref<128x64xf32, #tpu.memory_space<vmem>>, vector<16xf32>,
      %mul3A_118 = arith.mulf %get3A_117, %gather3A : vector<16xf32>
      %add3A_119 = arith.addf %mul3A_118, %get3A_35 : vector<16xf32>
      %swap3A_120 = arith.index_cast %scan3A_98 : i32 to index
      %swap3A_121 = arith.constant 32 : index
      %swap3A_122 = tpu.vector_load %arg14[%swap3A_120, %swap3A_121] {strides = array<i32>} : memref<128x64xf32, #tpu.memory_space<vmem>>, vector<16xf32>,
      tpu.vector_store %arg14[%swap3A_120, %swap3A_121], %add3A_119 {strides = array<i32>} : memref<128x64xf32, #tpu.memory_space<vmem>>, vector<16xf32>,
      %get3A_123 = arith.index_cast %scan3A_98 : i32 to index
      %get3A_124 = arith.constant 48 : index
      %get3A_125 = tpu.vector_load %arg14[%get3A_123, %get3A_124] {strides = array<i32>} : memref<128x64xf32, #tpu.memory_space<vmem>>, vector<16xf32>,
      %mul3A_126 = arith.mulf %get3A_125, %gather3A : vector<16xf32>
      %add3A_127 = arith.addf %mul3A_126, %get3A_37 : vector<16xf32>
      %swap3A_128 = arith.index_cast %scan3A_98 : i32 to index
      %swap3A_129 = arith.constant 48 : index
      %swap3A_130 = tpu.vector_load %arg14[%swap3A_128, %swap3A_129] {strides = array<i32>} : memref<128x64xf32, #tpu.memory_space<vmem>>, vector<16xf32>,
      tpu.vector_store %arg14[%swap3A_128, %swap3A_129], %add3A_127 {strides = array<i32>} : memref<128x64xf32, #tpu.memory_space<vmem>>, vector<16xf32>,
    }
    %scan3A_71 = arith.constant 128 : i32
    %add3A_72 = arith.constant 256 : i32
    %add3A_73 = arith.addi %mul3A_1, %add3A_72 : i32
    "tpu.region"() ({
      %run_scoped3A = tpu.sem_alloc : memref<!tpu.dma_semaphore, #tpu.memory_space<semaphore_mem>>
      %dma_start3A = arith.constant 0 : i32
      %dma_start3A_98 = tpu.memref_slice %arg8[%arg0, %add3A_73, %dma_start3A] : memref<2x10240x64xf32, #tpu.memory_space<hbm>> -> memref<1x128x64xf32, #tpu.memory_space<hbm>>
      %dma_start3A_99 = tpu.memref_squeeze %dma_start3A_98 : memref<1x128x64xf32, #tpu.memory_space<hbm>> -> memref<128x64xf32, #tpu.memory_space<hbm>>
      %dma_start3A_100 = arith.constant 0 : i32
      %dma_start3A_101 = tpu.memref_slice %arg8[%arg0, %add3A_73, %dma_start3A_100] : memref<2x10240x64xf32, #tpu.memory_space<hbm>> -> memref<1x128x64xf32, #tpu.memory_space<hbm>>
      %dma_start3A_102 = tpu.memref_squeeze %dma_start3A_101 : memref<1x128x64xf32, #tpu.memory_space<hbm>> -> memref<128x64xf32, #tpu.memory_space<hbm>>
      tpu.enqueue_dma source(%arg14 : memref<128x64xf32, #tpu.memory_space<vmem>>) target(%dma_start3A_102 : memref<128x64xf32, #tpu.memory_space<hbm>>) target_semaphore(%run_scoped3A : memref<!tpu.dma_semaphore, #tpu.memory_space<semaphore_mem>>)
      %dma_wait3A = arith.constant 0 : i32
      %dma_wait3A_103 = tpu.memref_slice %arg8[%arg0, %add3A_73, %dma_wait3A] : memref<2x10240x64xf32, #tpu.memory_space<hbm>> -> memref<1x128x64xf32, #tpu.memory_space<hbm>>
      %dma_wait3A_104 = tpu.memref_squeeze %dma_wait3A_103 : memref<1x128x64xf32, #tpu.memory_space<hbm>> -> memref<128x64xf32, #tpu.memory_space<hbm>>
      %dma_wait3A_105 = arith.constant 0 : i32
      %dma_wait3A_106 = tpu.memref_slice %arg8[%arg0, %add3A_73, %dma_wait3A_105] : memref<2x10240x64xf32, #tpu.memory_space<hbm>> -> memref<1x128x64xf32, #tpu.memory_space<hbm>>
      %dma_wait3A_107 = tpu.memref_squeeze %dma_wait3A_106 : memref<1x128x64xf32, #tpu.memory_space<hbm>> -> memref<128x64xf32, #tpu.memory_space<hbm>>
      tpu.wait_dma2 semaphore(%run_scoped3A : memref<!tpu.dma_semaphore, #tpu.memory_space<semaphore_mem>>) src(%arg14 : memref<128x64xf32, #tpu.memory_space<vmem>>) dst(%dma_wait3A_107 : memref<128x64xf32, #tpu.memory_space<hbm>>)
      tpu.yield
    }) : () -> ()
    %add3A_74 = arith.constant 384 : i32
    %add3A_75 = arith.addi %mul3A_1, %add3A_74 : i32
    "tpu.region"() ({
      %run_scoped3A = tpu.sem_alloc : memref<!tpu.dma_semaphore, #tpu.memory_space<semaphore_mem>>
      %dma_start3A = arith.constant 0 : i32
      %dma_start3A_98 = tpu.memref_slice %arg20[%add3A_75, %dma_start3A] : memref<10240x64xf32, #tpu.memory_space<vmem_shared>> -> memref<128x64xf32, #tpu.memory_space<vmem_shared>>
      %dma_start3A_99 = arith.constant 0 : i32
      %dma_start3A_100 = tpu.memref_slice %arg20[%add3A_75, %dma_start3A_99] : memref<10240x64xf32, #tpu.memory_space<vmem_shared>> -> memref<128x64xf32, #tpu.memory_space<vmem_shared>>
      tpu.enqueue_dma source(%dma_start3A_100 : memref<128x64xf32, #tpu.memory_space<vmem_shared>>) target(%arg14 : memref<128x64xf32, #tpu.memory_space<vmem>>) target_semaphore(%run_scoped3A : memref<!tpu.dma_semaphore, #tpu.memory_space<semaphore_mem>>)
      %dma_wait3A = arith.constant 0 : i32
      %dma_wait3A_101 = tpu.memref_slice %arg20[%add3A_75, %dma_wait3A] : memref<10240x64xf32, #tpu.memory_space<vmem_shared>> -> memref<128x64xf32, #tpu.memory_space<vmem_shared>>
      %dma_wait3A_102 = arith.constant 0 : i32
      %dma_wait3A_103 = tpu.memref_slice %arg20[%add3A_75, %dma_wait3A_102] : memref<10240x64xf32, #tpu.memory_space<vmem_shared>> -> memref<128x64xf32, #tpu.memory_space<vmem_shared>>
      tpu.wait_dma2 semaphore(%run_scoped3A : memref<!tpu.dma_semaphore, #tpu.memory_space<semaphore_mem>>) src(%dma_wait3A_103 : memref<128x64xf32, #tpu.memory_space<vmem_shared>>) dst(%arg14 : memref<128x64xf32, #tpu.memory_space<vmem>>)
      tpu.yield
    }) : () -> ()
    %add3A_76 = arith.constant 384 : i32
    %add3A_77 = arith.addi %mul3A_1, %add3A_76 : i32
    "tpu.region"() ({
      %run_scoped3A = tpu.sem_alloc : memref<!tpu.dma_semaphore, #tpu.memory_space<semaphore_mem>>
      %dma_start3A = tpu.memref_slice %arg7[%add3A_77] : memref<10240xf32, #tpu.memory_space<hbm>> -> memref<128xf32, #tpu.memory_space<hbm>>
      %dma_start3A_98 = tpu.memref_slice %arg7[%add3A_77] : memref<10240xf32, #tpu.memory_space<hbm>> -> memref<128xf32, #tpu.memory_space<hbm>>
      tpu.enqueue_dma source(%dma_start3A_98 : memref<128xf32, #tpu.memory_space<hbm>>) target(%arg13 : memref<128xf32, #tpu.memory_space<vmem>>) target_semaphore(%run_scoped3A : memref<!tpu.dma_semaphore, #tpu.memory_space<semaphore_mem>>)
      %dma_wait3A = tpu.memref_slice %arg7[%add3A_77] : memref<10240xf32, #tpu.memory_space<hbm>> -> memref<128xf32, #tpu.memory_space<hbm>>
      %dma_wait3A_99 = tpu.memref_slice %arg7[%add3A_77] : memref<10240xf32, #tpu.memory_space<hbm>> -> memref<128xf32, #tpu.memory_space<hbm>>
      tpu.wait_dma2 semaphore(%run_scoped3A : memref<!tpu.dma_semaphore, #tpu.memory_space<semaphore_mem>>) src(%dma_wait3A_99 : memref<128xf32, #tpu.memory_space<hbm>>) dst(%arg13 : memref<128xf32, #tpu.memory_space<vmem>>)
      tpu.yield
    }) : () -> ()
    %scan3A_78 = arith.constant 0 : i32
    %scan3A_79 = arith.constant 0 : i32
    %scan3A_80 = arith.constant 128 : i32
    %scan3A_81 = arith.addi %scan3A_79, %scan3A_80 : i32
    %scan3A_82 = arith.constant 1 : i32
    scf.for %scan3A_98 = %scan3A_79 to %scan3A_81 step %scan3A_82  : i32 {
      %broadcast_in_dim3A_99 = vector.broadcast %scan3A_98 : i32 to vector<16xi32>
      %gather3A = tpu.vector_load_idx %arg13[%broadcast_in_dim3A_99] : memref<128xf32, #tpu.memory_space<vmem>>[vector<16xi32>], vector<16xf32>,
      %get3A_100 = arith.index_cast %scan3A_98 : i32 to index
      %get3A_101 = arith.constant 0 : index
      %get3A_102 = tpu.vector_load %arg14[%get3A_100, %get3A_101] {strides = array<i32>} : memref<128x64xf32, #tpu.memory_space<vmem>>, vector<16xf32>,
      %mul3A_103 = arith.mulf %get3A_102, %gather3A : vector<16xf32>
      %add3A_104 = arith.addf %mul3A_103, %get3A_31 : vector<16xf32>
      %swap3A = arith.index_cast %scan3A_98 : i32 to index
      %swap3A_105 = arith.constant 0 : index
      %swap3A_106 = tpu.vector_load %arg14[%swap3A, %swap3A_105] {strides = array<i32>} : memref<128x64xf32, #tpu.memory_space<vmem>>, vector<16xf32>,
      tpu.vector_store %arg14[%swap3A, %swap3A_105], %add3A_104 {strides = array<i32>} : memref<128x64xf32, #tpu.memory_space<vmem>>, vector<16xf32>,
      %get3A_107 = arith.index_cast %scan3A_98 : i32 to index
      %get3A_108 = arith.constant 16 : index
      %get3A_109 = tpu.vector_load %arg14[%get3A_107, %get3A_108] {strides = array<i32>} : memref<128x64xf32, #tpu.memory_space<vmem>>, vector<16xf32>,
      %mul3A_110 = arith.mulf %get3A_109, %gather3A : vector<16xf32>
      %add3A_111 = arith.addf %mul3A_110, %get3A_33 : vector<16xf32>
      %swap3A_112 = arith.index_cast %scan3A_98 : i32 to index
      %swap3A_113 = arith.constant 16 : index
      %swap3A_114 = tpu.vector_load %arg14[%swap3A_112, %swap3A_113] {strides = array<i32>} : memref<128x64xf32, #tpu.memory_space<vmem>>, vector<16xf32>,
      tpu.vector_store %arg14[%swap3A_112, %swap3A_113], %add3A_111 {strides = array<i32>} : memref<128x64xf32, #tpu.memory_space<vmem>>, vector<16xf32>,
      %get3A_115 = arith.index_cast %scan3A_98 : i32 to index
      %get3A_116 = arith.constant 32 : index
      %get3A_117 = tpu.vector_load %arg14[%get3A_115, %get3A_116] {strides = array<i32>} : memref<128x64xf32, #tpu.memory_space<vmem>>, vector<16xf32>,
      %mul3A_118 = arith.mulf %get3A_117, %gather3A : vector<16xf32>
      %add3A_119 = arith.addf %mul3A_118, %get3A_35 : vector<16xf32>
      %swap3A_120 = arith.index_cast %scan3A_98 : i32 to index
      %swap3A_121 = arith.constant 32 : index
      %swap3A_122 = tpu.vector_load %arg14[%swap3A_120, %swap3A_121] {strides = array<i32>} : memref<128x64xf32, #tpu.memory_space<vmem>>, vector<16xf32>,
      tpu.vector_store %arg14[%swap3A_120, %swap3A_121], %add3A_119 {strides = array<i32>} : memref<128x64xf32, #tpu.memory_space<vmem>>, vector<16xf32>,
      %get3A_123 = arith.index_cast %scan3A_98 : i32 to index
      %get3A_124 = arith.constant 48 : index
      %get3A_125 = tpu.vector_load %arg14[%get3A_123, %get3A_124] {strides = array<i32>} : memref<128x64xf32, #tpu.memory_space<vmem>>, vector<16xf32>,
      %mul3A_126 = arith.mulf %get3A_125, %gather3A : vector<16xf32>
      %add3A_127 = arith.addf %mul3A_126, %get3A_37 : vector<16xf32>
      %swap3A_128 = arith.index_cast %scan3A_98 : i32 to index
      %swap3A_129 = arith.constant 48 : index
      %swap3A_130 = tpu.vector_load %arg14[%swap3A_128, %swap3A_129] {strides = array<i32>} : memref<128x64xf32, #tpu.memory_space<vmem>>, vector<16xf32>,
      tpu.vector_store %arg14[%swap3A_128, %swap3A_129], %add3A_127 {strides = array<i32>} : memref<128x64xf32, #tpu.memory_space<vmem>>, vector<16xf32>,
    }
    %scan3A_83 = arith.constant 128 : i32
    %add3A_84 = arith.constant 384 : i32
    %add3A_85 = arith.addi %mul3A_1, %add3A_84 : i32
    "tpu.region"() ({
      %run_scoped3A = tpu.sem_alloc : memref<!tpu.dma_semaphore, #tpu.memory_space<semaphore_mem>>
      %dma_start3A = arith.constant 0 : i32
      %dma_start3A_98 = tpu.memref_slice %arg8[%arg0, %add3A_85, %dma_start3A] : memref<2x10240x64xf32, #tpu.memory_space<hbm>> -> memref<1x128x64xf32, #tpu.memory_space<hbm>>
      %dma_start3A_99 = tpu.memref_squeeze %dma_start3A_98 : memref<1x128x64xf32, #tpu.memory_space<hbm>> -> memref<128x64xf32, #tpu.memory_space<hbm>>
      %dma_start3A_100 = arith.constant 0 : i32
      %dma_start3A_101 = tpu.memref_slice %arg8[%arg0, %add3A_85, %dma_start3A_100] : memref<2x10240x64xf32, #tpu.memory_space<hbm>> -> memref<1x128x64xf32, #tpu.memory_space<hbm>>
      %dma_start3A_102 = tpu.memref_squeeze %dma_start3A_101 : memref<1x128x64xf32, #tpu.memory_space<hbm>> -> memref<128x64xf32, #tpu.memory_space<hbm>>
      tpu.enqueue_dma source(%arg14 : memref<128x64xf32, #tpu.memory_space<vmem>>) target(%dma_start3A_102 : memref<128x64xf32, #tpu.memory_space<hbm>>) target_semaphore(%run_scoped3A : memref<!tpu.dma_semaphore, #tpu.memory_space<semaphore_mem>>)
      %dma_wait3A = arith.constant 0 : i32
      %dma_wait3A_103 = tpu.memref_slice %arg8[%arg0, %add3A_85, %dma_wait3A] : memref<2x10240x64xf32, #tpu.memory_space<hbm>> -> memref<1x128x64xf32, #tpu.memory_space<hbm>>
      %dma_wait3A_104 = tpu.memref_squeeze %dma_wait3A_103 : memref<1x128x64xf32, #tpu.memory_space<hbm>> -> memref<128x64xf32, #tpu.memory_space<hbm>>
      %dma_wait3A_105 = arith.constant 0 : i32
      %dma_wait3A_106 = tpu.memref_slice %arg8[%arg0, %add3A_85, %dma_wait3A_105] : memref<2x10240x64xf32, #tpu.memory_space<hbm>> -> memref<1x128x64xf32, #tpu.memory_space<hbm>>
      %dma_wait3A_107 = tpu.memref_squeeze %dma_wait3A_106 : memref<1x128x64xf32, #tpu.memory_space<hbm>> -> memref<128x64xf32, #tpu.memory_space<hbm>>
      tpu.wait_dma2 semaphore(%run_scoped3A : memref<!tpu.dma_semaphore, #tpu.memory_space<semaphore_mem>>) src(%arg14 : memref<128x64xf32, #tpu.memory_space<vmem>>) dst(%dma_wait3A_107 : memref<128x64xf32, #tpu.memory_space<hbm>>)
      tpu.yield
    }) : () -> ()
    %add3A_86 = arith.constant 512 : i32
    %add3A_87 = arith.addi %mul3A_1, %add3A_86 : i32
    "tpu.region"() ({
      %run_scoped3A = tpu.sem_alloc : memref<!tpu.dma_semaphore, #tpu.memory_space<semaphore_mem>>
      %dma_start3A = arith.constant 0 : i32
      %dma_start3A_98 = tpu.memref_slice %arg20[%add3A_87, %dma_start3A] : memref<10240x64xf32, #tpu.memory_space<vmem_shared>> -> memref<128x64xf32, #tpu.memory_space<vmem_shared>>
      %dma_start3A_99 = arith.constant 0 : i32
      %dma_start3A_100 = tpu.memref_slice %arg20[%add3A_87, %dma_start3A_99] : memref<10240x64xf32, #tpu.memory_space<vmem_shared>> -> memref<128x64xf32, #tpu.memory_space<vmem_shared>>
      tpu.enqueue_dma source(%dma_start3A_100 : memref<128x64xf32, #tpu.memory_space<vmem_shared>>) target(%arg14 : memref<128x64xf32, #tpu.memory_space<vmem>>) target_semaphore(%run_scoped3A : memref<!tpu.dma_semaphore, #tpu.memory_space<semaphore_mem>>)
      %dma_wait3A = arith.constant 0 : i32
      %dma_wait3A_101 = tpu.memref_slice %arg20[%add3A_87, %dma_wait3A] : memref<10240x64xf32, #tpu.memory_space<vmem_shared>> -> memref<128x64xf32, #tpu.memory_space<vmem_shared>>
      %dma_wait3A_102 = arith.constant 0 : i32
      %dma_wait3A_103 = tpu.memref_slice %arg20[%add3A_87, %dma_wait3A_102] : memref<10240x64xf32, #tpu.memory_space<vmem_shared>> -> memref<128x64xf32, #tpu.memory_space<vmem_shared>>
      tpu.wait_dma2 semaphore(%run_scoped3A : memref<!tpu.dma_semaphore, #tpu.memory_space<semaphore_mem>>) src(%dma_wait3A_103 : memref<128x64xf32, #tpu.memory_space<vmem_shared>>) dst(%arg14 : memref<128x64xf32, #tpu.memory_space<vmem>>)
      tpu.yield
    }) : () -> ()
    %add3A_88 = arith.constant 512 : i32
    %add3A_89 = arith.addi %mul3A_1, %add3A_88 : i32
    "tpu.region"() ({
      %run_scoped3A = tpu.sem_alloc : memref<!tpu.dma_semaphore, #tpu.memory_space<semaphore_mem>>
      %dma_start3A = tpu.memref_slice %arg7[%add3A_89] : memref<10240xf32, #tpu.memory_space<hbm>> -> memref<128xf32, #tpu.memory_space<hbm>>
      %dma_start3A_98 = tpu.memref_slice %arg7[%add3A_89] : memref<10240xf32, #tpu.memory_space<hbm>> -> memref<128xf32, #tpu.memory_space<hbm>>
      tpu.enqueue_dma source(%dma_start3A_98 : memref<128xf32, #tpu.memory_space<hbm>>) target(%arg13 : memref<128xf32, #tpu.memory_space<vmem>>) target_semaphore(%run_scoped3A : memref<!tpu.dma_semaphore, #tpu.memory_space<semaphore_mem>>)
      %dma_wait3A = tpu.memref_slice %arg7[%add3A_89] : memref<10240xf32, #tpu.memory_space<hbm>> -> memref<128xf32, #tpu.memory_space<hbm>>
      %dma_wait3A_99 = tpu.memref_slice %arg7[%add3A_89] : memref<10240xf32, #tpu.memory_space<hbm>> -> memref<128xf32, #tpu.memory_space<hbm>>
      tpu.wait_dma2 semaphore(%run_scoped3A : memref<!tpu.dma_semaphore, #tpu.memory_space<semaphore_mem>>) src(%dma_wait3A_99 : memref<128xf32, #tpu.memory_space<hbm>>) dst(%arg13 : memref<128xf32, #tpu.memory_space<vmem>>)
      tpu.yield
    }) : () -> ()
    %scan3A_90 = arith.constant 0 : i32
    %scan3A_91 = arith.constant 0 : i32
    %scan3A_92 = arith.constant 128 : i32
    %scan3A_93 = arith.addi %scan3A_91, %scan3A_92 : i32
    %scan3A_94 = arith.constant 1 : i32
    scf.for %scan3A_98 = %scan3A_91 to %scan3A_93 step %scan3A_94  : i32 {
      %broadcast_in_dim3A_99 = vector.broadcast %scan3A_98 : i32 to vector<16xi32>
      %gather3A = tpu.vector_load_idx %arg13[%broadcast_in_dim3A_99] : memref<128xf32, #tpu.memory_space<vmem>>[vector<16xi32>], vector<16xf32>,
      %get3A_100 = arith.index_cast %scan3A_98 : i32 to index
      %get3A_101 = arith.constant 0 : index
      %get3A_102 = tpu.vector_load %arg14[%get3A_100, %get3A_101] {strides = array<i32>} : memref<128x64xf32, #tpu.memory_space<vmem>>, vector<16xf32>,
      %mul3A_103 = arith.mulf %get3A_102, %gather3A : vector<16xf32>
      %add3A_104 = arith.addf %mul3A_103, %get3A_31 : vector<16xf32>
      %swap3A = arith.index_cast %scan3A_98 : i32 to index
      %swap3A_105 = arith.constant 0 : index
      %swap3A_106 = tpu.vector_load %arg14[%swap3A, %swap3A_105] {strides = array<i32>} : memref<128x64xf32, #tpu.memory_space<vmem>>, vector<16xf32>,
      tpu.vector_store %arg14[%swap3A, %swap3A_105], %add3A_104 {strides = array<i32>} : memref<128x64xf32, #tpu.memory_space<vmem>>, vector<16xf32>,
      %get3A_107 = arith.index_cast %scan3A_98 : i32 to index
      %get3A_108 = arith.constant 16 : index
      %get3A_109 = tpu.vector_load %arg14[%get3A_107, %get3A_108] {strides = array<i32>} : memref<128x64xf32, #tpu.memory_space<vmem>>, vector<16xf32>,
      %mul3A_110 = arith.mulf %get3A_109, %gather3A : vector<16xf32>
      %add3A_111 = arith.addf %mul3A_110, %get3A_33 : vector<16xf32>
      %swap3A_112 = arith.index_cast %scan3A_98 : i32 to index
      %swap3A_113 = arith.constant 16 : index
      %swap3A_114 = tpu.vector_load %arg14[%swap3A_112, %swap3A_113] {strides = array<i32>} : memref<128x64xf32, #tpu.memory_space<vmem>>, vector<16xf32>,
      tpu.vector_store %arg14[%swap3A_112, %swap3A_113], %add3A_111 {strides = array<i32>} : memref<128x64xf32, #tpu.memory_space<vmem>>, vector<16xf32>,
      %get3A_115 = arith.index_cast %scan3A_98 : i32 to index
      %get3A_116 = arith.constant 32 : index
      %get3A_117 = tpu.vector_load %arg14[%get3A_115, %get3A_116] {strides = array<i32>} : memref<128x64xf32, #tpu.memory_space<vmem>>, vector<16xf32>,
      %mul3A_118 = arith.mulf %get3A_117, %gather3A : vector<16xf32>
      %add3A_119 = arith.addf %mul3A_118, %get3A_35 : vector<16xf32>
      %swap3A_120 = arith.index_cast %scan3A_98 : i32 to index
      %swap3A_121 = arith.constant 32 : index
      %swap3A_122 = tpu.vector_load %arg14[%swap3A_120, %swap3A_121] {strides = array<i32>} : memref<128x64xf32, #tpu.memory_space<vmem>>, vector<16xf32>,
      tpu.vector_store %arg14[%swap3A_120, %swap3A_121], %add3A_119 {strides = array<i32>} : memref<128x64xf32, #tpu.memory_space<vmem>>, vector<16xf32>,
      %get3A_123 = arith.index_cast %scan3A_98 : i32 to index
      %get3A_124 = arith.constant 48 : index
      %get3A_125 = tpu.vector_load %arg14[%get3A_123, %get3A_124] {strides = array<i32>} : memref<128x64xf32, #tpu.memory_space<vmem>>, vector<16xf32>,
      %mul3A_126 = arith.mulf %get3A_125, %gather3A : vector<16xf32>
      %add3A_127 = arith.addf %mul3A_126, %get3A_37 : vector<16xf32>
      %swap3A_128 = arith.index_cast %scan3A_98 : i32 to index
      %swap3A_129 = arith.constant 48 : index
      %swap3A_130 = tpu.vector_load %arg14[%swap3A_128, %swap3A_129] {strides = array<i32>} : memref<128x64xf32, #tpu.memory_space<vmem>>, vector<16xf32>,
      tpu.vector_store %arg14[%swap3A_128, %swap3A_129], %add3A_127 {strides = array<i32>} : memref<128x64xf32, #tpu.memory_space<vmem>>, vector<16xf32>,
    }
    %scan3A_95 = arith.constant 128 : i32
    %add3A_96 = arith.constant 512 : i32
    %add3A_97 = arith.addi %mul3A_1, %add3A_96 : i32
    "tpu.region"() ({
      %run_scoped3A = tpu.sem_alloc : memref<!tpu.dma_semaphore, #tpu.memory_space<semaphore_mem>>
      %dma_start3A = arith.constant 0 : i32
      %dma_start3A_98 = tpu.memref_slice %arg8[%arg0, %add3A_97, %dma_start3A] : memref<2x10240x64xf32, #tpu.memory_space<hbm>> -> memref<1x128x64xf32, #tpu.memory_space<hbm>>
      %dma_start3A_99 = tpu.memref_squeeze %dma_start3A_98 : memref<1x128x64xf32, #tpu.memory_space<hbm>> -> memref<128x64xf32, #tpu.memory_space<hbm>>
      %dma_start3A_100 = arith.constant 0 : i32
      %dma_start3A_101 = tpu.memref_slice %arg8[%arg0, %add3A_97, %dma_start3A_100] : memref<2x10240x64xf32, #tpu.memory_space<hbm>> -> memref<1x128x64xf32, #tpu.memory_space<hbm>>
      %dma_start3A_102 = tpu.memref_squeeze %dma_start3A_101 : memref<1x128x64xf32, #tpu.memory_space<hbm>> -> memref<128x64xf32, #tpu.memory_space<hbm>>
      tpu.enqueue_dma source(%arg14 : memref<128x64xf32, #tpu.memory_space<vmem>>) target(%dma_start3A_102 : memref<128x64xf32, #tpu.memory_space<hbm>>) target_semaphore(%run_scoped3A : memref<!tpu.dma_semaphore, #tpu.memory_space<semaphore_mem>>)
      %dma_wait3A = arith.constant 0 : i32
      %dma_wait3A_103 = tpu.memref_slice %arg8[%arg0, %add3A_97, %dma_wait3A] : memref<2x10240x64xf32, #tpu.memory_space<hbm>> -> memref<1x128x64xf32, #tpu.memory_space<hbm>>
      %dma_wait3A_104 = tpu.memref_squeeze %dma_wait3A_103 : memref<1x128x64xf32, #tpu.memory_space<hbm>> -> memref<128x64xf32, #tpu.memory_space<hbm>>
      %dma_wait3A_105 = arith.constant 0 : i32
      %dma_wait3A_106 = tpu.memref_slice %arg8[%arg0, %add3A_97, %dma_wait3A_105] : memref<2x10240x64xf32, #tpu.memory_space<hbm>> -> memref<1x128x64xf32, #tpu.memory_space<hbm>>
      %dma_wait3A_107 = tpu.memref_squeeze %dma_wait3A_106 : memref<1x128x64xf32, #tpu.memory_space<hbm>> -> memref<128x64xf32, #tpu.memory_space<hbm>>
      tpu.wait_dma2 semaphore(%run_scoped3A : memref<!tpu.dma_semaphore, #tpu.memory_space<semaphore_mem>>) src(%arg14 : memref<128x64xf32, #tpu.memory_space<vmem>>) dst(%dma_wait3A_107 : memref<128x64xf32, #tpu.memory_space<hbm>>)
      tpu.yield
    }) : () -> ()
    return
  }
}

module attributes {stable_mosaic.version = 14 : i64} {
  func.func @_mm_body(%arg0: i32, %arg1: memref<1024x128xf32, #tpu.memory_space<vmem>>, %arg2: memref<128x128xf32, #tpu.memory_space<vmem>>, %arg3: memref<1024x1xf32, #tpu.memory_space<vmem>>, %arg4: memref<2x1024x64xf32, #tpu.memory_space<vmem>>, %arg5: memref<1024x1xf32, #tpu.memory_space<vmem>>) attributes {dimension_semantics = [#tpu.dimension_semantics<arbitrary>], iteration_bounds = array<i64: 10>, scalar_prefetch = 0 : i64, scratch_operands = 0 : i64, tpu.core_type = #tpu.core_type<tc>, window_params = [{transform_indices = @transform_0, window_bounds = array<i64: 1024, 128>}, {pipeline_mode = #tpu.pipeline_mode<synchronous>, transform_indices = @transform_1, window_bounds = array<i64: 128, 128>}, {transform_indices = @transform_2, window_bounds = array<i64: 1024, 1>}, {transform_indices = @transform_3, window_bounds = array<i64: 2, 1024, 64>}, {transform_indices = @transform_4, window_bounds = array<i64: 1024, 1>}]} {
    %get3A = arith.constant 0 : index
    %get3A_0 = arith.constant 0 : index
    %get3A_1 = vector.load %arg1[%get3A, %get3A_0] : memref<1024x128xf32, #tpu.memory_space<vmem>>, vector<1024x128xf32>
    %get3A_2 = arith.constant 0 : index
    %get3A_3 = arith.constant 0 : index
    %get3A_4 = vector.load %arg2[%get3A_2, %get3A_3] : memref<128x128xf32, #tpu.memory_space<vmem>>, vector<128x128xf32>
    %get3A_5 = arith.constant 0 : index
    %get3A_6 = arith.constant 0 : index
    %get3A_7 = vector.load %arg3[%get3A_5, %get3A_6] : memref<1024x1xf32, #tpu.memory_space<vmem>>, vector<1024x1xf32>
    %gt3A = arith.constant 0.000000e+00 : f32
    %gt3A_8 = vector.broadcast %gt3A : f32 to vector<1024x1xf32>
    %gt3A_9 = arith.cmpf ogt, %get3A_7, %gt3A_8 : vector<1024x1xf32>
    %max3A = arith.constant 9.99999996E-13 : f32
    %max3A_10 = vector.broadcast %max3A : f32 to vector<1024x1xf32>
    %max3A_11 = arith.maximumf %get3A_7, %max3A_10 : vector<1024x1xf32>
    %rsqrt3A = math.rsqrt %max3A_11 : vector<1024x1xf32>
    %jit3A = arith.constant 0.000000e+00 : f32
    %broadcast_in_dim3A = vector.broadcast %jit3A : f32 to vector<1024x1xf32>
    %select_n3A = arith.select %gt3A_9, %rsqrt3A, %broadcast_in_dim3A : vector<1024x1xi1>, vector<1024x1xf32>
    %slice3A = vector.extract_strided_slice %get3A_4 {offsets = [0, 0], sizes = [64, 128], strides = [1, 1]} : vector<128x128xf32> to vector<64x128xf32>
    %dot_general3A = arith.constant dense<0.000000e+00> : vector<1024x64xf32>
    %dot_general3A_12 = tpu.matmul %get3A_1, %slice3A, %dot_general3A {dimension_numbers = #tpu.dot_dimension_numbers<[1], [1], [0], [0], [0, 0, 1, 0], [], []>, transpose_lhs_hint = false} : vector<1024x128xf32>, vector<64x128xf32>, vector<1024x64xf32> -> vector<1024x64xf32>
    %mul3A = vector.broadcast %select_n3A : vector<1024x1xf32> to vector<1024x64xf32>
    %mul3A_13 = arith.mulf %dot_general3A_12, %mul3A : vector<1024x64xf32>
    %swap3A = arith.constant 0 : index
    %swap3A_14 = arith.constant 0 : index
    %swap3A_15 = arith.constant 0 : index
    %swap3A_16 = vector.load %arg4[%swap3A, %swap3A_14, %swap3A_15] : memref<2x1024x64xf32, #tpu.memory_space<vmem>>, vector<1x1024x64xf32>
    %swap3A_17 = vector.shape_cast %swap3A_16 : vector<1x1024x64xf32> to vector<1024x64xf32>
    %swap3A_18 = vector.shape_cast %mul3A_13 : vector<1024x64xf32> to vector<1x1024x64xf32>
    tpu.vector_store %arg4[%swap3A, %swap3A_14, %swap3A_15], %swap3A_18 {strides = array<i32>} : memref<2x1024x64xf32, #tpu.memory_space<vmem>>, vector<1x1024x64xf32>,
    %slice3A_19 = vector.extract_strided_slice %get3A_4 {offsets = [64, 0], sizes = [64, 128], strides = [1, 1]} : vector<128x128xf32> to vector<64x128xf32>
    %dot_general3A_20 = arith.constant dense<0.000000e+00> : vector<1024x64xf32>
    %dot_general3A_21 = tpu.matmul %get3A_1, %slice3A_19, %dot_general3A_20 {dimension_numbers = #tpu.dot_dimension_numbers<[1], [1], [0], [0], [0, 0, 1, 0], [], []>, transpose_lhs_hint = false} : vector<1024x128xf32>, vector<64x128xf32>, vector<1024x64xf32> -> vector<1024x64xf32>
    %mul3A_22 = vector.broadcast %select_n3A : vector<1024x1xf32> to vector<1024x64xf32>
    %mul3A_23 = arith.mulf %dot_general3A_21, %mul3A_22 : vector<1024x64xf32>
    %swap3A_24 = arith.constant 1 : index
    %swap3A_25 = arith.constant 0 : index
    %swap3A_26 = arith.constant 0 : index
    %swap3A_27 = vector.load %arg4[%swap3A_24, %swap3A_25, %swap3A_26] : memref<2x1024x64xf32, #tpu.memory_space<vmem>>, vector<1x1024x64xf32>
    %swap3A_28 = vector.shape_cast %swap3A_27 : vector<1x1024x64xf32> to vector<1024x64xf32>
    %swap3A_29 = vector.shape_cast %mul3A_23 : vector<1024x64xf32> to vector<1x1024x64xf32>
    tpu.vector_store %arg4[%swap3A_24, %swap3A_25, %swap3A_26], %swap3A_29 {strides = array<i32>} : memref<2x1024x64xf32, #tpu.memory_space<vmem>>, vector<1x1024x64xf32>,
    %swap3A_30 = arith.constant 0 : index
    %swap3A_31 = arith.constant 0 : index
    %swap3A_32 = vector.load %arg5[%swap3A_30, %swap3A_31] : memref<1024x1xf32, #tpu.memory_space<vmem>>, vector<1024x1xf32>
    tpu.vector_store %arg5[%swap3A_30, %swap3A_31], %select_n3A {strides = array<i32>} : memref<1024x1xf32, #tpu.memory_space<vmem>>, vector<1024x1xf32>,
    return
  }
  func.func @transform_0(%arg0: i32) -> (i32, i32) {
    %c0_i32 = arith.constant 0 : i32
    %c0_i32_0 = arith.constant 0 : i32
    return %arg0, %c0_i32 : i32, i32
  }
  func.func @transform_1(%arg0: i32) -> (i32, i32) {
    %c0_i32 = arith.constant 0 : i32
    %c0_i32_0 = arith.constant 0 : i32
    %c0_i32_1 = arith.constant 0 : i32
    return %c0_i32, %c0_i32_0 : i32, i32
  }
  func.func @transform_2(%arg0: i32) -> (i32, i32) {
    %c0_i32 = arith.constant 0 : i32
    %c0_i32_0 = arith.constant 0 : i32
    return %arg0, %c0_i32 : i32, i32
  }
  func.func @transform_3(%arg0: i32) -> (i32, i32, i32) {
    %c0_i32 = arith.constant 0 : i32
    %c0_i32_0 = arith.constant 0 : i32
    %c0_i32_1 = arith.constant 0 : i32
    return %c0_i32, %arg0, %c0_i32_0 : i32, i32, i32
  }
  func.func @transform_4(%arg0: i32) -> (i32, i32) {
    %c0_i32 = arith.constant 0 : i32
    %c0_i32_0 = arith.constant 0 : i32
    return %arg0, %c0_i32 : i32, i32
  }
}

</mosaic_0001>

<sc_bundles>
// kernel: kernel.5.cloned.1.call-start
scs
__scs_entry_jumppad:
0x0: {  	(pc) =	sbr.rel $0x88, $3  }
0x1: {  	(tag) =	ssettag $0x0;
	lr =	simm.s32 $0x1  }
0x2: {  	[smem:$0x3F9C] =	sst lr;
	_ =	strace $0xD0000000  }
0x3: {  	_ = 	snop  }
0x4: {  	_ = 	snop  }
0x5: {  	_ = 	snop  }
0x6: {  	_ = 	snop  }
0x7: {  	_ = 	snop  }
__scs_overlays_trampoline_lowered:
0x8: {  	[smem:$0x3FAB] =	sst s0  }
0x9: {  	[smem:$0x3FAC] =	sst s1  }
0xa: {  	[smem:$0x3FAD] =	sst s2  }
0xb: {  	[smem:$0x3FAE] =	sst s3  }
0xc: {  	[smem:$0x3FAF] =	sst s4  }
0xd: {  	[smem:$0x3FB0] =	sst s5  }
0xe: {  	[smem:$0x3FB1] =	sst s6  }
0xf: {  	[smem:$0x3FB2] =	sst s7  }
0x10: {  	[smem:$0x3FB3] =	sst s8  }
0x11: {  	[smem:$0x3FB4] =	sst s9;
	s0 =	simm.s32 @!p0 $0x0  }
0x12: {  	s1 =	sld [smem:$0x3F9A];
	s0 =	simm.s32 @p0 $0x1  }
0x13: {  	[smem:$0x3FB5] =	sst s0;
	s0 =	simm.s32 @!p1 $0x0  }
0x14: {  	s2 =	sld [smem:$0x3F99];
	s0 =	simm.s32 @p1 $0x1  }
0x15: {  	[smem:$0x3FB6] =	sst s0;
	s0 =	simm.s32 @!p2 $0x0  }
0x16: {  	s3 =	sld [smem:$0x3FDB];
	s0 =	simm.s32 @p2 $0x1  }
0x17: {  	s4 =	simm.s32 $0x1BF5;
	[smem:$0x3FB8] =	sst s0  }
0x18: {  	s0 =	sld [smem:$0x3F9B];
	_ =	swait.ge [sflag:s4], $0x0  }
0x19: {  	s7 =	sld [smem:$0x3F9C]  }
0x1a: {  	s8 =	sadd.s32 $0xFFFFE003, lr  }
0x1b: {  	s9 =	sadd.s32 $0xFFFFFEF7, lr;
	s5 =	simm.s32 $0xFFFFFFFF;
	p2 =	slt.u32 s8, $0xFFFFF086  }
0x1c: {  	p1 =	slt.u32 s9, $0xF7A;
	s5 =	simm.s32 @!p2 $0x0  }
0x1d: {  	s5 =	simm.s32 @p1 $0x1;
	p0 =	seq.s32 s7, s2  }
0x1e: {  	s7 =	smul.u32 @!p0 $0xF7A, s2;
	p2 =	seq.s32 @!p0 s5, $0x0  }
0x1f: {  	s9 =	smul.u32 $0xF7A, s1;
	s8 =	simm.s32 @!p0 $0x1BF5;
	p2 =	por !p2, p0  }
0x20: {  	[sflag:s8] =	ssyncset.s32 @!p0 $0xFFFFF086;
	s6 =	sadd.s32 @!p0 s3, s7;
	s7 =	simm.s32 @!p0 $0x108  }
0x21: {  	s3 =	sadd.s32 s3, s9;
	s6 =	sadd.s32 @!p0 $0x88, s6;
	s7 =	simm.s32 @p2 $0x1082  }
0x22: {  	[simem:s7], [sflag:s8] =	dma.local @!p0 [hbm:s6], $0xF7A  }
0x23: {  	s9 =	sor.u32 $0xD0000000, s2;
	s6 =	simm.s32 $0x108;
	_ =	swait.ge @!p0 [sflag:s8], $0x0  }
0x24: {  	s3 =	sadd.s32 $0x88, s3;
	s6 =	simm.s32 @!p1 $0x1082;
	[sflag:s4] =	ssyncset.s32 $0xFFFFF086  }
0x25: {  	[simem:s6], [sflag:s4] =	dma.local [hbm:s3], $0xF7A  }
0x26: {  	[smem:$0x3F9C] =	sst s1;
	(tag) =	ssettag s2;
	_ =	strace s9  }
0x27: {  	s1 =	sld [smem:$0x3FAC]  }
0x28: {  	s2 =	sld [smem:$0x3FAD]  }
0x29: {  	s4 =	sld [smem:$0x3FAF]  }
0x2a: {  	p0 =	seq.s32 s5, $0x0;
	s5 =	sld [smem:$0x3FB0]  }
0x2b: {  	s6 =	sld [smem:$0x3FB1]  }
0x2c: {  	s7 =	sld [smem:$0x3FB2]  }
0x2d: {  	s3 =	simm.s32 $0x108;
	s8 =	sld [smem:$0x3FB3]  }
0x2e: {  	s3 =	simm.s32 @!p0 $0x1082;
	s9 =	sld [smem:$0x3FB4]  }
0x2f: {  	lr =	sadd.s32 s0, s3;
	s0 =	sld [smem:$0x3FAB]  }
0x30: {  	s3 =	sld [smem:$0x3FAE]  }
0x31: {  	[smem:$0x3FB7] =	sst s10  }
0x32: {  	s10 =	sld [smem:$0x3FB5];
	_ =	sdelay $0x3  }
0x33: {  	p0 =	seq.s32 s10, $0x1;
	s10 =	sld [smem:$0x3FB7];
	_ =	sdelay $0x3  }
0x34: {  	[smem:$0x3FB7] =	sst s10  }
0x35: {  	s10 =	sld [smem:$0x3FB6];
	_ =	sdelay $0x3  }
0x36: {  	p1 =	seq.s32 s10, $0x1;
	s10 =	sld [smem:$0x3FB7];
	_ =	sdelay $0x3  }
0x37: {  	[smem:$0x3FB7] =	sst s10  }
0x38: {  	s10 =	sld [smem:$0x3FB8]  }
0x39: {  	_ = 	snop;
	(pc) =	sbr.ind lr, $3  }
0x3a: {  	_ = 	snop  }
0x3b: {  	_ = 	snop  }
0x3c: {  	p2 =	seq.s32 s10, $0x1;
	s10 =	sld [smem:$0x3FB7]  }
0x3d: {  	_ =	shalt  }
0x3e: {  	_ =	shalt  }
0x3f: {  	_ =	shalt  }
0x40: {  	_ =	shalt  }
0x41: {  	_ =	shalt  }
0x42: {  	_ =	shalt  }
0x43: {  	_ =	shalt  }
0x44: {  	_ =	shalt  }
0x45: {  	_ =	shalt  }
0x46: {  	_ =	shalt  }
0x47: {  	_ =	shalt  }
0x48: {  	_ =	shalt  }
0x49: {  	_ =	shalt  }
0x4a: {  	_ =	shalt  }
0x4b: {  	_ =	shalt  }
0x4c: {  	_ =	shalt  }
0x4d: {  	_ =	shalt  }
0x4e: {  	_ =	shalt  }
0x4f: {  	_ =	shalt  }
0x50: {  	_ =	shalt  }
0x51: {  	_ =	shalt  }
0x52: {  	_ =	shalt  }
0x53: {  	_ =	shalt  }
0x54: {  	_ =	shalt  }
0x55: {  	_ =	shalt  }
0x56: {  	_ =	shalt  }
0x57: {  	_ =	shalt  }
0x58: {  	_ =	shalt  }
0x59: {  	_ =	shalt  }
0x5a: {  	_ =	shalt  }
0x5b: {  	_ =	shalt  }
0x5c: {  	_ =	shalt  }
0x5d: {  	_ =	shalt  }
0x5e: {  	_ =	shalt  }
0x5f: {  	_ =	shalt  }
0x60: {  	_ =	shalt  }
0x61: {  	_ =	shalt  }
0x62: {  	_ =	shalt  }
0x63: {  	_ =	shalt  }
0x64: {  	_ =	shalt  }
0x65: {  	_ =	shalt  }
0x66: {  	_ =	shalt  }
0x67: {  	_ =	shalt  }
0x68: {  	_ =	shalt  }
0x69: {  	_ =	shalt  }
0x6a: {  	_ =	shalt  }
0x6b: {  	_ =	shalt  }
0x6c: {  	_ =	shalt  }
0x6d: {  	_ =	shalt  }
0x6e: {  	_ =	shalt  }
0x6f: {  	_ =	shalt  }
0x70: {  	_ =	shalt  }
0x71: {  	_ =	shalt  }
0x72: {  	_ =	shalt  }
0x73: {  	_ =	shalt  }
0x74: {  	_ =	shalt  }
0x75: {  	_ =	shalt  }
0x76: {  	_ =	shalt  }
0x77: {  	_ =	shalt  }
0x78: {  	_ =	shalt  }
0x79: {  	_ =	shalt  }
0x7a: {  	_ =	shalt  }
0x7b: {  	_ =	shalt  }
0x7c: {  	_ =	shalt  }
0x7d: {  	_ =	shalt  }
0x7e: {  	_ =	shalt  }
0x7f: {  	_ =	shalt  }
0x80: {  	_ =	shalt  }
0x81: {  	_ =	shalt  }
0x82: {  	_ =	shalt  }
0x83: {  	_ =	shalt  }
0x84: {  	_ =	shalt  }
0x85: {  	_ =	shalt  }
0x86: {  	_ =	shalt  }
0x87: {  	_ =	shalt  }
.Lfunc_end0:
.L_simem_size_0:
called_computation_lowered:
.L_overlay_start_0:
0x88: {  	s2 =	sld [smem:$0x3FD9]  }
0x89: {  	s3 =	sld [smem:$0x3FFE];
	_ =	sdelay $0x1  }
0x8a: {  	s1 =	srdreg.scid  }
0x8b: {  	s0 =	sand.u32 $0x1, s1  }
0x8c: {  	s17 =	sshll.u32 s0, $0xA;
	s2 =	sadd.s32 s3, s2  }
0x8d: {  	s2 =	sadd.s32 s2, s17  }
0x8e: {  	[smem:$0x3FC3] =	sst s2  }
0x8f: {  	_ = 	snop  }
0x90: {  	s2 =	sld [smem:$0x3FD0];
	(tm) =	ssettm $0x1  }
0x91: {  	s18 =	sld [smem:$0x3FFB];
	_ =	sdelay $0x3  }
0x92: {  	_ =	strace s18  }
0x93: {  	s3 =	sld [smem:$0x3FFC];
	_ =	sdelay $0x3  }
0x94: {  	_ =	strace s3  }
0x95: {  	s3 =	sld [smem:$0x3FFD];
	_ =	sdelay $0x3  }
0x96: {  	_ =	strace s3  }
0x97: {  	_ =	strace $0x8FFFFFFF  }
0x98: {  	s19 =	sld [smem:$0x3FDB];
	_ =	sdelay $0x1  }
0x99: {  	s4 =	simm.s32 $_scs_section_size  }
0x9a: {  	s5 =	simm.s32 $_size__tile_overlayer_lowered;
	s6 =	simm.s32 $_tile_overlayer_lowered  }
0x9b: {  	s22 =	simm.s32 $0x1BFF;
	s21 =	sshll.u32 s6, $0x1;
	s3 =	sadd.s32 s4, s19  }
0x9c: {  	s7 =	simm.s32 $0x0;
	s20 =	sshll.u32 s5, $0x1;
	s5 =	sadd.s32 s21, s3  }
0x9d: {  	[timem:s7], [sflag:s22] =	dma.local [hbm:s5], s20  }
0x9e: {  	_ =	swait.ge [sflag:s22], s20  }
0x9f: {  	s4 =	ssub.s32 $0x0, s20;
	[sflag:s22] =	ssyncset.done $0x0  }
0xa0: {  	[sflag:s22] =	ssyncadd.s32 s4;
	_ =	sdelay $0x1  }
0xa1: {  	s23 =	simm.s32 $0x1B8B  }
0xa2: {  	_ =	swait.ge [sflag:s23], $0x1  }
0xa3: {  	[sflag:s23] =	ssyncset.done $0x0  }
0xa4: {  	s25 =	simm.s32 $0x1B8E;
	s24 =	sld [smem:$0x3FFE];
	[sflag:s23] =	ssyncadd.s32 $0xFFFFFFFF  }
0xa5: {  	s26 =	simm.s32 $execute0_lowered;
	[smem:$0x3FD2] =	sst s25  }
0xa6: {  	s5 =	sshll.u32 s26, $0x1;
	_ =	strace $0x80000046;
	[dreg:$0x1] =	wrdreg $0xFFFFFFFF  }
0xa7: {  	s28 =	simm.s32 $_size_execute0_lowered;
	s3 =	sadd.s32 s3, s5;
	[dreg:$0x0] =	wrdreg $0x0  }
0xa8: {  	s5 =	sshll.u32 s28, $0x1;
	[dreg:$0x2] =	wrdreg s3  }
0xa9: {  	[dreg:$0x3] =	wrdreg s5  }
0xaa: {  	[dreg:$0x4] =	wrdreg $0xC0  }
0xab: {  	_ =	task [dreg:s7], $0x5FFFF  }
0xac: {  	[dreg:$0x1] =	wrdreg $0xFFFFFFFF  }
0xad: {  	[dreg:$0x0] =	wrdreg $0x60  }
0xae: {  	[dreg:$0x2] =	wrdreg s2  }
0xaf: {  	[dreg:$0x3] =	wrdreg s24  }
0xb0: {  	[dreg:$0x4] =	wrdreg $0x3800  }
0xb1: {  	[dreg:$0x5] =	wrdreg $0x9  }
0xb2: {  	_ =	task.clear_ibuf [dreg:s7], $0x6FFFF;
	_ =	strace $0x90000046  }
0xb3: {  	s29 =	simm.s32 $0x9;
	_ =	strace $0x80000048  }
0xb4: {  	_ =	swait.ge [sflag:s29], $0x1  }
0xb5: {  	[sflag:s29] =	ssyncadd.s32 $0xFFFFFFFF  }
0xb6: {  	_ =	strace $0x90000048  }
0xb7: {  	_ =	sfence  }
0xb8: {  	s30 =	sld [smem:$0x0];
	_ =	sdelay $0x2  }
0xb9: {  	s31 =	sshll.u32 s1, $0xD;
	s1 =	sshrl.u32 s1, $0x2  }
0xba: {  	s3 =	sand.u32 $0x4000, s31;
	s1 =	sadd.s32 s1, s30  }
0xbb: {  	s0 =	sor.u32 s3, s0;
	s1 =	sshll.u32 s1, $0x11  }
0xbc: {  	s0 =	sor.u32 s1, s0  }
0xbd: {  	s0 =	sadd.s32 $0x8F2B, s0  }
0xbe: {  	[sflag:s0] =	ssyncadd.remote.s32 $0x1  }
0xbf: {  	_ =	sfence.sel $0xFFFF  }
0xc0: {  	[dreg:$0x0] =	wrdreg $0xFFFFFFFF;
	(pc) =	sbr.abs _section_cstart, $3  }
0xc1: {  	[dreg:$0x1] =	wrdreg $0xFFFFFFFF  }
0xc2: {  	_ =	task.clear_ibuf [dreg:s7], $0x2FFFF;
	_ =	strace $0x9FFFFFFF  }
0xc3: {  	(tm) =	ssettm $0x7FFFFFFF  }
tec
execute0_lowered:
.L_overlay_start_1:
0x0: {  	(tag) =	ssettag $0x1  }
0x1: {  	s9 =	rddreg [dreg:$0x0]  }
0x2: {  	s0 =	stileid.u32;
	s4 =	rddreg [dreg:$0x1]  }
0x3: {  	s1 =	srdreg.scid;
	s2 =	rddreg [dreg:$0x2]  }
0x4: {  	s3 =	simm.s32 $0x0;
	s13 =	simm.s32 $0x0;
	s5 =	sand.u32 $0x1, s1  }
0x5: {  	s31 =	sshll.u32 s0, $0x1;
	s10 =	smul.u32 $0xA20, s0;
	s1 =	rddreg [dreg:$0x3]  }
0x6: {  	[smem:$0x7FF] =	sst s3;
	s7 =	smul.u32 $0xA00, s0;
	s6 =	sor.u32 s5, s31  }
0x7: {  	_ =	strace $0x80000047;
	s5 =	ssub.s32 $0x2, s5;
	s6 =	smul.u32 $0x140, s6  }
0x8: {  	s8 =	sadd.s32 s10, s4;
	s12 =	sshrl.u32 s5, $0x1;
	s7 =	sshrl.u32 s7, $0x2  }
0x9: {  	s9 =	sadd.s32 s10, s9;
	s10 =	simm.s32 $0x100;
	s12 =	ssub.s32 s5, s12  }
0xa: {  	s8 =	sadd.s32 $0xA00, s8;
	s11 =	sshrl.u32 s6, $0x3;
	s5 =	sadd.s32 s6, s2  }
0xb: {  	s11 =	sadd.s32 s11, s4;
	s4 =	sadd.s32 s7, s2;
	s7 =	smax.u32 s12, $0x1  }
0xc: {  	v0 =	vimm.f32 $0.0e+00;
	s12 =	simm.s32 $0x80;
	s6 =	sadd.s32 $0x14E00, s11;
	s11 =	simm.s32 $0x1  }
.LBB2_1:
0xd: {  	[tilespmem:$0x100] =	vst v0  }
0xe: {  	[tilespmem:$0x110] =	vst v0  }
0xf: {  	[tilespmem:$0x120] =	vst v0  }
0x10: {  	[tilespmem:$0x130] =	vst v0  }
0x11: {  	[tilespmem:$0x140] =	vst v0  }
0x12: {  	[tilespmem:$0x150] =	vst v0  }
0x13: {  	[tilespmem:$0x160] =	vst v0  }
0x14: {  	[tilespmem:$0x170] =	vst v0  }
0x15: {  	[tilespmem:$0x180] =	vst v0  }
0x16: {  	[tilespmem:$0x190] =	vst v0  }
0x17: {  	[tilespmem:$0x1A0] =	vst v0  }
0x18: {  	[tilespmem:$0x1B0] =	vst v0  }
0x19: {  	[tilespmem:$0x1C0] =	vst v0  }
0x1a: {  	[tilespmem:$0x1D0] =	vst v0  }
0x1b: {  	[tilespmem:$0x1E0] =	vst v0  }
0x1c: {  	[tilespmem:$0x1F0] =	vst v0  }
0x1d: {  	[tilespmem:$0x200] =	vst v0  }
0x1e: {  	[tilespmem:$0x210] =	vst v0  }
0x1f: {  	[tilespmem:$0x220] =	vst v0  }
0x20: {  	[tilespmem:$0x230] =	vst v0  }
0x21: {  	[tilespmem:$0x240] =	vst v0  }
0x22: {  	[tilespmem:$0x250] =	vst v0  }
0x23: {  	[tilespmem:$0x260] =	vst v0  }
0x24: {  	[tilespmem:$0x270] =	vst v0  }
0x25: {  	[tilespmem:$0x280] =	vst v0  }
0x26: {  	[tilespmem:$0x290] =	vst v0  }
0x27: {  	[tilespmem:$0x2A0] =	vst v0  }
0x28: {  	[tilespmem:$0x2B0] =	vst v0  }
0x29: {  	[tilespmem:$0x2C0] =	vst v0  }
0x2a: {  	[tilespmem:$0x2D0] =	vst v0  }
0x2b: {  	[tilespmem:$0x2E0] =	vst v0  }
0x2c: {  	[tilespmem:$0x2F0] =	vst v0  }
0x2d: {  	[tilespmem:$0x300] =	vst v0  }
0x2e: {  	[tilespmem:$0x310] =	vst v0  }
0x2f: {  	[tilespmem:$0x320] =	vst v0  }
0x30: {  	[tilespmem:$0x330] =	vst v0  }
0x31: {  	[tilespmem:$0x340] =	vst v0  }
0x32: {  	[tilespmem:$0x350] =	vst v0  }
0x33: {  	[tilespmem:$0x360] =	vst v0  }
0x34: {  	[tilespmem:$0x370] =	vst v0  }
0x35: {  	[spmem:s4] =	stream.linear.scatter [tilespmem:s10], [sflag:$0x1], $0x280, $0x38;
	[tilespmem:$0x600] =	vst v63  }
0x36: {  	_ =	swait.ge [sflag:s11], $0x280  }
0x37: {  	[sflag:s11] =	ssyncset.done $0x0  }
0x38: {  	[sflag:s11] =	ssyncadd.s32 $0xFFFFFD80  }
0x39: {  	s14 =	sadd.s32 $0x0, s9;
	[bflag:$0x0] =	sbarrier.arrive $0xFFFF  }
0x3a: {  	[tilespmem:s3], [sflag:$0x1] =	stream.linear.gather [hbm4b:s14+s3], $0x80, $0x38;
	[tilespmem:$0x600] =	vst v63  }
0x3b: {  	_ =	swait.ge [sflag:s11], $0x80  }
0x3c: {  	[sflag:s11] =	ssyncset.done $0x0  }
0x3d: {  	s31 =	sadd.s32 $0x0, s8;
	[sflag:s11] =	ssyncadd.s32 $0xFFFFFF80  }
0x3e: {  	[tilespmem:s12], [sflag:$0x1] =	stream.linear.gather [hbm4b:s31+s3], $0x80, $0x38;
	[tilespmem:$0x600] =	vst v63  }
0x3f: {  	_ =	swait.ge [sflag:s11], $0x80  }
0x40: {  	[sflag:s11] =	ssyncset.done $0x0  }
0x41: {  	[sflag:s11] =	ssyncadd.s32 $0xFFFFFF80  }
0x42: {  	[spmem:s2] =	stream.indirect.scatter.add.f32 [tilespmem:s12], [sflag:$0x1], $0x1, s3, s12, $0xb8;
	[tilespmem:$0x600] =	vst v63  }
0x43: {  	_ =	swait.ge [sflag:s11], $0x80  }
0x44: {  	s15 =	simm.s32 $0x20;
	s14 =	simm.s32 $0x10;
	[sflag:s11] =	ssyncset.done $0x0  }
.LBB2_2:
0x45: {  	s16 =	sadd.s32 s14, s9  }
0x46: {  	[sflag:s11] =	ssyncadd.s32 $0xFFFFFF80;
	s17 =	smov.u32 s15;
	s18 =	sadd.s32 $0x10, s15  }
0x47: {  	[tilespmem:s3], [sflag:$0x1] =	stream.linear.gather [hbm4b:s16+s3], $0x80, $0x38;
	[tilespmem:$0x600] =	vst v63  }
0x48: {  	p0 =	sne.s32 s15, $0xA10;
	_ =	swait.ge [sflag:s11], $0x80  }
0x49: {  	[sflag:s11] =	ssyncset.done $0x0  }
0x4a: {  	s15 =	sadd.s32 s14, s8;
	s14 =	smov.u32 s17;
	[sflag:s11] =	ssyncadd.s32 $0xFFFFFF80  }
0x4b: {  	[tilespmem:s12], [sflag:$0x1] =	stream.linear.gather [hbm4b:s15+s3], $0x80, $0x38;
	[tilespmem:$0x600] =	vst v63  }
0x4c: {  	_ =	swait.ge [sflag:s11], $0x80  }
.Ltmp0:
0x4d: {  	[sflag:s11] =	ssyncset.done $0x0;
	(pc) =	sbr.rel @p0 .LBB2_2-.Ltmp0, $4  }
0x4e: {  	[sflag:s11] =	ssyncadd.s32 $0xFFFFFF80  }
0x4f: {  	[spmem:s2] =	stream.indirect.scatter.add.f32 [tilespmem:s12], [sflag:$0x1], $0x1, s3, s12, $0xb8;
	[tilespmem:$0x600] =	vst v63  }
0x50: {  	_ =	swait.ge [sflag:s11], $0x80  }
0x51: {  	s15 =	smov.u32 s18;
	[sflag:s11] =	ssyncset.done $0x0  }
0x52: {  	s15 =	sadd.s32 s14, s9;
	[sflag:s11] =	ssyncadd.s32 $0xFFFFFF80  }
0x53: {  	[tilespmem:s3], [sflag:$0x1] =	stream.linear.gather [hbm4b:s15+s3], $0x80, $0x38;
	[tilespmem:$0x600] =	vst v63  }
0x54: {  	_ =	swait.ge [sflag:s11], $0x80  }
0x55: {  	[sflag:s11] =	ssyncset.done $0x0  }
0x56: {  	s31 =	sadd.s32 s14, s8;
	[sflag:s11] =	ssyncadd.s32 $0xFFFFFF80  }
0x57: {  	[tilespmem:s12], [sflag:$0x1] =	stream.linear.gather [hbm4b:s31+s3], $0x80, $0x38;
	[tilespmem:$0x600] =	vst v63  }
0x58: {  	_ =	swait.ge [sflag:s11], $0x80  }
0x59: {  	[sflag:s11] =	ssyncset.done $0x0  }
0x5a: {  	[sflag:s11] =	ssyncadd.s32 $0xFFFFFF80  }
0x5b: {  	[spmem:s2] =	stream.indirect.scatter.add.f32 [tilespmem:s12], [sflag:$0x1], $0x1, s3, s12, $0xb8;
	[tilespmem:$0x600] =	vst v63  }
0x5c: {  	_ =	swait.ge [sflag:s11], $0x80  }
0x5d: {  	[sflag:s11] =	ssyncset.done $0x0  }
0x5e: {  	[sflag:s11] =	ssyncadd.s32 $0xFFFFFF80  }
0x5f: {  	[bflag:$0x0] =	sbarrier.arrive $0xFFFF  }
0x60: {  	[tilespmem:s10], [sflag:$0x1] =	stream.linear.gather [spmem:s5], $0x140, $0x38;
	[tilespmem:$0x600] =	vst v63  }
0x61: {  	s13 =	sadd.s32 $0x1, s13;
	_ =	swait.ge [sflag:s11], $0x140  }
0x62: {  	p0 =	sne.s32 s13, s7;
	[sflag:s11] =	ssyncset.done $0x0  }
.Ltmp1:
0x63: {  	[sflag:s11] =	ssyncadd.s32 $0xFFFFFEC0;
	(pc) =	sbr.rel @p0 .LBB2_1-.Ltmp1, $4  }
0x64: {  	[hbm4b:s6+s3] =	stream.linear.scatter [tilespmem:s10], [sflag:$0x1], $0x140, $0x38;
	[tilespmem:$0x600] =	vst v63  }
0x65: {  	_ =	swait.ge [sflag:s11], $0x140  }
0x66: {  	[sflag:s11] =	ssyncset.done $0x0  }
0x67: {  	[sflag:s11] =	ssyncadd.s32 $0xFFFFFEC0  }
0x68: {  	_ =	sfence.sel $0x180000  }
0x69: {  	[bflag:$0x0] =	sbarrier.arrive $0xFFFF  }
0x6a: {  	p0 =	sne.s32 s0, $0x0;
	_ =	strace $0x90000047  }
0x6b: {  	s0 =	sadd.s32 @!p0 $0x100000, s1;
	[bflag:$0x2] =	sbarrier.arrive $0xFFFF  }
0x6c: {  	[sflag:s0] =	ssyncadd.tile.s32 @!p0 $0x1;
	_ =	shalt  }
.Lfunc_end2:
_tile_overlayer_lowered:
.L_overlay_start_2:
0x6d: {  	(tag) =	ssettag $0x2  }
0x6e: {  	s0 =	rddreg [dreg:$0x0];
	s2 =	stileid.u32  }
0x6f: {  	s1 =	rddreg [dreg:$0x1];
	p0 =	sne.s32 s2, $0x0  }
0x70: {  	s3 =	rddreg [dreg:$0x2];
	[bflag:$0x3] =	sbarrier.arrive $0xFFFF;
	s2 =	simm.s32 @!p0 $0x1C01  }
0x71: {  	[timem:s3], [sflag:s2] =	dma.local @!p0 [hbm:s0], s1  }
0x72: {  	s0 =	simm.s32 @!p0 $0x1  }
0x73: {  	_ =	swait.ge @!p0 [sflag:s0], s1  }
0x74: {  	s1 =	ssub.s32 @!p0 $0x0, s1;
	[sflag:s0] =	ssyncset.done @!p0 $0x0  }
0x75: {  	[sflag:s0] =	ssyncadd.s32 @!p0 s1  }
0x76: {  	[bflag:$0x3] =	sbarrier.arrive $0xFFFF  }
0x77: {  	_ =	shalt  }

// kernel: kernel.8.cloned.1.call-start
scs
__scs_entry_jumppad:
0x0: {  	(pc) =	sbr.rel $0x88, $3  }
0x1: {  	(tag) =	ssettag $0x0;
	lr =	simm.s32 $0x1  }
0x2: {  	[smem:$0x3F9C] =	sst lr;
	_ =	strace $0xD0000000  }
0x3: {  	_ = 	snop  }
0x4: {  	_ = 	snop  }
0x5: {  	_ = 	snop  }
0x6: {  	_ = 	snop  }
0x7: {  	_ = 	snop  }
__scs_overlays_trampoline_lowered:
0x8: {  	[smem:$0x3FAB] =	sst s0  }
0x9: {  	[smem:$0x3FAC] =	sst s1  }
0xa: {  	[smem:$0x3FAD] =	sst s2  }
0xb: {  	[smem:$0x3FAE] =	sst s3  }
0xc: {  	[smem:$0x3FAF] =	sst s4  }
0xd: {  	[smem:$0x3FB0] =	sst s5  }
0xe: {  	[smem:$0x3FB1] =	sst s6  }
0xf: {  	[smem:$0x3FB2] =	sst s7  }
0x10: {  	[smem:$0x3FB3] =	sst s8  }
0x11: {  	[smem:$0x3FB4] =	sst s9;
	s0 =	simm.s32 @!p0 $0x0  }
0x12: {  	s1 =	sld [smem:$0x3F9A];
	s0 =	simm.s32 @p0 $0x1  }
0x13: {  	[smem:$0x3FB5] =	sst s0;
	s0 =	simm.s32 @!p1 $0x0  }
0x14: {  	s2 =	sld [smem:$0x3F99];
	s0 =	simm.s32 @p1 $0x1  }
0x15: {  	[smem:$0x3FB6] =	sst s0;
	s0 =	simm.s32 @!p2 $0x0  }
0x16: {  	s3 =	sld [smem:$0x3FDB];
	s0 =	simm.s32 @p2 $0x1  }
0x17: {  	s4 =	simm.s32 $0x1BF5;
	[smem:$0x3FB8] =	sst s0  }
0x18: {  	s0 =	sld [smem:$0x3F9B];
	_ =	swait.ge [sflag:s4], $0x0  }
0x19: {  	s7 =	sld [smem:$0x3F9C]  }
0x1a: {  	s8 =	sadd.s32 $0xFFFFE003, lr  }
0x1b: {  	s9 =	sadd.s32 $0xFFFFFEF7, lr;
	s5 =	simm.s32 $0xFFFFFFFF;
	p2 =	slt.u32 s8, $0xFFFFF086  }
0x1c: {  	p1 =	slt.u32 s9, $0xF7A;
	s5 =	simm.s32 @!p2 $0x0  }
0x1d: {  	s5 =	simm.s32 @p1 $0x1;
	p0 =	seq.s32 s7, s2  }
0x1e: {  	s7 =	smul.u32 @!p0 $0xF7A, s2;
	p2 =	seq.s32 @!p0 s5, $0x0  }
0x1f: {  	s9 =	smul.u32 $0xF7A, s1;
	s8 =	simm.s32 @!p0 $0x1BF5;
	p2 =	por !p2, p0  }
0x20: {  	[sflag:s8] =	ssyncset.s32 @!p0 $0xFFFFF086;
	s6 =	sadd.s32 @!p0 s3, s7;
	s7 =	simm.s32 @!p0 $0x108  }
0x21: {  	s3 =	sadd.s32 s3, s9;
	s6 =	sadd.s32 @!p0 $0x88, s6;
	s7 =	simm.s32 @p2 $0x1082  }
0x22: {  	[simem:s7], [sflag:s8] =	dma.local @!p0 [hbm:s6], $0xF7A  }
0x23: {  	s9 =	sor.u32 $0xD0000000, s2;
	s6 =	simm.s32 $0x108;
	_ =	swait.ge @!p0 [sflag:s8], $0x0  }
0x24: {  	s3 =	sadd.s32 $0x88, s3;
	s6 =	simm.s32 @!p1 $0x1082;
	[sflag:s4] =	ssyncset.s32 $0xFFFFF086  }
0x25: {  	[simem:s6], [sflag:s4] =	dma.local [hbm:s3], $0xF7A  }
0x26: {  	[smem:$0x3F9C] =	sst s1;
	(tag) =	ssettag s2;
	_ =	strace s9  }
0x27: {  	s1 =	sld [smem:$0x3FAC]  }
0x28: {  	s2 =	sld [smem:$0x3FAD]  }
0x29: {  	s4 =	sld [smem:$0x3FAF]  }
0x2a: {  	p0 =	seq.s32 s5, $0x0;
	s5 =	sld [smem:$0x3FB0]  }
0x2b: {  	s6 =	sld [smem:$0x3FB1]  }
0x2c: {  	s7 =	sld [smem:$0x3FB2]  }
0x2d: {  	s3 =	simm.s32 $0x108;
	s8 =	sld [smem:$0x3FB3]  }
0x2e: {  	s3 =	simm.s32 @!p0 $0x1082;
	s9 =	sld [smem:$0x3FB4]  }
0x2f: {  	lr =	sadd.s32 s0, s3;
	s0 =	sld [smem:$0x3FAB]  }
0x30: {  	s3 =	sld [smem:$0x3FAE]  }
0x31: {  	[smem:$0x3FB7] =	sst s10  }
0x32: {  	s10 =	sld [smem:$0x3FB5];
	_ =	sdelay $0x3  }
0x33: {  	p0 =	seq.s32 s10, $0x1;
	s10 =	sld [smem:$0x3FB7];
	_ =	sdelay $0x3  }
0x34: {  	[smem:$0x3FB7] =	sst s10  }
0x35: {  	s10 =	sld [smem:$0x3FB6];
	_ =	sdelay $0x3  }
0x36: {  	p1 =	seq.s32 s10, $0x1;
	s10 =	sld [smem:$0x3FB7];
	_ =	sdelay $0x3  }
0x37: {  	[smem:$0x3FB7] =	sst s10  }
0x38: {  	s10 =	sld [smem:$0x3FB8]  }
0x39: {  	_ = 	snop;
	(pc) =	sbr.ind lr, $3  }
0x3a: {  	_ = 	snop  }
0x3b: {  	_ = 	snop  }
0x3c: {  	p2 =	seq.s32 s10, $0x1;
	s10 =	sld [smem:$0x3FB7]  }
0x3d: {  	_ =	shalt  }
0x3e: {  	_ =	shalt  }
0x3f: {  	_ =	shalt  }
0x40: {  	_ =	shalt  }
0x41: {  	_ =	shalt  }
0x42: {  	_ =	shalt  }
0x43: {  	_ =	shalt  }
0x44: {  	_ =	shalt  }
0x45: {  	_ =	shalt  }
0x46: {  	_ =	shalt  }
0x47: {  	_ =	shalt  }
0x48: {  	_ =	shalt  }
0x49: {  	_ =	shalt  }
0x4a: {  	_ =	shalt  }
0x4b: {  	_ =	shalt  }
0x4c: {  	_ =	shalt  }
0x4d: {  	_ =	shalt  }
0x4e: {  	_ =	shalt  }
0x4f: {  	_ =	shalt  }
0x50: {  	_ =	shalt  }
0x51: {  	_ =	shalt  }
0x52: {  	_ =	shalt  }
0x53: {  	_ =	shalt  }
0x54: {  	_ =	shalt  }
0x55: {  	_ =	shalt  }
0x56: {  	_ =	shalt  }
0x57: {  	_ =	shalt  }
0x58: {  	_ =	shalt  }
0x59: {  	_ =	shalt  }
0x5a: {  	_ =	shalt  }
0x5b: {  	_ =	shalt  }
0x5c: {  	_ =	shalt  }
0x5d: {  	_ =	shalt  }
0x5e: {  	_ =	shalt  }
0x5f: {  	_ =	shalt  }
0x60: {  	_ =	shalt  }
0x61: {  	_ =	shalt  }
0x62: {  	_ =	shalt  }
0x63: {  	_ =	shalt  }
0x64: {  	_ =	shalt  }
0x65: {  	_ =	shalt  }
0x66: {  	_ =	shalt  }
0x67: {  	_ =	shalt  }
0x68: {  	_ =	shalt  }
0x69: {  	_ =	shalt  }
0x6a: {  	_ =	shalt  }
0x6b: {  	_ =	shalt  }
0x6c: {  	_ =	shalt  }
0x6d: {  	_ =	shalt  }
0x6e: {  	_ =	shalt  }
0x6f: {  	_ =	shalt  }
0x70: {  	_ =	shalt  }
0x71: {  	_ =	shalt  }
0x72: {  	_ =	shalt  }
0x73: {  	_ =	shalt  }
0x74: {  	_ =	shalt  }
0x75: {  	_ =	shalt  }
0x76: {  	_ =	shalt  }
0x77: {  	_ =	shalt  }
0x78: {  	_ =	shalt  }
0x79: {  	_ =	shalt  }
0x7a: {  	_ =	shalt  }
0x7b: {  	_ =	shalt  }
0x7c: {  	_ =	shalt  }
0x7d: {  	_ =	shalt  }
0x7e: {  	_ =	shalt  }
0x7f: {  	_ =	shalt  }
0x80: {  	_ =	shalt  }
0x81: {  	_ =	shalt  }
0x82: {  	_ =	shalt  }
0x83: {  	_ =	shalt  }
0x84: {  	_ =	shalt  }
0x85: {  	_ =	shalt  }
0x86: {  	_ =	shalt  }
0x87: {  	_ =	shalt  }
.Lfunc_end0:
.L_simem_size_0:
called_computation.1_lowered:
.L_overlay_start_0:
0x88: {  	s2 =	sld [smem:$0x3FD9]  }
0x89: {  	s3 =	sld [smem:$0x3FFE];
	_ =	sdelay $0x1  }
0x8a: {  	s1 =	srdreg.scid  }
0x8b: {  	s0 =	sand.u32 $0x1, s1  }
0x8c: {  	s17 =	sshll.u32 s0, $0xA;
	s2 =	sadd.s32 s3, s2  }
0x8d: {  	s2 =	sadd.s32 s2, s17  }
0x8e: {  	[smem:$0x3FC3] =	sst s2  }
0x8f: {  	_ = 	snop  }
0x90: {  	s2 =	sld [smem:$0x3FC5]  }
0x91: {  	s18 =	sld [smem:$0x3FD0];
	(tm) =	ssettm $0x1  }
0x92: {  	s4 =	sld [smem:$0x3FFB];
	_ =	sdelay $0x3  }
0x93: {  	_ =	strace s4  }
0x94: {  	s4 =	sld [smem:$0x3FFC];
	_ =	sdelay $0x3  }
0x95: {  	_ =	strace s4  }
0x96: {  	s4 =	sld [smem:$0x3FFD];
	_ =	sdelay $0x3  }
0x97: {  	_ =	strace s4  }
0x98: {  	_ =	strace $0x8FFFFFFF  }
0x99: {  	s19 =	sld [smem:$0x3FDB];
	_ =	sdelay $0x1  }
0x9a: {  	s5 =	simm.s32 $_scs_section_size  }
0x9b: {  	s6 =	simm.s32 $_size__tile_overlayer_lowered;
	s7 =	simm.s32 $_tile_overlayer_lowered  }
0x9c: {  	s22 =	simm.s32 $0x1BFF;
	s21 =	sshll.u32 s7, $0x1;
	s4 =	sadd.s32 s5, s19  }
0x9d: {  	s8 =	simm.s32 $0x0;
	s20 =	sshll.u32 s6, $0x1;
	s6 =	sadd.s32 s21, s4  }
0x9e: {  	[timem:s8], [sflag:s22] =	dma.local [hbm:s6], s20  }
0x9f: {  	_ =	swait.ge [sflag:s22], s20  }
0xa0: {  	s5 =	ssub.s32 $0x0, s20;
	[sflag:s22] =	ssyncset.done $0x0  }
0xa1: {  	[sflag:s22] =	ssyncadd.s32 s5;
	_ =	sdelay $0x1  }
0xa2: {  	s23 =	simm.s32 $0x1B8B  }
0xa3: {  	_ =	swait.ge [sflag:s23], $0x1  }
0xa4: {  	[sflag:s23] =	ssyncset.done $0x0  }
0xa5: {  	s25 =	simm.s32 $0x1B8E;
	s24 =	sld [smem:$0x3FFE];
	[sflag:s23] =	ssyncadd.s32 $0xFFFFFFFF  }
0xa6: {  	s26 =	simm.s32 $execute0_lowered;
	[smem:$0x3FD2] =	sst s25  }
0xa7: {  	s6 =	sshll.u32 s26, $0x1;
	_ =	strace $0x80000049;
	[dreg:$0x1] =	wrdreg $0xFFFFFFFF  }
0xa8: {  	s28 =	simm.s32 $_size_execute0_lowered;
	s4 =	sadd.s32 s4, s6;
	[dreg:$0x0] =	wrdreg $0x0  }
0xa9: {  	s6 =	sshll.u32 s28, $0x1;
	[dreg:$0x2] =	wrdreg s4  }
0xaa: {  	[dreg:$0x3] =	wrdreg s6  }
0xab: {  	[dreg:$0x4] =	wrdreg $0xC0  }
0xac: {  	_ =	task [dreg:s8], $0x5FFFF  }
0xad: {  	[dreg:$0x1] =	wrdreg $0xFFFFFFFF  }
0xae: {  	[dreg:$0x0] =	wrdreg $0x60  }
0xaf: {  	[dreg:$0x2] =	wrdreg s24  }
0xb0: {  	[dreg:$0x3] =	wrdreg s18  }
0xb1: {  	[dreg:$0x4] =	wrdreg s2  }
0xb2: {  	[dreg:$0x5] =	wrdreg $0x4BC00  }
0xb3: {  	[dreg:$0x6] =	wrdreg $0x9  }
0xb4: {  	_ =	task.clear_ibuf [dreg:s8], $0x7FFFF;
	_ =	strace $0x90000049  }
0xb5: {  	s29 =	simm.s32 $0x9;
	_ =	strace $0x8000004B  }
0xb6: {  	_ =	swait.ge [sflag:s29], $0x1  }
0xb7: {  	[sflag:s29] =	ssyncadd.s32 $0xFFFFFFFF  }
0xb8: {  	_ =	strace $0x9000004B  }
0xb9: {  	_ =	sfence  }
0xba: {  	s30 =	sld [smem:$0x0];
	_ =	sdelay $0x2  }
0xbb: {  	s31 =	sshll.u32 s1, $0xD;
	s1 =	sshrl.u32 s1, $0x2  }
0xbc: {  	s3 =	sand.u32 $0x4000, s31;
	s1 =	sadd.s32 s1, s30  }
0xbd: {  	s0 =	sor.u32 s3, s0;
	s1 =	sshll.u32 s1, $0x11  }
0xbe: {  	s0 =	sor.u32 s1, s0  }
0xbf: {  	s0 =	sadd.s32 $0x8F2B, s0  }
0xc0: {  	[sflag:s0] =	ssyncadd.remote.s32 $0x1  }
0xc1: {  	_ =	sfence.sel $0xFFFF  }
0xc2: {  	[dreg:$0x0] =	wrdreg $0xFFFFFFFF;
	(pc) =	sbr.abs _section_cstart, $3  }
0xc3: {  	[dreg:$0x1] =	wrdreg $0xFFFFFFFF  }
0xc4: {  	_ =	task.clear_ibuf [dreg:s8], $0x2FFFF;
	_ =	strace $0x9FFFFFFF  }
0xc5: {  	(tm) =	ssettm $0x7FFFFFFF  }
tec
execute0_lowered:
.L_overlay_start_1:
0x0: {  	(tag) =	ssettag $0x1  }
0x1: {  	s0 =	rddreg [dreg:$0x0]  }
0x2: {  	s1 =	rddreg [dreg:$0x2]  }
0x3: {  	s19 =	rddreg [dreg:$0x3];
	s3 =	simm.s32 $0x0;
	s2 =	srdreg.scid  }
0x4: {  	s20 =	stileid.u32;
	s29 =	simm.s32 $0x280;
	s28 =	simm.s32 $0x2  }
0x5: {  	s30 =	simm.s32 $0x100;
	s31 =	simm.s32 $0x23C0;
	[smem:$0x7FF] =	sst s3  }
0x6: {  	s2 =	sand.u32 $0x1, s2;
	s4 =	smul.u32 $0x280, s20;
	s5 =	sadd.s32 $0xAC00, s0  }
0x7: {  	s7 =	sadd.s32 $0x15400, s0;
	s8 =	smul.u32 $0xA000, s20;
	_ =	strace $0x8000004A  }
0x8: {  	s25 =	ssub.s32 $0x2, s2;
	[dreg:$0x5] =	wrdreg s5;
	s5 =	sadd.s32 $0x14E00, s0  }
0x9: {  	s13 =	smul.u32 $0xA0000, s2;
	s17 =	sshll.u32 s2, $0x3;
	s6 =	sshrl.u32 s25, $0x1  }
0xa: {  	s26 =	sadd.s32 $0x80, s4;
	s10 =	sadd.s32 $0x100, s4;
	s11 =	sadd.s32 $0x180, s4  }
0xb: {  	s12 =	sadd.s32 $0x200, s4;
	s4 =	sshrl.u32 s4, $0x3;
	s1 =	sadd.s32 s1, s17  }
0xc: {  	s3 =	ssub.s32 s25, s6;
	s9 =	sshll.u32 s26, $0x6;
	s14 =	sshll.u32 s10, $0x6  }
0xd: {  	s15 =	sshll.u32 s11, $0x6;
	s16 =	sshll.u32 s12, $0x6;
	s18 =	sadd.s32 s8, s13  }
0xe: {  	[dreg:$0x6] =	wrdreg s1;
	s4 =	sadd.s32 s5, s4;
	s23 =	sshrl.u32 s10, $0x3  }
0xf: {  	s25 =	sshrl.u32 s11, $0x3;
	s6 =	sshrl.u32 s12, $0x3;
	[dreg:$0x7] =	wrdreg s4  }
0x10: {  	s17 =	sshrl.u32 s18, $0x3;
	s18 =	sshrl.u32 s26, $0x3;
	s21 =	sadd.s32 s13, s9  }
0x11: {  	s24 =	sadd.s32 s5, s23;
	s26 =	sadd.s32 s13, s14;
	s10 =	sadd.s32 s13, s15  }
0x12: {  	s11 =	sadd.s32 s13, s16;
	s13 =	sadd.s32 $0xA00, s0;
	s0 =	sadd.s32 $0x64E00, s0  }
0x13: {  	s23 =	sadd.s32 s16, s19;
	s16 =	simm.s32 $0x23A0;
	[dreg:$0xb] =	wrdreg s24  }
0x14: {  	s1 =	sadd.s32 s7, s17;
	s22 =	sshrl.u32 s21, $0x3;
	[dreg:$0x11] =	wrdreg s13  }
0x15: {  	s4 =	sshrl.u32 s26, $0x3;
	[dreg:$0x12] =	wrdreg s0;
	s17 =	sadd.s32 s9, s19  }
0x16: {  	s21 =	sadd.s32 s14, s19;
	[dreg:$0x17] =	wrdreg s23;
	s24 =	smul.u32 $0x2800, s2  }
0x17: {  	s26 =	smul.u32 $0xA2, s20;
	s20 =	simm.s32 $0x80;
	[dreg:$0x8] =	wrdreg s1  }
0x18: {  	s0 =	simm.s32 $0x22C0;
	s9 =	simm.s32 $0x22F0;
	[dreg:$0x14] =	wrdreg s17  }
0x19: {  	s13 =	simm.s32 $0x2310;
	s1 =	sadd.s32 s5, s18;
	[dreg:$0x15] =	wrdreg s21  }
0x1a: {  	s14 =	simm.s32 $0x2390;
	s4 =	sadd.s32 s7, s4;
	[dreg:$0x9] =	wrdreg s1  }
0x1b: {  	s2 =	simm.s32 $0x0;
	s18 =	sadd.s32 s8, s19;
	[dreg:$0xe] =	wrdreg s4  }
0x1c: {  	s8 =	simm.s32 $0x2360;
	s1 =	sadd.s32 s7, s22;
	[dreg:$0x19] =	wrdreg s26  }
0x1d: {  	s22 =	sadd.s32 s15, s19;
	s4 =	simm.s32 $0x22D0;
	[dreg:$0x13] =	wrdreg s18  }
0x1e: {  	v0 =	vmov s24;
	s15 =	simm.s32 $0x2320;
	s24 =	simm.s32 $0x2330;
	[dreg:$0xa] =	wrdreg s1  }
0x1f: {  	s19 =	simm.s32 $0x23B0;
	s1 =	sadd.s32 s5, s25;
	[dreg:$0x16] =	wrdreg s22  }
0x20: {  	v1 =	vimm.s32 $0x0;
	v2 =	vimm.f32 $0.0e+00;
	v3 =	vlaneseq.u32;
	s25 =	smax.u32 s3, $0x1;
	s3 =	simm.s32 $0x2340;
	s22 =	simm.s32 $0x200  }
0x21: {  	v4 =	vor.u32 $0x10, v3;
	v5 =	vor.u32 $0x20, v3;
	v6 =	vor.u32 $0x30, v3;
	[dreg:$0xc] =	wrdreg s1;
	s1 =	sadd.s32 s5, s6;
	s5 =	sshrl.u32 s11, $0x3  }
0x22: {  	v7 =	vor.u32 $0x40, v3;
	v8 =	vor.u32 $0x50, v3;
	v9 =	vor.u32 $0x60, v3;
	[dreg:$0x18] =	wrdreg s25;
	s6 =	simm.s32 $0x2350;
	s11 =	simm.s32 $0x2300  }
0x23: {  	v10 =	vor.u32 $0x70, v3;
	v11 =	vor.u32 $0x2710, v3;
	v12 =	vor.u32 $0x2720, v3;
	[dreg:$0xd] =	wrdreg s1;
	s1 =	sshrl.u32 s10, $0x3;
	s12 =	sadd.s32 s7, s5  }
0x24: {  	v13 =	vor.u32 $0x2730, v3;
	v14 =	vor.u32 $0x2740, v3;
	v15 =	vor.u32 $0x2750, v3;
	s10 =	simm.s32 $0x2370;
	s1 =	sadd.s32 s7, s1;
	[dreg:$0x10] =	wrdreg s12  }
0x25: {  	v16 =	vor.u32 $0x2760, v3;
	v17 =	vor.u32 $0x2770, v3;
	v18 =	vor.u32 $0x2780, v3;
	s7 =	simm.s32 $0x22E0;
	s12 =	simm.s32 $0x2380;
	[dreg:$0xf] =	wrdreg s1  }
.LBB2_1:
0x26: {  	[dreg:$0x1a] =	wrdreg s2;
	s1 =	simm.s32 $0x0  }
.LBB2_2:
0x27: {  	p0 =	sne.s32 s1, $0x9FC0  }
.Ltmp0:
0x28: {  	_ = 	snop;
	(pc) =	sbr.rel @p0 .LBB2_2-.Ltmp0, $3  }
0x29: {  	_ =	sdelay $0x1  }
0x2a: {  	s2 =	sshra.s32 s1, $0x2  }
0x2b: {  	s1 =	sadd.s32 $0x40, s1;
	[tilespmem:s2+$0x23C0] =	vst v1  }
0x2c: {  	s2 =	simm.s32 $0x100;
	s1 =	simm.s32 $0x0  }
.LBB2_4:
0x2d: {  	p0 =	sne.s32 s2, $0x7F00;
	[tilespmem:s1+$0x2B0] =	vst v2;
	s5 =	smov.u32 s2;
	s2 =	sadd.s32 $0x100, s2  }
.Ltmp1:
0x2e: {  	[tilespmem:s1+$0x2A0] =	vst v2;
	(pc) =	sbr.rel @p0 .LBB2_4-.Ltmp1, $3  }
0x2f: {  	[tilespmem:s1+$0x280] =	vst v2  }
0x30: {  	[tilespmem:s1+$0x290] =	vst v2;
	_ =	sdelay $0x1  }
0x31: {  	s1 =	sshra.s32 s5, $0x2  }
0x32: {  	[tilespmem:s1+$0x2B0] =	vst v2  }
0x33: {  	[tilespmem:s1+$0x2A0] =	vst v2  }
0x34: {  	[tilespmem:s1+$0x280] =	vst v2  }
0x35: {  	[tilespmem:s1+$0x290] =	vst v2  }
0x36: {  	[spmem:s18] =	stream.linear.scatter [tilespmem:s29], [sflag:$0x2], $0x2000, $0x38;
	[tilespmem:$0xEBC0] =	vst v63  }
0x37: {  	_ =	swait.ge [sflag:s28], $0x2000  }
0x38: {  	[sflag:s28] =	ssyncset.done $0x0  }
0x39: {  	s21 =	rddreg [dreg:$0x14];
	[sflag:s28] =	ssyncadd.s32 $0xFFFFE000  }
0x3a: {  	[spmem:s21] =	stream.linear.scatter [tilespmem:s29], [sflag:$0x2], $0x2000, $0x38;
	[tilespmem:$0xEBC0] =	vst v63  }
0x3b: {  	_ =	swait.ge [sflag:s28], $0x2000  }
0x3c: {  	[sflag:s28] =	ssyncset.done $0x0  }
0x3d: {  	s23 =	rddreg [dreg:$0x15];
	[sflag:s28] =	ssyncadd.s32 $0xFFFFE000  }
0x3e: {  	[spmem:s23] =	stream.linear.scatter [tilespmem:s29], [sflag:$0x2], $0x2000, $0x38;
	[tilespmem:$0xEBC0] =	vst v63  }
0x3f: {  	_ =	swait.ge [sflag:s28], $0x2000  }
0x40: {  	[sflag:s28] =	ssyncset.done $0x0  }
0x41: {  	s25 =	rddreg [dreg:$0x16];
	[sflag:s28] =	ssyncadd.s32 $0xFFFFE000  }
0x42: {  	[spmem:s25] =	stream.linear.scatter [tilespmem:s29], [sflag:$0x2], $0x2000, $0x38;
	[tilespmem:$0xEBC0] =	vst v63  }
0x43: {  	_ =	swait.ge [sflag:s28], $0x2000  }
0x44: {  	[sflag:s28] =	ssyncset.done $0x0  }
0x45: {  	s26 =	rddreg [dreg:$0x17];
	[sflag:s28] =	ssyncadd.s32 $0xFFFFE000  }
0x46: {  	[spmem:s26] =	stream.linear.scatter [tilespmem:s29], [sflag:$0x2], $0x2000, $0x38;
	[tilespmem:$0xEBC0] =	vst v63  }
0x47: {  	_ =	swait.ge [sflag:s28], $0x2000  }
0x48: {  	[sflag:s28] =	ssyncset.done $0x0  }
0x49: {  	[sflag:s28] =	ssyncadd.s32 $0xFFFFE000  }
0x4a: {  	s1 =	simm.s32 $0x0;
	[bflag:$0x0] =	sbarrier.arrive $0xFFFF  }
.LBB2_6:
0x4b: {  	s2 =	rddreg [dreg:$0x19]  }
0x4c: {  	s2 =	sadd.s32 s2, s1  }
0x4d: {  	s17 =	rddreg [dreg:$0x5];
	s5 =	sshll.u32 s2, $0x4  }
0x4e: {  	s18 =	simm.s32 $0x0;
	s17 =	sadd.s32 s17, s5  }
0x4f: {  	[tilespmem:s18], [sflag:$0x2] =	stream.linear.gather [hbm4b:s17+s18], $0x80, $0x38;
	[tilespmem:$0xEBC0] =	vst v63  }
0x50: {  	_ =	swait.ge [sflag:s28], $0x80  }
0x51: {  	[sflag:s28] =	ssyncset.done $0x0  }
0x52: {  	[sflag:s28] =	ssyncadd.s32 $0xFFFFFF80  }
0x53: {  	s25 =	rddreg [dreg:$0x1]  }
0x54: {  	s17 =	sadd.s32 s25, s5  }
0x55: {  	[tilespmem:s20], [sflag:$0x2] =	stream.linear.gather [hbm4b:s17+s18], $0x80, $0x38;
	[tilespmem:$0xEBC0] =	vst v63  }
0x56: {  	_ =	swait.ge [sflag:s28], $0x80  }
0x57: {  	[sflag:s28] =	ssyncset.done $0x0;
	s26 =	rddreg [dreg:$0x11]  }
0x58: {  	[sflag:s28] =	ssyncadd.s32 $0xFFFFFF80;
	s5 =	sadd.s32 s26, s5  }
0x59: {  	[tilespmem:s30], [sflag:$0x2] =	stream.linear.gather [hbm4b:s5+s18], $0x80, $0x38;
	[tilespmem:$0xEBC0] =	vst v63  }
0x5a: {  	_ =	swait.ge [sflag:s28], $0x80  }
0x5b: {  	[sflag:s28] =	ssyncset.done $0x0  }
0x5c: {  	[sflag:s28] =	ssyncadd.s32 $0xFFFFFF80  }
0x5d: {  	v19 =	vld [tilespmem:$0x0];
	_ =	sdelay $0x7  }
0x5e: {  	v20 =	vld.idx.msk [tilespmem:v19+s31+$0x0], $0xffff;
	_ =	sdelay $0x2  }
0x5f: {  	s2 =	sshll.u32 s2, $0x9  }
0x60: {  	s2 =	sor.u32 $0x100, s2  }
0x61: {  	vm0 =	vlt.s32 v20, s2;
	_ =	sdelay $0x4  }
0x62: {  	v20 =	vor.u32 s2, v3  }
0x63: {  	[tilespmem:v19+s31+$0x0] =	vst.idx.msk vm0, v20  }
0x64: {  	v21 =	vld [tilespmem:$0x10];
	_ =	sdelay $0x7  }
0x65: {  	v22 =	vld.idx.msk [tilespmem:v21+s31+$0x0], $0xffff;
	_ =	sdelay $0x4  }
0x66: {  	vm5 =	vlt.s32 v22, s2;
	_ =	sdelay $0x4  }
0x67: {  	v43 =	vor.u32 s2, v4  }
0x68: {  	v19 =	vld.idx.msk [tilespmem:v19+s31+$0x0], $0xffff;
	[tilespmem:v21+s31+$0x0] =	vst.idx.msk vm5, v43  }
0x69: {  	v23 =	vld [tilespmem:$0x20];
	_ =	sdelay $0x7  }
0x6a: {  	v24 =	vld.idx.msk [tilespmem:v23+s31+$0x0], $0xffff;
	_ =	sdelay $0x4  }
0x6b: {  	vm6 =	vlt.s32 v24, s2;
	_ =	sdelay $0x4  }
0x6c: {  	v44 =	vor.u32 s2, v5  }
0x6d: {  	v21 =	vld.idx.msk [tilespmem:v21+s31+$0x0], $0xffff;
	[tilespmem:v23+s31+$0x0] =	vst.idx.msk vm6, v44  }
0x6e: {  	v25 =	vld [tilespmem:$0x30];
	_ =	sdelay $0x7  }
0x6f: {  	v26 =	vld.idx.msk [tilespmem:v25+s31+$0x0], $0xffff;
	_ =	sdelay $0x4  }
0x70: {  	vm7 =	vlt.s32 v26, s2;
	_ =	sdelay $0x4  }
0x71: {  	v45 =	vor.u32 s2, v6  }
0x72: {  	v23 =	vld.idx.msk [tilespmem:v23+s31+$0x0], $0xffff;
	[tilespmem:v25+s31+$0x0] =	vst.idx.msk vm7, v45  }
0x73: {  	v27 =	vld [tilespmem:$0x40];
	_ =	sdelay $0x7  }
0x74: {  	v28 =	vld.idx.msk [tilespmem:v27+s31+$0x0], $0xffff;
	_ =	sdelay $0x4  }
0x75: {  	vm8 =	vlt.s32 v28, s2;
	_ =	sdelay $0x4  }
0x76: {  	v46 =	vor.u32 s2, v7  }
0x77: {  	v25 =	vld.idx.msk [tilespmem:v25+s31+$0x0], $0xffff;
	[tilespmem:v27+s31+$0x0] =	vst.idx.msk vm8, v46  }
0x78: {  	v29 =	vld [tilespmem:$0x50];
	_ =	sdelay $0x7  }
0x79: {  	v30 =	vld.idx.msk [tilespmem:v29+s31+$0x0], $0xffff;
	_ =	sdelay $0x4  }
0x7a: {  	vm9 =	vlt.s32 v30, s2;
	_ =	sdelay $0x4  }
0x7b: {  	v47 =	vor.u32 s2, v8  }
0x7c: {  	v27 =	vld.idx.msk [tilespmem:v27+s31+$0x0], $0xffff;
	[tilespmem:v29+s31+$0x0] =	vst.idx.msk vm9, v47  }
0x7d: {  	v31 =	vld [tilespmem:$0x60];
	_ =	sdelay $0x7  }
0x7e: {  	v32 =	vld.idx.msk [tilespmem:v31+s31+$0x0], $0xffff;
	_ =	sdelay $0x4  }
0x7f: {  	vm10 =	vlt.s32 v32, s2;
	_ =	sdelay $0x4  }
0x80: {  	v48 =	vor.u32 s2, v9  }
0x81: {  	v29 =	vld.idx.msk [tilespmem:v29+s31+$0x0], $0xffff;
	[tilespmem:v31+s31+$0x0] =	vst.idx.msk vm10, v48  }
0x82: {  	v33 =	vld [tilespmem:$0x70];
	_ =	sdelay $0x7  }
0x83: {  	v34 =	vld.idx.msk [tilespmem:v33+s31+$0x0], $0xffff;
	_ =	sdelay $0x4  }
0x84: {  	vm11 =	vlt.s32 v34, s2;
	_ =	sdelay $0x4  }
0x85: {  	v49 =	vor.u32 s2, v10  }
0x86: {  	v31 =	vld.idx.msk [tilespmem:v31+s31+$0x0], $0xffff;
	[tilespmem:v33+s31+$0x0] =	vst.idx.msk vm11, v49  }
0x87: {  	v35 =	vld [tilespmem:$0x0];
	_ =	sdelay $0x3  }
0x88: {  	vm12 =	vne.s32 v19, v20  }
0x89: {  	v20 =	vsel vm12, v11, v35  }
0x8a: {  	v20 =	vadd.s32 v0, v20  }
0x8b: {  	v33 =	vld.idx.msk [tilespmem:v33+s31+$0x0], $0xffff;
	[tilespmem:$0x180] =	vst v20;
	v20 =	vmov s2  }
0x8c: {  	v19 =	vsub.s32 v19, v20;
	[tilespmem:s0+$0x0] =	vst.msk vm12, v3  }
0x8d: {  	[tilespmem:s3+$0x0] =	vst.msk vm12, v19  }
0x8e: {  	v19 =	vld [tilespmem:$0x10];
	_ =	sdelay $0x3  }
0x8f: {  	vm1 =	vne.s32 v21, v43  }
0x90: {  	v19 =	vsel vm1, v12, v19  }
0x91: {  	v19 =	vadd.s32 v0, v19  }
0x92: {  	[tilespmem:$0x190] =	vst v19  }
0x93: {  	v19 =	vsub.s32 v21, v20;
	[tilespmem:s4+$0x0] =	vst.msk vm1, v4  }
0x94: {  	[tilespmem:s6+$0x0] =	vst.msk vm1, v19  }
0x95: {  	v19 =	vld [tilespmem:$0x20];
	_ =	sdelay $0x3  }
0x96: {  	vm2 =	vne.s32 v23, v44  }
0x97: {  	v19 =	vsel vm2, v13, v19  }
0x98: {  	v19 =	vadd.s32 v0, v19  }
0x99: {  	[tilespmem:$0x1A0] =	vst v19  }
0x9a: {  	v19 =	vsub.s32 v23, v20;
	[tilespmem:s7+$0x0] =	vst.msk vm2, v5  }
0x9b: {  	[tilespmem:s8+$0x0] =	vst.msk vm2, v19  }
0x9c: {  	v19 =	vld [tilespmem:$0x30];
	_ =	sdelay $0x3  }
0x9d: {  	vm3 =	vne.s32 v25, v45  }
0x9e: {  	v19 =	vsel vm3, v14, v19  }
0x9f: {  	v19 =	vadd.s32 v0, v19  }
0xa0: {  	[tilespmem:$0x1B0] =	vst v19  }
0xa1: {  	v19 =	vsub.s32 v25, v20;
	[tilespmem:s9+$0x0] =	vst.msk vm3, v6  }
0xa2: {  	[tilespmem:s10+$0x0] =	vst.msk vm3, v19  }
0xa3: {  	v19 =	vld [tilespmem:$0x40];
	_ =	sdelay $0x3  }
0xa4: {  	vm4 =	vne.s32 v27, v46  }
0xa5: {  	v19 =	vsel vm4, v15, v19  }
0xa6: {  	v19 =	vadd.s32 v0, v19  }
0xa7: {  	[tilespmem:$0x1C0] =	vst v19;
	v19 =	vmpcnt.ones.xlane vm12  }
0xa8: {  	v22 =	vmpcnt.ones.xlane vm1;
	v51 =	vmpcnt.ones.xlane vm2  }
0xa9: {  	v53 =	vmpcnt.ones.xlane vm3;
	v54 =	vmpcnt.ones.xlane vm4;
	v19 =	vxor.u32 $0x80000000, v19  }
0xaa: {  	v50 =	vsub.s32 v27, v20;
	[tilespmem:s11+$0x0] =	vst.msk vm4, v7;
	(xrf0) =	vmax.scan.msk.u32 $0xffff, v19;
	v19 =	vxor.u32 $0x80000000, v22  }
0xab: {  	vm13 =	vne.s32 v29, v47;
	[tilespmem:s12+$0x0] =	vst.msk vm4, v50;
	(xrf0) =	vmax.scan.msk.u32 $0xffff, v19;
	v19 =	vxor.u32 $0x80000000, v51  }
0xac: {  	v55 =	vmpcnt.ones.xlane vm13;
	vm14 =	vne.s32 v31, v48;
	v52 =	vld [tilespmem:$0x50];
	(xrf0) =	vmax.scan.msk.u32 $0xffff, v19;
	v19 =	vxor.u32 $0x80000000, v53  }
0xad: {  	v56 =	vmpcnt.ones.xlane vm14;
	vm15 =	vne.s32 v33, v49;
	(xrf0) =	vmax.scan.msk.u32 $0xffff, v19;
	v19 =	vxor.u32 $0x80000000, v54  }
0xae: {  	v57 =	vmpcnt.ones.xlane vm15;
	(xrf0) =	vmax.scan.msk.u32 $0xffff, v19;
	v19 =	vxor.u32 $0x80000000, v55  }
0xaf: {  	(xrf0) =	vmax.scan.msk.u32 $0xffff, v19;
	v19 =	vxor.u32 $0x80000000, v56  }
0xb0: {  	v59, _, _ =	vpop (xrf0);
	(xrf0) =	vmax.scan.msk.u32 $0xffff, v19;
	v19 =	vxor.u32 $0x80000000, v57  }
0xb1: {  	v23 =	vsel vm13, v16, v52  }
0xb2: {  	v58 =	vadd.s32 v0, v23;
	(v2sf) =	vpush v59, $0xF;
	v60, _, _ =	vpop (xrf0);
	(xrf0) =	vmax.scan.msk.u32 $0xffff, v19  }
0xb3: {  	[tilespmem:$0x1D0] =	vst v58;
	(v2sf) =	vpush v60, $0xF;
	v19, _, _ =	vpop (xrf0)  }
0xb4: {  	v61 =	vsub.s32 v29, v20;
	[tilespmem:s13+$0x0] =	vst.msk vm13, v8;
	v62, _, _ =	vpop (xrf0);
	(v2sf) =	vpush v19, $0xF  }
0xb5: {  	[tilespmem:s14+$0x0] =	vst.msk vm13, v61;
	v19, _, _ =	vpop (xrf0);
	(v2sf) =	vpush v62, $0xF  }
0xb6: {  	v22 =	vld [tilespmem:$0x60];
	v63, _, _ =	vpop (xrf0);
	(v2sf) =	vpush v19, $0xF  }
0xb7: {  	v19, _, _ =	vpop (xrf0);
	(v2sf) =	vpush v63, $0xF  }
0xb8: {  	(v2sf) =	vpush v19, $0xF;
	v19, _, _ =	vpop (xrf0)  }
0xb9: {  	(v2sf) =	vpush v19, $0xF;
	_ =	sdelay $0x1  }
0xba: {  	v19 =	vsel vm14, v17, v22  }
0xbb: {  	v19 =	vadd.s32 v0, v19  }
0xbc: {  	[tilespmem:$0x1E0] =	vst v19  }
0xbd: {  	v19 =	vsub.s32 v31, v20;
	[tilespmem:s15+$0x0] =	vst.msk vm14, v9  }
0xbe: {  	[tilespmem:s16+$0x0] =	vst.msk vm14, v19  }
0xbf: {  	v19 =	vld [tilespmem:$0x70]  }
0xc0: {  	s21 =	spop (v2sf)  }
0xc1: {  	s26 =	spop (v2sf)  }
0xc2: {  	s25 =	spop (v2sf)  }
0xc3: {  	s18 =	spop (v2sf)  }
0xc4: {  	v19 =	vsel vm15, v18, v19;
	s17 =	spop (v2sf)  }
0xc5: {  	v19 =	vadd.s32 v0, v19;
	s5 =	spop (v2sf)  }
0xc6: {  	s2 =	rddreg [dreg:$0x12];
	[tilespmem:$0x1F0] =	vst v19;
	s20 =	spop (v2sf)  }
0xc7: {  	s23 =	simm.s32 $0x80;
	v19 =	vsub.s32 v33, v20;
	[tilespmem:s24+$0x0] =	vst.msk vm15, v10;
	[dreg:$0x1c] =	wrdreg s20;
	s20 =	spop (v2sf)  }
0xc8: {  	s29 =	simm.s32 $0x180;
	[tilespmem:s19+$0x0] =	vst.msk vm15, v19;
	[dreg:$0x1b] =	wrdreg s20;
	s20 =	simm.s32 $0x280  }
0xc9: {  	[tilespmem:s20], [sflag:$0x1] =	stream.indirect.gather [hbm4b:s2+s23], $0x40, s29, s23, $0xb8;
	[tilespmem:$0xEBC0] =	vst v63  }
0xca: {  	s29 =	sxor.u32 $0x80000000, s21  }
0xcb: {  	p0 =	sgt.s32 s29, $0x0  }
.Ltmp2:
0xcc: {  	_ = 	snop;
	(pc) =	sbr.rel @!p0 .LBB2_7-.Ltmp2, $4  }
0xcd: {  	s23 =	simm.s32 $0x1  }
0xce: {  	_ =	swait.ge [sflag:s23], $0x2000  }
0xcf: {  	[sflag:s23] =	ssyncset.done $0x0  }
0xd0: {  	[sflag:s23] =	ssyncadd.s32 $0xFFFFE000  }
0xd1: {  	s20 =	simm.s32 $0x0  }
0xd2: {  	v19 =	vmov s20;
	_ =	sdelay $0x4  }
0xd3: {  	v20 =	vld.idx.msk [tilespmem:v19+s3+$0x0], $0xffff;
	_ =	sdelay $0x3  }
0xd4: {  	v19 =	vld.idx.msk [tilespmem:v19+s0+$0x0], $0xffff  }
0xd5: {  	v20 =	vxor.u32 $0x80000000, v20  }
0xd6: {  	(xrf0) =	vmax.scan.msk.u32 $0xffff, v20;
	_ =	sdelay $0x2  }
0xd7: {  	v19 =	vxor.u32 $0x80000000, v19;
	_ =	sdelay $0x1  }
0xd8: {  	(xrf0) =	vmax.scan.msk.u32 $0xffff, v19  }
0xd9: {  	v19, _, _ =	vpop (xrf0)  }
0xda: {  	(v2sf) =	vpush v19, $0xF;
	_ =	sdelay $0x3  }
0xdb: {  	v19, _, _ =	vpop (xrf0)  }
0xdc: {  	(v2sf) =	vpush v19, $0xF;
	_ =	sdelay $0x9  }
0xdd: {  	s21 =	spop (v2sf)  }
0xde: {  	s21 =	sshll.u32 s21, $0x8  }
0xdf: {  	s2 =	sshra.s32 s21, $0x2  }
0xe0: {  	v19 =	vld [tilespmem:s2+$0x280];
	_ =	sdelay $0x1  }
0xe1: {  	s23 =	spop (v2sf)  }
0xe2: {  	s21 =	sshll.u32 s23, $0x8  }
0xe3: {  	s23 =	sshra.s32 s21, $0x2  }
0xe4: {  	[tilespmem:s23+$0x280] =	vst v19  }
0xe5: {  	v19 =	vld [tilespmem:s2+$0x290];
	_ =	sdelay $0x4  }
0xe6: {  	[tilespmem:s23+$0x290] =	vst v19  }
0xe7: {  	s21 =	sadd.s32 $0x1, s20;
	v19 =	vld [tilespmem:s2+$0x2A0]  }
0xe8: {  	p0 =	seq.s32 s29, s21  }
.Ltmp3:
0xe9: {  	_ = 	snop;
	(pc) =	sbr.rel @p0 .LBB2_34-.Ltmp3, $3  }
0xea: {  	_ =	sdelay $0x1  }
0xeb: {  	[tilespmem:s23+$0x2A0] =	vst v19  }
0xec: {  	v19 =	vld [tilespmem:s2+$0x2B0]  }
.LBB2_33:
0xed: {  	v20 =	vmov s21;
	s21 =	sadd.s32 $0x1, s21  }
0xee: {  	p0 =	seq.s32 s29, s21;
	_ =	sdelay $0x2  }
0xef: {  	[tilespmem:s23+$0x2B0] =	vst v19  }
0xf0: {  	v19 =	vld.idx.msk [tilespmem:v20+s3+$0x0], $0xffff;
	_ =	sdelay $0x4  }
0xf1: {  	v20 =	vld.idx.msk [tilespmem:v20+s0+$0x0], $0xffff  }
0xf2: {  	v19 =	vxor.u32 $0x80000000, v19  }
0xf3: {  	(xrf0) =	vmax.scan.msk.u32 $0xffff, v19;
	_ =	sdelay $0x3  }
0xf4: {  	v20 =	vxor.u32 $0x80000000, v20  }
0xf5: {  	(xrf0) =	vmax.scan.msk.u32 $0xffff, v20  }
0xf6: {  	v19, _, _ =	vpop (xrf0)  }
0xf7: {  	(v2sf) =	vpush v19, $0xF;
	_ =	sdelay $0x3  }
0xf8: {  	v19, _, _ =	vpop (xrf0)  }
0xf9: {  	(v2sf) =	vpush v19, $0xF;
	_ =	sdelay $0x9  }
0xfa: {  	s2 =	spop (v2sf)  }
0xfb: {  	s2 =	sshll.u32 s2, $0x8  }
0xfc: {  	s2 =	sshra.s32 s2, $0x2  }
0xfd: {  	v19 =	vld [tilespmem:s2+$0x280];
	_ =	sdelay $0x1  }
0xfe: {  	s23 =	spop (v2sf)  }
0xff: {  	s23 =	sshll.u32 s23, $0x8  }
0x100: {  	s23 =	sshra.s32 s23, $0x2  }
0x101: {  	[tilespmem:s23+$0x280] =	vst v19  }
0x102: {  	v19 =	vld [tilespmem:s2+$0x290];
	_ =	sdelay $0x4  }
0x103: {  	[tilespmem:s23+$0x290] =	vst v19  }
0x104: {  	v19 =	vld [tilespmem:s2+$0x2A0];
	_ =	sdelay $0x1  }
.Ltmp4:
0x105: {  	(pc) =	sbr.rel @!p0 .LBB2_33-.Ltmp4, $3  }
0x106: {  	_ =	sdelay $0x1  }
0x107: {  	[tilespmem:s23+$0x2A0] =	vst v19  }
0x108: {  	v19 =	vld [tilespmem:s2+$0x2B0]  }
.LBB2_34:
0x109: {  	_ =	sdelay $0x3  }
0x10a: {  	[tilespmem:s23+$0x2B0] =	vst v19  }
.LBB2_7:
0x10b: {  	s26 =	sxor.u32 $0x80000000, s26  }
0x10c: {  	p0 =	sgt.s32 s26, $0x0  }
.Ltmp5:
0x10d: {  	_ = 	snop;
	(pc) =	sbr.rel @!p0 .LBB2_8-.Ltmp5, $2  }
0x10e: {  	_ =	sdelay $0x2  }
0x10f: {  	s21 =	simm.s32 $0x0;
	s29 =	simm.s32 $0x280  }
0x110: {  	v19 =	vmov s21;
	_ =	sdelay $0x4  }
0x111: {  	v20 =	vld.idx.msk [tilespmem:v19+s6+$0x0], $0xffff;
	_ =	sdelay $0x3  }
0x112: {  	v19 =	vld.idx.msk [tilespmem:v19+s4+$0x0], $0xffff  }
0x113: {  	v20 =	vxor.u32 $0x80000000, v20  }
0x114: {  	(xrf0) =	vmax.scan.msk.u32 $0xffff, v20;
	_ =	sdelay $0x2  }
0x115: {  	v19 =	vxor.u32 $0x80000000, v19;
	_ =	sdelay $0x1  }
0x116: {  	(xrf0) =	vmax.scan.msk.u32 $0xffff, v19  }
0x117: {  	v19, _, _ =	vpop (xrf0)  }
0x118: {  	(v2sf) =	vpush v19, $0xF;
	_ =	sdelay $0x3  }
0x119: {  	v19, _, _ =	vpop (xrf0)  }
0x11a: {  	(v2sf) =	vpush v19, $0xF;
	_ =	sdelay $0x9  }
0x11b: {  	s2 =	spop (v2sf)  }
0x11c: {  	s2 =	sshll.u32 s2, $0x8  }
0x11d: {  	s2 =	sshra.s32 s2, $0x2  }
0x11e: {  	v19 =	vld [tilespmem:s2+$0x280];
	_ =	sdelay $0x1  }
0x11f: {  	s23 =	spop (v2sf)  }
0x120: {  	s23 =	sshll.u32 s23, $0x8  }
0x121: {  	s23 =	sshra.s32 s23, $0x2  }
0x122: {  	[tilespmem:s23+$0x280] =	vst v19  }
0x123: {  	v19 =	vld [tilespmem:s2+$0x290];
	_ =	sdelay $0x4  }
0x124: {  	[tilespmem:s23+$0x290] =	vst v19  }
0x125: {  	s21 =	sadd.s32 $0x1, s21;
	v19 =	vld [tilespmem:s2+$0x2A0]  }
0x126: {  	p0 =	seq.s32 s26, s21  }
.Ltmp6:
0x127: {  	_ = 	snop;
	(pc) =	sbr.rel @p0 .LBB2_37-.Ltmp6, $3  }
0x128: {  	_ =	sdelay $0x1  }
0x129: {  	[tilespmem:s23+$0x2A0] =	vst v19  }
0x12a: {  	v19 =	vld [tilespmem:s2+$0x2B0]  }
.LBB2_36:
0x12b: {  	v20 =	vmov s21;
	s21 =	sadd.s32 $0x1, s21  }
0x12c: {  	p0 =	seq.s32 s26, s21;
	_ =	sdelay $0x2  }
0x12d: {  	[tilespmem:s23+$0x2B0] =	vst v19  }
0x12e: {  	v19 =	vld.idx.msk [tilespmem:v20+s6+$0x0], $0xffff;
	_ =	sdelay $0x4  }
0x12f: {  	v20 =	vld.idx.msk [tilespmem:v20+s4+$0x0], $0xffff  }
0x130: {  	v19 =	vxor.u32 $0x80000000, v19  }
0x131: {  	(xrf0) =	vmax.scan.msk.u32 $0xffff, v19;
	_ =	sdelay $0x3  }
0x132: {  	v20 =	vxor.u32 $0x80000000, v20  }
0x133: {  	(xrf0) =	vmax.scan.msk.u32 $0xffff, v20  }
0x134: {  	v19, _, _ =	vpop (xrf0)  }
0x135: {  	(v2sf) =	vpush v19, $0xF;
	_ =	sdelay $0x3  }
0x136: {  	v19, _, _ =	vpop (xrf0)  }
0x137: {  	(v2sf) =	vpush v19, $0xF;
	_ =	sdelay $0x9  }
0x138: {  	s2 =	spop (v2sf)  }
0x139: {  	s2 =	sshll.u32 s2, $0x8  }
0x13a: {  	s2 =	sshra.s32 s2, $0x2  }
0x13b: {  	v19 =	vld [tilespmem:s2+$0x280];
	_ =	sdelay $0x1  }
0x13c: {  	s23 =	spop (v2sf)  }
0x13d: {  	s23 =	sshll.u32 s23, $0x8  }
0x13e: {  	s23 =	sshra.s32 s23, $0x2  }
0x13f: {  	[tilespmem:s23+$0x280] =	vst v19  }
0x140: {  	v19 =	vld [tilespmem:s2+$0x290];
	_ =	sdelay $0x4  }
0x141: {  	[tilespmem:s23+$0x290] =	vst v19  }
0x142: {  	v19 =	vld [tilespmem:s2+$0x2A0];
	_ =	sdelay $0x1  }
.Ltmp7:
0x143: {  	(pc) =	sbr.rel @!p0 .LBB2_36-.Ltmp7, $3  }
0x144: {  	_ =	sdelay $0x1  }
0x145: {  	[tilespmem:s23+$0x2A0] =	vst v19  }
0x146: {  	v19 =	vld [tilespmem:s2+$0x2B0]  }
.LBB2_37:
0x147: {  	_ =	sdelay $0x3  }
0x148: {  	[tilespmem:s23+$0x2B0] =	vst v19  }
.LBB2_8:
0x149: {  	s25 =	sxor.u32 $0x80000000, s25  }
0x14a: {  	p0 =	sgt.s32 s25, $0x0  }
.Ltmp8:
0x14b: {  	_ = 	snop;
	(pc) =	sbr.rel @!p0 .LBB2_9-.Ltmp8, $2  }
0x14c: {  	_ =	sdelay $0x2  }
0x14d: {  	s21 =	simm.s32 $0x0  }
0x14e: {  	v19 =	vmov s21;
	_ =	sdelay $0x4  }
0x14f: {  	v20 =	vld.idx.msk [tilespmem:v19+s8+$0x0], $0xffff;
	_ =	sdelay $0x3  }
0x150: {  	v19 =	vld.idx.msk [tilespmem:v19+s7+$0x0], $0xffff  }
0x151: {  	v20 =	vxor.u32 $0x80000000, v20  }
0x152: {  	(xrf0) =	vmax.scan.msk.u32 $0xffff, v20;
	_ =	sdelay $0x2  }
0x153: {  	v19 =	vxor.u32 $0x80000000, v19;
	_ =	sdelay $0x1  }
0x154: {  	(xrf0) =	vmax.scan.msk.u32 $0xffff, v19  }
0x155: {  	v19, _, _ =	vpop (xrf0)  }
0x156: {  	(v2sf) =	vpush v19, $0xF;
	_ =	sdelay $0x3  }
0x157: {  	v19, _, _ =	vpop (xrf0)  }
0x158: {  	(v2sf) =	vpush v19, $0xF;
	_ =	sdelay $0x9  }
0x159: {  	s2 =	spop (v2sf)  }
0x15a: {  	s2 =	sshll.u32 s2, $0x8  }
0x15b: {  	s2 =	sshra.s32 s2, $0x2  }
0x15c: {  	v19 =	vld [tilespmem:s2+$0x280];
	_ =	sdelay $0x1  }
0x15d: {  	s23 =	spop (v2sf)  }
0x15e: {  	s23 =	sshll.u32 s23, $0x8  }
0x15f: {  	s23 =	sshra.s32 s23, $0x2  }
0x160: {  	[tilespmem:s23+$0x280] =	vst v19  }
0x161: {  	v19 =	vld [tilespmem:s2+$0x290];
	_ =	sdelay $0x4  }
0x162: {  	[tilespmem:s23+$0x290] =	vst v19  }
0x163: {  	s21 =	sadd.s32 $0x1, s21;
	v19 =	vld [tilespmem:s2+$0x2A0]  }
0x164: {  	p0 =	seq.s32 s25, s21  }
.Ltmp9:
0x165: {  	_ = 	snop;
	(pc) =	sbr.rel @p0 .LBB2_40-.Ltmp9, $3  }
0x166: {  	_ =	sdelay $0x1  }
0x167: {  	[tilespmem:s23+$0x2A0] =	vst v19  }
0x168: {  	v19 =	vld [tilespmem:s2+$0x2B0]  }
.LBB2_39:
0x169: {  	v20 =	vmov s21;
	s21 =	sadd.s32 $0x1, s21  }
0x16a: {  	p0 =	seq.s32 s25, s21;
	_ =	sdelay $0x2  }
0x16b: {  	[tilespmem:s23+$0x2B0] =	vst v19  }
0x16c: {  	v19 =	vld.idx.msk [tilespmem:v20+s8+$0x0], $0xffff;
	_ =	sdelay $0x4  }
0x16d: {  	v20 =	vld.idx.msk [tilespmem:v20+s7+$0x0], $0xffff  }
0x16e: {  	v19 =	vxor.u32 $0x80000000, v19  }
0x16f: {  	(xrf0) =	vmax.scan.msk.u32 $0xffff, v19;
	_ =	sdelay $0x3  }
0x170: {  	v20 =	vxor.u32 $0x80000000, v20  }
0x171: {  	(xrf0) =	vmax.scan.msk.u32 $0xffff, v20  }
0x172: {  	v19, _, _ =	vpop (xrf0)  }
0x173: {  	(v2sf) =	vpush v19, $0xF;
	_ =	sdelay $0x3  }
0x174: {  	v19, _, _ =	vpop (xrf0)  }
0x175: {  	(v2sf) =	vpush v19, $0xF;
	_ =	sdelay $0x9  }
0x176: {  	s2 =	spop (v2sf)  }
0x177: {  	s2 =	sshll.u32 s2, $0x8  }
0x178: {  	s2 =	sshra.s32 s2, $0x2  }
0x179: {  	v19 =	vld [tilespmem:s2+$0x280];
	_ =	sdelay $0x1  }
0x17a: {  	s23 =	spop (v2sf)  }
0x17b: {  	s23 =	sshll.u32 s23, $0x8  }
0x17c: {  	s23 =	sshra.s32 s23, $0x2  }
0x17d: {  	[tilespmem:s23+$0x280] =	vst v19  }
0x17e: {  	v19 =	vld [tilespmem:s2+$0x290];
	_ =	sdelay $0x4  }
0x17f: {  	[tilespmem:s23+$0x290] =	vst v19  }
0x180: {  	v19 =	vld [tilespmem:s2+$0x2A0];
	_ =	sdelay $0x1  }
.Ltmp10:
0x181: {  	(pc) =	sbr.rel @!p0 .LBB2_39-.Ltmp10, $3  }
0x182: {  	_ =	sdelay $0x1  }
0x183: {  	[tilespmem:s23+$0x2A0] =	vst v19  }
0x184: {  	v19 =	vld [tilespmem:s2+$0x2B0]  }
.LBB2_40:
0x185: {  	_ =	sdelay $0x3  }
0x186: {  	[tilespmem:s23+$0x2B0] =	vst v19  }
.LBB2_9:
0x187: {  	s18 =	sxor.u32 $0x80000000, s18  }
0x188: {  	p0 =	sgt.s32 s18, $0x0  }
.Ltmp11:
0x189: {  	_ = 	snop;
	(pc) =	sbr.rel @!p0 .LBB2_10-.Ltmp11, $2  }
0x18a: {  	_ =	sdelay $0x2  }
0x18b: {  	s21 =	simm.s32 $0x0  }
0x18c: {  	v19 =	vmov s21;
	_ =	sdelay $0x4  }
0x18d: {  	v20 =	vld.idx.msk [tilespmem:v19+s10+$0x0], $0xffff;
	_ =	sdelay $0x3  }
0x18e: {  	v19 =	vld.idx.msk [tilespmem:v19+s9+$0x0], $0xffff  }
0x18f: {  	v20 =	vxor.u32 $0x80000000, v20  }
0x190: {  	(xrf0) =	vmax.scan.msk.u32 $0xffff, v20;
	_ =	sdelay $0x2  }
0x191: {  	v19 =	vxor.u32 $0x80000000, v19;
	_ =	sdelay $0x1  }
0x192: {  	(xrf0) =	vmax.scan.msk.u32 $0xffff, v19  }
0x193: {  	v19, _, _ =	vpop (xrf0)  }
0x194: {  	(v2sf) =	vpush v19, $0xF;
	_ =	sdelay $0x3  }
0x195: {  	v19, _, _ =	vpop (xrf0)  }
0x196: {  	(v2sf) =	vpush v19, $0xF;
	_ =	sdelay $0x9  }
0x197: {  	s2 =	spop (v2sf)  }
0x198: {  	s2 =	sshll.u32 s2, $0x8  }
0x199: {  	s2 =	sshra.s32 s2, $0x2  }
0x19a: {  	v19 =	vld [tilespmem:s2+$0x280];
	_ =	sdelay $0x1  }
0x19b: {  	s23 =	spop (v2sf)  }
0x19c: {  	s23 =	sshll.u32 s23, $0x8  }
0x19d: {  	s23 =	sshra.s32 s23, $0x2  }
0x19e: {  	[tilespmem:s23+$0x280] =	vst v19  }
0x19f: {  	v19 =	vld [tilespmem:s2+$0x290];
	_ =	sdelay $0x4  }
0x1a0: {  	[tilespmem:s23+$0x290] =	vst v19  }
0x1a1: {  	s21 =	sadd.s32 $0x1, s21;
	v19 =	vld [tilespmem:s2+$0x2A0]  }
0x1a2: {  	p0 =	seq.s32 s18, s21  }
.Ltmp12:
0x1a3: {  	_ = 	snop;
	(pc) =	sbr.rel @p0 .LBB2_43-.Ltmp12, $3  }
0x1a4: {  	_ =	sdelay $0x1  }
0x1a5: {  	[tilespmem:s23+$0x2A0] =	vst v19  }
0x1a6: {  	v19 =	vld [tilespmem:s2+$0x2B0]  }
.LBB2_42:
0x1a7: {  	v20 =	vmov s21;
	s21 =	sadd.s32 $0x1, s21  }
0x1a8: {  	p0 =	seq.s32 s18, s21;
	_ =	sdelay $0x2  }
0x1a9: {  	[tilespmem:s23+$0x2B0] =	vst v19  }
0x1aa: {  	v19 =	vld.idx.msk [tilespmem:v20+s10+$0x0], $0xffff;
	_ =	sdelay $0x4  }
0x1ab: {  	v20 =	vld.idx.msk [tilespmem:v20+s9+$0x0], $0xffff  }
0x1ac: {  	v19 =	vxor.u32 $0x80000000, v19  }
0x1ad: {  	(xrf0) =	vmax.scan.msk.u32 $0xffff, v19;
	_ =	sdelay $0x3  }
0x1ae: {  	v20 =	vxor.u32 $0x80000000, v20  }
0x1af: {  	(xrf0) =	vmax.scan.msk.u32 $0xffff, v20  }
0x1b0: {  	v19, _, _ =	vpop (xrf0)  }
0x1b1: {  	(v2sf) =	vpush v19, $0xF;
	_ =	sdelay $0x3  }
0x1b2: {  	v19, _, _ =	vpop (xrf0)  }
0x1b3: {  	(v2sf) =	vpush v19, $0xF;
	_ =	sdelay $0x9  }
0x1b4: {  	s2 =	spop (v2sf)  }
0x1b5: {  	s2 =	sshll.u32 s2, $0x8  }
0x1b6: {  	s2 =	sshra.s32 s2, $0x2  }
0x1b7: {  	v19 =	vld [tilespmem:s2+$0x280];
	_ =	sdelay $0x1  }
0x1b8: {  	s23 =	spop (v2sf)  }
0x1b9: {  	s23 =	sshll.u32 s23, $0x8  }
0x1ba: {  	s23 =	sshra.s32 s23, $0x2  }
0x1bb: {  	[tilespmem:s23+$0x280] =	vst v19  }
0x1bc: {  	v19 =	vld [tilespmem:s2+$0x290];
	_ =	sdelay $0x4  }
0x1bd: {  	[tilespmem:s23+$0x290] =	vst v19  }
0x1be: {  	v19 =	vld [tilespmem:s2+$0x2A0];
	_ =	sdelay $0x1  }
.Ltmp13:
0x1bf: {  	(pc) =	sbr.rel @!p0 .LBB2_42-.Ltmp13, $3  }
0x1c0: {  	_ =	sdelay $0x1  }
0x1c1: {  	[tilespmem:s23+$0x2A0] =	vst v19  }
0x1c2: {  	v19 =	vld [tilespmem:s2+$0x2B0]  }
.LBB2_43:
0x1c3: {  	_ =	sdelay $0x3  }
0x1c4: {  	[tilespmem:s23+$0x2B0] =	vst v19  }
.LBB2_10:
0x1c5: {  	s17 =	sxor.u32 $0x80000000, s17  }
0x1c6: {  	p0 =	sgt.s32 s17, $0x0  }
.Ltmp14:
0x1c7: {  	_ = 	snop;
	(pc) =	sbr.rel @!p0 .LBB2_11-.Ltmp14, $2  }
0x1c8: {  	_ =	sdelay $0x2  }
0x1c9: {  	s18 =	simm.s32 $0x0  }
0x1ca: {  	v19 =	vmov s18;
	_ =	sdelay $0x4  }
0x1cb: {  	v20 =	vld.idx.msk [tilespmem:v19+s12+$0x0], $0xffff;
	_ =	sdelay $0x3  }
0x1cc: {  	v19 =	vld.idx.msk [tilespmem:v19+s11+$0x0], $0xffff  }
0x1cd: {  	v20 =	vxor.u32 $0x80000000, v20  }
0x1ce: {  	(xrf0) =	vmax.scan.msk.u32 $0xffff, v20;
	_ =	sdelay $0x2  }
0x1cf: {  	v19 =	vxor.u32 $0x80000000, v19;
	_ =	sdelay $0x1  }
0x1d0: {  	(xrf0) =	vmax.scan.msk.u32 $0xffff, v19  }
0x1d1: {  	v19, _, _ =	vpop (xrf0)  }
0x1d2: {  	(v2sf) =	vpush v19, $0xF;
	_ =	sdelay $0x3  }
0x1d3: {  	v19, _, _ =	vpop (xrf0)  }
0x1d4: {  	(v2sf) =	vpush v19, $0xF;
	_ =	sdelay $0x9  }
0x1d5: {  	s2 =	spop (v2sf)  }
0x1d6: {  	s2 =	sshll.u32 s2, $0x8  }
0x1d7: {  	s2 =	sshra.s32 s2, $0x2  }
0x1d8: {  	v19 =	vld [tilespmem:s2+$0x280];
	_ =	sdelay $0x1  }
0x1d9: {  	s21 =	spop (v2sf)  }
0x1da: {  	s21 =	sshll.u32 s21, $0x8  }
0x1db: {  	s21 =	sshra.s32 s21, $0x2  }
0x1dc: {  	[tilespmem:s21+$0x280] =	vst v19  }
0x1dd: {  	v19 =	vld [tilespmem:s2+$0x290];
	_ =	sdelay $0x4  }
0x1de: {  	[tilespmem:s21+$0x290] =	vst v19  }
0x1df: {  	s18 =	sadd.s32 $0x1, s18;
	v19 =	vld [tilespmem:s2+$0x2A0]  }
0x1e0: {  	p0 =	seq.s32 s17, s18  }
.Ltmp15:
0x1e1: {  	_ = 	snop;
	(pc) =	sbr.rel @p0 .LBB2_46-.Ltmp15, $3  }
0x1e2: {  	_ =	sdelay $0x1  }
0x1e3: {  	[tilespmem:s21+$0x2A0] =	vst v19  }
0x1e4: {  	v19 =	vld [tilespmem:s2+$0x2B0]  }
.LBB2_45:
0x1e5: {  	v20 =	vmov s18;
	s18 =	sadd.s32 $0x1, s18  }
0x1e6: {  	p0 =	seq.s32 s17, s18;
	_ =	sdelay $0x2  }
0x1e7: {  	[tilespmem:s21+$0x2B0] =	vst v19  }
0x1e8: {  	v19 =	vld.idx.msk [tilespmem:v20+s12+$0x0], $0xffff;
	_ =	sdelay $0x4  }
0x1e9: {  	v20 =	vld.idx.msk [tilespmem:v20+s11+$0x0], $0xffff  }
0x1ea: {  	v19 =	vxor.u32 $0x80000000, v19  }
0x1eb: {  	(xrf0) =	vmax.scan.msk.u32 $0xffff, v19;
	_ =	sdelay $0x3  }
0x1ec: {  	v20 =	vxor.u32 $0x80000000, v20  }
0x1ed: {  	(xrf0) =	vmax.scan.msk.u32 $0xffff, v20  }
0x1ee: {  	v19, _, _ =	vpop (xrf0)  }
0x1ef: {  	(v2sf) =	vpush v19, $0xF;
	_ =	sdelay $0x3  }
0x1f0: {  	v19, _, _ =	vpop (xrf0)  }
0x1f1: {  	(v2sf) =	vpush v19, $0xF;
	_ =	sdelay $0x9  }
0x1f2: {  	s2 =	spop (v2sf)  }
0x1f3: {  	s2 =	sshll.u32 s2, $0x8  }
0x1f4: {  	s2 =	sshra.s32 s2, $0x2  }
0x1f5: {  	v19 =	vld [tilespmem:s2+$0x280];
	_ =	sdelay $0x1  }
0x1f6: {  	s21 =	spop (v2sf)  }
0x1f7: {  	s21 =	sshll.u32 s21, $0x8  }
0x1f8: {  	s21 =	sshra.s32 s21, $0x2  }
0x1f9: {  	[tilespmem:s21+$0x280] =	vst v19  }
0x1fa: {  	v19 =	vld [tilespmem:s2+$0x290];
	_ =	sdelay $0x4  }
0x1fb: {  	[tilespmem:s21+$0x290] =	vst v19  }
0x1fc: {  	v19 =	vld [tilespmem:s2+$0x2A0];
	_ =	sdelay $0x1  }
.Ltmp16:
0x1fd: {  	(pc) =	sbr.rel @!p0 .LBB2_45-.Ltmp16, $3  }
0x1fe: {  	_ =	sdelay $0x1  }
0x1ff: {  	[tilespmem:s21+$0x2A0] =	vst v19  }
0x200: {  	v19 =	vld [tilespmem:s2+$0x2B0]  }
.LBB2_46:
0x201: {  	_ =	sdelay $0x3  }
0x202: {  	[tilespmem:s21+$0x2B0] =	vst v19  }
.LBB2_11:
0x203: {  	s5 =	sxor.u32 $0x80000000, s5  }
0x204: {  	p0 =	sgt.s32 s5, $0x0  }
.Ltmp17:
0x205: {  	_ = 	snop;
	(pc) =	sbr.rel @!p0 .LBB2_12-.Ltmp17, $2  }
0x206: {  	_ =	sdelay $0x2  }
0x207: {  	s17 =	simm.s32 $0x0  }
0x208: {  	v19 =	vmov s17;
	_ =	sdelay $0x4  }
0x209: {  	v20 =	vld.idx.msk [tilespmem:v19+s14+$0x0], $0xffff;
	_ =	sdelay $0x3  }
0x20a: {  	v19 =	vld.idx.msk [tilespmem:v19+s13+$0x0], $0xffff  }
0x20b: {  	v20 =	vxor.u32 $0x80000000, v20  }
0x20c: {  	(xrf0) =	vmax.scan.msk.u32 $0xffff, v20;
	_ =	sdelay $0x2  }
0x20d: {  	v19 =	vxor.u32 $0x80000000, v19;
	_ =	sdelay $0x1  }
0x20e: {  	(xrf0) =	vmax.scan.msk.u32 $0xffff, v19  }
0x20f: {  	v19, _, _ =	vpop (xrf0)  }
0x210: {  	(v2sf) =	vpush v19, $0xF;
	_ =	sdelay $0x3  }
0x211: {  	v19, _, _ =	vpop (xrf0)  }
0x212: {  	(v2sf) =	vpush v19, $0xF;
	_ =	sdelay $0x9  }
0x213: {  	s2 =	spop (v2sf)  }
0x214: {  	s2 =	sshll.u32 s2, $0x8  }
0x215: {  	s2 =	sshra.s32 s2, $0x2  }
0x216: {  	v19 =	vld [tilespmem:s2+$0x280];
	_ =	sdelay $0x1  }
0x217: {  	s18 =	spop (v2sf)  }
0x218: {  	s18 =	sshll.u32 s18, $0x8  }
0x219: {  	s18 =	sshra.s32 s18, $0x2  }
0x21a: {  	[tilespmem:s18+$0x280] =	vst v19  }
0x21b: {  	v19 =	vld [tilespmem:s2+$0x290];
	_ =	sdelay $0x4  }
0x21c: {  	[tilespmem:s18+$0x290] =	vst v19  }
0x21d: {  	s17 =	sadd.s32 $0x1, s17;
	v19 =	vld [tilespmem:s2+$0x2A0]  }
0x21e: {  	p0 =	seq.s32 s5, s17  }
.Ltmp18:
0x21f: {  	_ = 	snop;
	(pc) =	sbr.rel @p0 .LBB2_49-.Ltmp18, $3  }
0x220: {  	_ =	sdelay $0x1  }
0x221: {  	[tilespmem:s18+$0x2A0] =	vst v19  }
0x222: {  	v19 =	vld [tilespmem:s2+$0x2B0]  }
.LBB2_48:
0x223: {  	v20 =	vmov s17;
	s17 =	sadd.s32 $0x1, s17  }
0x224: {  	p0 =	seq.s32 s5, s17;
	_ =	sdelay $0x2  }
0x225: {  	[tilespmem:s18+$0x2B0] =	vst v19  }
0x226: {  	v19 =	vld.idx.msk [tilespmem:v20+s14+$0x0], $0xffff;
	_ =	sdelay $0x4  }
0x227: {  	v20 =	vld.idx.msk [tilespmem:v20+s13+$0x0], $0xffff  }
0x228: {  	v19 =	vxor.u32 $0x80000000, v19  }
0x229: {  	(xrf0) =	vmax.scan.msk.u32 $0xffff, v19;
	_ =	sdelay $0x3  }
0x22a: {  	v20 =	vxor.u32 $0x80000000, v20  }
0x22b: {  	(xrf0) =	vmax.scan.msk.u32 $0xffff, v20  }
0x22c: {  	v19, _, _ =	vpop (xrf0)  }
0x22d: {  	(v2sf) =	vpush v19, $0xF;
	_ =	sdelay $0x3  }
0x22e: {  	v19, _, _ =	vpop (xrf0)  }
0x22f: {  	(v2sf) =	vpush v19, $0xF;
	_ =	sdelay $0x9  }
0x230: {  	s2 =	spop (v2sf)  }
0x231: {  	s2 =	sshll.u32 s2, $0x8  }
0x232: {  	s2 =	sshra.s32 s2, $0x2  }
0x233: {  	v19 =	vld [tilespmem:s2+$0x280];
	_ =	sdelay $0x1  }
0x234: {  	s18 =	spop (v2sf)  }
0x235: {  	s18 =	sshll.u32 s18, $0x8  }
0x236: {  	s18 =	sshra.s32 s18, $0x2  }
0x237: {  	[tilespmem:s18+$0x280] =	vst v19  }
0x238: {  	v19 =	vld [tilespmem:s2+$0x290];
	_ =	sdelay $0x4  }
0x239: {  	[tilespmem:s18+$0x290] =	vst v19  }
0x23a: {  	v19 =	vld [tilespmem:s2+$0x2A0];
	_ =	sdelay $0x1  }
.Ltmp19:
0x23b: {  	(pc) =	sbr.rel @!p0 .LBB2_48-.Ltmp19, $3  }
0x23c: {  	_ =	sdelay $0x1  }
0x23d: {  	[tilespmem:s18+$0x2A0] =	vst v19  }
0x23e: {  	v19 =	vld [tilespmem:s2+$0x2B0]  }
.LBB2_49:
0x23f: {  	_ =	sdelay $0x3  }
0x240: {  	[tilespmem:s18+$0x2B0] =	vst v19  }
.LBB2_12:
0x241: {  	s2 =	rddreg [dreg:$0x1c]  }
0x242: {  	s5 =	sxor.u32 $0x80000000, s2  }
0x243: {  	p0 =	sgt.s32 s5, $0x0  }
.Ltmp20:
0x244: {  	_ = 	snop;
	(pc) =	sbr.rel @!p0 .LBB2_13-.Ltmp20, $2  }
0x245: {  	_ =	sdelay $0x2  }
0x246: {  	s17 =	simm.s32 $0x0;
	s20 =	simm.s32 $0x80  }
0x247: {  	v19 =	vmov s17;
	_ =	sdelay $0x4  }
0x248: {  	v20 =	vld.idx.msk [tilespmem:v19+s16+$0x0], $0xffff;
	_ =	sdelay $0x3  }
0x249: {  	v19 =	vld.idx.msk [tilespmem:v19+s15+$0x0], $0xffff  }
0x24a: {  	v20 =	vxor.u32 $0x80000000, v20  }
0x24b: {  	(xrf0) =	vmax.scan.msk.u32 $0xffff, v20;
	_ =	sdelay $0x2  }
0x24c: {  	v19 =	vxor.u32 $0x80000000, v19;
	_ =	sdelay $0x1  }
0x24d: {  	(xrf0) =	vmax.scan.msk.u32 $0xffff, v19  }
0x24e: {  	v19, _, _ =	vpop (xrf0)  }
0x24f: {  	(v2sf) =	vpush v19, $0xF;
	_ =	sdelay $0x3  }
0x250: {  	v19, _, _ =	vpop (xrf0)  }
0x251: {  	(v2sf) =	vpush v19, $0xF;
	_ =	sdelay $0x9  }
0x252: {  	s2 =	spop (v2sf)  }
0x253: {  	s2 =	sshll.u32 s2, $0x8  }
0x254: {  	s2 =	sshra.s32 s2, $0x2  }
0x255: {  	v19 =	vld [tilespmem:s2+$0x280];
	_ =	sdelay $0x1  }
0x256: {  	s18 =	spop (v2sf)  }
0x257: {  	s18 =	sshll.u32 s18, $0x8  }
0x258: {  	s18 =	sshra.s32 s18, $0x2  }
0x259: {  	[tilespmem:s18+$0x280] =	vst v19  }
0x25a: {  	v19 =	vld [tilespmem:s2+$0x290];
	_ =	sdelay $0x4  }
0x25b: {  	[tilespmem:s18+$0x290] =	vst v19  }
0x25c: {  	s17 =	sadd.s32 $0x1, s17;
	v19 =	vld [tilespmem:s2+$0x2A0]  }
0x25d: {  	p0 =	seq.s32 s5, s17  }
.Ltmp21:
0x25e: {  	_ = 	snop;
	(pc) =	sbr.rel @p0 .LBB2_52-.Ltmp21, $3  }
0x25f: {  	_ =	sdelay $0x1  }
0x260: {  	[tilespmem:s18+$0x2A0] =	vst v19  }
0x261: {  	v19 =	vld [tilespmem:s2+$0x2B0]  }
.LBB2_51:
0x262: {  	v20 =	vmov s17;
	s17 =	sadd.s32 $0x1, s17  }
0x263: {  	p0 =	seq.s32 s5, s17;
	_ =	sdelay $0x2  }
0x264: {  	[tilespmem:s18+$0x2B0] =	vst v19  }
0x265: {  	v19 =	vld.idx.msk [tilespmem:v20+s16+$0x0], $0xffff;
	_ =	sdelay $0x4  }
0x266: {  	v20 =	vld.idx.msk [tilespmem:v20+s15+$0x0], $0xffff  }
0x267: {  	v19 =	vxor.u32 $0x80000000, v19  }
0x268: {  	(xrf0) =	vmax.scan.msk.u32 $0xffff, v19;
	_ =	sdelay $0x3  }
0x269: {  	v20 =	vxor.u32 $0x80000000, v20  }
0x26a: {  	(xrf0) =	vmax.scan.msk.u32 $0xffff, v20  }
0x26b: {  	v19, _, _ =	vpop (xrf0)  }
0x26c: {  	(v2sf) =	vpush v19, $0xF;
	_ =	sdelay $0x3  }
0x26d: {  	v19, _, _ =	vpop (xrf0)  }
0x26e: {  	(v2sf) =	vpush v19, $0xF;
	_ =	sdelay $0x9  }
0x26f: {  	s2 =	spop (v2sf)  }
0x270: {  	s2 =	sshll.u32 s2, $0x8  }
0x271: {  	s2 =	sshra.s32 s2, $0x2  }
0x272: {  	v19 =	vld [tilespmem:s2+$0x280];
	_ =	sdelay $0x1  }
0x273: {  	s18 =	spop (v2sf)  }
0x274: {  	s18 =	sshll.u32 s18, $0x8  }
0x275: {  	s18 =	sshra.s32 s18, $0x2  }
0x276: {  	[tilespmem:s18+$0x280] =	vst v19  }
0x277: {  	v19 =	vld [tilespmem:s2+$0x290];
	_ =	sdelay $0x4  }
0x278: {  	[tilespmem:s18+$0x290] =	vst v19  }
0x279: {  	v19 =	vld [tilespmem:s2+$0x2A0];
	_ =	sdelay $0x1  }
.Ltmp22:
0x27a: {  	(pc) =	sbr.rel @!p0 .LBB2_51-.Ltmp22, $3  }
0x27b: {  	_ =	sdelay $0x1  }
0x27c: {  	[tilespmem:s18+$0x2A0] =	vst v19  }
0x27d: {  	v19 =	vld [tilespmem:s2+$0x2B0]  }
.LBB2_52:
0x27e: {  	_ =	sdelay $0x3  }
0x27f: {  	[tilespmem:s18+$0x2B0] =	vst v19  }
.LBB2_13:
0x280: {  	s2 =	rddreg [dreg:$0x1b]  }
0x281: {  	s2 =	sxor.u32 $0x80000000, s2  }
0x282: {  	p0 =	sgt.s32 s2, $0x0  }
.Ltmp23:
0x283: {  	_ = 	snop;
	(pc) =	sbr.rel @!p0 .LBB2_17-.Ltmp23, $2  }
0x284: {  	_ =	sdelay $0x2  }
0x285: {  	s5 =	simm.s32 $0x0  }
0x286: {  	v19 =	vmov s5;
	_ =	sdelay $0x4  }
0x287: {  	v20 =	vld.idx.msk [tilespmem:v19+s19+$0x0], $0xffff;
	_ =	sdelay $0x3  }
0x288: {  	v19 =	vld.idx.msk [tilespmem:v19+s24+$0x0], $0xffff  }
0x289: {  	v20 =	vxor.u32 $0x80000000, v20  }
0x28a: {  	(xrf0) =	vmax.scan.msk.u32 $0xffff, v20;
	_ =	sdelay $0x2  }
0x28b: {  	v19 =	vxor.u32 $0x80000000, v19;
	_ =	sdelay $0x1  }
0x28c: {  	(xrf0) =	vmax.scan.msk.u32 $0xffff, v19  }
0x28d: {  	v19, _, _ =	vpop (xrf0)  }
0x28e: {  	(v2sf) =	vpush v19, $0xF;
	_ =	sdelay $0x3  }
0x28f: {  	v19, _, _ =	vpop (xrf0)  }
0x290: {  	(v2sf) =	vpush v19, $0xF;
	_ =	sdelay $0x9  }
0x291: {  	s17 =	spop (v2sf)  }
0x292: {  	s17 =	sshll.u32 s17, $0x8  }
0x293: {  	s18 =	sshra.s32 s17, $0x2  }
0x294: {  	v19 =	vld [tilespmem:s18+$0x280];
	_ =	sdelay $0x1  }
0x295: {  	s26 =	spop (v2sf)  }
0x296: {  	s17 =	sshll.u32 s26, $0x8  }
0x297: {  	s17 =	sshra.s32 s17, $0x2  }
0x298: {  	[tilespmem:s17+$0x280] =	vst v19  }
0x299: {  	v19 =	vld [tilespmem:s18+$0x290];
	_ =	sdelay $0x4  }
0x29a: {  	[tilespmem:s17+$0x290] =	vst v19  }
0x29b: {  	s5 =	sadd.s32 $0x1, s5;
	v19 =	vld [tilespmem:s18+$0x2A0]  }
0x29c: {  	p0 =	sne.s32 s2, s5  }
.Ltmp24:
0x29d: {  	_ = 	snop;
	(pc) =	sbr.rel @!p0 .LBB2_16-.Ltmp24, $3  }
0x29e: {  	_ =	sdelay $0x1  }
0x29f: {  	[tilespmem:s17+$0x2A0] =	vst v19  }
0x2a0: {  	v19 =	vld [tilespmem:s18+$0x2B0]  }
.LBB2_15:
0x2a1: {  	v20 =	vmov s5;
	s5 =	sadd.s32 $0x1, s5  }
0x2a2: {  	p0 =	sne.s32 s2, s5;
	_ =	sdelay $0x2  }
0x2a3: {  	[tilespmem:s17+$0x2B0] =	vst v19  }
0x2a4: {  	v19 =	vld.idx.msk [tilespmem:v20+s19+$0x0], $0xffff;
	_ =	sdelay $0x4  }
0x2a5: {  	v20 =	vld.idx.msk [tilespmem:v20+s24+$0x0], $0xffff  }
0x2a6: {  	v19 =	vxor.u32 $0x80000000, v19  }
0x2a7: {  	(xrf0) =	vmax.scan.msk.u32 $0xffff, v19;
	_ =	sdelay $0x3  }
0x2a8: {  	v20 =	vxor.u32 $0x80000000, v20  }
0x2a9: {  	(xrf0) =	vmax.scan.msk.u32 $0xffff, v20  }
0x2aa: {  	v19, _, _ =	vpop (xrf0)  }
0x2ab: {  	(v2sf) =	vpush v19, $0xF;
	_ =	sdelay $0x3  }
0x2ac: {  	v19, _, _ =	vpop (xrf0)  }
0x2ad: {  	(v2sf) =	vpush v19, $0xF;
	_ =	sdelay $0x9  }
0x2ae: {  	s17 =	spop (v2sf)  }
0x2af: {  	s17 =	sshll.u32 s17, $0x8  }
0x2b0: {  	s18 =	sshra.s32 s17, $0x2  }
0x2b1: {  	v19 =	vld [tilespmem:s18+$0x280];
	_ =	sdelay $0x1  }
0x2b2: {  	s17 =	spop (v2sf)  }
0x2b3: {  	s17 =	sshll.u32 s17, $0x8  }
0x2b4: {  	s17 =	sshra.s32 s17, $0x2  }
0x2b5: {  	[tilespmem:s17+$0x280] =	vst v19  }
0x2b6: {  	v19 =	vld [tilespmem:s18+$0x290];
	_ =	sdelay $0x4  }
0x2b7: {  	[tilespmem:s17+$0x290] =	vst v19  }
0x2b8: {  	v19 =	vld [tilespmem:s18+$0x2A0];
	_ =	sdelay $0x1  }
.Ltmp25:
0x2b9: {  	(pc) =	sbr.rel @p0 .LBB2_15-.Ltmp25, $3  }
0x2ba: {  	_ =	sdelay $0x1  }
0x2bb: {  	[tilespmem:s17+$0x2A0] =	vst v19  }
0x2bc: {  	v19 =	vld [tilespmem:s18+$0x2B0]  }
.LBB2_16:
0x2bd: {  	_ =	sdelay $0x3  }
0x2be: {  	[tilespmem:s17+$0x2B0] =	vst v19  }
.LBB2_17:
0x2bf: {  	s2 =	simm.s32 $0x0  }
0x2c0: {  	v19 =	vmov s2;
	_ =	sdelay $0x1  }
0x2c1: {  	s2 =	simm.s32 $0x2A0  }
0x2c2: {  	v21 =	vld [tilespmem:s2+$0xFFFFFFF0]  }
0x2c3: {  	v22 =	vld [tilespmem:s2+$0x10]  }
0x2c4: {  	v24 =	vld.idx.msk [tilespmem:v19+s30+$0x0], $0xffff  }
0x2c5: {  	v19 =	vld [tilespmem:s2+$0xFFFFFFE0]  }
0x2c6: {  	v25 =	vld [tilespmem:s2+$0x0];
	_ =	sdelay $0x3  }
0x2c7: {  	s17 =	simm.s32 $0x1;
	v20 =	vmul.f32 v19, v24;
	v23 =	vmul.f32 v22, v24  }
0x2c8: {  	s5 =	simm.s32 $0x2;
	v19 =	vmov s17;
	v22 =	vmul.f32 v21, v24;
	v21 =	vmul.f32 v25, v24;
	s17 =	simm.s32 $0x2A0  }
.LBB2_18:
0x2c9: {  	p0 =	sne.s32 s5, $0x7F  }
0x2ca: {  	[tilespmem:s2+$0x10] =	vst v23;
	s17 =	sadd.s32 $0x40, s17;
	s18 =	smov.u32 s5;
	s5 =	sadd.s32 $0x1, s5  }
0x2cb: {  	[tilespmem:s2+$0xFFFFFFE0] =	vst v20  }
0x2cc: {  	v24 =	vld [tilespmem:s17+$0xFFFFFFF0];
	[tilespmem:s2+$0xFFFFFFF0] =	vst v22  }
0x2cd: {  	v22 =	vld [tilespmem:s17+$0x10];
	[tilespmem:s2+$0x0] =	vst v21;
	s2 =	smov.u32 s17  }
0x2ce: {  	v21 =	vld.idx.msk [tilespmem:v19+s30+$0x0], $0xffff  }
0x2cf: {  	v19 =	vld [tilespmem:s17+$0xFFFFFFE0]  }
0x2d0: {  	v25 =	vld [tilespmem:s17+$0x0]  }
.Ltmp26:
0x2d1: {  	(pc) =	sbr.rel @p0 .LBB2_18-.Ltmp26, $3  }
0x2d2: {  	_ =	sdelay $0x1  }
0x2d3: {  	v23 =	vmul.f32 v22, v21;
	v20 =	vmul.f32 v19, v21  }
0x2d4: {  	v22 =	vmul.f32 v24, v21;
	v19 =	vmov s18;
	v21 =	vmul.f32 v25, v21  }
0x2d5: {  	[tilespmem:s2+$0x10] =	vst v23  }
0x2d6: {  	s5 =	sadd.s32 $0x40, s17;
	[tilespmem:s2+$0xFFFFFFE0] =	vst v20  }
0x2d7: {  	v20 =	vld [tilespmem:s5+$0xFFFFFFF0];
	[tilespmem:s2+$0xFFFFFFF0] =	vst v22  }
0x2d8: {  	v22 =	vld [tilespmem:s5+$0x10];
	[tilespmem:s2+$0x0] =	vst v21  }
0x2d9: {  	v19 =	vld.idx.msk [tilespmem:v19+s30+$0x0], $0xffff  }
0x2da: {  	v21 =	vld [tilespmem:s5+$0xFFFFFFE0];
	_ =	sdelay $0x1  }
0x2db: {  	v23 =	vld [tilespmem:s5+$0x0];
	_ =	sdelay $0x1  }
0x2dc: {  	v22 =	vmul.f32 v22, v19  }
0x2dd: {  	v21 =	vmul.f32 v21, v19  }
0x2de: {  	v20 =	vmul.f32 v20, v19;
	[tilespmem:s5+$0x10] =	vst v22  }
0x2df: {  	s1 =	sadd.s32 $0x1, s1;
	v19 =	vmul.f32 v23, v19;
	[tilespmem:s5+$0xFFFFFFE0] =	vst v21  }
0x2e0: {  	p0 =	sne.s32 s1, $0xA2;
	[tilespmem:s5+$0xFFFFFFF0] =	vst v20  }
.Ltmp27:
0x2e1: {  	s26 =	rddreg [dreg:$0x3];
	[tilespmem:s5+$0x0] =	vst v19;
	(pc) =	sbr.rel @p0 .LBB2_6-.Ltmp27, $4  }
0x2e2: {  	[spmem:s26] =	stream.indirect.scatter.add.f32 [tilespmem:s29], [sflag:$0x2], $0x40, s20, s20, $0xb8;
	[tilespmem:$0xEBC0] =	vst v63  }
0x2e3: {  	_ =	swait.ge [sflag:s28], $0x2000  }
0x2e4: {  	[sflag:s28] =	ssyncset.done $0x0  }
0x2e5: {  	[sflag:s28] =	ssyncadd.s32 $0xFFFFE000  }
0x2e6: {  	[bflag:$0x0] =	sbarrier.arrive $0xFFFF  }
0x2e7: {  	s1 =	simm.s32 $0x0;
	s5 =	simm.s32 $0x2280;
	s2 =	rddreg [dreg:$0x6]  }
0x2e8: {  	[tilespmem:s5], [sflag:$0x2] =	stream.linear.gather [hbm4b:s2+s1], $0x40, $0x38;
	[tilespmem:$0xEBC0] =	vst v63  }
0x2e9: {  	_ =	swait.ge [sflag:s28], $0x40  }
0x2ea: {  	[sflag:s28] =	ssyncset.done $0x0  }
0x2eb: {  	[sflag:s28] =	ssyncadd.s32 $0xFFFFFFC0  }
0x2ec: {  	v20 =	vld [tilespmem:$0x2280]  }
0x2ed: {  	v21 =	vld [tilespmem:$0x2290]  }
0x2ee: {  	s18 =	rddreg [dreg:$0x13];
	v19 =	vld [tilespmem:$0x22A0]  }
0x2ef: {  	v22 =	vld [tilespmem:$0x22B0];
	[tilespmem:s29], [sflag:$0x2] =	stream.linear.gather [spmem:s18], $0x2000, $0x38  }
0x2f0: {  	_ =	swait.ge [sflag:s28], $0x2000  }
0x2f1: {  	[sflag:s28] =	ssyncset.done $0x0  }
0x2f2: {  	s25 =	rddreg [dreg:$0x7];
	[sflag:s28] =	ssyncadd.s32 $0xFFFFE000  }
0x2f3: {  	[tilespmem:s22], [sflag:$0x2] =	stream.linear.gather [hbm4b:s25+s1], $0x80, $0x38;
	[tilespmem:$0xEBC0] =	vst v63  }
0x2f4: {  	v23 =	vmov s1;
	_ =	swait.ge [sflag:s28], $0x80  }
0x2f5: {  	[sflag:s28] =	ssyncset.done $0x0  }
0x2f6: {  	s1 =	simm.s32 $0x2A0;
	[sflag:s28] =	ssyncadd.s32 $0xFFFFFF80  }
0x2f7: {  	v24 =	vld [tilespmem:s1+$0xFFFFFFF0]  }
0x2f8: {  	v25 =	vld [tilespmem:s1+$0x10]  }
0x2f9: {  	v23 =	vld.idx.msk [tilespmem:v23+s22+$0x0], $0xffff  }
0x2fa: {  	v26 =	vld [tilespmem:s1+$0xFFFFFFE0]  }
0x2fb: {  	v27 =	vld [tilespmem:s1+$0x0];
	_ =	sdelay $0x3  }
0x2fc: {  	v26 =	vmul.f32 v26, v23;
	v25 =	vmul.f32 v25, v23  }
0x2fd: {  	v28 =	vmul.f32 v24, v23;
	v29 =	vmul.f32 v27, v23  }
0x2fe: {  	s26 =	simm.s32 $0x1;
	v24 =	vadd.f32 v26, v20;
	v27 =	vadd.f32 v25, v22  }
0x2ff: {  	s2 =	simm.s32 $0x2;
	s5 =	simm.s32 $0x2A0;
	v23 =	vmov s26;
	v26 =	vadd.f32 v28, v21;
	v25 =	vadd.f32 v29, v19  }
.LBB2_21:
0x300: {  	p0 =	sne.s32 s2, $0x7F  }
0x301: {  	[tilespmem:s1+$0x10] =	vst v27;
	s5 =	sadd.s32 $0x40, s5;
	s17 =	smov.u32 s2;
	s2 =	sadd.s32 $0x1, s2  }
0x302: {  	[tilespmem:s1+$0xFFFFFFE0] =	vst v24  }
0x303: {  	v24 =	vld [tilespmem:s5+$0xFFFFFFF0];
	[tilespmem:s1+$0xFFFFFFF0] =	vst v26  }
0x304: {  	v26 =	vld [tilespmem:s5+$0x10];
	[tilespmem:s1+$0x0] =	vst v25;
	s1 =	smov.u32 s5  }
0x305: {  	v23 =	vld.idx.msk [tilespmem:v23+s22+$0x0], $0xffff  }
0x306: {  	v25 =	vld [tilespmem:s5+$0xFFFFFFE0]  }
0x307: {  	v27 =	vld [tilespmem:s5+$0x0];
	_ =	sdelay $0x2  }
.Ltmp28:
0x308: {  	(pc) =	sbr.rel @p0 .LBB2_21-.Ltmp28, $4  }
0x309: {  	v26 =	vmul.f32 v26, v23;
	v25 =	vmul.f32 v25, v23  }
0x30a: {  	v28 =	vmul.f32 v24, v23;
	v29 =	vmul.f32 v27, v23  }
0x30b: {  	v27 =	vadd.f32 v26, v22;
	v24 =	vadd.f32 v25, v20  }
0x30c: {  	v23 =	vmov s17;
	v26 =	vadd.f32 v28, v21;
	v25 =	vadd.f32 v29, v19  }
0x30d: {  	[tilespmem:s1+$0x10] =	vst v27  }
0x30e: {  	s2 =	sadd.s32 $0x40, s5;
	[tilespmem:s1+$0xFFFFFFE0] =	vst v24  }
0x30f: {  	v24 =	vld [tilespmem:s2+$0xFFFFFFF0];
	[tilespmem:s1+$0xFFFFFFF0] =	vst v26  }
0x310: {  	v26 =	vld [tilespmem:s2+$0x10];
	[tilespmem:s1+$0x0] =	vst v25  }
0x311: {  	v23 =	vld.idx.msk [tilespmem:v23+s22+$0x0], $0xffff  }
0x312: {  	v25 =	vld [tilespmem:s2+$0xFFFFFFE0];
	_ =	sdelay $0x1  }
0x313: {  	v27 =	vld [tilespmem:s2+$0x0];
	_ =	sdelay $0x1  }
0x314: {  	v26 =	vmul.f32 v26, v23  }
0x315: {  	v25 =	vmul.f32 v25, v23  }
0x316: {  	v24 =	vmul.f32 v24, v23;
	v26 =	vadd.f32 v26, v22  }
0x317: {  	v23 =	vmul.f32 v27, v23;
	v25 =	vadd.f32 v25, v20  }
0x318: {  	v24 =	vadd.f32 v24, v21;
	[tilespmem:s2+$0x10] =	vst v26  }
0x319: {  	v23 =	vadd.f32 v23, v19;
	[tilespmem:s2+$0xFFFFFFE0] =	vst v25  }
0x31a: {  	[tilespmem:s2+$0xFFFFFFF0] =	vst v24  }
0x31b: {  	s17 =	simm.s32 $0x0;
	s21 =	rddreg [dreg:$0x8];
	[tilespmem:s2+$0x0] =	vst v23  }
0x31c: {  	[hbm4b:s21+s17] =	stream.linear.scatter [tilespmem:s29], [sflag:$0x2], $0x2000, $0x38;
	[tilespmem:$0xEBC0] =	vst v63  }
0x31d: {  	_ =	swait.ge [sflag:s28], $0x2000  }
0x31e: {  	[sflag:s28] =	ssyncset.done $0x0  }
0x31f: {  	s23 =	rddreg [dreg:$0x14];
	[sflag:s28] =	ssyncadd.s32 $0xFFFFE000  }
0x320: {  	[tilespmem:s29], [sflag:$0x2] =	stream.linear.gather [spmem:s23], $0x2000, $0x38;
	[tilespmem:$0xEBC0] =	vst v63  }
0x321: {  	_ =	swait.ge [sflag:s28], $0x2000  }
0x322: {  	[sflag:s28] =	ssyncset.done $0x0  }
0x323: {  	s25 =	rddreg [dreg:$0x9];
	[sflag:s28] =	ssyncadd.s32 $0xFFFFE000  }
0x324: {  	[tilespmem:s22], [sflag:$0x2] =	stream.linear.gather [hbm4b:s25+s17], $0x80, $0x38;
	[tilespmem:$0xEBC0] =	vst v63  }
0x325: {  	v23 =	vmov s17;
	_ =	swait.ge [sflag:s28], $0x80  }
0x326: {  	[sflag:s28] =	ssyncset.done $0x0  }
0x327: {  	s1 =	simm.s32 $0x2A0;
	[sflag:s28] =	ssyncadd.s32 $0xFFFFFF80  }
0x328: {  	v24 =	vld [tilespmem:s1+$0xFFFFFFF0]  }
0x329: {  	v25 =	vld [tilespmem:s1+$0x10]  }
0x32a: {  	v23 =	vld.idx.msk [tilespmem:v23+s22+$0x0], $0xffff  }
0x32b: {  	v26 =	vld [tilespmem:s1+$0xFFFFFFE0]  }
0x32c: {  	v27 =	vld [tilespmem:s1+$0x0];
	_ =	sdelay $0x3  }
0x32d: {  	v26 =	vmul.f32 v26, v23;
	v25 =	vmul.f32 v25, v23  }
0x32e: {  	v28 =	vmul.f32 v24, v23;
	v29 =	vmul.f32 v27, v23  }
0x32f: {  	s26 =	simm.s32 $0x1;
	v24 =	vadd.f32 v26, v20;
	v27 =	vadd.f32 v25, v22  }
0x330: {  	s5 =	simm.s32 $0x2A0;
	s2 =	simm.s32 $0x2;
	v23 =	vmov s26;
	v26 =	vadd.f32 v28, v21;
	v25 =	vadd.f32 v29, v19  }
.LBB2_23:
0x331: {  	p0 =	sne.s32 s2, $0x7F  }
0x332: {  	[tilespmem:s1+$0x10] =	vst v27;
	s5 =	sadd.s32 $0x40, s5;
	s17 =	smov.u32 s2;
	s2 =	sadd.s32 $0x1, s2  }
0x333: {  	[tilespmem:s1+$0xFFFFFFE0] =	vst v24  }
0x334: {  	v24 =	vld [tilespmem:s5+$0xFFFFFFF0];
	[tilespmem:s1+$0xFFFFFFF0] =	vst v26  }
0x335: {  	v26 =	vld [tilespmem:s5+$0x10];
	[tilespmem:s1+$0x0] =	vst v25;
	s1 =	smov.u32 s5  }
0x336: {  	v23 =	vld.idx.msk [tilespmem:v23+s22+$0x0], $0xffff  }
0x337: {  	v25 =	vld [tilespmem:s5+$0xFFFFFFE0]  }
0x338: {  	v27 =	vld [tilespmem:s5+$0x0];
	_ =	sdelay $0x2  }
.Ltmp29:
0x339: {  	(pc) =	sbr.rel @p0 .LBB2_23-.Ltmp29, $4  }
0x33a: {  	v26 =	vmul.f32 v26, v23;
	v25 =	vmul.f32 v25, v23  }
0x33b: {  	v28 =	vmul.f32 v24, v23;
	v29 =	vmul.f32 v27, v23  }
0x33c: {  	v27 =	vadd.f32 v26, v22;
	v24 =	vadd.f32 v25, v20  }
0x33d: {  	v23 =	vmov s17;
	v26 =	vadd.f32 v28, v21;
	v25 =	vadd.f32 v29, v19  }
0x33e: {  	[tilespmem:s1+$0x10] =	vst v27  }
0x33f: {  	s2 =	sadd.s32 $0x40, s5;
	[tilespmem:s1+$0xFFFFFFE0] =	vst v24  }
0x340: {  	v24 =	vld [tilespmem:s2+$0xFFFFFFF0];
	[tilespmem:s1+$0xFFFFFFF0] =	vst v26  }
0x341: {  	v26 =	vld [tilespmem:s2+$0x10];
	[tilespmem:s1+$0x0] =	vst v25  }
0x342: {  	v23 =	vld.idx.msk [tilespmem:v23+s22+$0x0], $0xffff  }
0x343: {  	v25 =	vld [tilespmem:s2+$0xFFFFFFE0];
	_ =	sdelay $0x1  }
0x344: {  	v27 =	vld [tilespmem:s2+$0x0];
	_ =	sdelay $0x1  }
0x345: {  	v26 =	vmul.f32 v26, v23  }
0x346: {  	v25 =	vmul.f32 v25, v23  }
0x347: {  	v24 =	vmul.f32 v24, v23;
	v26 =	vadd.f32 v26, v22  }
0x348: {  	v23 =	vmul.f32 v27, v23;
	v25 =	vadd.f32 v25, v20  }
0x349: {  	v24 =	vadd.f32 v24, v21;
	[tilespmem:s2+$0x10] =	vst v26  }
0x34a: {  	v23 =	vadd.f32 v23, v19;
	[tilespmem:s2+$0xFFFFFFE0] =	vst v25  }
0x34b: {  	[tilespmem:s2+$0xFFFFFFF0] =	vst v24  }
0x34c: {  	s17 =	simm.s32 $0x0;
	s21 =	rddreg [dreg:$0xa];
	[tilespmem:s2+$0x0] =	vst v23  }
0x34d: {  	[hbm4b:s21+s17] =	stream.linear.scatter [tilespmem:s29], [sflag:$0x2], $0x2000, $0x38;
	[tilespmem:$0xEBC0] =	vst v63  }
0x34e: {  	_ =	swait.ge [sflag:s28], $0x2000  }
0x34f: {  	[sflag:s28] =	ssyncset.done $0x0  }
0x350: {  	s23 =	rddreg [dreg:$0x15];
	[sflag:s28] =	ssyncadd.s32 $0xFFFFE000  }
0x351: {  	[tilespmem:s29], [sflag:$0x2] =	stream.linear.gather [spmem:s23], $0x2000, $0x38;
	[tilespmem:$0xEBC0] =	vst v63  }
0x352: {  	_ =	swait.ge [sflag:s28], $0x2000  }
0x353: {  	[sflag:s28] =	ssyncset.done $0x0  }
0x354: {  	s25 =	rddreg [dreg:$0xb];
	[sflag:s28] =	ssyncadd.s32 $0xFFFFE000  }
0x355: {  	[tilespmem:s22], [sflag:$0x2] =	stream.linear.gather [hbm4b:s25+s17], $0x80, $0x38;
	[tilespmem:$0xEBC0] =	vst v63  }
0x356: {  	v23 =	vmov s17;
	_ =	swait.ge [sflag:s28], $0x80  }
0x357: {  	[sflag:s28] =	ssyncset.done $0x0  }
0x358: {  	s1 =	simm.s32 $0x2A0;
	[sflag:s28] =	ssyncadd.s32 $0xFFFFFF80  }
0x359: {  	v24 =	vld [tilespmem:s1+$0xFFFFFFF0]  }
0x35a: {  	v25 =	vld [tilespmem:s1+$0x10]  }
0x35b: {  	v23 =	vld.idx.msk [tilespmem:v23+s22+$0x0], $0xffff  }
0x35c: {  	v26 =	vld [tilespmem:s1+$0xFFFFFFE0]  }
0x35d: {  	v27 =	vld [tilespmem:s1+$0x0];
	_ =	sdelay $0x3  }
0x35e: {  	v26 =	vmul.f32 v26, v23;
	v25 =	vmul.f32 v25, v23  }
0x35f: {  	v28 =	vmul.f32 v24, v23;
	v29 =	vmul.f32 v27, v23  }
0x360: {  	s26 =	simm.s32 $0x1;
	v24 =	vadd.f32 v26, v20;
	v27 =	vadd.f32 v25, v22  }
0x361: {  	s5 =	simm.s32 $0x2A0;
	s2 =	simm.s32 $0x2;
	v23 =	vmov s26;
	v26 =	vadd.f32 v28, v21;
	v25 =	vadd.f32 v29, v19  }
.LBB2_25:
0x362: {  	p0 =	sne.s32 s2, $0x7F  }
0x363: {  	[tilespmem:s1+$0x10] =	vst v27;
	s5 =	sadd.s32 $0x40, s5;
	s17 =	smov.u32 s2;
	s2 =	sadd.s32 $0x1, s2  }
0x364: {  	[tilespmem:s1+$0xFFFFFFE0] =	vst v24  }
0x365: {  	v24 =	vld [tilespmem:s5+$0xFFFFFFF0];
	[tilespmem:s1+$0xFFFFFFF0] =	vst v26  }
0x366: {  	v26 =	vld [tilespmem:s5+$0x10];
	[tilespmem:s1+$0x0] =	vst v25;
	s1 =	smov.u32 s5  }
0x367: {  	v23 =	vld.idx.msk [tilespmem:v23+s22+$0x0], $0xffff  }
0x368: {  	v25 =	vld [tilespmem:s5+$0xFFFFFFE0]  }
0x369: {  	v27 =	vld [tilespmem:s5+$0x0];
	_ =	sdelay $0x2  }
.Ltmp30:
0x36a: {  	(pc) =	sbr.rel @p0 .LBB2_25-.Ltmp30, $4  }
0x36b: {  	v26 =	vmul.f32 v26, v23;
	v25 =	vmul.f32 v25, v23  }
0x36c: {  	v28 =	vmul.f32 v24, v23;
	v29 =	vmul.f32 v27, v23  }
0x36d: {  	v27 =	vadd.f32 v26, v22;
	v24 =	vadd.f32 v25, v20  }
0x36e: {  	v23 =	vmov s17;
	v26 =	vadd.f32 v28, v21;
	v25 =	vadd.f32 v29, v19  }
0x36f: {  	[tilespmem:s1+$0x10] =	vst v27  }
0x370: {  	s2 =	sadd.s32 $0x40, s5;
	[tilespmem:s1+$0xFFFFFFE0] =	vst v24  }
0x371: {  	v24 =	vld [tilespmem:s2+$0xFFFFFFF0];
	[tilespmem:s1+$0xFFFFFFF0] =	vst v26  }
0x372: {  	v26 =	vld [tilespmem:s2+$0x10];
	[tilespmem:s1+$0x0] =	vst v25  }
0x373: {  	v23 =	vld.idx.msk [tilespmem:v23+s22+$0x0], $0xffff  }
0x374: {  	v25 =	vld [tilespmem:s2+$0xFFFFFFE0];
	_ =	sdelay $0x1  }
0x375: {  	v27 =	vld [tilespmem:s2+$0x0];
	_ =	sdelay $0x1  }
0x376: {  	v26 =	vmul.f32 v26, v23  }
0x377: {  	v25 =	vmul.f32 v25, v23  }
0x378: {  	v24 =	vmul.f32 v24, v23;
	v26 =	vadd.f32 v26, v22  }
0x379: {  	v23 =	vmul.f32 v27, v23;
	v25 =	vadd.f32 v25, v20  }
0x37a: {  	v24 =	vadd.f32 v24, v21;
	[tilespmem:s2+$0x10] =	vst v26  }
0x37b: {  	v23 =	vadd.f32 v23, v19;
	[tilespmem:s2+$0xFFFFFFE0] =	vst v25  }
0x37c: {  	[tilespmem:s2+$0xFFFFFFF0] =	vst v24  }
0x37d: {  	s17 =	simm.s32 $0x0;
	s21 =	rddreg [dreg:$0xe];
	[tilespmem:s2+$0x0] =	vst v23  }
0x37e: {  	[hbm4b:s21+s17] =	stream.linear.scatter [tilespmem:s29], [sflag:$0x2], $0x2000, $0x38;
	[tilespmem:$0xEBC0] =	vst v63  }
0x37f: {  	_ =	swait.ge [sflag:s28], $0x2000  }
0x380: {  	[sflag:s28] =	ssyncset.done $0x0  }
0x381: {  	s23 =	rddreg [dreg:$0x16];
	[sflag:s28] =	ssyncadd.s32 $0xFFFFE000  }
0x382: {  	[tilespmem:s29], [sflag:$0x2] =	stream.linear.gather [spmem:s23], $0x2000, $0x38;
	[tilespmem:$0xEBC0] =	vst v63  }
0x383: {  	_ =	swait.ge [sflag:s28], $0x2000  }
0x384: {  	[sflag:s28] =	ssyncset.done $0x0  }
0x385: {  	s25 =	rddreg [dreg:$0xc];
	[sflag:s28] =	ssyncadd.s32 $0xFFFFE000  }
0x386: {  	[tilespmem:s22], [sflag:$0x2] =	stream.linear.gather [hbm4b:s25+s17], $0x80, $0x38;
	[tilespmem:$0xEBC0] =	vst v63  }
0x387: {  	v23 =	vmov s17;
	_ =	swait.ge [sflag:s28], $0x80  }
0x388: {  	[sflag:s28] =	ssyncset.done $0x0  }
0x389: {  	s1 =	simm.s32 $0x2A0;
	[sflag:s28] =	ssyncadd.s32 $0xFFFFFF80  }
0x38a: {  	v24 =	vld [tilespmem:s1+$0xFFFFFFF0]  }
0x38b: {  	v25 =	vld [tilespmem:s1+$0x10]  }
0x38c: {  	v23 =	vld.idx.msk [tilespmem:v23+s22+$0x0], $0xffff  }
0x38d: {  	v26 =	vld [tilespmem:s1+$0xFFFFFFE0]  }
0x38e: {  	v27 =	vld [tilespmem:s1+$0x0];
	_ =	sdelay $0x3  }
0x38f: {  	v26 =	vmul.f32 v26, v23;
	v25 =	vmul.f32 v25, v23  }
0x390: {  	v28 =	vmul.f32 v24, v23;
	v29 =	vmul.f32 v27, v23  }
0x391: {  	s26 =	simm.s32 $0x1;
	v24 =	vadd.f32 v26, v20;
	v27 =	vadd.f32 v25, v22  }
0x392: {  	s5 =	simm.s32 $0x2A0;
	s2 =	simm.s32 $0x2;
	v23 =	vmov s26;
	v26 =	vadd.f32 v28, v21;
	v25 =	vadd.f32 v29, v19  }
.LBB2_27:
0x393: {  	p0 =	sne.s32 s2, $0x7F  }
0x394: {  	[tilespmem:s1+$0x10] =	vst v27;
	s5 =	sadd.s32 $0x40, s5;
	s17 =	smov.u32 s2;
	s2 =	sadd.s32 $0x1, s2  }
0x395: {  	[tilespmem:s1+$0xFFFFFFE0] =	vst v24  }
0x396: {  	v24 =	vld [tilespmem:s5+$0xFFFFFFF0];
	[tilespmem:s1+$0xFFFFFFF0] =	vst v26  }
0x397: {  	v26 =	vld [tilespmem:s5+$0x10];
	[tilespmem:s1+$0x0] =	vst v25;
	s1 =	smov.u32 s5  }
0x398: {  	v23 =	vld.idx.msk [tilespmem:v23+s22+$0x0], $0xffff  }
0x399: {  	v25 =	vld [tilespmem:s5+$0xFFFFFFE0]  }
0x39a: {  	v27 =	vld [tilespmem:s5+$0x0];
	_ =	sdelay $0x2  }
.Ltmp31:
0x39b: {  	(pc) =	sbr.rel @p0 .LBB2_27-.Ltmp31, $4  }
0x39c: {  	v26 =	vmul.f32 v26, v23;
	v25 =	vmul.f32 v25, v23  }
0x39d: {  	v28 =	vmul.f32 v24, v23;
	v29 =	vmul.f32 v27, v23  }
0x39e: {  	v27 =	vadd.f32 v26, v22;
	v24 =	vadd.f32 v25, v20  }
0x39f: {  	v23 =	vmov s17;
	v26 =	vadd.f32 v28, v21;
	v25 =	vadd.f32 v29, v19  }
0x3a0: {  	[tilespmem:s1+$0x10] =	vst v27  }
0x3a1: {  	s2 =	sadd.s32 $0x40, s5;
	[tilespmem:s1+$0xFFFFFFE0] =	vst v24  }
0x3a2: {  	v24 =	vld [tilespmem:s2+$0xFFFFFFF0];
	[tilespmem:s1+$0xFFFFFFF0] =	vst v26  }
0x3a3: {  	v26 =	vld [tilespmem:s2+$0x10];
	[tilespmem:s1+$0x0] =	vst v25  }
0x3a4: {  	v23 =	vld.idx.msk [tilespmem:v23+s22+$0x0], $0xffff  }
0x3a5: {  	v25 =	vld [tilespmem:s2+$0xFFFFFFE0];
	_ =	sdelay $0x1  }
0x3a6: {  	v27 =	vld [tilespmem:s2+$0x0];
	_ =	sdelay $0x1  }
0x3a7: {  	v26 =	vmul.f32 v26, v23  }
0x3a8: {  	v25 =	vmul.f32 v25, v23  }
0x3a9: {  	v24 =	vmul.f32 v24, v23;
	v26 =	vadd.f32 v26, v22  }
0x3aa: {  	v23 =	vmul.f32 v27, v23;
	v25 =	vadd.f32 v25, v20  }
0x3ab: {  	v24 =	vadd.f32 v24, v21;
	[tilespmem:s2+$0x10] =	vst v26  }
0x3ac: {  	v23 =	vadd.f32 v23, v19;
	[tilespmem:s2+$0xFFFFFFE0] =	vst v25  }
0x3ad: {  	[tilespmem:s2+$0xFFFFFFF0] =	vst v24  }
0x3ae: {  	s17 =	simm.s32 $0x0;
	s21 =	rddreg [dreg:$0xf];
	[tilespmem:s2+$0x0] =	vst v23  }
0x3af: {  	[hbm4b:s21+s17] =	stream.linear.scatter [tilespmem:s29], [sflag:$0x2], $0x2000, $0x38;
	[tilespmem:$0xEBC0] =	vst v63  }
0x3b0: {  	_ =	swait.ge [sflag:s28], $0x2000  }
0x3b1: {  	[sflag:s28] =	ssyncset.done $0x0  }
0x3b2: {  	s23 =	rddreg [dreg:$0x17];
	[sflag:s28] =	ssyncadd.s32 $0xFFFFE000  }
0x3b3: {  	[tilespmem:s29], [sflag:$0x2] =	stream.linear.gather [spmem:s23], $0x2000, $0x38;
	[tilespmem:$0xEBC0] =	vst v63  }
0x3b4: {  	_ =	swait.ge [sflag:s28], $0x2000  }
0x3b5: {  	[sflag:s28] =	ssyncset.done $0x0  }
0x3b6: {  	s25 =	rddreg [dreg:$0xd];
	[sflag:s28] =	ssyncadd.s32 $0xFFFFE000  }
0x3b7: {  	[tilespmem:s22], [sflag:$0x2] =	stream.linear.gather [hbm4b:s25+s17], $0x80, $0x38;
	[tilespmem:$0xEBC0] =	vst v63  }
0x3b8: {  	v23 =	vmov s17;
	_ =	swait.ge [sflag:s28], $0x80  }
0x3b9: {  	[sflag:s28] =	ssyncset.done $0x0  }
0x3ba: {  	s1 =	simm.s32 $0x2A0;
	[sflag:s28] =	ssyncadd.s32 $0xFFFFFF80  }
0x3bb: {  	v24 =	vld [tilespmem:s1+$0xFFFFFFF0]  }
0x3bc: {  	v25 =	vld [tilespmem:s1+$0x10]  }
0x3bd: {  	v23 =	vld.idx.msk [tilespmem:v23+s22+$0x0], $0xffff  }
0x3be: {  	v26 =	vld [tilespmem:s1+$0xFFFFFFE0]  }
0x3bf: {  	v27 =	vld [tilespmem:s1+$0x0];
	_ =	sdelay $0x3  }
0x3c0: {  	v26 =	vmul.f32 v26, v23;
	v25 =	vmul.f32 v25, v23  }
0x3c1: {  	v28 =	vmul.f32 v24, v23;
	v29 =	vmul.f32 v27, v23  }
0x3c2: {  	s26 =	simm.s32 $0x1;
	v24 =	vadd.f32 v26, v20;
	v27 =	vadd.f32 v25, v22  }
0x3c3: {  	s5 =	simm.s32 $0x2A0;
	s2 =	simm.s32 $0x2;
	v23 =	vmov s26;
	v26 =	vadd.f32 v28, v21;
	v25 =	vadd.f32 v29, v19  }
.LBB2_29:
0x3c4: {  	p0 =	sne.s32 s2, $0x7F  }
0x3c5: {  	[tilespmem:s1+$0x10] =	vst v27;
	s5 =	sadd.s32 $0x40, s5;
	s17 =	smov.u32 s2;
	s2 =	sadd.s32 $0x1, s2  }
0x3c6: {  	[tilespmem:s1+$0xFFFFFFE0] =	vst v24  }
0x3c7: {  	v24 =	vld [tilespmem:s5+$0xFFFFFFF0];
	[tilespmem:s1+$0xFFFFFFF0] =	vst v26  }
0x3c8: {  	v26 =	vld [tilespmem:s5+$0x10];
	[tilespmem:s1+$0x0] =	vst v25;
	s1 =	smov.u32 s5  }
0x3c9: {  	v23 =	vld.idx.msk [tilespmem:v23+s22+$0x0], $0xffff  }
0x3ca: {  	v25 =	vld [tilespmem:s5+$0xFFFFFFE0]  }
0x3cb: {  	v27 =	vld [tilespmem:s5+$0x0];
	_ =	sdelay $0x2  }
.Ltmp32:
0x3cc: {  	(pc) =	sbr.rel @p0 .LBB2_29-.Ltmp32, $4  }
0x3cd: {  	v26 =	vmul.f32 v26, v23;
	v25 =	vmul.f32 v25, v23  }
0x3ce: {  	v28 =	vmul.f32 v24, v23;
	v29 =	vmul.f32 v27, v23  }
0x3cf: {  	v27 =	vadd.f32 v26, v22;
	v24 =	vadd.f32 v25, v20  }
0x3d0: {  	v23 =	vmov s17;
	v26 =	vadd.f32 v28, v21;
	v25 =	vadd.f32 v29, v19  }
0x3d1: {  	[tilespmem:s1+$0x10] =	vst v27  }
0x3d2: {  	s2 =	sadd.s32 $0x40, s5;
	[tilespmem:s1+$0xFFFFFFE0] =	vst v24  }
0x3d3: {  	v24 =	vld [tilespmem:s2+$0xFFFFFFF0];
	[tilespmem:s1+$0xFFFFFFF0] =	vst v26  }
0x3d4: {  	v26 =	vld [tilespmem:s2+$0x10];
	[tilespmem:s1+$0x0] =	vst v25  }
0x3d5: {  	v23 =	vld.idx.msk [tilespmem:v23+s22+$0x0], $0xffff  }
0x3d6: {  	v25 =	vld [tilespmem:s2+$0xFFFFFFE0];
	_ =	sdelay $0x1  }
0x3d7: {  	v27 =	vld [tilespmem:s2+$0x0];
	_ =	sdelay $0x1  }
0x3d8: {  	v26 =	vmul.f32 v26, v23  }
0x3d9: {  	v25 =	vmul.f32 v25, v23  }
0x3da: {  	v24 =	vmul.f32 v24, v23;
	v22 =	vadd.f32 v26, v22  }
0x3db: {  	v23 =	vmul.f32 v27, v23;
	v20 =	vadd.f32 v25, v20  }
0x3dc: {  	v21 =	vadd.f32 v24, v21;
	[tilespmem:s2+$0x10] =	vst v22  }
0x3dd: {  	v19 =	vadd.f32 v23, v19;
	[tilespmem:s2+$0xFFFFFFE0] =	vst v20  }
0x3de: {  	[tilespmem:s2+$0xFFFFFFF0] =	vst v21  }
0x3df: {  	s21 =	simm.s32 $0x0;
	s23 =	rddreg [dreg:$0x10];
	[tilespmem:s2+$0x0] =	vst v19  }
0x3e0: {  	[hbm4b:s23+s21] =	stream.linear.scatter [tilespmem:s29], [sflag:$0x2], $0x2000, $0x38;
	[tilespmem:$0xEBC0] =	vst v63  }
0x3e1: {  	_ =	swait.ge [sflag:s28], $0x2000  }
0x3e2: {  	s25 =	rddreg [dreg:$0x1a]  }
0x3e3: {  	s26 =	rddreg [dreg:$0x18];
	s2 =	sadd.s32 $0x1, s25  }
0x3e4: {  	p0 =	sne.s32 s2, s26  }
.Ltmp33:
0x3e5: {  	_ = 	snop;
	(pc) =	sbr.rel @p0 .LBB2_1-.Ltmp33, $3  }
0x3e6: {  	_ =	sdelay $0x1  }
0x3e7: {  	[sflag:s28] =	ssyncset.done $0x0  }
0x3e8: {  	[sflag:s28] =	ssyncadd.s32 $0xFFFFE000  }
0x3e9: {  	_ =	sfence.sel $0x180000  }
0x3ea: {  	[bflag:$0x0] =	sbarrier.arrive $0xFFFF  }
0x3eb: {  	_ =	strace $0x9000004A  }
0x3ec: {  	s0 =	stileid.u32;
	[bflag:$0x2] =	sbarrier.arrive $0xFFFF  }
0x3ed: {  	p0 =	sne.s32 s0, $0x0;
	s0 =	rddreg [dreg:$0x4]  }
0x3ee: {  	s0 =	sadd.s32 @!p0 $0x100000, s0  }
0x3ef: {  	[sflag:s0] =	ssyncadd.tile.s32 @!p0 $0x1;
	_ =	shalt  }
.Lfunc_end2:
_tile_overlayer_lowered:
.L_overlay_start_2:
0x3f0: {  	(tag) =	ssettag $0x2  }
0x3f1: {  	s0 =	rddreg [dreg:$0x0];
	s2 =	stileid.u32  }
0x3f2: {  	s1 =	rddreg [dreg:$0x1];
	p0 =	sne.s32 s2, $0x0  }
0x3f3: {  	s3 =	rddreg [dreg:$0x2];
	[bflag:$0x3] =	sbarrier.arrive $0xFFFF;
	s2 =	simm.s32 @!p0 $0x1C02  }
0x3f4: {  	[timem:s3], [sflag:s2] =	dma.local @!p0 [hbm:s0], s1  }
0x3f5: {  	s0 =	simm.s32 @!p0 $0x2  }
0x3f6: {  	_ =	swait.ge @!p0 [sflag:s0], s1  }
0x3f7: {  	s1 =	ssub.s32 @!p0 $0x0, s1;
	[sflag:s0] =	ssyncset.done @!p0 $0x0  }
0x3f8: {  	[sflag:s0] =	ssyncadd.s32 @!p0 s1  }
0x3f9: {  	[bflag:$0x3] =	sbarrier.arrive $0xFFFF  }
0x3fa: {  	_ =	shalt  }

</sc_bundles>
